<compile_context>
chip_gen: v7x
topology: tpu7x:2x2x1
jax: 0.10.2.dev20260603
libtpu: 0.0.44.dev20260713+nightly
codegen_flags: <defaults>
</compile_context>

<pallas_src>
import functools

import jax
import jax.numpy as jnp
from jax import lax
from jax.experimental import pallas as pl
from jax.experimental.pallas import tpu as pltpu
from jax.experimental.pallas import tpu_sc as plsc

_NC = 2
_NS = 16
_NW = _NC * _NS
_L = 16
_CH = 128
_SPS = 2
_NBUF = 4

_SC_PARAMS = pltpu.CompilerParams(
    needs_layout_passes=False, use_tc_tiling_on_sc=False)


def _pad_edges(n_edges):
    ept = -(-n_edges // (_NW * _SPS * _CH)) * _SPS * _CH
    return ept, ept // _CH, ept * _NW


def _make_deg_kernel(n_nodes, n_edges):
    _, nch, _ = _pad_edges(n_edges)
    mesh = plsc.VectorSubcoreMesh(core_axis_name="c", subcore_axis_name="s")

    @functools.partial(
        pl.kernel,
        out_type=jax.ShapeDtypeStruct((_NC, n_nodes), jnp.float32),
        mesh=mesh,
        scratch_types=[
            pltpu.VMEM((nch, _CH), jnp.int32),
            pltpu.VMEM((nch, _CH), jnp.float32),
            pltpu.VMEM_SHARED((n_nodes,), jnp.float32),
            pltpu.SemaphoreType.DMA,
        ],
        compiler_params=_SC_PARAMS,
    )
    def deg_kernel(col_hbm, ew_hbm, zeros_hbm, out_hbm, col_v, ew_v, acc_sh,
                   sem):
        c = lax.axis_index("c")
        s = lax.axis_index("s")
        wid = c * _NS + s

        @pl.when(s == 0)
        def _zero():
            pltpu.sync_copy(zeros_hbm, acc_sh)

        pltpu.sync_copy(col_hbm.at[wid], col_v)
        pltpu.sync_copy(ew_hbm.at[wid], ew_v)
        plsc.subcore_barrier()

        def body(i, carry):
            pltpu.async_copy(ew_v.at[i], acc_sh.at[col_v.at[i]], sem,
                             add=True)
            return carry

        lax.fori_loop(0, nch, body, 0)

        def drain(i, carry):
            pltpu.make_async_copy(ew_v.at[i], acc_sh.at[col_v.at[i]],
                                  sem).wait()
            return carry

        lax.fori_loop(0, nch, drain, 0)
        plsc.subcore_barrier()

        @pl.when(s == 0)
        def _dump():
            pltpu.sync_copy(acc_sh, out_hbm.at[c])

    return deg_kernel


def _make_agg_kernel(n_nodes, n_edges, feat):
    _, nch, _ = _pad_edges(n_edges)
    rpt = (n_nodes // _NS) & ~7
    rlast = n_nodes - rpt * (_NS - 1)
    mesh = plsc.VectorSubcoreMesh(core_axis_name="c", subcore_axis_name="s")

    @functools.partial(
        pl.kernel,
        out_type=jax.ShapeDtypeStruct((_NC, n_nodes, feat), jnp.float32),
        mesh=mesh,
        scratch_types=[
            pltpu.VMEM((nch, _CH), jnp.int32),
            pltpu.VMEM((nch, _CH), jnp.int32),
            pltpu.VMEM((nch // _SPS, _SPS * _CH), jnp.float32),
            [pltpu.VMEM((_SPS * _CH, feat), jnp.float32)] * _NBUF,
            pltpu.VMEM_SHARED((n_nodes, feat), jnp.float32),
            [pltpu.SemaphoreType.DMA] * _NBUF,
            [pltpu.SemaphoreType.DMA] * _NBUF,
        ],
        compiler_params=_SC_PARAMS,
    )
    def agg_kernel(y_hbm, row_hbm, col_hbm, ew_hbm, zeros_hbm, out_hbm,
                   row_v, col_v, ew_v, rows_bufs, acc_sh, gsems, ssems):
        c = lax.axis_index("c")
        s = lax.axis_index("s")
        wid = c * _NS + s

        @pl.when(s < _NS - 1)
        def _zero_main():
            stripe = pl.ds(s * rpt, rpt)
            pltpu.sync_copy(zeros_hbm.at[stripe], acc_sh.at[stripe])

        @pl.when(s == _NS - 1)
        def _zero_last():
            stripe = pl.ds((_NS - 1) * rpt, rlast)
            pltpu.sync_copy(zeros_hbm.at[stripe], acc_sh.at[stripe])

        pltpu.sync_copy(row_hbm.at[wid], row_v)
        pltpu.sync_copy(col_hbm.at[wid], col_v)
        pltpu.sync_copy(ew_hbm.at[wid], ew_v)
        plsc.subcore_barrier()

        nslot = nch // _SPS

        def start_gather(p, b):
            buf = rows_bufs[b]
            for k in range(_SPS):
                pltpu.async_copy(y_hbm.at[row_v.at[_SPS * p + k]],
                                 buf.at[pl.ds(k * _CH, _CH)], gsems[b])

        def wait_gather(p, b):
            buf = rows_bufs[b]
            for k in range(_SPS):
                pltpu.make_async_copy(y_hbm.at[row_v.at[_SPS * p + k]],
                                      buf.at[pl.ds(k * _CH, _CH)],
                                      gsems[b]).wait()

        def start_scatter(p, b):
            buf = rows_bufs[b]
            for k in range(_SPS):
                pltpu.async_copy(buf.at[pl.ds(k * _CH, _CH)],
                                 acc_sh.at[col_v.at[_SPS * p + k]],
                                 ssems[b], add=True)

        def wait_scatter(p, b):
            buf = rows_bufs[b]
            for k in range(_SPS):
                pltpu.make_async_copy(buf.at[pl.ds(k * _CH, _CH)],
                                      acc_sh.at[col_v.at[_SPS * p + k]],
                                      ssems[b]).wait()

        def scale_slot(b, p):
            buf = rows_bufs[b]
            zp = jnp.zeros((_L,), jnp.int32) + p

            def scale_edge(e, carry):
                w = plsc.load_gather(
                    ew_v, [zp, jnp.zeros((_L,), jnp.int32) + e])
                for f in range(feat // _L):
                    sl = pl.ds(f * _L, _L)
                    buf[e, sl] = buf[e, sl] * w
                return carry

            lax.fori_loop(0, _SPS * _CH, scale_edge, 0, unroll=8)

        start_gather(0, 0)
        nsteps = -(-nslot // _NBUF)

        def body(p0, carry):
            for b in range(_NBUF):
                p = p0 * _NBUF + b

                @pl.when(p < nslot)
                def _step():
                    bn = (b + 1) % _NBUF

                    @pl.when(p + 1 < nslot)
                    def _prefetch():
                        @pl.when(p + 1 >= _NBUF)
                        def _free():
                            wait_scatter(p + 1 - _NBUF, bn)

                        start_gather(p + 1, bn)

                    wait_gather(p, b)
                    scale_slot(b, p)
                    start_scatter(p, b)

            return carry

        lax.fori_loop(0, nsteps, body, 0)

        for k in range(min(_NBUF, nslot)):
            p = nslot - 1 - k
            wait_scatter(p, p % _NBUF)

        plsc.subcore_barrier()

        @pl.when(s < _NS - 1)
        def _dump_main():
            stripe = pl.ds(s * rpt, rpt)
            pltpu.sync_copy(acc_sh.at[stripe], out_hbm.at[c].at[stripe])

        @pl.when(s == _NS - 1)
        def _dump_last():
            stripe = pl.ds((_NS - 1) * rpt, rlast)
            pltpu.sync_copy(acc_sh.at[stripe], out_hbm.at[c].at[stripe])

    return agg_kernel


def _mm_norm_tc(x, w, degp):
    n, f = x.shape[0], w.shape[1]

    def body(x_ref, w_ref, degp_ref, dis_ref, y_ref):
        xl = jnp.dot(x_ref[...], w_ref[...],
                     preferred_element_type=jnp.float32)
        d = 1.0 + degp_ref[0, :] + degp_ref[1, :]
        dis = 1.0 / jnp.sqrt(d)
        dis_ref[...] = dis[:, None]
        y_ref[...] = xl * dis[:, None]

    return pl.pallas_call(
        body,
        out_shape=(
            jax.ShapeDtypeStruct((n, 1), jnp.float32),
            jax.ShapeDtypeStruct((n, f), jnp.float32),
        ),
    )(x, w, degp)


def _layer_mid_tc(p1, y1, dis, b1, w2p):
    n = y1.shape[0]
    f2 = w2p.shape[1]

    def body(p_ref, y1_ref, dis_ref, b1_ref, w2_ref, y2_ref):
        t = p_ref[0] + p_ref[1] + y1_ref[...]
        h = jnp.maximum(t * dis_ref[...] + b1_ref[...], 0.0)
        xl2 = jnp.dot(h, w2_ref[...], preferred_element_type=jnp.float32)
        y2_ref[...] = xl2 * dis_ref[...]

    return pl.pallas_call(
        body,
        out_shape=jax.ShapeDtypeStruct((n, f2), jnp.float32),
    )(p1, y1, dis, b1, w2p)


def _final_tc(p2, y2, dis, b2, out_ch):
    n = y2.shape[0]

    def body(p_ref, y2_ref, dis_ref, b2_ref, o_ref):
        t = p_ref[0] + p_ref[1] + y2_ref[...]
        o = t[:, :out_ch] * dis_ref[...] + b2_ref[...]
        m = jnp.max(o, axis=1, keepdims=True)
        e = jnp.exp(o - m)
        o_ref[...] = o - m - jnp.log(jnp.sum(e, axis=1, keepdims=True))

    return pl.pallas_call(
        body,
        out_shape=jax.ShapeDtypeStruct((n, out_ch), jnp.float32),
    )(p2, y2, dis, b2)


def kernel(x, adj_t, edge_weight, W1, b1, W2, b2):
    n = x.shape[0]
    n_edges = edge_weight.shape[0]
    hid = W1.shape[1]
    out_ch = W2.shape[1]
    f2 = -(-out_ch // _L) * _L

    _, nch, e_pad = _pad_edges(n_edges)
    pad = e_pad - n_edges
    pad_idx = jnp.arange(pad, dtype=jnp.int32) % n
    row = jnp.concatenate([adj_t[0].astype(jnp.int32), pad_idx])
    col = jnp.concatenate([adj_t[1].astype(jnp.int32), pad_idx])
    ew = jnp.concatenate(
        [edge_weight, jnp.zeros((pad,), jnp.float32)])
    row = row.reshape(_NW, nch, _CH)
    col = col.reshape(_NW, nch, _CH)
    ewc = ew.reshape(_NW, nch, _CH)
    ewp = ew.reshape(_NW, nch // _SPS, _SPS * _CH)

    zeros1 = jnp.zeros((n,), jnp.float32)
    zeros_h = jnp.zeros((n, hid), jnp.float32)
    zeros_f2 = jnp.zeros((n, f2), jnp.float32)
    w2p = jnp.concatenate(
        [W2, jnp.zeros((hid, f2 - out_ch), jnp.float32)], axis=1)

    degp = _make_deg_kernel(n, n_edges)(col, ewc, zeros1)
    dis, y1 = _mm_norm_tc(x, W1, degp)
    p1 = _make_agg_kernel(n, n_edges, hid)(y1, row, col, ewp, zeros_h)
    y2 = _layer_mid_tc(p1, y1, dis, b1.reshape(1, hid), w2p)
    p2 = _make_agg_kernel(n, n_edges, f2)(y2, row, col, ewp, zeros_f2)
    return _final_tc(p2, y2, dis, b2.reshape(1, out_ch), out_ch)

# --- scband reference (transcript-rebuilt; emitter-appended) ---
"""Pipeline reference for scband-gcn-c-py-g-24721831756229 (READ-ONLY COPY).

The authoritative reference and input builder live on the scoring server;
editing this copy changes nothing except your own understanding.
"""

import jax, jax.numpy as jnp
import numpy as np

N_NODES = 10000
N_EDGES = 320000
IN_CH = 128
HID_CH = 16
OUT_CH = 40


def setup_inputs(seed: int = 0) -> dict:
    key = jax.random.key(seed)
    k1, k2, k3, k4, k5, k6, k7 = jax.random.split(key, 7)
    x = jax.random.normal(k1, (N_NODES, IN_CH), dtype=jnp.float32)
    adj_t = jax.random.randint(k2, (2, N_EDGES), 0, N_NODES, dtype=jnp.int64)
    edge_weight = jax.random.uniform(k3, (N_EDGES,), dtype=jnp.float32)
    W1 = jax.random.normal(k4, (IN_CH, HID_CH), dtype=jnp.float32) * (1.0 / np.sqrt(IN_CH))
    b1 = jnp.zeros((HID_CH,), dtype=jnp.float32)
    W2 = jax.random.normal(k5, (HID_CH, OUT_CH), dtype=jnp.float32) * (1.0 / np.sqrt(HID_CH))
    b2 = jnp.zeros((OUT_CH,), dtype=jnp.float32)
    return {"x": x, "adj_t": adj_t, "edge_weight": edge_weight, "W1": W1, "b1": b1, "W2": W2, "b2": b2}


def _add_self_loops(edge_index, edge_weight, n):
    loop = jnp.arange(n, dtype=edge_index.dtype)
    ei = jnp.concatenate([edge_index, jnp.stack([loop, loop], axis=0)], axis=1)
    ew = jnp.concatenate([edge_weight, jnp.ones((n,), dtype=edge_weight.dtype)], axis=0)
    return ei, ew


def _gcn_conv(x, edge_index, edge_weight, W, b, n):
    row, col = edge_index[0], edge_index[1]
    deg = jnp.zeros((n,), dtype=x.dtype).at[col].add(edge_weight)
    deg_inv_sqrt = jnp.where(deg > 0, 1.0 / jnp.sqrt(jnp.where(deg > 0, deg, 1.0)), 0.0)
    norm = deg_inv_sqrt[row] * edge_weight * deg_inv_sqrt[col]
    x_lin = x @ W
    msg = x_lin[row] * norm[:, None]
    out = jnp.zeros((n, W.shape[1]), dtype=x.dtype).at[col].add(msg)
    return out + b


def reference(x, adj_t, edge_weight, W1, b1, W2, b2):
    n = x.shape[0]
    ei, ew = _add_self_loops(adj_t, edge_weight, n)
    h = _gcn_conv(x, ei, ew, W1, b1, n)
    h = jax.nn.relu(h)
    # dropout is identity in eval mode
    h = _gcn_conv(h, ei, ew, W2, b2, n)
    return jax.nn.log_softmax(h, axis=1)

if __name__ == "__main__":
    import jax
    _d = setup_inputs()
    print(jax.jit(kernel)(*tuple(_d.values())))

</pallas_src>

<mosaic_0001>
#map = affine_map<(d0, d1) -> (0, 0)>
#map1 = affine_map<(d0, d1) -> (0, 0, 0)>
module attributes {stable_mosaic.version = 14 : i64} {
  func.func @agg_kernel(%arg0: i32, %arg1: i32, %arg2: memref<10000x16xf32, #tpu.memory_space<hbm>>, %arg3: memref<32x80x128xi32, #tpu.memory_space<hbm>>, %arg4: memref<32x80x128xi32, #tpu.memory_space<hbm>>, %arg5: memref<32x40x256xf32, #tpu.memory_space<hbm>>, %arg6: memref<10000x16xf32, #tpu.memory_space<hbm>>, %arg7: memref<2x10000x16xf32, #tpu.memory_space<hbm>>, %arg8: memref<80x128xi32, #tpu.memory_space<vmem>>, %arg9: memref<80x128xi32, #tpu.memory_space<vmem>>, %arg10: memref<40x256xf32, #tpu.memory_space<vmem>>, %arg11: memref<256x16xf32, #tpu.memory_space<vmem>>, %arg12: memref<256x16xf32, #tpu.memory_space<vmem>>, %arg13: memref<256x16xf32, #tpu.memory_space<vmem>>, %arg14: memref<256x16xf32, #tpu.memory_space<vmem>>, %arg15: memref<10000x16xf32, #tpu.memory_space<vmem_shared>>, %arg16: memref<!tpu.dma_semaphore, #tpu.memory_space<semaphore_mem>>, %arg17: memref<!tpu.dma_semaphore, #tpu.memory_space<semaphore_mem>>, %arg18: memref<!tpu.dma_semaphore, #tpu.memory_space<semaphore_mem>>, %arg19: memref<!tpu.dma_semaphore, #tpu.memory_space<semaphore_mem>>, %arg20: memref<!tpu.dma_semaphore, #tpu.memory_space<semaphore_mem>>, %arg21: memref<!tpu.dma_semaphore, #tpu.memory_space<semaphore_mem>>, %arg22: memref<!tpu.dma_semaphore, #tpu.memory_space<semaphore_mem>>, %arg23: memref<!tpu.dma_semaphore, #tpu.memory_space<semaphore_mem>>) attributes {dimension_semantics = [#tpu.dimension_semantics<core_parallel>, #tpu.dimension_semantics<subcore_parallel>], iteration_bounds = array<i64: 2, 16>, scalar_prefetch = 0 : i64, scratch_operands = 16 : i64, tpu.core_type = #tpu.core_type<sc_vector_subcore>, window_params = [{transform_indices = #map}, {transform_indices = #map1}, {transform_indices = #map1}, {transform_indices = #map1}, {transform_indices = #map}, {transform_indices = #map1}]} {
    %mul3A = arith.constant 16 : i32
    %mul3A_0 = arith.muli %arg0, %mul3A : i32
    %add3A = arith.addi %mul3A_0, %arg1 : i32
    %lt3A = arith.constant 15 : i32
    %lt3A_1 = arith.cmpi slt, %arg1, %lt3A : i32
    %convert_element_type3A = arith.extui %lt3A_1 : i1 to i32
    %cond3A = arith.constant 0 : i32
    %cond3A_2 = arith.cmpi ne, %convert_element_type3A, %cond3A : i32
    scf.if %cond3A_2 {
      %mul3A_121 = arith.constant 624 : i32
      %mul3A_122 = arith.muli %arg1, %mul3A_121 : i32
      "tpu.region"() ({
        %run_scoped3A = tpu.sem_alloc : memref<!tpu.dma_semaphore, #tpu.memory_space<semaphore_mem>>
        %dma_start3A_123 = arith.constant 0 : i32
        %dma_start3A_124 = tpu.memref_slice %arg15[%mul3A_122, %dma_start3A_123] : memref<10000x16xf32, #tpu.memory_space<vmem_shared>> -> memref<624x16xf32, #tpu.memory_space<vmem_shared>>
        %dma_start3A_125 = arith.constant 0 : i32
        %dma_start3A_126 = tpu.memref_slice %arg6[%mul3A_122, %dma_start3A_125] : memref<10000x16xf32, #tpu.memory_space<hbm>> -> memref<624x16xf32, #tpu.memory_space<hbm>>
        tpu.enqueue_dma source(%dma_start3A_126 : memref<624x16xf32, #tpu.memory_space<hbm>>) target(%dma_start3A_124 : memref<624x16xf32, #tpu.memory_space<vmem_shared>>) target_semaphore(%run_scoped3A : memref<!tpu.dma_semaphore, #tpu.memory_space<semaphore_mem>>)
        %dma_wait3A_127 = arith.constant 0 : i32
        %dma_wait3A_128 = tpu.memref_slice %arg15[%mul3A_122, %dma_wait3A_127] : memref<10000x16xf32, #tpu.memory_space<vmem_shared>> -> memref<624x16xf32, #tpu.memory_space<vmem_shared>>
        %dma_wait3A_129 = arith.constant 0 : i32
        %dma_wait3A_130 = tpu.memref_slice %arg6[%mul3A_122, %dma_wait3A_129] : memref<10000x16xf32, #tpu.memory_space<hbm>> -> memref<624x16xf32, #tpu.memory_space<hbm>>
        tpu.wait_dma2 semaphore(%run_scoped3A : memref<!tpu.dma_semaphore, #tpu.memory_space<semaphore_mem>>) src(%dma_wait3A_130 : memref<624x16xf32, #tpu.memory_space<hbm>>) dst(%dma_wait3A_128 : memref<624x16xf32, #tpu.memory_space<vmem_shared>>)
        tpu.yield
      }) : () -> ()
    } else {
    }
    %eq3A = arith.constant 15 : i32
    %eq3A_3 = arith.cmpi eq, %arg1, %eq3A : i32
    %convert_element_type3A_4 = arith.extui %eq3A_3 : i1 to i32
    %cond3A_5 = arith.constant 0 : i32
    %cond3A_6 = arith.cmpi ne, %convert_element_type3A_4, %cond3A_5 : i32
    scf.if %cond3A_6 {
      "tpu.region"() ({
        %run_scoped3A = tpu.sem_alloc : memref<!tpu.dma_semaphore, #tpu.memory_space<semaphore_mem>>
        %dma_start3A_121 = arith.constant 9360 : i32
        %dma_start3A_122 = arith.constant 0 : i32
        %dma_start3A_123 = tpu.memref_slice %arg15[%dma_start3A_121, %dma_start3A_122] : memref<10000x16xf32, #tpu.memory_space<vmem_shared>> -> memref<640x16xf32, #tpu.memory_space<vmem_shared>>
        %dma_start3A_124 = arith.constant 9360 : i32
        %dma_start3A_125 = arith.constant 0 : i32
        %dma_start3A_126 = tpu.memref_slice %arg6[%dma_start3A_124, %dma_start3A_125] : memref<10000x16xf32, #tpu.memory_space<hbm>> -> memref<640x16xf32, #tpu.memory_space<hbm>>
        tpu.enqueue_dma source(%dma_start3A_126 : memref<640x16xf32, #tpu.memory_space<hbm>>) target(%dma_start3A_123 : memref<640x16xf32, #tpu.memory_space<vmem_shared>>) target_semaphore(%run_scoped3A : memref<!tpu.dma_semaphore, #tpu.memory_space<semaphore_mem>>)
        %dma_wait3A_127 = arith.constant 9360 : i32
        %dma_wait3A_128 = arith.constant 0 : i32
        %dma_wait3A_129 = tpu.memref_slice %arg15[%dma_wait3A_127, %dma_wait3A_128] : memref<10000x16xf32, #tpu.memory_space<vmem_shared>> -> memref<640x16xf32, #tpu.memory_space<vmem_shared>>
        %dma_wait3A_130 = arith.constant 9360 : i32
        %dma_wait3A_131 = arith.constant 0 : i32
        %dma_wait3A_132 = tpu.memref_slice %arg6[%dma_wait3A_130, %dma_wait3A_131] : memref<10000x16xf32, #tpu.memory_space<hbm>> -> memref<640x16xf32, #tpu.memory_space<hbm>>
        tpu.wait_dma2 semaphore(%run_scoped3A : memref<!tpu.dma_semaphore, #tpu.memory_space<semaphore_mem>>) src(%dma_wait3A_132 : memref<640x16xf32, #tpu.memory_space<hbm>>) dst(%dma_wait3A_129 : memref<640x16xf32, #tpu.memory_space<vmem_shared>>)
        tpu.yield
      }) : () -> ()
    } else {
    }
    "tpu.region"() ({
      %run_scoped3A = tpu.sem_alloc : memref<!tpu.dma_semaphore, #tpu.memory_space<semaphore_mem>>
      %dma_start3A_121 = arith.constant 0 : i32
      %dma_start3A_122 = arith.constant 0 : i32
      %dma_start3A_123 = tpu.memref_slice %arg3[%add3A, %dma_start3A_121, %dma_start3A_122] : memref<32x80x128xi32, #tpu.memory_space<hbm>> -> memref<1x80x128xi32, #tpu.memory_space<hbm>>
      %dma_start3A_124 = tpu.memref_squeeze %dma_start3A_123 : memref<1x80x128xi32, #tpu.memory_space<hbm>> -> memref<80x128xi32, #tpu.memory_space<hbm>>
      %dma_start3A_125 = arith.constant 0 : i32
      %dma_start3A_126 = arith.constant 0 : i32
      %dma_start3A_127 = tpu.memref_slice %arg3[%add3A, %dma_start3A_125, %dma_start3A_126] : memref<32x80x128xi32, #tpu.memory_space<hbm>> -> memref<1x80x128xi32, #tpu.memory_space<hbm>>
      %dma_start3A_128 = tpu.memref_squeeze %dma_start3A_127 : memref<1x80x128xi32, #tpu.memory_space<hbm>> -> memref<80x128xi32, #tpu.memory_space<hbm>>
      tpu.enqueue_dma source(%dma_start3A_128 : memref<80x128xi32, #tpu.memory_space<hbm>>) target(%arg8 : memref<80x128xi32, #tpu.memory_space<vmem>>) target_semaphore(%run_scoped3A : memref<!tpu.dma_semaphore, #tpu.memory_space<semaphore_mem>>)
      %dma_wait3A_129 = arith.constant 0 : i32
      %dma_wait3A_130 = arith.constant 0 : i32
      %dma_wait3A_131 = tpu.memref_slice %arg3[%add3A, %dma_wait3A_129, %dma_wait3A_130] : memref<32x80x128xi32, #tpu.memory_space<hbm>> -> memref<1x80x128xi32, #tpu.memory_space<hbm>>
      %dma_wait3A_132 = tpu.memref_squeeze %dma_wait3A_131 : memref<1x80x128xi32, #tpu.memory_space<hbm>> -> memref<80x128xi32, #tpu.memory_space<hbm>>
      %dma_wait3A_133 = arith.constant 0 : i32
      %dma_wait3A_134 = arith.constant 0 : i32
      %dma_wait3A_135 = tpu.memref_slice %arg3[%add3A, %dma_wait3A_133, %dma_wait3A_134] : memref<32x80x128xi32, #tpu.memory_space<hbm>> -> memref<1x80x128xi32, #tpu.memory_space<hbm>>
      %dma_wait3A_136 = tpu.memref_squeeze %dma_wait3A_135 : memref<1x80x128xi32, #tpu.memory_space<hbm>> -> memref<80x128xi32, #tpu.memory_space<hbm>>
      tpu.wait_dma2 semaphore(%run_scoped3A : memref<!tpu.dma_semaphore, #tpu.memory_space<semaphore_mem>>) src(%dma_wait3A_136 : memref<80x128xi32, #tpu.memory_space<hbm>>) dst(%arg8 : memref<80x128xi32, #tpu.memory_space<vmem>>)
      tpu.yield
    }) : () -> ()
    "tpu.region"() ({
      %run_scoped3A = tpu.sem_alloc : memref<!tpu.dma_semaphore, #tpu.memory_space<semaphore_mem>>
      %dma_start3A_121 = arith.constant 0 : i32
      %dma_start3A_122 = arith.constant 0 : i32
      %dma_start3A_123 = tpu.memref_slice %arg4[%add3A, %dma_start3A_121, %dma_start3A_122] : memref<32x80x128xi32, #tpu.memory_space<hbm>> -> memref<1x80x128xi32, #tpu.memory_space<hbm>>
      %dma_start3A_124 = tpu.memref_squeeze %dma_start3A_123 : memref<1x80x128xi32, #tpu.memory_space<hbm>> -> memref<80x128xi32, #tpu.memory_space<hbm>>
      %dma_start3A_125 = arith.constant 0 : i32
      %dma_start3A_126 = arith.constant 0 : i32
      %dma_start3A_127 = tpu.memref_slice %arg4[%add3A, %dma_start3A_125, %dma_start3A_126] : memref<32x80x128xi32, #tpu.memory_space<hbm>> -> memref<1x80x128xi32, #tpu.memory_space<hbm>>
      %dma_start3A_128 = tpu.memref_squeeze %dma_start3A_127 : memref<1x80x128xi32, #tpu.memory_space<hbm>> -> memref<80x128xi32, #tpu.memory_space<hbm>>
      tpu.enqueue_dma source(%dma_start3A_128 : memref<80x128xi32, #tpu.memory_space<hbm>>) target(%arg9 : memref<80x128xi32, #tpu.memory_space<vmem>>) target_semaphore(%run_scoped3A : memref<!tpu.dma_semaphore, #tpu.memory_space<semaphore_mem>>)
      %dma_wait3A_129 = arith.constant 0 : i32
      %dma_wait3A_130 = arith.constant 0 : i32
      %dma_wait3A_131 = tpu.memref_slice %arg4[%add3A, %dma_wait3A_129, %dma_wait3A_130] : memref<32x80x128xi32, #tpu.memory_space<hbm>> -> memref<1x80x128xi32, #tpu.memory_space<hbm>>
      %dma_wait3A_132 = tpu.memref_squeeze %dma_wait3A_131 : memref<1x80x128xi32, #tpu.memory_space<hbm>> -> memref<80x128xi32, #tpu.memory_space<hbm>>
      %dma_wait3A_133 = arith.constant 0 : i32
      %dma_wait3A_134 = arith.constant 0 : i32
      %dma_wait3A_135 = tpu.memref_slice %arg4[%add3A, %dma_wait3A_133, %dma_wait3A_134] : memref<32x80x128xi32, #tpu.memory_space<hbm>> -> memref<1x80x128xi32, #tpu.memory_space<hbm>>
      %dma_wait3A_136 = tpu.memref_squeeze %dma_wait3A_135 : memref<1x80x128xi32, #tpu.memory_space<hbm>> -> memref<80x128xi32, #tpu.memory_space<hbm>>
      tpu.wait_dma2 semaphore(%run_scoped3A : memref<!tpu.dma_semaphore, #tpu.memory_space<semaphore_mem>>) src(%dma_wait3A_136 : memref<80x128xi32, #tpu.memory_space<hbm>>) dst(%arg9 : memref<80x128xi32, #tpu.memory_space<vmem>>)
      tpu.yield
    }) : () -> ()
    "tpu.region"() ({
      %run_scoped3A = tpu.sem_alloc : memref<!tpu.dma_semaphore, #tpu.memory_space<semaphore_mem>>
      %dma_start3A_121 = arith.constant 0 : i32
      %dma_start3A_122 = arith.constant 0 : i32
      %dma_start3A_123 = tpu.memref_slice %arg5[%add3A, %dma_start3A_121, %dma_start3A_122] : memref<32x40x256xf32, #tpu.memory_space<hbm>> -> memref<1x40x256xf32, #tpu.memory_space<hbm>>
      %dma_start3A_124 = tpu.memref_squeeze %dma_start3A_123 : memref<1x40x256xf32, #tpu.memory_space<hbm>> -> memref<40x256xf32, #tpu.memory_space<hbm>>
      %dma_start3A_125 = arith.constant 0 : i32
      %dma_start3A_126 = arith.constant 0 : i32
      %dma_start3A_127 = tpu.memref_slice %arg5[%add3A, %dma_start3A_125, %dma_start3A_126] : memref<32x40x256xf32, #tpu.memory_space<hbm>> -> memref<1x40x256xf32, #tpu.memory_space<hbm>>
      %dma_start3A_128 = tpu.memref_squeeze %dma_start3A_127 : memref<1x40x256xf32, #tpu.memory_space<hbm>> -> memref<40x256xf32, #tpu.memory_space<hbm>>
      tpu.enqueue_dma source(%dma_start3A_128 : memref<40x256xf32, #tpu.memory_space<hbm>>) target(%arg10 : memref<40x256xf32, #tpu.memory_space<vmem>>) target_semaphore(%run_scoped3A : memref<!tpu.dma_semaphore, #tpu.memory_space<semaphore_mem>>)
      %dma_wait3A_129 = arith.constant 0 : i32
      %dma_wait3A_130 = arith.constant 0 : i32
      %dma_wait3A_131 = tpu.memref_slice %arg5[%add3A, %dma_wait3A_129, %dma_wait3A_130] : memref<32x40x256xf32, #tpu.memory_space<hbm>> -> memref<1x40x256xf32, #tpu.memory_space<hbm>>
      %dma_wait3A_132 = tpu.memref_squeeze %dma_wait3A_131 : memref<1x40x256xf32, #tpu.memory_space<hbm>> -> memref<40x256xf32, #tpu.memory_space<hbm>>
      %dma_wait3A_133 = arith.constant 0 : i32
      %dma_wait3A_134 = arith.constant 0 : i32
      %dma_wait3A_135 = tpu.memref_slice %arg5[%add3A, %dma_wait3A_133, %dma_wait3A_134] : memref<32x40x256xf32, #tpu.memory_space<hbm>> -> memref<1x40x256xf32, #tpu.memory_space<hbm>>
      %dma_wait3A_136 = tpu.memref_squeeze %dma_wait3A_135 : memref<1x40x256xf32, #tpu.memory_space<hbm>> -> memref<40x256xf32, #tpu.memory_space<hbm>>
      tpu.wait_dma2 semaphore(%run_scoped3A : memref<!tpu.dma_semaphore, #tpu.memory_space<semaphore_mem>>) src(%dma_wait3A_136 : memref<40x256xf32, #tpu.memory_space<hbm>>) dst(%arg10 : memref<40x256xf32, #tpu.memory_space<vmem>>)
      tpu.yield
    }) : () -> ()
    %barrier3A = arith.constant 0 : index
    tpu.barrier barrier_id(%barrier3A)
    %dma_start3A = arith.constant 0 : i32
    %dma_start3A_7 = arith.constant 0 : i32
    %dma_start3A_8 = arith.constant 0 : i32
    %dma_start3A_9 = tpu.memref_slice %arg11[%dma_start3A_7, %dma_start3A_8] : memref<256x16xf32, #tpu.memory_space<vmem>> -> memref<128x16xf32, #tpu.memory_space<vmem>>
    %dma_start3A_10 = arith.constant 0 : i32
    %dma_start3A_11 = tpu.memref_slice %arg8[%dma_start3A, %dma_start3A_10] : memref<80x128xi32, #tpu.memory_space<vmem>> -> memref<1x128xi32, #tpu.memory_space<vmem>>
    %dma_start3A_12 = tpu.memref_squeeze %dma_start3A_11 : memref<1x128xi32, #tpu.memory_space<vmem>> -> memref<128xi32, #tpu.memory_space<vmem>>
    %dma_start3A_13 = arith.constant 0 : i32
    %dma_start3A_14 = arith.constant 0 : i32
    %dma_start3A_15 = tpu.memref_slice %arg2[%dma_start3A_13, %dma_start3A_14] : memref<10000x16xf32, #tpu.memory_space<hbm>> -> memref<10000x16xf32, #tpu.memory_space<hbm>>
    tpu.enqueue_indirect_dma source(%dma_start3A_15 : memref<10000x16xf32, #tpu.memory_space<hbm>>) target(%dma_start3A_9 : memref<128x16xf32, #tpu.memory_space<vmem>>) offsets(%dma_start3A_12 : memref<128xi32, #tpu.memory_space<vmem>>) semaphore(%arg16 : memref<!tpu.dma_semaphore, #tpu.memory_space<semaphore_mem>>)
    %dma_start3A_16 = arith.constant 1 : i32
    %dma_start3A_17 = arith.constant 128 : i32
    %dma_start3A_18 = arith.constant 0 : i32
    %dma_start3A_19 = tpu.memref_slice %arg11[%dma_start3A_17, %dma_start3A_18] : memref<256x16xf32, #tpu.memory_space<vmem>> -> memref<128x16xf32, #tpu.memory_space<vmem>>
    %dma_start3A_20 = arith.constant 0 : i32
    %dma_start3A_21 = tpu.memref_slice %arg8[%dma_start3A_16, %dma_start3A_20] : memref<80x128xi32, #tpu.memory_space<vmem>> -> memref<1x128xi32, #tpu.memory_space<vmem>>
    %dma_start3A_22 = tpu.memref_squeeze %dma_start3A_21 : memref<1x128xi32, #tpu.memory_space<vmem>> -> memref<128xi32, #tpu.memory_space<vmem>>
    %dma_start3A_23 = arith.constant 0 : i32
    %dma_start3A_24 = arith.constant 0 : i32
    %dma_start3A_25 = tpu.memref_slice %arg2[%dma_start3A_23, %dma_start3A_24] : memref<10000x16xf32, #tpu.memory_space<hbm>> -> memref<10000x16xf32, #tpu.memory_space<hbm>>
    tpu.enqueue_indirect_dma source(%dma_start3A_25 : memref<10000x16xf32, #tpu.memory_space<hbm>>) target(%dma_start3A_19 : memref<128x16xf32, #tpu.memory_space<vmem>>) offsets(%dma_start3A_22 : memref<128xi32, #tpu.memory_space<vmem>>) semaphore(%arg16 : memref<!tpu.dma_semaphore, #tpu.memory_space<semaphore_mem>>)
    %scan3A = arith.constant 0 : i32
    %scan3A_26 = arith.constant 0 : i32
    %scan3A_27 = arith.constant 10 : i32
    %scan3A_28 = arith.addi %scan3A_26, %scan3A_27 : i32
    %scan3A_29 = arith.constant 1 : i32
    scf.for %scan3A_121 = %scan3A_26 to %scan3A_28 step %scan3A_29  : i32 {
      %mul3A_122 = arith.constant 4 : i32
      %mul3A_123 = arith.muli %scan3A_121, %mul3A_122 : i32
      %add3A_124 = arith.constant 0 : i32
      %add3A_125 = arith.addi %mul3A_123, %add3A_124 : i32
      %lt3A_126 = arith.constant 40 : i32
      %lt3A_127 = arith.cmpi slt, %add3A_125, %lt3A_126 : i32
      %convert_element_type3A_128 = arith.extui %lt3A_127 : i1 to i32
      %cond3A_129 = arith.constant 0 : i32
      %cond3A_130 = arith.cmpi ne, %convert_element_type3A_128, %cond3A_129 : i32
      scf.if %cond3A_130 {
        %add3A_158 = arith.constant 1 : i32
        %add3A_159 = arith.addi %add3A_125, %add3A_158 : i32
        %lt3A_160 = arith.constant 40 : i32
        %lt3A_161 = arith.cmpi slt, %add3A_159, %lt3A_160 : i32
        %convert_element_type3A_162 = arith.extui %lt3A_161 : i1 to i32
        %cond3A_163 = arith.constant 0 : i32
        %cond3A_164 = arith.cmpi ne, %convert_element_type3A_162, %cond3A_163 : i32
        scf.if %cond3A_164 {
          %add3A_226 = arith.constant 1 : i32
          %add3A_227 = arith.addi %add3A_125, %add3A_226 : i32
          %ge3A = arith.constant 4 : i32
          %ge3A_228 = arith.cmpi sge, %add3A_227, %ge3A : i32
          %convert_element_type3A_229 = arith.extui %ge3A_228 : i1 to i32
          %cond3A_230 = arith.constant 0 : i32
          %cond3A_231 = arith.cmpi ne, %convert_element_type3A_229, %cond3A_230 : i32
          scf.if %cond3A_231 {
            %add3A_260 = arith.constant 1 : i32
            %add3A_261 = arith.addi %add3A_125, %add3A_260 : i32
            %sub3A = arith.constant 4 : i32
            %sub3A_262 = arith.subi %add3A_261, %sub3A : i32
            %mul3A_263 = arith.constant 2 : i32
            %mul3A_264 = arith.muli %mul3A_263, %sub3A_262 : i32
            %add3A_265 = arith.constant 0 : i32
            %add3A_266 = arith.addi %mul3A_264, %add3A_265 : i32
            %dma_wait3A_267 = arith.constant 0 : i32
            %dma_wait3A_268 = arith.constant 0 : i32
            %dma_wait3A_269 = tpu.memref_slice %arg12[%dma_wait3A_267, %dma_wait3A_268] : memref<256x16xf32, #tpu.memory_space<vmem>> -> memref<128x16xf32, #tpu.memory_space<vmem>>
            %dma_wait3A_270 = arith.constant 0 : i32
            %dma_wait3A_271 = tpu.memref_slice %arg9[%add3A_266, %dma_wait3A_270] : memref<80x128xi32, #tpu.memory_space<vmem>> -> memref<1x128xi32, #tpu.memory_space<vmem>>
            %dma_wait3A_272 = tpu.memref_squeeze %dma_wait3A_271 : memref<1x128xi32, #tpu.memory_space<vmem>> -> memref<128xi32, #tpu.memory_space<vmem>>
            %dma_wait3A_273 = arith.constant 0 : i32
            %dma_wait3A_274 = arith.constant 0 : i32
            %dma_wait3A_275 = tpu.memref_slice %arg15[%dma_wait3A_273, %dma_wait3A_274] : memref<10000x16xf32, #tpu.memory_space<vmem_shared>> -> memref<10000x16xf32, #tpu.memory_space<vmem_shared>>
            tpu.wait_indirect_dma semaphore(%arg21 : memref<!tpu.dma_semaphore, #tpu.memory_space<semaphore_mem>>) src(%dma_wait3A_269 : memref<128x16xf32, #tpu.memory_space<vmem>>) dst(%dma_wait3A_275 : memref<10000x16xf32, #tpu.memory_space<vmem_shared>>)
            %mul3A_276 = arith.constant 2 : i32
            %mul3A_277 = arith.muli %mul3A_276, %sub3A_262 : i32
            %add3A_278 = arith.constant 1 : i32
            %add3A_279 = arith.addi %mul3A_277, %add3A_278 : i32
            %dma_wait3A_280 = arith.constant 128 : i32
            %dma_wait3A_281 = arith.constant 0 : i32
            %dma_wait3A_282 = tpu.memref_slice %arg12[%dma_wait3A_280, %dma_wait3A_281] : memref<256x16xf32, #tpu.memory_space<vmem>> -> memref<128x16xf32, #tpu.memory_space<vmem>>
            %dma_wait3A_283 = arith.constant 0 : i32
            %dma_wait3A_284 = tpu.memref_slice %arg9[%add3A_279, %dma_wait3A_283] : memref<80x128xi32, #tpu.memory_space<vmem>> -> memref<1x128xi32, #tpu.memory_space<vmem>>
            %dma_wait3A_285 = tpu.memref_squeeze %dma_wait3A_284 : memref<1x128xi32, #tpu.memory_space<vmem>> -> memref<128xi32, #tpu.memory_space<vmem>>
            %dma_wait3A_286 = arith.constant 0 : i32
            %dma_wait3A_287 = arith.constant 0 : i32
            %dma_wait3A_288 = tpu.memref_slice %arg15[%dma_wait3A_286, %dma_wait3A_287] : memref<10000x16xf32, #tpu.memory_space<vmem_shared>> -> memref<10000x16xf32, #tpu.memory_space<vmem_shared>>
            tpu.wait_indirect_dma semaphore(%arg21 : memref<!tpu.dma_semaphore, #tpu.memory_space<semaphore_mem>>) src(%dma_wait3A_282 : memref<128x16xf32, #tpu.memory_space<vmem>>) dst(%dma_wait3A_288 : memref<10000x16xf32, #tpu.memory_space<vmem_shared>>)
          } else {
          }
          %add3A_232 = arith.constant 1 : i32
          %add3A_233 = arith.addi %add3A_125, %add3A_232 : i32
          %mul3A_234 = arith.constant 2 : i32
          %mul3A_235 = arith.muli %mul3A_234, %add3A_233 : i32
          %add3A_236 = arith.constant 0 : i32
          %add3A_237 = arith.addi %mul3A_235, %add3A_236 : i32
          %dma_start3A_238 = arith.constant 0 : i32
          %dma_start3A_239 = arith.constant 0 : i32
          %dma_start3A_240 = tpu.memref_slice %arg12[%dma_start3A_238, %dma_start3A_239] : memref<256x16xf32, #tpu.memory_space<vmem>> -> memref<128x16xf32, #tpu.memory_space<vmem>>
          %dma_start3A_241 = arith.constant 0 : i32
          %dma_start3A_242 = tpu.memref_slice %arg8[%add3A_237, %dma_start3A_241] : memref<80x128xi32, #tpu.memory_space<vmem>> -> memref<1x128xi32, #tpu.memory_space<vmem>>
          %dma_start3A_243 = tpu.memref_squeeze %dma_start3A_242 : memref<1x128xi32, #tpu.memory_space<vmem>> -> memref<128xi32, #tpu.memory_space<vmem>>
          %dma_start3A_244 = arith.constant 0 : i32
          %dma_start3A_245 = arith.constant 0 : i32
          %dma_start3A_246 = tpu.memref_slice %arg2[%dma_start3A_244, %dma_start3A_245] : memref<10000x16xf32, #tpu.memory_space<hbm>> -> memref<10000x16xf32, #tpu.memory_space<hbm>>
          tpu.enqueue_indirect_dma source(%dma_start3A_246 : memref<10000x16xf32, #tpu.memory_space<hbm>>) target(%dma_start3A_240 : memref<128x16xf32, #tpu.memory_space<vmem>>) offsets(%dma_start3A_243 : memref<128xi32, #tpu.memory_space<vmem>>) semaphore(%arg17 : memref<!tpu.dma_semaphore, #tpu.memory_space<semaphore_mem>>)
          %mul3A_247 = arith.constant 2 : i32
          %mul3A_248 = arith.muli %mul3A_247, %add3A_233 : i32
          %add3A_249 = arith.constant 1 : i32
          %add3A_250 = arith.addi %mul3A_248, %add3A_249 : i32
          %dma_start3A_251 = arith.constant 128 : i32
          %dma_start3A_252 = arith.constant 0 : i32
          %dma_start3A_253 = tpu.memref_slice %arg12[%dma_start3A_251, %dma_start3A_252] : memref<256x16xf32, #tpu.memory_space<vmem>> -> memref<128x16xf32, #tpu.memory_space<vmem>>
          %dma_start3A_254 = arith.constant 0 : i32
          %dma_start3A_255 = tpu.memref_slice %arg8[%add3A_250, %dma_start3A_254] : memref<80x128xi32, #tpu.memory_space<vmem>> -> memref<1x128xi32, #tpu.memory_space<vmem>>
          %dma_start3A_256 = tpu.memref_squeeze %dma_start3A_255 : memref<1x128xi32, #tpu.memory_space<vmem>> -> memref<128xi32, #tpu.memory_space<vmem>>
          %dma_start3A_257 = arith.constant 0 : i32
          %dma_start3A_258 = arith.constant 0 : i32
          %dma_start3A_259 = tpu.memref_slice %arg2[%dma_start3A_257, %dma_start3A_258] : memref<10000x16xf32, #tpu.memory_space<hbm>> -> memref<10000x16xf32, #tpu.memory_space<hbm>>
          tpu.enqueue_indirect_dma source(%dma_start3A_259 : memref<10000x16xf32, #tpu.memory_space<hbm>>) target(%dma_start3A_253 : memref<128x16xf32, #tpu.memory_space<vmem>>) offsets(%dma_start3A_256 : memref<128xi32, #tpu.memory_space<vmem>>) semaphore(%arg17 : memref<!tpu.dma_semaphore, #tpu.memory_space<semaphore_mem>>)
        } else {
        }
        %mul3A_165 = arith.constant 2 : i32
        %mul3A_166 = arith.muli %mul3A_165, %add3A_125 : i32
        %add3A_167 = arith.constant 0 : i32
        %add3A_168 = arith.addi %mul3A_166, %add3A_167 : i32
        %dma_wait3A_169 = arith.constant 0 : i32
        %dma_wait3A_170 = arith.constant 0 : i32
        %dma_wait3A_171 = tpu.memref_slice %arg11[%dma_wait3A_169, %dma_wait3A_170] : memref<256x16xf32, #tpu.memory_space<vmem>> -> memref<128x16xf32, #tpu.memory_space<vmem>>
        %dma_wait3A_172 = arith.constant 0 : i32
        %dma_wait3A_173 = tpu.memref_slice %arg8[%add3A_168, %dma_wait3A_172] : memref<80x128xi32, #tpu.memory_space<vmem>> -> memref<1x128xi32, #tpu.memory_space<vmem>>
        %dma_wait3A_174 = tpu.memref_squeeze %dma_wait3A_173 : memref<1x128xi32, #tpu.memory_space<vmem>> -> memref<128xi32, #tpu.memory_space<vmem>>
        %dma_wait3A_175 = arith.constant 0 : i32
        %dma_wait3A_176 = arith.constant 0 : i32
        %dma_wait3A_177 = tpu.memref_slice %arg2[%dma_wait3A_175, %dma_wait3A_176] : memref<10000x16xf32, #tpu.memory_space<hbm>> -> memref<10000x16xf32, #tpu.memory_space<hbm>>
        tpu.wait_indirect_dma semaphore(%arg16 : memref<!tpu.dma_semaphore, #tpu.memory_space<semaphore_mem>>) src(%dma_wait3A_177 : memref<10000x16xf32, #tpu.memory_space<hbm>>) dst(%dma_wait3A_171 : memref<128x16xf32, #tpu.memory_space<vmem>>)
        %mul3A_178 = arith.constant 2 : i32
        %mul3A_179 = arith.muli %mul3A_178, %add3A_125 : i32
        %add3A_180 = arith.constant 1 : i32
        %add3A_181 = arith.addi %mul3A_179, %add3A_180 : i32
        %dma_wait3A_182 = arith.constant 128 : i32
        %dma_wait3A_183 = arith.constant 0 : i32
        %dma_wait3A_184 = tpu.memref_slice %arg11[%dma_wait3A_182, %dma_wait3A_183] : memref<256x16xf32, #tpu.memory_space<vmem>> -> memref<128x16xf32, #tpu.memory_space<vmem>>
        %dma_wait3A_185 = arith.constant 0 : i32
        %dma_wait3A_186 = tpu.memref_slice %arg8[%add3A_181, %dma_wait3A_185] : memref<80x128xi32, #tpu.memory_space<vmem>> -> memref<1x128xi32, #tpu.memory_space<vmem>>
        %dma_wait3A_187 = tpu.memref_squeeze %dma_wait3A_186 : memref<1x128xi32, #tpu.memory_space<vmem>> -> memref<128xi32, #tpu.memory_space<vmem>>
        %dma_wait3A_188 = arith.constant 0 : i32
        %dma_wait3A_189 = arith.constant 0 : i32
        %dma_wait3A_190 = tpu.memref_slice %arg2[%dma_wait3A_188, %dma_wait3A_189] : memref<10000x16xf32, #tpu.memory_space<hbm>> -> memref<10000x16xf32, #tpu.memory_space<hbm>>
        tpu.wait_indirect_dma semaphore(%arg16 : memref<!tpu.dma_semaphore, #tpu.memory_space<semaphore_mem>>) src(%dma_wait3A_190 : memref<10000x16xf32, #tpu.memory_space<hbm>>) dst(%dma_wait3A_184 : memref<128x16xf32, #tpu.memory_space<vmem>>)
        %broadcast_in_dim3A = arith.constant 0 : i32
        %broadcast_in_dim3A_191 = vector.broadcast %broadcast_in_dim3A : i32 to vector<16xi32>
        %add3A_192 = vector.broadcast %add3A_125 : i32 to vector<16xi32>
        %add3A_193 = arith.addi %broadcast_in_dim3A_191, %add3A_192 : vector<16xi32>
        %scan3A_194 = arith.constant 0 : i32
        %scan3A_195 = arith.constant 0 : i32
        %scan3A_196 = arith.constant 256 : i32
        %scan3A_197 = arith.addi %scan3A_195, %scan3A_196 : i32
        %scan3A_198 = arith.constant 8 : i32
        scf.for %scan3A_226 = %scan3A_195 to %scan3A_197 step %scan3A_198  : i32 {
          %broadcast_in_dim3A_227 = arith.constant 0 : i32
          %broadcast_in_dim3A_228 = vector.broadcast %broadcast_in_dim3A_227 : i32 to vector<16xi32>
          %add3A_229 = vector.broadcast %scan3A_226 : i32 to vector<16xi32>
          %add3A_230 = arith.addi %broadcast_in_dim3A_228, %add3A_229 : vector<16xi32>
          %gather3A = tpu.vector_load_idx %arg10[%add3A_193, %add3A_230] : memref<40x256xf32, #tpu.memory_space<vmem>>[vector<16xi32>, vector<16xi32>], vector<16xf32>,
          %get3A = arith.index_cast %scan3A_226 : i32 to index
          %get3A_231 = arith.constant 0 : index
          %get3A_232 = tpu.vector_load %arg11[%get3A, %get3A_231] {strides = array<i32>} : memref<256x16xf32, #tpu.memory_space<vmem>>, vector<16xf32>,
          %mul3A_233 = arith.mulf %get3A_232, %gather3A : vector<16xf32>
          %swap3A = arith.index_cast %scan3A_226 : i32 to index
          %swap3A_234 = arith.constant 0 : index
          %swap3A_235 = tpu.vector_load %arg11[%swap3A, %swap3A_234] {strides = array<i32>} : memref<256x16xf32, #tpu.memory_space<vmem>>, vector<16xf32>,
          tpu.vector_store %arg11[%swap3A, %swap3A_234], %mul3A_233 {strides = array<i32>} : memref<256x16xf32, #tpu.memory_space<vmem>>, vector<16xf32>,
          %scan3A_236 = arith.constant 1 : i32
          %scan3A_237 = arith.addi %scan3A_226, %scan3A_236 : i32
          %broadcast_in_dim3A_238 = arith.constant 0 : i32
          %broadcast_in_dim3A_239 = vector.broadcast %broadcast_in_dim3A_238 : i32 to vector<16xi32>
          %add3A_240 = vector.broadcast %scan3A_237 : i32 to vector<16xi32>
          %add3A_241 = arith.addi %broadcast_in_dim3A_239, %add3A_240 : vector<16xi32>
          %gather3A_242 = tpu.vector_load_idx %arg10[%add3A_193, %add3A_241] : memref<40x256xf32, #tpu.memory_space<vmem>>[vector<16xi32>, vector<16xi32>], vector<16xf32>,
          %get3A_243 = arith.index_cast %scan3A_237 : i32 to index
          %get3A_244 = arith.constant 0 : index
          %get3A_245 = tpu.vector_load %arg11[%get3A_243, %get3A_244] {strides = array<i32>} : memref<256x16xf32, #tpu.memory_space<vmem>>, vector<16xf32>,
          %mul3A_246 = arith.mulf %get3A_245, %gather3A_242 : vector<16xf32>
          %swap3A_247 = arith.index_cast %scan3A_237 : i32 to index
          %swap3A_248 = arith.constant 0 : index
          %swap3A_249 = tpu.vector_load %arg11[%swap3A_247, %swap3A_248] {strides = array<i32>} : memref<256x16xf32, #tpu.memory_space<vmem>>, vector<16xf32>,
          tpu.vector_store %arg11[%swap3A_247, %swap3A_248], %mul3A_246 {strides = array<i32>} : memref<256x16xf32, #tpu.memory_space<vmem>>, vector<16xf32>,
          %scan3A_250 = arith.constant 2 : i32
          %scan3A_251 = arith.addi %scan3A_226, %scan3A_250 : i32
          %broadcast_in_dim3A_252 = arith.constant 0 : i32
          %broadcast_in_dim3A_253 = vector.broadcast %broadcast_in_dim3A_252 : i32 to vector<16xi32>
          %add3A_254 = vector.broadcast %scan3A_251 : i32 to vector<16xi32>
          %add3A_255 = arith.addi %broadcast_in_dim3A_253, %add3A_254 : vector<16xi32>
          %gather3A_256 = tpu.vector_load_idx %arg10[%add3A_193, %add3A_255] : memref<40x256xf32, #tpu.memory_space<vmem>>[vector<16xi32>, vector<16xi32>], vector<16xf32>,
          %get3A_257 = arith.index_cast %scan3A_251 : i32 to index
          %get3A_258 = arith.constant 0 : index
          %get3A_259 = tpu.vector_load %arg11[%get3A_257, %get3A_258] {strides = array<i32>} : memref<256x16xf32, #tpu.memory_space<vmem>>, vector<16xf32>,
          %mul3A_260 = arith.mulf %get3A_259, %gather3A_256 : vector<16xf32>
          %swap3A_261 = arith.index_cast %scan3A_251 : i32 to index
          %swap3A_262 = arith.constant 0 : index
          %swap3A_263 = tpu.vector_load %arg11[%swap3A_261, %swap3A_262] {strides = array<i32>} : memref<256x16xf32, #tpu.memory_space<vmem>>, vector<16xf32>,
          tpu.vector_store %arg11[%swap3A_261, %swap3A_262], %mul3A_260 {strides = array<i32>} : memref<256x16xf32, #tpu.memory_space<vmem>>, vector<16xf32>,
          %scan3A_264 = arith.constant 3 : i32
          %scan3A_265 = arith.addi %scan3A_226, %scan3A_264 : i32
          %broadcast_in_dim3A_266 = arith.constant 0 : i32
          %broadcast_in_dim3A_267 = vector.broadcast %broadcast_in_dim3A_266 : i32 to vector<16xi32>
          %add3A_268 = vector.broadcast %scan3A_265 : i32 to vector<16xi32>
          %add3A_269 = arith.addi %broadcast_in_dim3A_267, %add3A_268 : vector<16xi32>
          %gather3A_270 = tpu.vector_load_idx %arg10[%add3A_193, %add3A_269] : memref<40x256xf32, #tpu.memory_space<vmem>>[vector<16xi32>, vector<16xi32>], vector<16xf32>,
          %get3A_271 = arith.index_cast %scan3A_265 : i32 to index
          %get3A_272 = arith.constant 0 : index
          %get3A_273 = tpu.vector_load %arg11[%get3A_271, %get3A_272] {strides = array<i32>} : memref<256x16xf32, #tpu.memory_space<vmem>>, vector<16xf32>,
          %mul3A_274 = arith.mulf %get3A_273, %gather3A_270 : vector<16xf32>
          %swap3A_275 = arith.index_cast %scan3A_265 : i32 to index
          %swap3A_276 = arith.constant 0 : index
          %swap3A_277 = tpu.vector_load %arg11[%swap3A_275, %swap3A_276] {strides = array<i32>} : memref<256x16xf32, #tpu.memory_space<vmem>>, vector<16xf32>,
          tpu.vector_store %arg11[%swap3A_275, %swap3A_276], %mul3A_274 {strides = array<i32>} : memref<256x16xf32, #tpu.memory_space<vmem>>, vector<16xf32>,
          %scan3A_278 = arith.constant 4 : i32
          %scan3A_279 = arith.addi %scan3A_226, %scan3A_278 : i32
          %broadcast_in_dim3A_280 = arith.constant 0 : i32
          %broadcast_in_dim3A_281 = vector.broadcast %broadcast_in_dim3A_280 : i32 to vector<16xi32>
          %add3A_282 = vector.broadcast %scan3A_279 : i32 to vector<16xi32>
          %add3A_283 = arith.addi %broadcast_in_dim3A_281, %add3A_282 : vector<16xi32>
          %gather3A_284 = tpu.vector_load_idx %arg10[%add3A_193, %add3A_283] : memref<40x256xf32, #tpu.memory_space<vmem>>[vector<16xi32>, vector<16xi32>], vector<16xf32>,
          %get3A_285 = arith.index_cast %scan3A_279 : i32 to index
          %get3A_286 = arith.constant 0 : index
          %get3A_287 = tpu.vector_load %arg11[%get3A_285, %get3A_286] {strides = array<i32>} : memref<256x16xf32, #tpu.memory_space<vmem>>, vector<16xf32>,
          %mul3A_288 = arith.mulf %get3A_287, %gather3A_284 : vector<16xf32>
          %swap3A_289 = arith.index_cast %scan3A_279 : i32 to index
          %swap3A_290 = arith.constant 0 : index
          %swap3A_291 = tpu.vector_load %arg11[%swap3A_289, %swap3A_290] {strides = array<i32>} : memref<256x16xf32, #tpu.memory_space<vmem>>, vector<16xf32>,
          tpu.vector_store %arg11[%swap3A_289, %swap3A_290], %mul3A_288 {strides = array<i32>} : memref<256x16xf32, #tpu.memory_space<vmem>>, vector<16xf32>,
          %scan3A_292 = arith.constant 5 : i32
          %scan3A_293 = arith.addi %scan3A_226, %scan3A_292 : i32
          %broadcast_in_dim3A_294 = arith.constant 0 : i32
          %broadcast_in_dim3A_295 = vector.broadcast %broadcast_in_dim3A_294 : i32 to vector<16xi32>
          %add3A_296 = vector.broadcast %scan3A_293 : i32 to vector<16xi32>
          %add3A_297 = arith.addi %broadcast_in_dim3A_295, %add3A_296 : vector<16xi32>
          %gather3A_298 = tpu.vector_load_idx %arg10[%add3A_193, %add3A_297] : memref<40x256xf32, #tpu.memory_space<vmem>>[vector<16xi32>, vector<16xi32>], vector<16xf32>,
          %get3A_299 = arith.index_cast %scan3A_293 : i32 to index
          %get3A_300 = arith.constant 0 : index
          %get3A_301 = tpu.vector_load %arg11[%get3A_299, %get3A_300] {strides = array<i32>} : memref<256x16xf32, #tpu.memory_space<vmem>>, vector<16xf32>,
          %mul3A_302 = arith.mulf %get3A_301, %gather3A_298 : vector<16xf32>
          %swap3A_303 = arith.index_cast %scan3A_293 : i32 to index
          %swap3A_304 = arith.constant 0 : index
          %swap3A_305 = tpu.vector_load %arg11[%swap3A_303, %swap3A_304] {strides = array<i32>} : memref<256x16xf32, #tpu.memory_space<vmem>>, vector<16xf32>,
          tpu.vector_store %arg11[%swap3A_303, %swap3A_304], %mul3A_302 {strides = array<i32>} : memref<256x16xf32, #tpu.memory_space<vmem>>, vector<16xf32>,
          %scan3A_306 = arith.constant 6 : i32
          %scan3A_307 = arith.addi %scan3A_226, %scan3A_306 : i32
          %broadcast_in_dim3A_308 = arith.constant 0 : i32
          %broadcast_in_dim3A_309 = vector.broadcast %broadcast_in_dim3A_308 : i32 to vector<16xi32>
          %add3A_310 = vector.broadcast %scan3A_307 : i32 to vector<16xi32>
          %add3A_311 = arith.addi %broadcast_in_dim3A_309, %add3A_310 : vector<16xi32>
          %gather3A_312 = tpu.vector_load_idx %arg10[%add3A_193, %add3A_311] : memref<40x256xf32, #tpu.memory_space<vmem>>[vector<16xi32>, vector<16xi32>], vector<16xf32>,
          %get3A_313 = arith.index_cast %scan3A_307 : i32 to index
          %get3A_314 = arith.constant 0 : index
          %get3A_315 = tpu.vector_load %arg11[%get3A_313, %get3A_314] {strides = array<i32>} : memref<256x16xf32, #tpu.memory_space<vmem>>, vector<16xf32>,
          %mul3A_316 = arith.mulf %get3A_315, %gather3A_312 : vector<16xf32>
          %swap3A_317 = arith.index_cast %scan3A_307 : i32 to index
          %swap3A_318 = arith.constant 0 : index
          %swap3A_319 = tpu.vector_load %arg11[%swap3A_317, %swap3A_318] {strides = array<i32>} : memref<256x16xf32, #tpu.memory_space<vmem>>, vector<16xf32>,
          tpu.vector_store %arg11[%swap3A_317, %swap3A_318], %mul3A_316 {strides = array<i32>} : memref<256x16xf32, #tpu.memory_space<vmem>>, vector<16xf32>,
          %scan3A_320 = arith.constant 7 : i32
          %scan3A_321 = arith.addi %scan3A_226, %scan3A_320 : i32
          %broadcast_in_dim3A_322 = arith.constant 0 : i32
          %broadcast_in_dim3A_323 = vector.broadcast %broadcast_in_dim3A_322 : i32 to vector<16xi32>
          %add3A_324 = vector.broadcast %scan3A_321 : i32 to vector<16xi32>
          %add3A_325 = arith.addi %broadcast_in_dim3A_323, %add3A_324 : vector<16xi32>
          %gather3A_326 = tpu.vector_load_idx %arg10[%add3A_193, %add3A_325] : memref<40x256xf32, #tpu.memory_space<vmem>>[vector<16xi32>, vector<16xi32>], vector<16xf32>,
          %get3A_327 = arith.index_cast %scan3A_321 : i32 to index
          %get3A_328 = arith.constant 0 : index
          %get3A_329 = tpu.vector_load %arg11[%get3A_327, %get3A_328] {strides = array<i32>} : memref<256x16xf32, #tpu.memory_space<vmem>>, vector<16xf32>,
          %mul3A_330 = arith.mulf %get3A_329, %gather3A_326 : vector<16xf32>
          %swap3A_331 = arith.index_cast %scan3A_321 : i32 to index
          %swap3A_332 = arith.constant 0 : index
          %swap3A_333 = tpu.vector_load %arg11[%swap3A_331, %swap3A_332] {strides = array<i32>} : memref<256x16xf32, #tpu.memory_space<vmem>>, vector<16xf32>,
          tpu.vector_store %arg11[%swap3A_331, %swap3A_332], %mul3A_330 {strides = array<i32>} : memref<256x16xf32, #tpu.memory_space<vmem>>, vector<16xf32>,
        }
        %scan3A_199 = arith.constant 256 : i32
        %mul3A_200 = arith.constant 2 : i32
        %mul3A_201 = arith.muli %mul3A_200, %add3A_125 : i32
        %add3A_202 = arith.constant 0 : i32
        %add3A_203 = arith.addi %mul3A_201, %add3A_202 : i32
        %dma_start3A_204 = arith.constant 0 : i32
        %dma_start3A_205 = arith.constant 0 : i32
        %dma_start3A_206 = tpu.memref_slice %arg11[%dma_start3A_204, %dma_start3A_205] : memref<256x16xf32, #tpu.memory_space<vmem>> -> memref<128x16xf32, #tpu.memory_space<vmem>>
        %dma_start3A_207 = arith.constant 0 : i32
        %dma_start3A_208 = tpu.memref_slice %arg9[%add3A_203, %dma_start3A_207] : memref<80x128xi32, #tpu.memory_space<vmem>> -> memref<1x128xi32, #tpu.memory_space<vmem>>
        %dma_start3A_209 = tpu.memref_squeeze %dma_start3A_208 : memref<1x128xi32, #tpu.memory_space<vmem>> -> memref<128xi32, #tpu.memory_space<vmem>>
        %dma_start3A_210 = arith.constant 0 : i32
        %dma_start3A_211 = arith.constant 0 : i32
        %dma_start3A_212 = tpu.memref_slice %arg15[%dma_start3A_210, %dma_start3A_211] : memref<10000x16xf32, #tpu.memory_space<vmem_shared>> -> memref<10000x16xf32, #tpu.memory_space<vmem_shared>>
        tpu.enqueue_indirect_dma source(%dma_start3A_206 : memref<128x16xf32, #tpu.memory_space<vmem>>) target(%dma_start3A_212 : memref<10000x16xf32, #tpu.memory_space<vmem_shared>>) offsets(%dma_start3A_209 : memref<128xi32, #tpu.memory_space<vmem>>) semaphore(%arg20 : memref<!tpu.dma_semaphore, #tpu.memory_space<semaphore_mem>>) {add = true}
        %mul3A_213 = arith.constant 2 : i32
        %mul3A_214 = arith.muli %mul3A_213, %add3A_125 : i32
        %add3A_215 = arith.constant 1 : i32
        %add3A_216 = arith.addi %mul3A_214, %add3A_215 : i32
        %dma_start3A_217 = arith.constant 128 : i32
        %dma_start3A_218 = arith.constant 0 : i32
        %dma_start3A_219 = tpu.memref_slice %arg11[%dma_start3A_217, %dma_start3A_218] : memref<256x16xf32, #tpu.memory_space<vmem>> -> memref<128x16xf32, #tpu.memory_space<vmem>>
        %dma_start3A_220 = arith.constant 0 : i32
        %dma_start3A_221 = tpu.memref_slice %arg9[%add3A_216, %dma_start3A_220] : memref<80x128xi32, #tpu.memory_space<vmem>> -> memref<1x128xi32, #tpu.memory_space<vmem>>
        %dma_start3A_222 = tpu.memref_squeeze %dma_start3A_221 : memref<1x128xi32, #tpu.memory_space<vmem>> -> memref<128xi32, #tpu.memory_space<vmem>>
        %dma_start3A_223 = arith.constant 0 : i32
        %dma_start3A_224 = arith.constant 0 : i32
        %dma_start3A_225 = tpu.memref_slice %arg15[%dma_start3A_223, %dma_start3A_224] : memref<10000x16xf32, #tpu.memory_space<vmem_shared>> -> memref<10000x16xf32, #tpu.memory_space<vmem_shared>>
        tpu.enqueue_indirect_dma source(%dma_start3A_219 : memref<128x16xf32, #tpu.memory_space<vmem>>) target(%dma_start3A_225 : memref<10000x16xf32, #tpu.memory_space<vmem_shared>>) offsets(%dma_start3A_222 : memref<128xi32, #tpu.memory_space<vmem>>) semaphore(%arg20 : memref<!tpu.dma_semaphore, #tpu.memory_space<semaphore_mem>>) {add = true}
      } else {
      }
      %mul3A_131 = arith.constant 4 : i32
      %mul3A_132 = arith.muli %scan3A_121, %mul3A_131 : i32
      %add3A_133 = arith.constant 1 : i32
      %add3A_134 = arith.addi %mul3A_132, %add3A_133 : i32
      %lt3A_135 = arith.constant 40 : i32
      %lt3A_136 = arith.cmpi slt, %add3A_134, %lt3A_135 : i32
      %convert_element_type3A_137 = arith.extui %lt3A_136 : i1 to i32
      %cond3A_138 = arith.constant 0 : i32
      %cond3A_139 = arith.cmpi ne, %convert_element_type3A_137, %cond3A_138 : i32
      scf.if %cond3A_139 {
        %add3A_158 = arith.constant 1 : i32
        %add3A_159 = arith.addi %add3A_134, %add3A_158 : i32
        %lt3A_160 = arith.constant 40 : i32
        %lt3A_161 = arith.cmpi slt, %add3A_159, %lt3A_160 : i32
        %convert_element_type3A_162 = arith.extui %lt3A_161 : i1 to i32
        %cond3A_163 = arith.constant 0 : i32
        %cond3A_164 = arith.cmpi ne, %convert_element_type3A_162, %cond3A_163 : i32
        scf.if %cond3A_164 {
          %add3A_226 = arith.constant 1 : i32
          %add3A_227 = arith.addi %add3A_134, %add3A_226 : i32
          %ge3A = arith.constant 4 : i32
          %ge3A_228 = arith.cmpi sge, %add3A_227, %ge3A : i32
          %convert_element_type3A_229 = arith.extui %ge3A_228 : i1 to i32
          %cond3A_230 = arith.constant 0 : i32
          %cond3A_231 = arith.cmpi ne, %convert_element_type3A_229, %cond3A_230 : i32
          scf.if %cond3A_231 {
            %add3A_260 = arith.constant 1 : i32
            %add3A_261 = arith.addi %add3A_134, %add3A_260 : i32
            %sub3A = arith.constant 4 : i32
            %sub3A_262 = arith.subi %add3A_261, %sub3A : i32
            %mul3A_263 = arith.constant 2 : i32
            %mul3A_264 = arith.muli %mul3A_263, %sub3A_262 : i32
            %add3A_265 = arith.constant 0 : i32
            %add3A_266 = arith.addi %mul3A_264, %add3A_265 : i32
            %dma_wait3A_267 = arith.constant 0 : i32
            %dma_wait3A_268 = arith.constant 0 : i32
            %dma_wait3A_269 = tpu.memref_slice %arg13[%dma_wait3A_267, %dma_wait3A_268] : memref<256x16xf32, #tpu.memory_space<vmem>> -> memref<128x16xf32, #tpu.memory_space<vmem>>
            %dma_wait3A_270 = arith.constant 0 : i32
            %dma_wait3A_271 = tpu.memref_slice %arg9[%add3A_266, %dma_wait3A_270] : memref<80x128xi32, #tpu.memory_space<vmem>> -> memref<1x128xi32, #tpu.memory_space<vmem>>
            %dma_wait3A_272 = tpu.memref_squeeze %dma_wait3A_271 : memref<1x128xi32, #tpu.memory_space<vmem>> -> memref<128xi32, #tpu.memory_space<vmem>>
            %dma_wait3A_273 = arith.constant 0 : i32
            %dma_wait3A_274 = arith.constant 0 : i32
            %dma_wait3A_275 = tpu.memref_slice %arg15[%dma_wait3A_273, %dma_wait3A_274] : memref<10000x16xf32, #tpu.memory_space<vmem_shared>> -> memref<10000x16xf32, #tpu.memory_space<vmem_shared>>
            tpu.wait_indirect_dma semaphore(%arg22 : memref<!tpu.dma_semaphore, #tpu.memory_space<semaphore_mem>>) src(%dma_wait3A_269 : memref<128x16xf32, #tpu.memory_space<vmem>>) dst(%dma_wait3A_275 : memref<10000x16xf32, #tpu.memory_space<vmem_shared>>)
            %mul3A_276 = arith.constant 2 : i32
            %mul3A_277 = arith.muli %mul3A_276, %sub3A_262 : i32
            %add3A_278 = arith.constant 1 : i32
            %add3A_279 = arith.addi %mul3A_277, %add3A_278 : i32
            %dma_wait3A_280 = arith.constant 128 : i32
            %dma_wait3A_281 = arith.constant 0 : i32
            %dma_wait3A_282 = tpu.memref_slice %arg13[%dma_wait3A_280, %dma_wait3A_281] : memref<256x16xf32, #tpu.memory_space<vmem>> -> memref<128x16xf32, #tpu.memory_space<vmem>>
            %dma_wait3A_283 = arith.constant 0 : i32
            %dma_wait3A_284 = tpu.memref_slice %arg9[%add3A_279, %dma_wait3A_283] : memref<80x128xi32, #tpu.memory_space<vmem>> -> memref<1x128xi32, #tpu.memory_space<vmem>>
            %dma_wait3A_285 = tpu.memref_squeeze %dma_wait3A_284 : memref<1x128xi32, #tpu.memory_space<vmem>> -> memref<128xi32, #tpu.memory_space<vmem>>
            %dma_wait3A_286 = arith.constant 0 : i32
            %dma_wait3A_287 = arith.constant 0 : i32
            %dma_wait3A_288 = tpu.memref_slice %arg15[%dma_wait3A_286, %dma_wait3A_287] : memref<10000x16xf32, #tpu.memory_space<vmem_shared>> -> memref<10000x16xf32, #tpu.memory_space<vmem_shared>>
            tpu.wait_indirect_dma semaphore(%arg22 : memref<!tpu.dma_semaphore, #tpu.memory_space<semaphore_mem>>) src(%dma_wait3A_282 : memref<128x16xf32, #tpu.memory_space<vmem>>) dst(%dma_wait3A_288 : memref<10000x16xf32, #tpu.memory_space<vmem_shared>>)
          } else {
          }
          %add3A_232 = arith.constant 1 : i32
          %add3A_233 = arith.addi %add3A_134, %add3A_232 : i32
          %mul3A_234 = arith.constant 2 : i32
          %mul3A_235 = arith.muli %mul3A_234, %add3A_233 : i32
          %add3A_236 = arith.constant 0 : i32
          %add3A_237 = arith.addi %mul3A_235, %add3A_236 : i32
          %dma_start3A_238 = arith.constant 0 : i32
          %dma_start3A_239 = arith.constant 0 : i32
          %dma_start3A_240 = tpu.memref_slice %arg13[%dma_start3A_238, %dma_start3A_239] : memref<256x16xf32, #tpu.memory_space<vmem>> -> memref<128x16xf32, #tpu.memory_space<vmem>>
          %dma_start3A_241 = arith.constant 0 : i32
          %dma_start3A_242 = tpu.memref_slice %arg8[%add3A_237, %dma_start3A_241] : memref<80x128xi32, #tpu.memory_space<vmem>> -> memref<1x128xi32, #tpu.memory_space<vmem>>
          %dma_start3A_243 = tpu.memref_squeeze %dma_start3A_242 : memref<1x128xi32, #tpu.memory_space<vmem>> -> memref<128xi32, #tpu.memory_space<vmem>>
          %dma_start3A_244 = arith.constant 0 : i32
          %dma_start3A_245 = arith.constant 0 : i32
          %dma_start3A_246 = tpu.memref_slice %arg2[%dma_start3A_244, %dma_start3A_245] : memref<10000x16xf32, #tpu.memory_space<hbm>> -> memref<10000x16xf32, #tpu.memory_space<hbm>>
          tpu.enqueue_indirect_dma source(%dma_start3A_246 : memref<10000x16xf32, #tpu.memory_space<hbm>>) target(%dma_start3A_240 : memref<128x16xf32, #tpu.memory_space<vmem>>) offsets(%dma_start3A_243 : memref<128xi32, #tpu.memory_space<vmem>>) semaphore(%arg18 : memref<!tpu.dma_semaphore, #tpu.memory_space<semaphore_mem>>)
          %mul3A_247 = arith.constant 2 : i32
          %mul3A_248 = arith.muli %mul3A_247, %add3A_233 : i32
          %add3A_249 = arith.constant 1 : i32
          %add3A_250 = arith.addi %mul3A_248, %add3A_249 : i32
          %dma_start3A_251 = arith.constant 128 : i32
          %dma_start3A_252 = arith.constant 0 : i32
          %dma_start3A_253 = tpu.memref_slice %arg13[%dma_start3A_251, %dma_start3A_252] : memref<256x16xf32, #tpu.memory_space<vmem>> -> memref<128x16xf32, #tpu.memory_space<vmem>>
          %dma_start3A_254 = arith.constant 0 : i32
          %dma_start3A_255 = tpu.memref_slice %arg8[%add3A_250, %dma_start3A_254] : memref<80x128xi32, #tpu.memory_space<vmem>> -> memref<1x128xi32, #tpu.memory_space<vmem>>
          %dma_start3A_256 = tpu.memref_squeeze %dma_start3A_255 : memref<1x128xi32, #tpu.memory_space<vmem>> -> memref<128xi32, #tpu.memory_space<vmem>>
          %dma_start3A_257 = arith.constant 0 : i32
          %dma_start3A_258 = arith.constant 0 : i32
          %dma_start3A_259 = tpu.memref_slice %arg2[%dma_start3A_257, %dma_start3A_258] : memref<10000x16xf32, #tpu.memory_space<hbm>> -> memref<10000x16xf32, #tpu.memory_space<hbm>>
          tpu.enqueue_indirect_dma source(%dma_start3A_259 : memref<10000x16xf32, #tpu.memory_space<hbm>>) target(%dma_start3A_253 : memref<128x16xf32, #tpu.memory_space<vmem>>) offsets(%dma_start3A_256 : memref<128xi32, #tpu.memory_space<vmem>>) semaphore(%arg18 : memref<!tpu.dma_semaphore, #tpu.memory_space<semaphore_mem>>)
        } else {
        }
        %mul3A_165 = arith.constant 2 : i32
        %mul3A_166 = arith.muli %mul3A_165, %add3A_134 : i32
        %add3A_167 = arith.constant 0 : i32
        %add3A_168 = arith.addi %mul3A_166, %add3A_167 : i32
        %dma_wait3A_169 = arith.constant 0 : i32
        %dma_wait3A_170 = arith.constant 0 : i32
        %dma_wait3A_171 = tpu.memref_slice %arg12[%dma_wait3A_169, %dma_wait3A_170] : memref<256x16xf32, #tpu.memory_space<vmem>> -> memref<128x16xf32, #tpu.memory_space<vmem>>
        %dma_wait3A_172 = arith.constant 0 : i32
        %dma_wait3A_173 = tpu.memref_slice %arg8[%add3A_168, %dma_wait3A_172] : memref<80x128xi32, #tpu.memory_space<vmem>> -> memref<1x128xi32, #tpu.memory_space<vmem>>
        %dma_wait3A_174 = tpu.memref_squeeze %dma_wait3A_173 : memref<1x128xi32, #tpu.memory_space<vmem>> -> memref<128xi32, #tpu.memory_space<vmem>>
        %dma_wait3A_175 = arith.constant 0 : i32
        %dma_wait3A_176 = arith.constant 0 : i32
        %dma_wait3A_177 = tpu.memref_slice %arg2[%dma_wait3A_175, %dma_wait3A_176] : memref<10000x16xf32, #tpu.memory_space<hbm>> -> memref<10000x16xf32, #tpu.memory_space<hbm>>
        tpu.wait_indirect_dma semaphore(%arg17 : memref<!tpu.dma_semaphore, #tpu.memory_space<semaphore_mem>>) src(%dma_wait3A_177 : memref<10000x16xf32, #tpu.memory_space<hbm>>) dst(%dma_wait3A_171 : memref<128x16xf32, #tpu.memory_space<vmem>>)
        %mul3A_178 = arith.constant 2 : i32
        %mul3A_179 = arith.muli %mul3A_178, %add3A_134 : i32
        %add3A_180 = arith.constant 1 : i32
        %add3A_181 = arith.addi %mul3A_179, %add3A_180 : i32
        %dma_wait3A_182 = arith.constant 128 : i32
        %dma_wait3A_183 = arith.constant 0 : i32
        %dma_wait3A_184 = tpu.memref_slice %arg12[%dma_wait3A_182, %dma_wait3A_183] : memref<256x16xf32, #tpu.memory_space<vmem>> -> memref<128x16xf32, #tpu.memory_space<vmem>>
        %dma_wait3A_185 = arith.constant 0 : i32
        %dma_wait3A_186 = tpu.memref_slice %arg8[%add3A_181, %dma_wait3A_185] : memref<80x128xi32, #tpu.memory_space<vmem>> -> memref<1x128xi32, #tpu.memory_space<vmem>>
        %dma_wait3A_187 = tpu.memref_squeeze %dma_wait3A_186 : memref<1x128xi32, #tpu.memory_space<vmem>> -> memref<128xi32, #tpu.memory_space<vmem>>
        %dma_wait3A_188 = arith.constant 0 : i32
        %dma_wait3A_189 = arith.constant 0 : i32
        %dma_wait3A_190 = tpu.memref_slice %arg2[%dma_wait3A_188, %dma_wait3A_189] : memref<10000x16xf32, #tpu.memory_space<hbm>> -> memref<10000x16xf32, #tpu.memory_space<hbm>>
        tpu.wait_indirect_dma semaphore(%arg17 : memref<!tpu.dma_semaphore, #tpu.memory_space<semaphore_mem>>) src(%dma_wait3A_190 : memref<10000x16xf32, #tpu.memory_space<hbm>>) dst(%dma_wait3A_184 : memref<128x16xf32, #tpu.memory_space<vmem>>)
        %broadcast_in_dim3A = arith.constant 0 : i32
        %broadcast_in_dim3A_191 = vector.broadcast %broadcast_in_dim3A : i32 to vector<16xi32>
        %add3A_192 = vector.broadcast %add3A_134 : i32 to vector<16xi32>
        %add3A_193 = arith.addi %broadcast_in_dim3A_191, %add3A_192 : vector<16xi32>
        %scan3A_194 = arith.constant 0 : i32
        %scan3A_195 = arith.constant 0 : i32
        %scan3A_196 = arith.constant 256 : i32
        %scan3A_197 = arith.addi %scan3A_195, %scan3A_196 : i32
        %scan3A_198 = arith.constant 8 : i32
        scf.for %scan3A_226 = %scan3A_195 to %scan3A_197 step %scan3A_198  : i32 {
          %broadcast_in_dim3A_227 = arith.constant 0 : i32
          %broadcast_in_dim3A_228 = vector.broadcast %broadcast_in_dim3A_227 : i32 to vector<16xi32>
          %add3A_229 = vector.broadcast %scan3A_226 : i32 to vector<16xi32>
          %add3A_230 = arith.addi %broadcast_in_dim3A_228, %add3A_229 : vector<16xi32>
          %gather3A = tpu.vector_load_idx %arg10[%add3A_193, %add3A_230] : memref<40x256xf32, #tpu.memory_space<vmem>>[vector<16xi32>, vector<16xi32>], vector<16xf32>,
          %get3A = arith.index_cast %scan3A_226 : i32 to index
          %get3A_231 = arith.constant 0 : index
          %get3A_232 = tpu.vector_load %arg12[%get3A, %get3A_231] {strides = array<i32>} : memref<256x16xf32, #tpu.memory_space<vmem>>, vector<16xf32>,
          %mul3A_233 = arith.mulf %get3A_232, %gather3A : vector<16xf32>
          %swap3A = arith.index_cast %scan3A_226 : i32 to index
          %swap3A_234 = arith.constant 0 : index
          %swap3A_235 = tpu.vector_load %arg12[%swap3A, %swap3A_234] {strides = array<i32>} : memref<256x16xf32, #tpu.memory_space<vmem>>, vector<16xf32>,
          tpu.vector_store %arg12[%swap3A, %swap3A_234], %mul3A_233 {strides = array<i32>} : memref<256x16xf32, #tpu.memory_space<vmem>>, vector<16xf32>,
          %scan3A_236 = arith.constant 1 : i32
          %scan3A_237 = arith.addi %scan3A_226, %scan3A_236 : i32
          %broadcast_in_dim3A_238 = arith.constant 0 : i32
          %broadcast_in_dim3A_239 = vector.broadcast %broadcast_in_dim3A_238 : i32 to vector<16xi32>
          %add3A_240 = vector.broadcast %scan3A_237 : i32 to vector<16xi32>
          %add3A_241 = arith.addi %broadcast_in_dim3A_239, %add3A_240 : vector<16xi32>
          %gather3A_242 = tpu.vector_load_idx %arg10[%add3A_193, %add3A_241] : memref<40x256xf32, #tpu.memory_space<vmem>>[vector<16xi32>, vector<16xi32>], vector<16xf32>,
          %get3A_243 = arith.index_cast %scan3A_237 : i32 to index
          %get3A_244 = arith.constant 0 : index
          %get3A_245 = tpu.vector_load %arg12[%get3A_243, %get3A_244] {strides = array<i32>} : memref<256x16xf32, #tpu.memory_space<vmem>>, vector<16xf32>,
          %mul3A_246 = arith.mulf %get3A_245, %gather3A_242 : vector<16xf32>
          %swap3A_247 = arith.index_cast %scan3A_237 : i32 to index
          %swap3A_248 = arith.constant 0 : index
          %swap3A_249 = tpu.vector_load %arg12[%swap3A_247, %swap3A_248] {strides = array<i32>} : memref<256x16xf32, #tpu.memory_space<vmem>>, vector<16xf32>,
          tpu.vector_store %arg12[%swap3A_247, %swap3A_248], %mul3A_246 {strides = array<i32>} : memref<256x16xf32, #tpu.memory_space<vmem>>, vector<16xf32>,
          %scan3A_250 = arith.constant 2 : i32
          %scan3A_251 = arith.addi %scan3A_226, %scan3A_250 : i32
          %broadcast_in_dim3A_252 = arith.constant 0 : i32
          %broadcast_in_dim3A_253 = vector.broadcast %broadcast_in_dim3A_252 : i32 to vector<16xi32>
          %add3A_254 = vector.broadcast %scan3A_251 : i32 to vector<16xi32>
          %add3A_255 = arith.addi %broadcast_in_dim3A_253, %add3A_254 : vector<16xi32>
          %gather3A_256 = tpu.vector_load_idx %arg10[%add3A_193, %add3A_255] : memref<40x256xf32, #tpu.memory_space<vmem>>[vector<16xi32>, vector<16xi32>], vector<16xf32>,
          %get3A_257 = arith.index_cast %scan3A_251 : i32 to index
          %get3A_258 = arith.constant 0 : index
          %get3A_259 = tpu.vector_load %arg12[%get3A_257, %get3A_258] {strides = array<i32>} : memref<256x16xf32, #tpu.memory_space<vmem>>, vector<16xf32>,
          %mul3A_260 = arith.mulf %get3A_259, %gather3A_256 : vector<16xf32>
          %swap3A_261 = arith.index_cast %scan3A_251 : i32 to index
          %swap3A_262 = arith.constant 0 : index
          %swap3A_263 = tpu.vector_load %arg12[%swap3A_261, %swap3A_262] {strides = array<i32>} : memref<256x16xf32, #tpu.memory_space<vmem>>, vector<16xf32>,
          tpu.vector_store %arg12[%swap3A_261, %swap3A_262], %mul3A_260 {strides = array<i32>} : memref<256x16xf32, #tpu.memory_space<vmem>>, vector<16xf32>,
          %scan3A_264 = arith.constant 3 : i32
          %scan3A_265 = arith.addi %scan3A_226, %scan3A_264 : i32
          %broadcast_in_dim3A_266 = arith.constant 0 : i32
          %broadcast_in_dim3A_267 = vector.broadcast %broadcast_in_dim3A_266 : i32 to vector<16xi32>
          %add3A_268 = vector.broadcast %scan3A_265 : i32 to vector<16xi32>
          %add3A_269 = arith.addi %broadcast_in_dim3A_267, %add3A_268 : vector<16xi32>
          %gather3A_270 = tpu.vector_load_idx %arg10[%add3A_193, %add3A_269] : memref<40x256xf32, #tpu.memory_space<vmem>>[vector<16xi32>, vector<16xi32>], vector<16xf32>,
          %get3A_271 = arith.index_cast %scan3A_265 : i32 to index
          %get3A_272 = arith.constant 0 : index
          %get3A_273 = tpu.vector_load %arg12[%get3A_271, %get3A_272] {strides = array<i32>} : memref<256x16xf32, #tpu.memory_space<vmem>>, vector<16xf32>,
          %mul3A_274 = arith.mulf %get3A_273, %gather3A_270 : vector<16xf32>
          %swap3A_275 = arith.index_cast %scan3A_265 : i32 to index
          %swap3A_276 = arith.constant 0 : index
          %swap3A_277 = tpu.vector_load %arg12[%swap3A_275, %swap3A_276] {strides = array<i32>} : memref<256x16xf32, #tpu.memory_space<vmem>>, vector<16xf32>,
          tpu.vector_store %arg12[%swap3A_275, %swap3A_276], %mul3A_274 {strides = array<i32>} : memref<256x16xf32, #tpu.memory_space<vmem>>, vector<16xf32>,
          %scan3A_278 = arith.constant 4 : i32
          %scan3A_279 = arith.addi %scan3A_226, %scan3A_278 : i32
          %broadcast_in_dim3A_280 = arith.constant 0 : i32
          %broadcast_in_dim3A_281 = vector.broadcast %broadcast_in_dim3A_280 : i32 to vector<16xi32>
          %add3A_282 = vector.broadcast %scan3A_279 : i32 to vector<16xi32>
          %add3A_283 = arith.addi %broadcast_in_dim3A_281, %add3A_282 : vector<16xi32>
          %gather3A_284 = tpu.vector_load_idx %arg10[%add3A_193, %add3A_283] : memref<40x256xf32, #tpu.memory_space<vmem>>[vector<16xi32>, vector<16xi32>], vector<16xf32>,
          %get3A_285 = arith.index_cast %scan3A_279 : i32 to index
          %get3A_286 = arith.constant 0 : index
          %get3A_287 = tpu.vector_load %arg12[%get3A_285, %get3A_286] {strides = array<i32>} : memref<256x16xf32, #tpu.memory_space<vmem>>, vector<16xf32>,
          %mul3A_288 = arith.mulf %get3A_287, %gather3A_284 : vector<16xf32>
          %swap3A_289 = arith.index_cast %scan3A_279 : i32 to index
          %swap3A_290 = arith.constant 0 : index
          %swap3A_291 = tpu.vector_load %arg12[%swap3A_289, %swap3A_290] {strides = array<i32>} : memref<256x16xf32, #tpu.memory_space<vmem>>, vector<16xf32>,
          tpu.vector_store %arg12[%swap3A_289, %swap3A_290], %mul3A_288 {strides = array<i32>} : memref<256x16xf32, #tpu.memory_space<vmem>>, vector<16xf32>,
          %scan3A_292 = arith.constant 5 : i32
          %scan3A_293 = arith.addi %scan3A_226, %scan3A_292 : i32
          %broadcast_in_dim3A_294 = arith.constant 0 : i32
          %broadcast_in_dim3A_295 = vector.broadcast %broadcast_in_dim3A_294 : i32 to vector<16xi32>
          %add3A_296 = vector.broadcast %scan3A_293 : i32 to vector<16xi32>
          %add3A_297 = arith.addi %broadcast_in_dim3A_295, %add3A_296 : vector<16xi32>
          %gather3A_298 = tpu.vector_load_idx %arg10[%add3A_193, %add3A_297] : memref<40x256xf32, #tpu.memory_space<vmem>>[vector<16xi32>, vector<16xi32>], vector<16xf32>,
          %get3A_299 = arith.index_cast %scan3A_293 : i32 to index
          %get3A_300 = arith.constant 0 : index
          %get3A_301 = tpu.vector_load %arg12[%get3A_299, %get3A_300] {strides = array<i32>} : memref<256x16xf32, #tpu.memory_space<vmem>>, vector<16xf32>,
          %mul3A_302 = arith.mulf %get3A_301, %gather3A_298 : vector<16xf32>
          %swap3A_303 = arith.index_cast %scan3A_293 : i32 to index
          %swap3A_304 = arith.constant 0 : index
          %swap3A_305 = tpu.vector_load %arg12[%swap3A_303, %swap3A_304] {strides = array<i32>} : memref<256x16xf32, #tpu.memory_space<vmem>>, vector<16xf32>,
          tpu.vector_store %arg12[%swap3A_303, %swap3A_304], %mul3A_302 {strides = array<i32>} : memref<256x16xf32, #tpu.memory_space<vmem>>, vector<16xf32>,
          %scan3A_306 = arith.constant 6 : i32
          %scan3A_307 = arith.addi %scan3A_226, %scan3A_306 : i32
          %broadcast_in_dim3A_308 = arith.constant 0 : i32
          %broadcast_in_dim3A_309 = vector.broadcast %broadcast_in_dim3A_308 : i32 to vector<16xi32>
          %add3A_310 = vector.broadcast %scan3A_307 : i32 to vector<16xi32>
          %add3A_311 = arith.addi %broadcast_in_dim3A_309, %add3A_310 : vector<16xi32>
          %gather3A_312 = tpu.vector_load_idx %arg10[%add3A_193, %add3A_311] : memref<40x256xf32, #tpu.memory_space<vmem>>[vector<16xi32>, vector<16xi32>], vector<16xf32>,
          %get3A_313 = arith.index_cast %scan3A_307 : i32 to index
          %get3A_314 = arith.constant 0 : index
          %get3A_315 = tpu.vector_load %arg12[%get3A_313, %get3A_314] {strides = array<i32>} : memref<256x16xf32, #tpu.memory_space<vmem>>, vector<16xf32>,
          %mul3A_316 = arith.mulf %get3A_315, %gather3A_312 : vector<16xf32>
          %swap3A_317 = arith.index_cast %scan3A_307 : i32 to index
          %swap3A_318 = arith.constant 0 : index
          %swap3A_319 = tpu.vector_load %arg12[%swap3A_317, %swap3A_318] {strides = array<i32>} : memref<256x16xf32, #tpu.memory_space<vmem>>, vector<16xf32>,
          tpu.vector_store %arg12[%swap3A_317, %swap3A_318], %mul3A_316 {strides = array<i32>} : memref<256x16xf32, #tpu.memory_space<vmem>>, vector<16xf32>,
          %scan3A_320 = arith.constant 7 : i32
          %scan3A_321 = arith.addi %scan3A_226, %scan3A_320 : i32
          %broadcast_in_dim3A_322 = arith.constant 0 : i32
          %broadcast_in_dim3A_323 = vector.broadcast %broadcast_in_dim3A_322 : i32 to vector<16xi32>
          %add3A_324 = vector.broadcast %scan3A_321 : i32 to vector<16xi32>
          %add3A_325 = arith.addi %broadcast_in_dim3A_323, %add3A_324 : vector<16xi32>
          %gather3A_326 = tpu.vector_load_idx %arg10[%add3A_193, %add3A_325] : memref<40x256xf32, #tpu.memory_space<vmem>>[vector<16xi32>, vector<16xi32>], vector<16xf32>,
          %get3A_327 = arith.index_cast %scan3A_321 : i32 to index
          %get3A_328 = arith.constant 0 : index
          %get3A_329 = tpu.vector_load %arg12[%get3A_327, %get3A_328] {strides = array<i32>} : memref<256x16xf32, #tpu.memory_space<vmem>>, vector<16xf32>,
          %mul3A_330 = arith.mulf %get3A_329, %gather3A_326 : vector<16xf32>
          %swap3A_331 = arith.index_cast %scan3A_321 : i32 to index
          %swap3A_332 = arith.constant 0 : index
          %swap3A_333 = tpu.vector_load %arg12[%swap3A_331, %swap3A_332] {strides = array<i32>} : memref<256x16xf32, #tpu.memory_space<vmem>>, vector<16xf32>,
          tpu.vector_store %arg12[%swap3A_331, %swap3A_332], %mul3A_330 {strides = array<i32>} : memref<256x16xf32, #tpu.memory_space<vmem>>, vector<16xf32>,
        }
        %scan3A_199 = arith.constant 256 : i32
        %mul3A_200 = arith.constant 2 : i32
        %mul3A_201 = arith.muli %mul3A_200, %add3A_134 : i32
        %add3A_202 = arith.constant 0 : i32
        %add3A_203 = arith.addi %mul3A_201, %add3A_202 : i32
        %dma_start3A_204 = arith.constant 0 : i32
        %dma_start3A_205 = arith.constant 0 : i32
        %dma_start3A_206 = tpu.memref_slice %arg12[%dma_start3A_204, %dma_start3A_205] : memref<256x16xf32, #tpu.memory_space<vmem>> -> memref<128x16xf32, #tpu.memory_space<vmem>>
        %dma_start3A_207 = arith.constant 0 : i32
        %dma_start3A_208 = tpu.memref_slice %arg9[%add3A_203, %dma_start3A_207] : memref<80x128xi32, #tpu.memory_space<vmem>> -> memref<1x128xi32, #tpu.memory_space<vmem>>
        %dma_start3A_209 = tpu.memref_squeeze %dma_start3A_208 : memref<1x128xi32, #tpu.memory_space<vmem>> -> memref<128xi32, #tpu.memory_space<vmem>>
        %dma_start3A_210 = arith.constant 0 : i32
        %dma_start3A_211 = arith.constant 0 : i32
        %dma_start3A_212 = tpu.memref_slice %arg15[%dma_start3A_210, %dma_start3A_211] : memref<10000x16xf32, #tpu.memory_space<vmem_shared>> -> memref<10000x16xf32, #tpu.memory_space<vmem_shared>>
        tpu.enqueue_indirect_dma source(%dma_start3A_206 : memref<128x16xf32, #tpu.memory_space<vmem>>) target(%dma_start3A_212 : memref<10000x16xf32, #tpu.memory_space<vmem_shared>>) offsets(%dma_start3A_209 : memref<128xi32, #tpu.memory_space<vmem>>) semaphore(%arg21 : memref<!tpu.dma_semaphore, #tpu.memory_space<semaphore_mem>>) {add = true}
        %mul3A_213 = arith.constant 2 : i32
        %mul3A_214 = arith.muli %mul3A_213, %add3A_134 : i32
        %add3A_215 = arith.constant 1 : i32
        %add3A_216 = arith.addi %mul3A_214, %add3A_215 : i32
        %dma_start3A_217 = arith.constant 128 : i32
        %dma_start3A_218 = arith.constant 0 : i32
        %dma_start3A_219 = tpu.memref_slice %arg12[%dma_start3A_217, %dma_start3A_218] : memref<256x16xf32, #tpu.memory_space<vmem>> -> memref<128x16xf32, #tpu.memory_space<vmem>>
        %dma_start3A_220 = arith.constant 0 : i32
        %dma_start3A_221 = tpu.memref_slice %arg9[%add3A_216, %dma_start3A_220] : memref<80x128xi32, #tpu.memory_space<vmem>> -> memref<1x128xi32, #tpu.memory_space<vmem>>
        %dma_start3A_222 = tpu.memref_squeeze %dma_start3A_221 : memref<1x128xi32, #tpu.memory_space<vmem>> -> memref<128xi32, #tpu.memory_space<vmem>>
        %dma_start3A_223 = arith.constant 0 : i32
        %dma_start3A_224 = arith.constant 0 : i32
        %dma_start3A_225 = tpu.memref_slice %arg15[%dma_start3A_223, %dma_start3A_224] : memref<10000x16xf32, #tpu.memory_space<vmem_shared>> -> memref<10000x16xf32, #tpu.memory_space<vmem_shared>>
        tpu.enqueue_indirect_dma source(%dma_start3A_219 : memref<128x16xf32, #tpu.memory_space<vmem>>) target(%dma_start3A_225 : memref<10000x16xf32, #tpu.memory_space<vmem_shared>>) offsets(%dma_start3A_222 : memref<128xi32, #tpu.memory_space<vmem>>) semaphore(%arg21 : memref<!tpu.dma_semaphore, #tpu.memory_space<semaphore_mem>>) {add = true}
      } else {
      }
      %mul3A_140 = arith.constant 4 : i32
      %mul3A_141 = arith.muli %scan3A_121, %mul3A_140 : i32
      %add3A_142 = arith.constant 2 : i32
      %add3A_143 = arith.addi %mul3A_141, %add3A_142 : i32
      %lt3A_144 = arith.constant 40 : i32
      %lt3A_145 = arith.cmpi slt, %add3A_143, %lt3A_144 : i32
      %convert_element_type3A_146 = arith.extui %lt3A_145 : i1 to i32
      %cond3A_147 = arith.constant 0 : i32
      %cond3A_148 = arith.cmpi ne, %convert_element_type3A_146, %cond3A_147 : i32
      scf.if %cond3A_148 {
        %add3A_158 = arith.constant 1 : i32
        %add3A_159 = arith.addi %add3A_143, %add3A_158 : i32
        %lt3A_160 = arith.constant 40 : i32
        %lt3A_161 = arith.cmpi slt, %add3A_159, %lt3A_160 : i32
        %convert_element_type3A_162 = arith.extui %lt3A_161 : i1 to i32
        %cond3A_163 = arith.constant 0 : i32
        %cond3A_164 = arith.cmpi ne, %convert_element_type3A_162, %cond3A_163 : i32
        scf.if %cond3A_164 {
          %add3A_226 = arith.constant 1 : i32
          %add3A_227 = arith.addi %add3A_143, %add3A_226 : i32
          %ge3A = arith.constant 4 : i32
          %ge3A_228 = arith.cmpi sge, %add3A_227, %ge3A : i32
          %convert_element_type3A_229 = arith.extui %ge3A_228 : i1 to i32
          %cond3A_230 = arith.constant 0 : i32
          %cond3A_231 = arith.cmpi ne, %convert_element_type3A_229, %cond3A_230 : i32
          scf.if %cond3A_231 {
            %add3A_260 = arith.constant 1 : i32
            %add3A_261 = arith.addi %add3A_143, %add3A_260 : i32
            %sub3A = arith.constant 4 : i32
            %sub3A_262 = arith.subi %add3A_261, %sub3A : i32
            %mul3A_263 = arith.constant 2 : i32
            %mul3A_264 = arith.muli %mul3A_263, %sub3A_262 : i32
            %add3A_265 = arith.constant 0 : i32
            %add3A_266 = arith.addi %mul3A_264, %add3A_265 : i32
            %dma_wait3A_267 = arith.constant 0 : i32
            %dma_wait3A_268 = arith.constant 0 : i32
            %dma_wait3A_269 = tpu.memref_slice %arg14[%dma_wait3A_267, %dma_wait3A_268] : memref<256x16xf32, #tpu.memory_space<vmem>> -> memref<128x16xf32, #tpu.memory_space<vmem>>
            %dma_wait3A_270 = arith.constant 0 : i32
            %dma_wait3A_271 = tpu.memref_slice %arg9[%add3A_266, %dma_wait3A_270] : memref<80x128xi32, #tpu.memory_space<vmem>> -> memref<1x128xi32, #tpu.memory_space<vmem>>
            %dma_wait3A_272 = tpu.memref_squeeze %dma_wait3A_271 : memref<1x128xi32, #tpu.memory_space<vmem>> -> memref<128xi32, #tpu.memory_space<vmem>>
            %dma_wait3A_273 = arith.constant 0 : i32
            %dma_wait3A_274 = arith.constant 0 : i32
            %dma_wait3A_275 = tpu.memref_slice %arg15[%dma_wait3A_273, %dma_wait3A_274] : memref<10000x16xf32, #tpu.memory_space<vmem_shared>> -> memref<10000x16xf32, #tpu.memory_space<vmem_shared>>
            tpu.wait_indirect_dma semaphore(%arg23 : memref<!tpu.dma_semaphore, #tpu.memory_space<semaphore_mem>>) src(%dma_wait3A_269 : memref<128x16xf32, #tpu.memory_space<vmem>>) dst(%dma_wait3A_275 : memref<10000x16xf32, #tpu.memory_space<vmem_shared>>)
            %mul3A_276 = arith.constant 2 : i32
            %mul3A_277 = arith.muli %mul3A_276, %sub3A_262 : i32
            %add3A_278 = arith.constant 1 : i32
            %add3A_279 = arith.addi %mul3A_277, %add3A_278 : i32
            %dma_wait3A_280 = arith.constant 128 : i32
            %dma_wait3A_281 = arith.constant 0 : i32
            %dma_wait3A_282 = tpu.memref_slice %arg14[%dma_wait3A_280, %dma_wait3A_281] : memref<256x16xf32, #tpu.memory_space<vmem>> -> memref<128x16xf32, #tpu.memory_space<vmem>>
            %dma_wait3A_283 = arith.constant 0 : i32
            %dma_wait3A_284 = tpu.memref_slice %arg9[%add3A_279, %dma_wait3A_283] : memref<80x128xi32, #tpu.memory_space<vmem>> -> memref<1x128xi32, #tpu.memory_space<vmem>>
            %dma_wait3A_285 = tpu.memref_squeeze %dma_wait3A_284 : memref<1x128xi32, #tpu.memory_space<vmem>> -> memref<128xi32, #tpu.memory_space<vmem>>
            %dma_wait3A_286 = arith.constant 0 : i32
            %dma_wait3A_287 = arith.constant 0 : i32
            %dma_wait3A_288 = tpu.memref_slice %arg15[%dma_wait3A_286, %dma_wait3A_287] : memref<10000x16xf32, #tpu.memory_space<vmem_shared>> -> memref<10000x16xf32, #tpu.memory_space<vmem_shared>>
            tpu.wait_indirect_dma semaphore(%arg23 : memref<!tpu.dma_semaphore, #tpu.memory_space<semaphore_mem>>) src(%dma_wait3A_282 : memref<128x16xf32, #tpu.memory_space<vmem>>) dst(%dma_wait3A_288 : memref<10000x16xf32, #tpu.memory_space<vmem_shared>>)
          } else {
          }
          %add3A_232 = arith.constant 1 : i32
          %add3A_233 = arith.addi %add3A_143, %add3A_232 : i32
          %mul3A_234 = arith.constant 2 : i32
          %mul3A_235 = arith.muli %mul3A_234, %add3A_233 : i32
          %add3A_236 = arith.constant 0 : i32
          %add3A_237 = arith.addi %mul3A_235, %add3A_236 : i32
          %dma_start3A_238 = arith.constant 0 : i32
          %dma_start3A_239 = arith.constant 0 : i32
          %dma_start3A_240 = tpu.memref_slice %arg14[%dma_start3A_238, %dma_start3A_239] : memref<256x16xf32, #tpu.memory_space<vmem>> -> memref<128x16xf32, #tpu.memory_space<vmem>>
          %dma_start3A_241 = arith.constant 0 : i32
          %dma_start3A_242 = tpu.memref_slice %arg8[%add3A_237, %dma_start3A_241] : memref<80x128xi32, #tpu.memory_space<vmem>> -> memref<1x128xi32, #tpu.memory_space<vmem>>
          %dma_start3A_243 = tpu.memref_squeeze %dma_start3A_242 : memref<1x128xi32, #tpu.memory_space<vmem>> -> memref<128xi32, #tpu.memory_space<vmem>>
          %dma_start3A_244 = arith.constant 0 : i32
          %dma_start3A_245 = arith.constant 0 : i32
          %dma_start3A_246 = tpu.memref_slice %arg2[%dma_start3A_244, %dma_start3A_245] : memref<10000x16xf32, #tpu.memory_space<hbm>> -> memref<10000x16xf32, #tpu.memory_space<hbm>>
          tpu.enqueue_indirect_dma source(%dma_start3A_246 : memref<10000x16xf32, #tpu.memory_space<hbm>>) target(%dma_start3A_240 : memref<128x16xf32, #tpu.memory_space<vmem>>) offsets(%dma_start3A_243 : memref<128xi32, #tpu.memory_space<vmem>>) semaphore(%arg19 : memref<!tpu.dma_semaphore, #tpu.memory_space<semaphore_mem>>)
          %mul3A_247 = arith.constant 2 : i32
          %mul3A_248 = arith.muli %mul3A_247, %add3A_233 : i32
          %add3A_249 = arith.constant 1 : i32
          %add3A_250 = arith.addi %mul3A_248, %add3A_249 : i32
          %dma_start3A_251 = arith.constant 128 : i32
          %dma_start3A_252 = arith.constant 0 : i32
          %dma_start3A_253 = tpu.memref_slice %arg14[%dma_start3A_251, %dma_start3A_252] : memref<256x16xf32, #tpu.memory_space<vmem>> -> memref<128x16xf32, #tpu.memory_space<vmem>>
          %dma_start3A_254 = arith.constant 0 : i32
          %dma_start3A_255 = tpu.memref_slice %arg8[%add3A_250, %dma_start3A_254] : memref<80x128xi32, #tpu.memory_space<vmem>> -> memref<1x128xi32, #tpu.memory_space<vmem>>
          %dma_start3A_256 = tpu.memref_squeeze %dma_start3A_255 : memref<1x128xi32, #tpu.memory_space<vmem>> -> memref<128xi32, #tpu.memory_space<vmem>>
          %dma_start3A_257 = arith.constant 0 : i32
          %dma_start3A_258 = arith.constant 0 : i32
          %dma_start3A_259 = tpu.memref_slice %arg2[%dma_start3A_257, %dma_start3A_258] : memref<10000x16xf32, #tpu.memory_space<hbm>> -> memref<10000x16xf32, #tpu.memory_space<hbm>>
          tpu.enqueue_indirect_dma source(%dma_start3A_259 : memref<10000x16xf32, #tpu.memory_space<hbm>>) target(%dma_start3A_253 : memref<128x16xf32, #tpu.memory_space<vmem>>) offsets(%dma_start3A_256 : memref<128xi32, #tpu.memory_space<vmem>>) semaphore(%arg19 : memref<!tpu.dma_semaphore, #tpu.memory_space<semaphore_mem>>)
        } else {
        }
        %mul3A_165 = arith.constant 2 : i32
        %mul3A_166 = arith.muli %mul3A_165, %add3A_143 : i32
        %add3A_167 = arith.constant 0 : i32
        %add3A_168 = arith.addi %mul3A_166, %add3A_167 : i32
        %dma_wait3A_169 = arith.constant 0 : i32
        %dma_wait3A_170 = arith.constant 0 : i32
        %dma_wait3A_171 = tpu.memref_slice %arg13[%dma_wait3A_169, %dma_wait3A_170] : memref<256x16xf32, #tpu.memory_space<vmem>> -> memref<128x16xf32, #tpu.memory_space<vmem>>
        %dma_wait3A_172 = arith.constant 0 : i32
        %dma_wait3A_173 = tpu.memref_slice %arg8[%add3A_168, %dma_wait3A_172] : memref<80x128xi32, #tpu.memory_space<vmem>> -> memref<1x128xi32, #tpu.memory_space<vmem>>
        %dma_wait3A_174 = tpu.memref_squeeze %dma_wait3A_173 : memref<1x128xi32, #tpu.memory_space<vmem>> -> memref<128xi32, #tpu.memory_space<vmem>>
        %dma_wait3A_175 = arith.constant 0 : i32
        %dma_wait3A_176 = arith.constant 0 : i32
        %dma_wait3A_177 = tpu.memref_slice %arg2[%dma_wait3A_175, %dma_wait3A_176] : memref<10000x16xf32, #tpu.memory_space<hbm>> -> memref<10000x16xf32, #tpu.memory_space<hbm>>
        tpu.wait_indirect_dma semaphore(%arg18 : memref<!tpu.dma_semaphore, #tpu.memory_space<semaphore_mem>>) src(%dma_wait3A_177 : memref<10000x16xf32, #tpu.memory_space<hbm>>) dst(%dma_wait3A_171 : memref<128x16xf32, #tpu.memory_space<vmem>>)
        %mul3A_178 = arith.constant 2 : i32
        %mul3A_179 = arith.muli %mul3A_178, %add3A_143 : i32
        %add3A_180 = arith.constant 1 : i32
        %add3A_181 = arith.addi %mul3A_179, %add3A_180 : i32
        %dma_wait3A_182 = arith.constant 128 : i32
        %dma_wait3A_183 = arith.constant 0 : i32
        %dma_wait3A_184 = tpu.memref_slice %arg13[%dma_wait3A_182, %dma_wait3A_183] : memref<256x16xf32, #tpu.memory_space<vmem>> -> memref<128x16xf32, #tpu.memory_space<vmem>>
        %dma_wait3A_185 = arith.constant 0 : i32
        %dma_wait3A_186 = tpu.memref_slice %arg8[%add3A_181, %dma_wait3A_185] : memref<80x128xi32, #tpu.memory_space<vmem>> -> memref<1x128xi32, #tpu.memory_space<vmem>>
        %dma_wait3A_187 = tpu.memref_squeeze %dma_wait3A_186 : memref<1x128xi32, #tpu.memory_space<vmem>> -> memref<128xi32, #tpu.memory_space<vmem>>
        %dma_wait3A_188 = arith.constant 0 : i32
        %dma_wait3A_189 = arith.constant 0 : i32
        %dma_wait3A_190 = tpu.memref_slice %arg2[%dma_wait3A_188, %dma_wait3A_189] : memref<10000x16xf32, #tpu.memory_space<hbm>> -> memref<10000x16xf32, #tpu.memory_space<hbm>>
        tpu.wait_indirect_dma semaphore(%arg18 : memref<!tpu.dma_semaphore, #tpu.memory_space<semaphore_mem>>) src(%dma_wait3A_190 : memref<10000x16xf32, #tpu.memory_space<hbm>>) dst(%dma_wait3A_184 : memref<128x16xf32, #tpu.memory_space<vmem>>)
        %broadcast_in_dim3A = arith.constant 0 : i32
        %broadcast_in_dim3A_191 = vector.broadcast %broadcast_in_dim3A : i32 to vector<16xi32>
        %add3A_192 = vector.broadcast %add3A_143 : i32 to vector<16xi32>
        %add3A_193 = arith.addi %broadcast_in_dim3A_191, %add3A_192 : vector<16xi32>
        %scan3A_194 = arith.constant 0 : i32
        %scan3A_195 = arith.constant 0 : i32
        %scan3A_196 = arith.constant 256 : i32
        %scan3A_197 = arith.addi %scan3A_195, %scan3A_196 : i32
        %scan3A_198 = arith.constant 8 : i32
        scf.for %scan3A_226 = %scan3A_195 to %scan3A_197 step %scan3A_198  : i32 {
          %broadcast_in_dim3A_227 = arith.constant 0 : i32
          %broadcast_in_dim3A_228 = vector.broadcast %broadcast_in_dim3A_227 : i32 to vector<16xi32>
          %add3A_229 = vector.broadcast %scan3A_226 : i32 to vector<16xi32>
          %add3A_230 = arith.addi %broadcast_in_dim3A_228, %add3A_229 : vector<16xi32>
          %gather3A = tpu.vector_load_idx %arg10[%add3A_193, %add3A_230] : memref<40x256xf32, #tpu.memory_space<vmem>>[vector<16xi32>, vector<16xi32>], vector<16xf32>,
          %get3A = arith.index_cast %scan3A_226 : i32 to index
          %get3A_231 = arith.constant 0 : index
          %get3A_232 = tpu.vector_load %arg13[%get3A, %get3A_231] {strides = array<i32>} : memref<256x16xf32, #tpu.memory_space<vmem>>, vector<16xf32>,
          %mul3A_233 = arith.mulf %get3A_232, %gather3A : vector<16xf32>
          %swap3A = arith.index_cast %scan3A_226 : i32 to index
          %swap3A_234 = arith.constant 0 : index
          %swap3A_235 = tpu.vector_load %arg13[%swap3A, %swap3A_234] {strides = array<i32>} : memref<256x16xf32, #tpu.memory_space<vmem>>, vector<16xf32>,
          tpu.vector_store %arg13[%swap3A, %swap3A_234], %mul3A_233 {strides = array<i32>} : memref<256x16xf32, #tpu.memory_space<vmem>>, vector<16xf32>,
          %scan3A_236 = arith.constant 1 : i32
          %scan3A_237 = arith.addi %scan3A_226, %scan3A_236 : i32
          %broadcast_in_dim3A_238 = arith.constant 0 : i32
          %broadcast_in_dim3A_239 = vector.broadcast %broadcast_in_dim3A_238 : i32 to vector<16xi32>
          %add3A_240 = vector.broadcast %scan3A_237 : i32 to vector<16xi32>
          %add3A_241 = arith.addi %broadcast_in_dim3A_239, %add3A_240 : vector<16xi32>
          %gather3A_242 = tpu.vector_load_idx %arg10[%add3A_193, %add3A_241] : memref<40x256xf32, #tpu.memory_space<vmem>>[vector<16xi32>, vector<16xi32>], vector<16xf32>,
          %get3A_243 = arith.index_cast %scan3A_237 : i32 to index
          %get3A_244 = arith.constant 0 : index
          %get3A_245 = tpu.vector_load %arg13[%get3A_243, %get3A_244] {strides = array<i32>} : memref<256x16xf32, #tpu.memory_space<vmem>>, vector<16xf32>,
          %mul3A_246 = arith.mulf %get3A_245, %gather3A_242 : vector<16xf32>
          %swap3A_247 = arith.index_cast %scan3A_237 : i32 to index
          %swap3A_248 = arith.constant 0 : index
          %swap3A_249 = tpu.vector_load %arg13[%swap3A_247, %swap3A_248] {strides = array<i32>} : memref<256x16xf32, #tpu.memory_space<vmem>>, vector<16xf32>,
          tpu.vector_store %arg13[%swap3A_247, %swap3A_248], %mul3A_246 {strides = array<i32>} : memref<256x16xf32, #tpu.memory_space<vmem>>, vector<16xf32>,
          %scan3A_250 = arith.constant 2 : i32
          %scan3A_251 = arith.addi %scan3A_226, %scan3A_250 : i32
          %broadcast_in_dim3A_252 = arith.constant 0 : i32
          %broadcast_in_dim3A_253 = vector.broadcast %broadcast_in_dim3A_252 : i32 to vector<16xi32>
          %add3A_254 = vector.broadcast %scan3A_251 : i32 to vector<16xi32>
          %add3A_255 = arith.addi %broadcast_in_dim3A_253, %add3A_254 : vector<16xi32>
          %gather3A_256 = tpu.vector_load_idx %arg10[%add3A_193, %add3A_255] : memref<40x256xf32, #tpu.memory_space<vmem>>[vector<16xi32>, vector<16xi32>], vector<16xf32>,
          %get3A_257 = arith.index_cast %scan3A_251 : i32 to index
          %get3A_258 = arith.constant 0 : index
          %get3A_259 = tpu.vector_load %arg13[%get3A_257, %get3A_258] {strides = array<i32>} : memref<256x16xf32, #tpu.memory_space<vmem>>, vector<16xf32>,
          %mul3A_260 = arith.mulf %get3A_259, %gather3A_256 : vector<16xf32>
          %swap3A_261 = arith.index_cast %scan3A_251 : i32 to index
          %swap3A_262 = arith.constant 0 : index
          %swap3A_263 = tpu.vector_load %arg13[%swap3A_261, %swap3A_262] {strides = array<i32>} : memref<256x16xf32, #tpu.memory_space<vmem>>, vector<16xf32>,
          tpu.vector_store %arg13[%swap3A_261, %swap3A_262], %mul3A_260 {strides = array<i32>} : memref<256x16xf32, #tpu.memory_space<vmem>>, vector<16xf32>,
          %scan3A_264 = arith.constant 3 : i32
          %scan3A_265 = arith.addi %scan3A_226, %scan3A_264 : i32
          %broadcast_in_dim3A_266 = arith.constant 0 : i32
          %broadcast_in_dim3A_267 = vector.broadcast %broadcast_in_dim3A_266 : i32 to vector<16xi32>
          %add3A_268 = vector.broadcast %scan3A_265 : i32 to vector<16xi32>
          %add3A_269 = arith.addi %broadcast_in_dim3A_267, %add3A_268 : vector<16xi32>
          %gather3A_270 = tpu.vector_load_idx %arg10[%add3A_193, %add3A_269] : memref<40x256xf32, #tpu.memory_space<vmem>>[vector<16xi32>, vector<16xi32>], vector<16xf32>,
          %get3A_271 = arith.index_cast %scan3A_265 : i32 to index
          %get3A_272 = arith.constant 0 : index
          %get3A_273 = tpu.vector_load %arg13[%get3A_271, %get3A_272] {strides = array<i32>} : memref<256x16xf32, #tpu.memory_space<vmem>>, vector<16xf32>,
          %mul3A_274 = arith.mulf %get3A_273, %gather3A_270 : vector<16xf32>
          %swap3A_275 = arith.index_cast %scan3A_265 : i32 to index
          %swap3A_276 = arith.constant 0 : index
          %swap3A_277 = tpu.vector_load %arg13[%swap3A_275, %swap3A_276] {strides = array<i32>} : memref<256x16xf32, #tpu.memory_space<vmem>>, vector<16xf32>,
          tpu.vector_store %arg13[%swap3A_275, %swap3A_276], %mul3A_274 {strides = array<i32>} : memref<256x16xf32, #tpu.memory_space<vmem>>, vector<16xf32>,
          %scan3A_278 = arith.constant 4 : i32
          %scan3A_279 = arith.addi %scan3A_226, %scan3A_278 : i32
          %broadcast_in_dim3A_280 = arith.constant 0 : i32
          %broadcast_in_dim3A_281 = vector.broadcast %broadcast_in_dim3A_280 : i32 to vector<16xi32>
          %add3A_282 = vector.broadcast %scan3A_279 : i32 to vector<16xi32>
          %add3A_283 = arith.addi %broadcast_in_dim3A_281, %add3A_282 : vector<16xi32>
          %gather3A_284 = tpu.vector_load_idx %arg10[%add3A_193, %add3A_283] : memref<40x256xf32, #tpu.memory_space<vmem>>[vector<16xi32>, vector<16xi32>], vector<16xf32>,
          %get3A_285 = arith.index_cast %scan3A_279 : i32 to index
          %get3A_286 = arith.constant 0 : index
          %get3A_287 = tpu.vector_load %arg13[%get3A_285, %get3A_286] {strides = array<i32>} : memref<256x16xf32, #tpu.memory_space<vmem>>, vector<16xf32>,
          %mul3A_288 = arith.mulf %get3A_287, %gather3A_284 : vector<16xf32>
          %swap3A_289 = arith.index_cast %scan3A_279 : i32 to index
          %swap3A_290 = arith.constant 0 : index
          %swap3A_291 = tpu.vector_load %arg13[%swap3A_289, %swap3A_290] {strides = array<i32>} : memref<256x16xf32, #tpu.memory_space<vmem>>, vector<16xf32>,
          tpu.vector_store %arg13[%swap3A_289, %swap3A_290], %mul3A_288 {strides = array<i32>} : memref<256x16xf32, #tpu.memory_space<vmem>>, vector<16xf32>,
          %scan3A_292 = arith.constant 5 : i32
          %scan3A_293 = arith.addi %scan3A_226, %scan3A_292 : i32
          %broadcast_in_dim3A_294 = arith.constant 0 : i32
          %broadcast_in_dim3A_295 = vector.broadcast %broadcast_in_dim3A_294 : i32 to vector<16xi32>
          %add3A_296 = vector.broadcast %scan3A_293 : i32 to vector<16xi32>
          %add3A_297 = arith.addi %broadcast_in_dim3A_295, %add3A_296 : vector<16xi32>
          %gather3A_298 = tpu.vector_load_idx %arg10[%add3A_193, %add3A_297] : memref<40x256xf32, #tpu.memory_space<vmem>>[vector<16xi32>, vector<16xi32>], vector<16xf32>,
          %get3A_299 = arith.index_cast %scan3A_293 : i32 to index
          %get3A_300 = arith.constant 0 : index
          %get3A_301 = tpu.vector_load %arg13[%get3A_299, %get3A_300] {strides = array<i32>} : memref<256x16xf32, #tpu.memory_space<vmem>>, vector<16xf32>,
          %mul3A_302 = arith.mulf %get3A_301, %gather3A_298 : vector<16xf32>
          %swap3A_303 = arith.index_cast %scan3A_293 : i32 to index
          %swap3A_304 = arith.constant 0 : index
          %swap3A_305 = tpu.vector_load %arg13[%swap3A_303, %swap3A_304] {strides = array<i32>} : memref<256x16xf32, #tpu.memory_space<vmem>>, vector<16xf32>,
          tpu.vector_store %arg13[%swap3A_303, %swap3A_304], %mul3A_302 {strides = array<i32>} : memref<256x16xf32, #tpu.memory_space<vmem>>, vector<16xf32>,
          %scan3A_306 = arith.constant 6 : i32
          %scan3A_307 = arith.addi %scan3A_226, %scan3A_306 : i32
          %broadcast_in_dim3A_308 = arith.constant 0 : i32
          %broadcast_in_dim3A_309 = vector.broadcast %broadcast_in_dim3A_308 : i32 to vector<16xi32>
          %add3A_310 = vector.broadcast %scan3A_307 : i32 to vector<16xi32>
          %add3A_311 = arith.addi %broadcast_in_dim3A_309, %add3A_310 : vector<16xi32>
          %gather3A_312 = tpu.vector_load_idx %arg10[%add3A_193, %add3A_311] : memref<40x256xf32, #tpu.memory_space<vmem>>[vector<16xi32>, vector<16xi32>], vector<16xf32>,
          %get3A_313 = arith.index_cast %scan3A_307 : i32 to index
          %get3A_314 = arith.constant 0 : index
          %get3A_315 = tpu.vector_load %arg13[%get3A_313, %get3A_314] {strides = array<i32>} : memref<256x16xf32, #tpu.memory_space<vmem>>, vector<16xf32>,
          %mul3A_316 = arith.mulf %get3A_315, %gather3A_312 : vector<16xf32>
          %swap3A_317 = arith.index_cast %scan3A_307 : i32 to index
          %swap3A_318 = arith.constant 0 : index
          %swap3A_319 = tpu.vector_load %arg13[%swap3A_317, %swap3A_318] {strides = array<i32>} : memref<256x16xf32, #tpu.memory_space<vmem>>, vector<16xf32>,
          tpu.vector_store %arg13[%swap3A_317, %swap3A_318], %mul3A_316 {strides = array<i32>} : memref<256x16xf32, #tpu.memory_space<vmem>>, vector<16xf32>,
          %scan3A_320 = arith.constant 7 : i32
          %scan3A_321 = arith.addi %scan3A_226, %scan3A_320 : i32
          %broadcast_in_dim3A_322 = arith.constant 0 : i32
          %broadcast_in_dim3A_323 = vector.broadcast %broadcast_in_dim3A_322 : i32 to vector<16xi32>
          %add3A_324 = vector.broadcast %scan3A_321 : i32 to vector<16xi32>
          %add3A_325 = arith.addi %broadcast_in_dim3A_323, %add3A_324 : vector<16xi32>
          %gather3A_326 = tpu.vector_load_idx %arg10[%add3A_193, %add3A_325] : memref<40x256xf32, #tpu.memory_space<vmem>>[vector<16xi32>, vector<16xi32>], vector<16xf32>,
          %get3A_327 = arith.index_cast %scan3A_321 : i32 to index
          %get3A_328 = arith.constant 0 : index
          %get3A_329 = tpu.vector_load %arg13[%get3A_327, %get3A_328] {strides = array<i32>} : memref<256x16xf32, #tpu.memory_space<vmem>>, vector<16xf32>,
          %mul3A_330 = arith.mulf %get3A_329, %gather3A_326 : vector<16xf32>
          %swap3A_331 = arith.index_cast %scan3A_321 : i32 to index
          %swap3A_332 = arith.constant 0 : index
          %swap3A_333 = tpu.vector_load %arg13[%swap3A_331, %swap3A_332] {strides = array<i32>} : memref<256x16xf32, #tpu.memory_space<vmem>>, vector<16xf32>,
          tpu.vector_store %arg13[%swap3A_331, %swap3A_332], %mul3A_330 {strides = array<i32>} : memref<256x16xf32, #tpu.memory_space<vmem>>, vector<16xf32>,
        }
        %scan3A_199 = arith.constant 256 : i32
        %mul3A_200 = arith.constant 2 : i32
        %mul3A_201 = arith.muli %mul3A_200, %add3A_143 : i32
        %add3A_202 = arith.constant 0 : i32
        %add3A_203 = arith.addi %mul3A_201, %add3A_202 : i32
        %dma_start3A_204 = arith.constant 0 : i32
        %dma_start3A_205 = arith.constant 0 : i32
        %dma_start3A_206 = tpu.memref_slice %arg13[%dma_start3A_204, %dma_start3A_205] : memref<256x16xf32, #tpu.memory_space<vmem>> -> memref<128x16xf32, #tpu.memory_space<vmem>>
        %dma_start3A_207 = arith.constant 0 : i32
        %dma_start3A_208 = tpu.memref_slice %arg9[%add3A_203, %dma_start3A_207] : memref<80x128xi32, #tpu.memory_space<vmem>> -> memref<1x128xi32, #tpu.memory_space<vmem>>
        %dma_start3A_209 = tpu.memref_squeeze %dma_start3A_208 : memref<1x128xi32, #tpu.memory_space<vmem>> -> memref<128xi32, #tpu.memory_space<vmem>>
        %dma_start3A_210 = arith.constant 0 : i32
        %dma_start3A_211 = arith.constant 0 : i32
        %dma_start3A_212 = tpu.memref_slice %arg15[%dma_start3A_210, %dma_start3A_211] : memref<10000x16xf32, #tpu.memory_space<vmem_shared>> -> memref<10000x16xf32, #tpu.memory_space<vmem_shared>>
        tpu.enqueue_indirect_dma source(%dma_start3A_206 : memref<128x16xf32, #tpu.memory_space<vmem>>) target(%dma_start3A_212 : memref<10000x16xf32, #tpu.memory_space<vmem_shared>>) offsets(%dma_start3A_209 : memref<128xi32, #tpu.memory_space<vmem>>) semaphore(%arg22 : memref<!tpu.dma_semaphore, #tpu.memory_space<semaphore_mem>>) {add = true}
        %mul3A_213 = arith.constant 2 : i32
        %mul3A_214 = arith.muli %mul3A_213, %add3A_143 : i32
        %add3A_215 = arith.constant 1 : i32
        %add3A_216 = arith.addi %mul3A_214, %add3A_215 : i32
        %dma_start3A_217 = arith.constant 128 : i32
        %dma_start3A_218 = arith.constant 0 : i32
        %dma_start3A_219 = tpu.memref_slice %arg13[%dma_start3A_217, %dma_start3A_218] : memref<256x16xf32, #tpu.memory_space<vmem>> -> memref<128x16xf32, #tpu.memory_space<vmem>>
        %dma_start3A_220 = arith.constant 0 : i32
        %dma_start3A_221 = tpu.memref_slice %arg9[%add3A_216, %dma_start3A_220] : memref<80x128xi32, #tpu.memory_space<vmem>> -> memref<1x128xi32, #tpu.memory_space<vmem>>
        %dma_start3A_222 = tpu.memref_squeeze %dma_start3A_221 : memref<1x128xi32, #tpu.memory_space<vmem>> -> memref<128xi32, #tpu.memory_space<vmem>>
        %dma_start3A_223 = arith.constant 0 : i32
        %dma_start3A_224 = arith.constant 0 : i32
        %dma_start3A_225 = tpu.memref_slice %arg15[%dma_start3A_223, %dma_start3A_224] : memref<10000x16xf32, #tpu.memory_space<vmem_shared>> -> memref<10000x16xf32, #tpu.memory_space<vmem_shared>>
        tpu.enqueue_indirect_dma source(%dma_start3A_219 : memref<128x16xf32, #tpu.memory_space<vmem>>) target(%dma_start3A_225 : memref<10000x16xf32, #tpu.memory_space<vmem_shared>>) offsets(%dma_start3A_222 : memref<128xi32, #tpu.memory_space<vmem>>) semaphore(%arg22 : memref<!tpu.dma_semaphore, #tpu.memory_space<semaphore_mem>>) {add = true}
      } else {
      }
      %mul3A_149 = arith.constant 4 : i32
      %mul3A_150 = arith.muli %scan3A_121, %mul3A_149 : i32
      %add3A_151 = arith.constant 3 : i32
      %add3A_152 = arith.addi %mul3A_150, %add3A_151 : i32
      %lt3A_153 = arith.constant 40 : i32
      %lt3A_154 = arith.cmpi slt, %add3A_152, %lt3A_153 : i32
      %convert_element_type3A_155 = arith.extui %lt3A_154 : i1 to i32
      %cond3A_156 = arith.constant 0 : i32
      %cond3A_157 = arith.cmpi ne, %convert_element_type3A_155, %cond3A_156 : i32
      scf.if %cond3A_157 {
        %add3A_158 = arith.constant 1 : i32
        %add3A_159 = arith.addi %add3A_152, %add3A_158 : i32
        %lt3A_160 = arith.constant 40 : i32
        %lt3A_161 = arith.cmpi slt, %add3A_159, %lt3A_160 : i32
        %convert_element_type3A_162 = arith.extui %lt3A_161 : i1 to i32
        %cond3A_163 = arith.constant 0 : i32
        %cond3A_164 = arith.cmpi ne, %convert_element_type3A_162, %cond3A_163 : i32
        scf.if %cond3A_164 {
          %add3A_226 = arith.constant 1 : i32
          %add3A_227 = arith.addi %add3A_152, %add3A_226 : i32
          %ge3A = arith.constant 4 : i32
          %ge3A_228 = arith.cmpi sge, %add3A_227, %ge3A : i32
          %convert_element_type3A_229 = arith.extui %ge3A_228 : i1 to i32
          %cond3A_230 = arith.constant 0 : i32
          %cond3A_231 = arith.cmpi ne, %convert_element_type3A_229, %cond3A_230 : i32
          scf.if %cond3A_231 {
            %add3A_260 = arith.constant 1 : i32
            %add3A_261 = arith.addi %add3A_152, %add3A_260 : i32
            %sub3A = arith.constant 4 : i32
            %sub3A_262 = arith.subi %add3A_261, %sub3A : i32
            %mul3A_263 = arith.constant 2 : i32
            %mul3A_264 = arith.muli %mul3A_263, %sub3A_262 : i32
            %add3A_265 = arith.constant 0 : i32
            %add3A_266 = arith.addi %mul3A_264, %add3A_265 : i32
            %dma_wait3A_267 = arith.constant 0 : i32
            %dma_wait3A_268 = arith.constant 0 : i32
            %dma_wait3A_269 = tpu.memref_slice %arg11[%dma_wait3A_267, %dma_wait3A_268] : memref<256x16xf32, #tpu.memory_space<vmem>> -> memref<128x16xf32, #tpu.memory_space<vmem>>
            %dma_wait3A_270 = arith.constant 0 : i32
            %dma_wait3A_271 = tpu.memref_slice %arg9[%add3A_266, %dma_wait3A_270] : memref<80x128xi32, #tpu.memory_space<vmem>> -> memref<1x128xi32, #tpu.memory_space<vmem>>
            %dma_wait3A_272 = tpu.memref_squeeze %dma_wait3A_271 : memref<1x128xi32, #tpu.memory_space<vmem>> -> memref<128xi32, #tpu.memory_space<vmem>>
            %dma_wait3A_273 = arith.constant 0 : i32
            %dma_wait3A_274 = arith.constant 0 : i32
            %dma_wait3A_275 = tpu.memref_slice %arg15[%dma_wait3A_273, %dma_wait3A_274] : memref<10000x16xf32, #tpu.memory_space<vmem_shared>> -> memref<10000x16xf32, #tpu.memory_space<vmem_shared>>
            tpu.wait_indirect_dma semaphore(%arg20 : memref<!tpu.dma_semaphore, #tpu.memory_space<semaphore_mem>>) src(%dma_wait3A_269 : memref<128x16xf32, #tpu.memory_space<vmem>>) dst(%dma_wait3A_275 : memref<10000x16xf32, #tpu.memory_space<vmem_shared>>)
            %mul3A_276 = arith.constant 2 : i32
            %mul3A_277 = arith.muli %mul3A_276, %sub3A_262 : i32
            %add3A_278 = arith.constant 1 : i32
            %add3A_279 = arith.addi %mul3A_277, %add3A_278 : i32
            %dma_wait3A_280 = arith.constant 128 : i32
            %dma_wait3A_281 = arith.constant 0 : i32
            %dma_wait3A_282 = tpu.memref_slice %arg11[%dma_wait3A_280, %dma_wait3A_281] : memref<256x16xf32, #tpu.memory_space<vmem>> -> memref<128x16xf32, #tpu.memory_space<vmem>>
            %dma_wait3A_283 = arith.constant 0 : i32
            %dma_wait3A_284 = tpu.memref_slice %arg9[%add3A_279, %dma_wait3A_283] : memref<80x128xi32, #tpu.memory_space<vmem>> -> memref<1x128xi32, #tpu.memory_space<vmem>>
            %dma_wait3A_285 = tpu.memref_squeeze %dma_wait3A_284 : memref<1x128xi32, #tpu.memory_space<vmem>> -> memref<128xi32, #tpu.memory_space<vmem>>
            %dma_wait3A_286 = arith.constant 0 : i32
            %dma_wait3A_287 = arith.constant 0 : i32
            %dma_wait3A_288 = tpu.memref_slice %arg15[%dma_wait3A_286, %dma_wait3A_287] : memref<10000x16xf32, #tpu.memory_space<vmem_shared>> -> memref<10000x16xf32, #tpu.memory_space<vmem_shared>>
            tpu.wait_indirect_dma semaphore(%arg20 : memref<!tpu.dma_semaphore, #tpu.memory_space<semaphore_mem>>) src(%dma_wait3A_282 : memref<128x16xf32, #tpu.memory_space<vmem>>) dst(%dma_wait3A_288 : memref<10000x16xf32, #tpu.memory_space<vmem_shared>>)
          } else {
          }
          %add3A_232 = arith.constant 1 : i32
          %add3A_233 = arith.addi %add3A_152, %add3A_232 : i32
          %mul3A_234 = arith.constant 2 : i32
          %mul3A_235 = arith.muli %mul3A_234, %add3A_233 : i32
          %add3A_236 = arith.constant 0 : i32
          %add3A_237 = arith.addi %mul3A_235, %add3A_236 : i32
          %dma_start3A_238 = arith.constant 0 : i32
          %dma_start3A_239 = arith.constant 0 : i32
          %dma_start3A_240 = tpu.memref_slice %arg11[%dma_start3A_238, %dma_start3A_239] : memref<256x16xf32, #tpu.memory_space<vmem>> -> memref<128x16xf32, #tpu.memory_space<vmem>>
          %dma_start3A_241 = arith.constant 0 : i32
          %dma_start3A_242 = tpu.memref_slice %arg8[%add3A_237, %dma_start3A_241] : memref<80x128xi32, #tpu.memory_space<vmem>> -> memref<1x128xi32, #tpu.memory_space<vmem>>
          %dma_start3A_243 = tpu.memref_squeeze %dma_start3A_242 : memref<1x128xi32, #tpu.memory_space<vmem>> -> memref<128xi32, #tpu.memory_space<vmem>>
          %dma_start3A_244 = arith.constant 0 : i32
          %dma_start3A_245 = arith.constant 0 : i32
          %dma_start3A_246 = tpu.memref_slice %arg2[%dma_start3A_244, %dma_start3A_245] : memref<10000x16xf32, #tpu.memory_space<hbm>> -> memref<10000x16xf32, #tpu.memory_space<hbm>>
          tpu.enqueue_indirect_dma source(%dma_start3A_246 : memref<10000x16xf32, #tpu.memory_space<hbm>>) target(%dma_start3A_240 : memref<128x16xf32, #tpu.memory_space<vmem>>) offsets(%dma_start3A_243 : memref<128xi32, #tpu.memory_space<vmem>>) semaphore(%arg16 : memref<!tpu.dma_semaphore, #tpu.memory_space<semaphore_mem>>)
          %mul3A_247 = arith.constant 2 : i32
          %mul3A_248 = arith.muli %mul3A_247, %add3A_233 : i32
          %add3A_249 = arith.constant 1 : i32
          %add3A_250 = arith.addi %mul3A_248, %add3A_249 : i32
          %dma_start3A_251 = arith.constant 128 : i32
          %dma_start3A_252 = arith.constant 0 : i32
          %dma_start3A_253 = tpu.memref_slice %arg11[%dma_start3A_251, %dma_start3A_252] : memref<256x16xf32, #tpu.memory_space<vmem>> -> memref<128x16xf32, #tpu.memory_space<vmem>>
          %dma_start3A_254 = arith.constant 0 : i32
          %dma_start3A_255 = tpu.memref_slice %arg8[%add3A_250, %dma_start3A_254] : memref<80x128xi32, #tpu.memory_space<vmem>> -> memref<1x128xi32, #tpu.memory_space<vmem>>
          %dma_start3A_256 = tpu.memref_squeeze %dma_start3A_255 : memref<1x128xi32, #tpu.memory_space<vmem>> -> memref<128xi32, #tpu.memory_space<vmem>>
          %dma_start3A_257 = arith.constant 0 : i32
          %dma_start3A_258 = arith.constant 0 : i32
          %dma_start3A_259 = tpu.memref_slice %arg2[%dma_start3A_257, %dma_start3A_258] : memref<10000x16xf32, #tpu.memory_space<hbm>> -> memref<10000x16xf32, #tpu.memory_space<hbm>>
          tpu.enqueue_indirect_dma source(%dma_start3A_259 : memref<10000x16xf32, #tpu.memory_space<hbm>>) target(%dma_start3A_253 : memref<128x16xf32, #tpu.memory_space<vmem>>) offsets(%dma_start3A_256 : memref<128xi32, #tpu.memory_space<vmem>>) semaphore(%arg16 : memref<!tpu.dma_semaphore, #tpu.memory_space<semaphore_mem>>)
        } else {
        }
        %mul3A_165 = arith.constant 2 : i32
        %mul3A_166 = arith.muli %mul3A_165, %add3A_152 : i32
        %add3A_167 = arith.constant 0 : i32
        %add3A_168 = arith.addi %mul3A_166, %add3A_167 : i32
        %dma_wait3A_169 = arith.constant 0 : i32
        %dma_wait3A_170 = arith.constant 0 : i32
        %dma_wait3A_171 = tpu.memref_slice %arg14[%dma_wait3A_169, %dma_wait3A_170] : memref<256x16xf32, #tpu.memory_space<vmem>> -> memref<128x16xf32, #tpu.memory_space<vmem>>
        %dma_wait3A_172 = arith.constant 0 : i32
        %dma_wait3A_173 = tpu.memref_slice %arg8[%add3A_168, %dma_wait3A_172] : memref<80x128xi32, #tpu.memory_space<vmem>> -> memref<1x128xi32, #tpu.memory_space<vmem>>
        %dma_wait3A_174 = tpu.memref_squeeze %dma_wait3A_173 : memref<1x128xi32, #tpu.memory_space<vmem>> -> memref<128xi32, #tpu.memory_space<vmem>>
        %dma_wait3A_175 = arith.constant 0 : i32
        %dma_wait3A_176 = arith.constant 0 : i32
        %dma_wait3A_177 = tpu.memref_slice %arg2[%dma_wait3A_175, %dma_wait3A_176] : memref<10000x16xf32, #tpu.memory_space<hbm>> -> memref<10000x16xf32, #tpu.memory_space<hbm>>
        tpu.wait_indirect_dma semaphore(%arg19 : memref<!tpu.dma_semaphore, #tpu.memory_space<semaphore_mem>>) src(%dma_wait3A_177 : memref<10000x16xf32, #tpu.memory_space<hbm>>) dst(%dma_wait3A_171 : memref<128x16xf32, #tpu.memory_space<vmem>>)
        %mul3A_178 = arith.constant 2 : i32
        %mul3A_179 = arith.muli %mul3A_178, %add3A_152 : i32
        %add3A_180 = arith.constant 1 : i32
        %add3A_181 = arith.addi %mul3A_179, %add3A_180 : i32
        %dma_wait3A_182 = arith.constant 128 : i32
        %dma_wait3A_183 = arith.constant 0 : i32
        %dma_wait3A_184 = tpu.memref_slice %arg14[%dma_wait3A_182, %dma_wait3A_183] : memref<256x16xf32, #tpu.memory_space<vmem>> -> memref<128x16xf32, #tpu.memory_space<vmem>>
        %dma_wait3A_185 = arith.constant 0 : i32
        %dma_wait3A_186 = tpu.memref_slice %arg8[%add3A_181, %dma_wait3A_185] : memref<80x128xi32, #tpu.memory_space<vmem>> -> memref<1x128xi32, #tpu.memory_space<vmem>>
        %dma_wait3A_187 = tpu.memref_squeeze %dma_wait3A_186 : memref<1x128xi32, #tpu.memory_space<vmem>> -> memref<128xi32, #tpu.memory_space<vmem>>
        %dma_wait3A_188 = arith.constant 0 : i32
        %dma_wait3A_189 = arith.constant 0 : i32
        %dma_wait3A_190 = tpu.memref_slice %arg2[%dma_wait3A_188, %dma_wait3A_189] : memref<10000x16xf32, #tpu.memory_space<hbm>> -> memref<10000x16xf32, #tpu.memory_space<hbm>>
        tpu.wait_indirect_dma semaphore(%arg19 : memref<!tpu.dma_semaphore, #tpu.memory_space<semaphore_mem>>) src(%dma_wait3A_190 : memref<10000x16xf32, #tpu.memory_space<hbm>>) dst(%dma_wait3A_184 : memref<128x16xf32, #tpu.memory_space<vmem>>)
        %broadcast_in_dim3A = arith.constant 0 : i32
        %broadcast_in_dim3A_191 = vector.broadcast %broadcast_in_dim3A : i32 to vector<16xi32>
        %add3A_192 = vector.broadcast %add3A_152 : i32 to vector<16xi32>
        %add3A_193 = arith.addi %broadcast_in_dim3A_191, %add3A_192 : vector<16xi32>
        %scan3A_194 = arith.constant 0 : i32
        %scan3A_195 = arith.constant 0 : i32
        %scan3A_196 = arith.constant 256 : i32
        %scan3A_197 = arith.addi %scan3A_195, %scan3A_196 : i32
        %scan3A_198 = arith.constant 8 : i32
        scf.for %scan3A_226 = %scan3A_195 to %scan3A_197 step %scan3A_198  : i32 {
          %broadcast_in_dim3A_227 = arith.constant 0 : i32
          %broadcast_in_dim3A_228 = vector.broadcast %broadcast_in_dim3A_227 : i32 to vector<16xi32>
          %add3A_229 = vector.broadcast %scan3A_226 : i32 to vector<16xi32>
          %add3A_230 = arith.addi %broadcast_in_dim3A_228, %add3A_229 : vector<16xi32>
          %gather3A = tpu.vector_load_idx %arg10[%add3A_193, %add3A_230] : memref<40x256xf32, #tpu.memory_space<vmem>>[vector<16xi32>, vector<16xi32>], vector<16xf32>,
          %get3A = arith.index_cast %scan3A_226 : i32 to index
          %get3A_231 = arith.constant 0 : index
          %get3A_232 = tpu.vector_load %arg14[%get3A, %get3A_231] {strides = array<i32>} : memref<256x16xf32, #tpu.memory_space<vmem>>, vector<16xf32>,
          %mul3A_233 = arith.mulf %get3A_232, %gather3A : vector<16xf32>
          %swap3A = arith.index_cast %scan3A_226 : i32 to index
          %swap3A_234 = arith.constant 0 : index
          %swap3A_235 = tpu.vector_load %arg14[%swap3A, %swap3A_234] {strides = array<i32>} : memref<256x16xf32, #tpu.memory_space<vmem>>, vector<16xf32>,
          tpu.vector_store %arg14[%swap3A, %swap3A_234], %mul3A_233 {strides = array<i32>} : memref<256x16xf32, #tpu.memory_space<vmem>>, vector<16xf32>,
          %scan3A_236 = arith.constant 1 : i32
          %scan3A_237 = arith.addi %scan3A_226, %scan3A_236 : i32
          %broadcast_in_dim3A_238 = arith.constant 0 : i32
          %broadcast_in_dim3A_239 = vector.broadcast %broadcast_in_dim3A_238 : i32 to vector<16xi32>
          %add3A_240 = vector.broadcast %scan3A_237 : i32 to vector<16xi32>
          %add3A_241 = arith.addi %broadcast_in_dim3A_239, %add3A_240 : vector<16xi32>
          %gather3A_242 = tpu.vector_load_idx %arg10[%add3A_193, %add3A_241] : memref<40x256xf32, #tpu.memory_space<vmem>>[vector<16xi32>, vector<16xi32>], vector<16xf32>,
          %get3A_243 = arith.index_cast %scan3A_237 : i32 to index
          %get3A_244 = arith.constant 0 : index
          %get3A_245 = tpu.vector_load %arg14[%get3A_243, %get3A_244] {strides = array<i32>} : memref<256x16xf32, #tpu.memory_space<vmem>>, vector<16xf32>,
          %mul3A_246 = arith.mulf %get3A_245, %gather3A_242 : vector<16xf32>
          %swap3A_247 = arith.index_cast %scan3A_237 : i32 to index
          %swap3A_248 = arith.constant 0 : index
          %swap3A_249 = tpu.vector_load %arg14[%swap3A_247, %swap3A_248] {strides = array<i32>} : memref<256x16xf32, #tpu.memory_space<vmem>>, vector<16xf32>,
          tpu.vector_store %arg14[%swap3A_247, %swap3A_248], %mul3A_246 {strides = array<i32>} : memref<256x16xf32, #tpu.memory_space<vmem>>, vector<16xf32>,
          %scan3A_250 = arith.constant 2 : i32
          %scan3A_251 = arith.addi %scan3A_226, %scan3A_250 : i32
          %broadcast_in_dim3A_252 = arith.constant 0 : i32
          %broadcast_in_dim3A_253 = vector.broadcast %broadcast_in_dim3A_252 : i32 to vector<16xi32>
          %add3A_254 = vector.broadcast %scan3A_251 : i32 to vector<16xi32>
          %add3A_255 = arith.addi %broadcast_in_dim3A_253, %add3A_254 : vector<16xi32>
          %gather3A_256 = tpu.vector_load_idx %arg10[%add3A_193, %add3A_255] : memref<40x256xf32, #tpu.memory_space<vmem>>[vector<16xi32>, vector<16xi32>], vector<16xf32>,
          %get3A_257 = arith.index_cast %scan3A_251 : i32 to index
          %get3A_258 = arith.constant 0 : index
          %get3A_259 = tpu.vector_load %arg14[%get3A_257, %get3A_258] {strides = array<i32>} : memref<256x16xf32, #tpu.memory_space<vmem>>, vector<16xf32>,
          %mul3A_260 = arith.mulf %get3A_259, %gather3A_256 : vector<16xf32>
          %swap3A_261 = arith.index_cast %scan3A_251 : i32 to index
          %swap3A_262 = arith.constant 0 : index
          %swap3A_263 = tpu.vector_load %arg14[%swap3A_261, %swap3A_262] {strides = array<i32>} : memref<256x16xf32, #tpu.memory_space<vmem>>, vector<16xf32>,
          tpu.vector_store %arg14[%swap3A_261, %swap3A_262], %mul3A_260 {strides = array<i32>} : memref<256x16xf32, #tpu.memory_space<vmem>>, vector<16xf32>,
          %scan3A_264 = arith.constant 3 : i32
          %scan3A_265 = arith.addi %scan3A_226, %scan3A_264 : i32
          %broadcast_in_dim3A_266 = arith.constant 0 : i32
          %broadcast_in_dim3A_267 = vector.broadcast %broadcast_in_dim3A_266 : i32 to vector<16xi32>
          %add3A_268 = vector.broadcast %scan3A_265 : i32 to vector<16xi32>
          %add3A_269 = arith.addi %broadcast_in_dim3A_267, %add3A_268 : vector<16xi32>
          %gather3A_270 = tpu.vector_load_idx %arg10[%add3A_193, %add3A_269] : memref<40x256xf32, #tpu.memory_space<vmem>>[vector<16xi32>, vector<16xi32>], vector<16xf32>,
          %get3A_271 = arith.index_cast %scan3A_265 : i32 to index
          %get3A_272 = arith.constant 0 : index
          %get3A_273 = tpu.vector_load %arg14[%get3A_271, %get3A_272] {strides = array<i32>} : memref<256x16xf32, #tpu.memory_space<vmem>>, vector<16xf32>,
          %mul3A_274 = arith.mulf %get3A_273, %gather3A_270 : vector<16xf32>
          %swap3A_275 = arith.index_cast %scan3A_265 : i32 to index
          %swap3A_276 = arith.constant 0 : index
          %swap3A_277 = tpu.vector_load %arg14[%swap3A_275, %swap3A_276] {strides = array<i32>} : memref<256x16xf32, #tpu.memory_space<vmem>>, vector<16xf32>,
          tpu.vector_store %arg14[%swap3A_275, %swap3A_276], %mul3A_274 {strides = array<i32>} : memref<256x16xf32, #tpu.memory_space<vmem>>, vector<16xf32>,
          %scan3A_278 = arith.constant 4 : i32
          %scan3A_279 = arith.addi %scan3A_226, %scan3A_278 : i32
          %broadcast_in_dim3A_280 = arith.constant 0 : i32
          %broadcast_in_dim3A_281 = vector.broadcast %broadcast_in_dim3A_280 : i32 to vector<16xi32>
          %add3A_282 = vector.broadcast %scan3A_279 : i32 to vector<16xi32>
          %add3A_283 = arith.addi %broadcast_in_dim3A_281, %add3A_282 : vector<16xi32>
          %gather3A_284 = tpu.vector_load_idx %arg10[%add3A_193, %add3A_283] : memref<40x256xf32, #tpu.memory_space<vmem>>[vector<16xi32>, vector<16xi32>], vector<16xf32>,
          %get3A_285 = arith.index_cast %scan3A_279 : i32 to index
          %get3A_286 = arith.constant 0 : index
          %get3A_287 = tpu.vector_load %arg14[%get3A_285, %get3A_286] {strides = array<i32>} : memref<256x16xf32, #tpu.memory_space<vmem>>, vector<16xf32>,
          %mul3A_288 = arith.mulf %get3A_287, %gather3A_284 : vector<16xf32>
          %swap3A_289 = arith.index_cast %scan3A_279 : i32 to index
          %swap3A_290 = arith.constant 0 : index
          %swap3A_291 = tpu.vector_load %arg14[%swap3A_289, %swap3A_290] {strides = array<i32>} : memref<256x16xf32, #tpu.memory_space<vmem>>, vector<16xf32>,
          tpu.vector_store %arg14[%swap3A_289, %swap3A_290], %mul3A_288 {strides = array<i32>} : memref<256x16xf32, #tpu.memory_space<vmem>>, vector<16xf32>,
          %scan3A_292 = arith.constant 5 : i32
          %scan3A_293 = arith.addi %scan3A_226, %scan3A_292 : i32
          %broadcast_in_dim3A_294 = arith.constant 0 : i32
          %broadcast_in_dim3A_295 = vector.broadcast %broadcast_in_dim3A_294 : i32 to vector<16xi32>
          %add3A_296 = vector.broadcast %scan3A_293 : i32 to vector<16xi32>
          %add3A_297 = arith.addi %broadcast_in_dim3A_295, %add3A_296 : vector<16xi32>
          %gather3A_298 = tpu.vector_load_idx %arg10[%add3A_193, %add3A_297] : memref<40x256xf32, #tpu.memory_space<vmem>>[vector<16xi32>, vector<16xi32>], vector<16xf32>,
          %get3A_299 = arith.index_cast %scan3A_293 : i32 to index
          %get3A_300 = arith.constant 0 : index
          %get3A_301 = tpu.vector_load %arg14[%get3A_299, %get3A_300] {strides = array<i32>} : memref<256x16xf32, #tpu.memory_space<vmem>>, vector<16xf32>,
          %mul3A_302 = arith.mulf %get3A_301, %gather3A_298 : vector<16xf32>
          %swap3A_303 = arith.index_cast %scan3A_293 : i32 to index
          %swap3A_304 = arith.constant 0 : index
          %swap3A_305 = tpu.vector_load %arg14[%swap3A_303, %swap3A_304] {strides = array<i32>} : memref<256x16xf32, #tpu.memory_space<vmem>>, vector<16xf32>,
          tpu.vector_store %arg14[%swap3A_303, %swap3A_304], %mul3A_302 {strides = array<i32>} : memref<256x16xf32, #tpu.memory_space<vmem>>, vector<16xf32>,
          %scan3A_306 = arith.constant 6 : i32
          %scan3A_307 = arith.addi %scan3A_226, %scan3A_306 : i32
          %broadcast_in_dim3A_308 = arith.constant 0 : i32
          %broadcast_in_dim3A_309 = vector.broadcast %broadcast_in_dim3A_308 : i32 to vector<16xi32>
          %add3A_310 = vector.broadcast %scan3A_307 : i32 to vector<16xi32>
          %add3A_311 = arith.addi %broadcast_in_dim3A_309, %add3A_310 : vector<16xi32>
          %gather3A_312 = tpu.vector_load_idx %arg10[%add3A_193, %add3A_311] : memref<40x256xf32, #tpu.memory_space<vmem>>[vector<16xi32>, vector<16xi32>], vector<16xf32>,
          %get3A_313 = arith.index_cast %scan3A_307 : i32 to index
          %get3A_314 = arith.constant 0 : index
          %get3A_315 = tpu.vector_load %arg14[%get3A_313, %get3A_314] {strides = array<i32>} : memref<256x16xf32, #tpu.memory_space<vmem>>, vector<16xf32>,
          %mul3A_316 = arith.mulf %get3A_315, %gather3A_312 : vector<16xf32>
          %swap3A_317 = arith.index_cast %scan3A_307 : i32 to index
          %swap3A_318 = arith.constant 0 : index
          %swap3A_319 = tpu.vector_load %arg14[%swap3A_317, %swap3A_318] {strides = array<i32>} : memref<256x16xf32, #tpu.memory_space<vmem>>, vector<16xf32>,
          tpu.vector_store %arg14[%swap3A_317, %swap3A_318], %mul3A_316 {strides = array<i32>} : memref<256x16xf32, #tpu.memory_space<vmem>>, vector<16xf32>,
          %scan3A_320 = arith.constant 7 : i32
          %scan3A_321 = arith.addi %scan3A_226, %scan3A_320 : i32
          %broadcast_in_dim3A_322 = arith.constant 0 : i32
          %broadcast_in_dim3A_323 = vector.broadcast %broadcast_in_dim3A_322 : i32 to vector<16xi32>
          %add3A_324 = vector.broadcast %scan3A_321 : i32 to vector<16xi32>
          %add3A_325 = arith.addi %broadcast_in_dim3A_323, %add3A_324 : vector<16xi32>
          %gather3A_326 = tpu.vector_load_idx %arg10[%add3A_193, %add3A_325] : memref<40x256xf32, #tpu.memory_space<vmem>>[vector<16xi32>, vector<16xi32>], vector<16xf32>,
          %get3A_327 = arith.index_cast %scan3A_321 : i32 to index
          %get3A_328 = arith.constant 0 : index
          %get3A_329 = tpu.vector_load %arg14[%get3A_327, %get3A_328] {strides = array<i32>} : memref<256x16xf32, #tpu.memory_space<vmem>>, vector<16xf32>,
          %mul3A_330 = arith.mulf %get3A_329, %gather3A_326 : vector<16xf32>
          %swap3A_331 = arith.index_cast %scan3A_321 : i32 to index
          %swap3A_332 = arith.constant 0 : index
          %swap3A_333 = tpu.vector_load %arg14[%swap3A_331, %swap3A_332] {strides = array<i32>} : memref<256x16xf32, #tpu.memory_space<vmem>>, vector<16xf32>,
          tpu.vector_store %arg14[%swap3A_331, %swap3A_332], %mul3A_330 {strides = array<i32>} : memref<256x16xf32, #tpu.memory_space<vmem>>, vector<16xf32>,
        }
        %scan3A_199 = arith.constant 256 : i32
        %mul3A_200 = arith.constant 2 : i32
        %mul3A_201 = arith.muli %mul3A_200, %add3A_152 : i32
        %add3A_202 = arith.constant 0 : i32
        %add3A_203 = arith.addi %mul3A_201, %add3A_202 : i32
        %dma_start3A_204 = arith.constant 0 : i32
        %dma_start3A_205 = arith.constant 0 : i32
        %dma_start3A_206 = tpu.memref_slice %arg14[%dma_start3A_204, %dma_start3A_205] : memref<256x16xf32, #tpu.memory_space<vmem>> -> memref<128x16xf32, #tpu.memory_space<vmem>>
        %dma_start3A_207 = arith.constant 0 : i32
        %dma_start3A_208 = tpu.memref_slice %arg9[%add3A_203, %dma_start3A_207] : memref<80x128xi32, #tpu.memory_space<vmem>> -> memref<1x128xi32, #tpu.memory_space<vmem>>
        %dma_start3A_209 = tpu.memref_squeeze %dma_start3A_208 : memref<1x128xi32, #tpu.memory_space<vmem>> -> memref<128xi32, #tpu.memory_space<vmem>>
        %dma_start3A_210 = arith.constant 0 : i32
        %dma_start3A_211 = arith.constant 0 : i32
        %dma_start3A_212 = tpu.memref_slice %arg15[%dma_start3A_210, %dma_start3A_211] : memref<10000x16xf32, #tpu.memory_space<vmem_shared>> -> memref<10000x16xf32, #tpu.memory_space<vmem_shared>>
        tpu.enqueue_indirect_dma source(%dma_start3A_206 : memref<128x16xf32, #tpu.memory_space<vmem>>) target(%dma_start3A_212 : memref<10000x16xf32, #tpu.memory_space<vmem_shared>>) offsets(%dma_start3A_209 : memref<128xi32, #tpu.memory_space<vmem>>) semaphore(%arg23 : memref<!tpu.dma_semaphore, #tpu.memory_space<semaphore_mem>>) {add = true}
        %mul3A_213 = arith.constant 2 : i32
        %mul3A_214 = arith.muli %mul3A_213, %add3A_152 : i32
        %add3A_215 = arith.constant 1 : i32
        %add3A_216 = arith.addi %mul3A_214, %add3A_215 : i32
        %dma_start3A_217 = arith.constant 128 : i32
        %dma_start3A_218 = arith.constant 0 : i32
        %dma_start3A_219 = tpu.memref_slice %arg14[%dma_start3A_217, %dma_start3A_218] : memref<256x16xf32, #tpu.memory_space<vmem>> -> memref<128x16xf32, #tpu.memory_space<vmem>>
        %dma_start3A_220 = arith.constant 0 : i32
        %dma_start3A_221 = tpu.memref_slice %arg9[%add3A_216, %dma_start3A_220] : memref<80x128xi32, #tpu.memory_space<vmem>> -> memref<1x128xi32, #tpu.memory_space<vmem>>
        %dma_start3A_222 = tpu.memref_squeeze %dma_start3A_221 : memref<1x128xi32, #tpu.memory_space<vmem>> -> memref<128xi32, #tpu.memory_space<vmem>>
        %dma_start3A_223 = arith.constant 0 : i32
        %dma_start3A_224 = arith.constant 0 : i32
        %dma_start3A_225 = tpu.memref_slice %arg15[%dma_start3A_223, %dma_start3A_224] : memref<10000x16xf32, #tpu.memory_space<vmem_shared>> -> memref<10000x16xf32, #tpu.memory_space<vmem_shared>>
        tpu.enqueue_indirect_dma source(%dma_start3A_219 : memref<128x16xf32, #tpu.memory_space<vmem>>) target(%dma_start3A_225 : memref<10000x16xf32, #tpu.memory_space<vmem_shared>>) offsets(%dma_start3A_222 : memref<128xi32, #tpu.memory_space<vmem>>) semaphore(%arg23 : memref<!tpu.dma_semaphore, #tpu.memory_space<semaphore_mem>>) {add = true}
      } else {
      }
    }
    %scan3A_30 = arith.constant 10 : i32
    %dma_wait3A = arith.constant 78 : i32
    %dma_wait3A_31 = arith.constant 0 : i32
    %dma_wait3A_32 = arith.constant 0 : i32
    %dma_wait3A_33 = tpu.memref_slice %arg14[%dma_wait3A_31, %dma_wait3A_32] : memref<256x16xf32, #tpu.memory_space<vmem>> -> memref<128x16xf32, #tpu.memory_space<vmem>>
    %dma_wait3A_34 = arith.constant 0 : i32
    %dma_wait3A_35 = tpu.memref_slice %arg9[%dma_wait3A, %dma_wait3A_34] : memref<80x128xi32, #tpu.memory_space<vmem>> -> memref<1x128xi32, #tpu.memory_space<vmem>>
    %dma_wait3A_36 = tpu.memref_squeeze %dma_wait3A_35 : memref<1x128xi32, #tpu.memory_space<vmem>> -> memref<128xi32, #tpu.memory_space<vmem>>
    %dma_wait3A_37 = arith.constant 0 : i32
    %dma_wait3A_38 = arith.constant 0 : i32
    %dma_wait3A_39 = tpu.memref_slice %arg15[%dma_wait3A_37, %dma_wait3A_38] : memref<10000x16xf32, #tpu.memory_space<vmem_shared>> -> memref<10000x16xf32, #tpu.memory_space<vmem_shared>>
    tpu.wait_indirect_dma semaphore(%arg23 : memref<!tpu.dma_semaphore, #tpu.memory_space<semaphore_mem>>) src(%dma_wait3A_33 : memref<128x16xf32, #tpu.memory_space<vmem>>) dst(%dma_wait3A_39 : memref<10000x16xf32, #tpu.memory_space<vmem_shared>>)
    %dma_wait3A_40 = arith.constant 79 : i32
    %dma_wait3A_41 = arith.constant 128 : i32
    %dma_wait3A_42 = arith.constant 0 : i32
    %dma_wait3A_43 = tpu.memref_slice %arg14[%dma_wait3A_41, %dma_wait3A_42] : memref<256x16xf32, #tpu.memory_space<vmem>> -> memref<128x16xf32, #tpu.memory_space<vmem>>
    %dma_wait3A_44 = arith.constant 0 : i32
    %dma_wait3A_45 = tpu.memref_slice %arg9[%dma_wait3A_40, %dma_wait3A_44] : memref<80x128xi32, #tpu.memory_space<vmem>> -> memref<1x128xi32, #tpu.memory_space<vmem>>
    %dma_wait3A_46 = tpu.memref_squeeze %dma_wait3A_45 : memref<1x128xi32, #tpu.memory_space<vmem>> -> memref<128xi32, #tpu.memory_space<vmem>>
    %dma_wait3A_47 = arith.constant 0 : i32
    %dma_wait3A_48 = arith.constant 0 : i32
    %dma_wait3A_49 = tpu.memref_slice %arg15[%dma_wait3A_47, %dma_wait3A_48] : memref<10000x16xf32, #tpu.memory_space<vmem_shared>> -> memref<10000x16xf32, #tpu.memory_space<vmem_shared>>
    tpu.wait_indirect_dma semaphore(%arg23 : memref<!tpu.dma_semaphore, #tpu.memory_space<semaphore_mem>>) src(%dma_wait3A_43 : memref<128x16xf32, #tpu.memory_space<vmem>>) dst(%dma_wait3A_49 : memref<10000x16xf32, #tpu.memory_space<vmem_shared>>)
    %dma_wait3A_50 = arith.constant 76 : i32
    %dma_wait3A_51 = arith.constant 0 : i32
    %dma_wait3A_52 = arith.constant 0 : i32
    %dma_wait3A_53 = tpu.memref_slice %arg13[%dma_wait3A_51, %dma_wait3A_52] : memref<256x16xf32, #tpu.memory_space<vmem>> -> memref<128x16xf32, #tpu.memory_space<vmem>>
    %dma_wait3A_54 = arith.constant 0 : i32
    %dma_wait3A_55 = tpu.memref_slice %arg9[%dma_wait3A_50, %dma_wait3A_54] : memref<80x128xi32, #tpu.memory_space<vmem>> -> memref<1x128xi32, #tpu.memory_space<vmem>>
    %dma_wait3A_56 = tpu.memref_squeeze %dma_wait3A_55 : memref<1x128xi32, #tpu.memory_space<vmem>> -> memref<128xi32, #tpu.memory_space<vmem>>
    %dma_wait3A_57 = arith.constant 0 : i32
    %dma_wait3A_58 = arith.constant 0 : i32
    %dma_wait3A_59 = tpu.memref_slice %arg15[%dma_wait3A_57, %dma_wait3A_58] : memref<10000x16xf32, #tpu.memory_space<vmem_shared>> -> memref<10000x16xf32, #tpu.memory_space<vmem_shared>>
    tpu.wait_indirect_dma semaphore(%arg22 : memref<!tpu.dma_semaphore, #tpu.memory_space<semaphore_mem>>) src(%dma_wait3A_53 : memref<128x16xf32, #tpu.memory_space<vmem>>) dst(%dma_wait3A_59 : memref<10000x16xf32, #tpu.memory_space<vmem_shared>>)
    %dma_wait3A_60 = arith.constant 77 : i32
    %dma_wait3A_61 = arith.constant 128 : i32
    %dma_wait3A_62 = arith.constant 0 : i32
    %dma_wait3A_63 = tpu.memref_slice %arg13[%dma_wait3A_61, %dma_wait3A_62] : memref<256x16xf32, #tpu.memory_space<vmem>> -> memref<128x16xf32, #tpu.memory_space<vmem>>
    %dma_wait3A_64 = arith.constant 0 : i32
    %dma_wait3A_65 = tpu.memref_slice %arg9[%dma_wait3A_60, %dma_wait3A_64] : memref<80x128xi32, #tpu.memory_space<vmem>> -> memref<1x128xi32, #tpu.memory_space<vmem>>
    %dma_wait3A_66 = tpu.memref_squeeze %dma_wait3A_65 : memref<1x128xi32, #tpu.memory_space<vmem>> -> memref<128xi32, #tpu.memory_space<vmem>>
    %dma_wait3A_67 = arith.constant 0 : i32
    %dma_wait3A_68 = arith.constant 0 : i32
    %dma_wait3A_69 = tpu.memref_slice %arg15[%dma_wait3A_67, %dma_wait3A_68] : memref<10000x16xf32, #tpu.memory_space<vmem_shared>> -> memref<10000x16xf32, #tpu.memory_space<vmem_shared>>
    tpu.wait_indirect_dma semaphore(%arg22 : memref<!tpu.dma_semaphore, #tpu.memory_space<semaphore_mem>>) src(%dma_wait3A_63 : memref<128x16xf32, #tpu.memory_space<vmem>>) dst(%dma_wait3A_69 : memref<10000x16xf32, #tpu.memory_space<vmem_shared>>)
    %dma_wait3A_70 = arith.constant 74 : i32
    %dma_wait3A_71 = arith.constant 0 : i32
    %dma_wait3A_72 = arith.constant 0 : i32
    %dma_wait3A_73 = tpu.memref_slice %arg12[%dma_wait3A_71, %dma_wait3A_72] : memref<256x16xf32, #tpu.memory_space<vmem>> -> memref<128x16xf32, #tpu.memory_space<vmem>>
    %dma_wait3A_74 = arith.constant 0 : i32
    %dma_wait3A_75 = tpu.memref_slice %arg9[%dma_wait3A_70, %dma_wait3A_74] : memref<80x128xi32, #tpu.memory_space<vmem>> -> memref<1x128xi32, #tpu.memory_space<vmem>>
    %dma_wait3A_76 = tpu.memref_squeeze %dma_wait3A_75 : memref<1x128xi32, #tpu.memory_space<vmem>> -> memref<128xi32, #tpu.memory_space<vmem>>
    %dma_wait3A_77 = arith.constant 0 : i32
    %dma_wait3A_78 = arith.constant 0 : i32
    %dma_wait3A_79 = tpu.memref_slice %arg15[%dma_wait3A_77, %dma_wait3A_78] : memref<10000x16xf32, #tpu.memory_space<vmem_shared>> -> memref<10000x16xf32, #tpu.memory_space<vmem_shared>>
    tpu.wait_indirect_dma semaphore(%arg21 : memref<!tpu.dma_semaphore, #tpu.memory_space<semaphore_mem>>) src(%dma_wait3A_73 : memref<128x16xf32, #tpu.memory_space<vmem>>) dst(%dma_wait3A_79 : memref<10000x16xf32, #tpu.memory_space<vmem_shared>>)
    %dma_wait3A_80 = arith.constant 75 : i32
    %dma_wait3A_81 = arith.constant 128 : i32
    %dma_wait3A_82 = arith.constant 0 : i32
    %dma_wait3A_83 = tpu.memref_slice %arg12[%dma_wait3A_81, %dma_wait3A_82] : memref<256x16xf32, #tpu.memory_space<vmem>> -> memref<128x16xf32, #tpu.memory_space<vmem>>
    %dma_wait3A_84 = arith.constant 0 : i32
    %dma_wait3A_85 = tpu.memref_slice %arg9[%dma_wait3A_80, %dma_wait3A_84] : memref<80x128xi32, #tpu.memory_space<vmem>> -> memref<1x128xi32, #tpu.memory_space<vmem>>
    %dma_wait3A_86 = tpu.memref_squeeze %dma_wait3A_85 : memref<1x128xi32, #tpu.memory_space<vmem>> -> memref<128xi32, #tpu.memory_space<vmem>>
    %dma_wait3A_87 = arith.constant 0 : i32
    %dma_wait3A_88 = arith.constant 0 : i32
    %dma_wait3A_89 = tpu.memref_slice %arg15[%dma_wait3A_87, %dma_wait3A_88] : memref<10000x16xf32, #tpu.memory_space<vmem_shared>> -> memref<10000x16xf32, #tpu.memory_space<vmem_shared>>
    tpu.wait_indirect_dma semaphore(%arg21 : memref<!tpu.dma_semaphore, #tpu.memory_space<semaphore_mem>>) src(%dma_wait3A_83 : memref<128x16xf32, #tpu.memory_space<vmem>>) dst(%dma_wait3A_89 : memref<10000x16xf32, #tpu.memory_space<vmem_shared>>)
    %dma_wait3A_90 = arith.constant 72 : i32
    %dma_wait3A_91 = arith.constant 0 : i32
    %dma_wait3A_92 = arith.constant 0 : i32
    %dma_wait3A_93 = tpu.memref_slice %arg11[%dma_wait3A_91, %dma_wait3A_92] : memref<256x16xf32, #tpu.memory_space<vmem>> -> memref<128x16xf32, #tpu.memory_space<vmem>>
    %dma_wait3A_94 = arith.constant 0 : i32
    %dma_wait3A_95 = tpu.memref_slice %arg9[%dma_wait3A_90, %dma_wait3A_94] : memref<80x128xi32, #tpu.memory_space<vmem>> -> memref<1x128xi32, #tpu.memory_space<vmem>>
    %dma_wait3A_96 = tpu.memref_squeeze %dma_wait3A_95 : memref<1x128xi32, #tpu.memory_space<vmem>> -> memref<128xi32, #tpu.memory_space<vmem>>
    %dma_wait3A_97 = arith.constant 0 : i32
    %dma_wait3A_98 = arith.constant 0 : i32
    %dma_wait3A_99 = tpu.memref_slice %arg15[%dma_wait3A_97, %dma_wait3A_98] : memref<10000x16xf32, #tpu.memory_space<vmem_shared>> -> memref<10000x16xf32, #tpu.memory_space<vmem_shared>>
    tpu.wait_indirect_dma semaphore(%arg20 : memref<!tpu.dma_semaphore, #tpu.memory_space<semaphore_mem>>) src(%dma_wait3A_93 : memref<128x16xf32, #tpu.memory_space<vmem>>) dst(%dma_wait3A_99 : memref<10000x16xf32, #tpu.memory_space<vmem_shared>>)
    %dma_wait3A_100 = arith.constant 73 : i32
    %dma_wait3A_101 = arith.constant 128 : i32
    %dma_wait3A_102 = arith.constant 0 : i32
    %dma_wait3A_103 = tpu.memref_slice %arg11[%dma_wait3A_101, %dma_wait3A_102] : memref<256x16xf32, #tpu.memory_space<vmem>> -> memref<128x16xf32, #tpu.memory_space<vmem>>
    %dma_wait3A_104 = arith.constant 0 : i32
    %dma_wait3A_105 = tpu.memref_slice %arg9[%dma_wait3A_100, %dma_wait3A_104] : memref<80x128xi32, #tpu.memory_space<vmem>> -> memref<1x128xi32, #tpu.memory_space<vmem>>
    %dma_wait3A_106 = tpu.memref_squeeze %dma_wait3A_105 : memref<1x128xi32, #tpu.memory_space<vmem>> -> memref<128xi32, #tpu.memory_space<vmem>>
    %dma_wait3A_107 = arith.constant 0 : i32
    %dma_wait3A_108 = arith.constant 0 : i32
    %dma_wait3A_109 = tpu.memref_slice %arg15[%dma_wait3A_107, %dma_wait3A_108] : memref<10000x16xf32, #tpu.memory_space<vmem_shared>> -> memref<10000x16xf32, #tpu.memory_space<vmem_shared>>
    tpu.wait_indirect_dma semaphore(%arg20 : memref<!tpu.dma_semaphore, #tpu.memory_space<semaphore_mem>>) src(%dma_wait3A_103 : memref<128x16xf32, #tpu.memory_space<vmem>>) dst(%dma_wait3A_109 : memref<10000x16xf32, #tpu.memory_space<vmem_shared>>)
    %barrier3A_110 = arith.constant 0 : index
    tpu.barrier barrier_id(%barrier3A_110)
    %lt3A_111 = arith.constant 15 : i32
    %lt3A_112 = arith.cmpi slt, %arg1, %lt3A_111 : i32
    %convert_element_type3A_113 = arith.extui %lt3A_112 : i1 to i32
    %cond3A_114 = arith.constant 0 : i32
    %cond3A_115 = arith.cmpi ne, %convert_element_type3A_113, %cond3A_114 : i32
    scf.if %cond3A_115 {
      %mul3A_121 = arith.constant 624 : i32
      %mul3A_122 = arith.muli %arg1, %mul3A_121 : i32
      "tpu.region"() ({
        %run_scoped3A = tpu.sem_alloc : memref<!tpu.dma_semaphore, #tpu.memory_space<semaphore_mem>>
        %dma_start3A_123 = arith.constant 0 : i32
        %dma_start3A_124 = arith.constant 0 : i32
        %dma_start3A_125 = tpu.memref_slice %arg7[%arg0, %dma_start3A_123, %dma_start3A_124] : memref<2x10000x16xf32, #tpu.memory_space<hbm>> -> memref<1x10000x16xf32, #tpu.memory_space<hbm>>
        %dma_start3A_126 = tpu.memref_squeeze %dma_start3A_125 : memref<1x10000x16xf32, #tpu.memory_space<hbm>> -> memref<10000x16xf32, #tpu.memory_space<hbm>>
        %dma_start3A_127 = arith.constant 0 : i32
        %dma_start3A_128 = tpu.memref_slice %dma_start3A_126[%mul3A_122, %dma_start3A_127] : memref<10000x16xf32, #tpu.memory_space<hbm>> -> memref<624x16xf32, #tpu.memory_space<hbm>>
        %dma_start3A_129 = arith.constant 0 : i32
        %dma_start3A_130 = tpu.memref_slice %arg15[%mul3A_122, %dma_start3A_129] : memref<10000x16xf32, #tpu.memory_space<vmem_shared>> -> memref<624x16xf32, #tpu.memory_space<vmem_shared>>
        tpu.enqueue_dma source(%dma_start3A_130 : memref<624x16xf32, #tpu.memory_space<vmem_shared>>) target(%dma_start3A_128 : memref<624x16xf32, #tpu.memory_space<hbm>>) target_semaphore(%run_scoped3A : memref<!tpu.dma_semaphore, #tpu.memory_space<semaphore_mem>>)
        %dma_wait3A_131 = arith.constant 0 : i32
        %dma_wait3A_132 = arith.constant 0 : i32
        %dma_wait3A_133 = tpu.memref_slice %arg7[%arg0, %dma_wait3A_131, %dma_wait3A_132] : memref<2x10000x16xf32, #tpu.memory_space<hbm>> -> memref<1x10000x16xf32, #tpu.memory_space<hbm>>
        %dma_wait3A_134 = tpu.memref_squeeze %dma_wait3A_133 : memref<1x10000x16xf32, #tpu.memory_space<hbm>> -> memref<10000x16xf32, #tpu.memory_space<hbm>>
        %dma_wait3A_135 = arith.constant 0 : i32
        %dma_wait3A_136 = tpu.memref_slice %dma_wait3A_134[%mul3A_122, %dma_wait3A_135] : memref<10000x16xf32, #tpu.memory_space<hbm>> -> memref<624x16xf32, #tpu.memory_space<hbm>>
        %dma_wait3A_137 = arith.constant 0 : i32
        %dma_wait3A_138 = tpu.memref_slice %arg15[%mul3A_122, %dma_wait3A_137] : memref<10000x16xf32, #tpu.memory_space<vmem_shared>> -> memref<624x16xf32, #tpu.memory_space<vmem_shared>>
        tpu.wait_dma2 semaphore(%run_scoped3A : memref<!tpu.dma_semaphore, #tpu.memory_space<semaphore_mem>>) src(%dma_wait3A_138 : memref<624x16xf32, #tpu.memory_space<vmem_shared>>) dst(%dma_wait3A_136 : memref<624x16xf32, #tpu.memory_space<hbm>>)
        tpu.yield
      }) : () -> ()
    } else {
    }
    %eq3A_116 = arith.constant 15 : i32
    %eq3A_117 = arith.cmpi eq, %arg1, %eq3A_116 : i32
    %convert_element_type3A_118 = arith.extui %eq3A_117 : i1 to i32
    %cond3A_119 = arith.constant 0 : i32
    %cond3A_120 = arith.cmpi ne, %convert_element_type3A_118, %cond3A_119 : i32
    scf.if %cond3A_120 {
      "tpu.region"() ({
        %run_scoped3A = tpu.sem_alloc : memref<!tpu.dma_semaphore, #tpu.memory_space<semaphore_mem>>
        %dma_start3A_121 = arith.constant 0 : i32
        %dma_start3A_122 = arith.constant 0 : i32
        %dma_start3A_123 = tpu.memref_slice %arg7[%arg0, %dma_start3A_121, %dma_start3A_122] : memref<2x10000x16xf32, #tpu.memory_space<hbm>> -> memref<1x10000x16xf32, #tpu.memory_space<hbm>>
        %dma_start3A_124 = tpu.memref_squeeze %dma_start3A_123 : memref<1x10000x16xf32, #tpu.memory_space<hbm>> -> memref<10000x16xf32, #tpu.memory_space<hbm>>
        %dma_start3A_125 = arith.constant 9360 : i32
        %dma_start3A_126 = arith.constant 0 : i32
        %dma_start3A_127 = tpu.memref_slice %dma_start3A_124[%dma_start3A_125, %dma_start3A_126] : memref<10000x16xf32, #tpu.memory_space<hbm>> -> memref<640x16xf32, #tpu.memory_space<hbm>>
        %dma_start3A_128 = arith.constant 9360 : i32
        %dma_start3A_129 = arith.constant 0 : i32
        %dma_start3A_130 = tpu.memref_slice %arg15[%dma_start3A_128, %dma_start3A_129] : memref<10000x16xf32, #tpu.memory_space<vmem_shared>> -> memref<640x16xf32, #tpu.memory_space<vmem_shared>>
        tpu.enqueue_dma source(%dma_start3A_130 : memref<640x16xf32, #tpu.memory_space<vmem_shared>>) target(%dma_start3A_127 : memref<640x16xf32, #tpu.memory_space<hbm>>) target_semaphore(%run_scoped3A : memref<!tpu.dma_semaphore, #tpu.memory_space<semaphore_mem>>)
        %dma_wait3A_131 = arith.constant 0 : i32
        %dma_wait3A_132 = arith.constant 0 : i32
        %dma_wait3A_133 = tpu.memref_slice %arg7[%arg0, %dma_wait3A_131, %dma_wait3A_132] : memref<2x10000x16xf32, #tpu.memory_space<hbm>> -> memref<1x10000x16xf32, #tpu.memory_space<hbm>>
        %dma_wait3A_134 = tpu.memref_squeeze %dma_wait3A_133 : memref<1x10000x16xf32, #tpu.memory_space<hbm>> -> memref<10000x16xf32, #tpu.memory_space<hbm>>
        %dma_wait3A_135 = arith.constant 9360 : i32
        %dma_wait3A_136 = arith.constant 0 : i32
        %dma_wait3A_137 = tpu.memref_slice %dma_wait3A_134[%dma_wait3A_135, %dma_wait3A_136] : memref<10000x16xf32, #tpu.memory_space<hbm>> -> memref<640x16xf32, #tpu.memory_space<hbm>>
        %dma_wait3A_138 = arith.constant 9360 : i32
        %dma_wait3A_139 = arith.constant 0 : i32
        %dma_wait3A_140 = tpu.memref_slice %arg15[%dma_wait3A_138, %dma_wait3A_139] : memref<10000x16xf32, #tpu.memory_space<vmem_shared>> -> memref<640x16xf32, #tpu.memory_space<vmem_shared>>
        tpu.wait_dma2 semaphore(%run_scoped3A : memref<!tpu.dma_semaphore, #tpu.memory_space<semaphore_mem>>) src(%dma_wait3A_140 : memref<640x16xf32, #tpu.memory_space<vmem_shared>>) dst(%dma_wait3A_137 : memref<640x16xf32, #tpu.memory_space<hbm>>)
        tpu.yield
      }) : () -> ()
    } else {
    }
    return
  }
}

#map = affine_map<(d0, d1) -> (0, 0, 0)>
#map1 = affine_map<(d0, d1) -> (0)>
#map2 = affine_map<(d0, d1) -> (0, 0)>
module attributes {stable_mosaic.version = 14 : i64} {
  func.func @deg_kernel(%arg0: i32, %arg1: i32, %arg2: memref<32x80x128xi32, #tpu.memory_space<hbm>>, %arg3: memref<32x80x128xf32, #tpu.memory_space<hbm>>, %arg4: memref<10000xf32, #tpu.memory_space<hbm>>, %arg5: memref<2x10000xf32, #tpu.memory_space<hbm>>, %arg6: memref<80x128xi32, #tpu.memory_space<vmem>>, %arg7: memref<80x128xf32, #tpu.memory_space<vmem>>, %arg8: memref<10000xf32, #tpu.memory_space<vmem_shared>>, %arg9: memref<!tpu.dma_semaphore, #tpu.memory_space<semaphore_mem>>) attributes {dimension_semantics = [#tpu.dimension_semantics<core_parallel>, #tpu.dimension_semantics<subcore_parallel>], iteration_bounds = array<i64: 2, 16>, scalar_prefetch = 0 : i64, scratch_operands = 4 : i64, tpu.core_type = #tpu.core_type<sc_vector_subcore>, window_params = [{transform_indices = #map}, {transform_indices = #map}, {transform_indices = #map1}, {transform_indices = #map2}]} {
    %mul3A = arith.constant 16 : i32
    %mul3A_0 = arith.muli %arg0, %mul3A : i32
    %add3A = arith.addi %mul3A_0, %arg1 : i32
    %eq3A = arith.constant 0 : i32
    %eq3A_1 = arith.cmpi eq, %arg1, %eq3A : i32
    %convert_element_type3A = arith.extui %eq3A_1 : i1 to i32
    %cond3A = arith.constant 0 : i32
    %cond3A_2 = arith.cmpi ne, %convert_element_type3A, %cond3A : i32
    scf.if %cond3A_2 {
      "tpu.region"() ({
        %run_scoped3A = tpu.sem_alloc : memref<!tpu.dma_semaphore, #tpu.memory_space<semaphore_mem>>
        tpu.enqueue_dma source(%arg4 : memref<10000xf32, #tpu.memory_space<hbm>>) target(%arg8 : memref<10000xf32, #tpu.memory_space<vmem_shared>>) target_semaphore(%run_scoped3A : memref<!tpu.dma_semaphore, #tpu.memory_space<semaphore_mem>>)
        tpu.wait_dma2 semaphore(%run_scoped3A : memref<!tpu.dma_semaphore, #tpu.memory_space<semaphore_mem>>) src(%arg4 : memref<10000xf32, #tpu.memory_space<hbm>>) dst(%arg8 : memref<10000xf32, #tpu.memory_space<vmem_shared>>)
        tpu.yield
      }) : () -> ()
    } else {
    }
    "tpu.region"() ({
      %run_scoped3A = tpu.sem_alloc : memref<!tpu.dma_semaphore, #tpu.memory_space<semaphore_mem>>
      %dma_start3A = arith.constant 0 : i32
      %dma_start3A_20 = arith.constant 0 : i32
      %dma_start3A_21 = tpu.memref_slice %arg2[%add3A, %dma_start3A, %dma_start3A_20] : memref<32x80x128xi32, #tpu.memory_space<hbm>> -> memref<1x80x128xi32, #tpu.memory_space<hbm>>
      %dma_start3A_22 = tpu.memref_squeeze %dma_start3A_21 : memref<1x80x128xi32, #tpu.memory_space<hbm>> -> memref<80x128xi32, #tpu.memory_space<hbm>>
      %dma_start3A_23 = arith.constant 0 : i32
      %dma_start3A_24 = arith.constant 0 : i32
      %dma_start3A_25 = tpu.memref_slice %arg2[%add3A, %dma_start3A_23, %dma_start3A_24] : memref<32x80x128xi32, #tpu.memory_space<hbm>> -> memref<1x80x128xi32, #tpu.memory_space<hbm>>
      %dma_start3A_26 = tpu.memref_squeeze %dma_start3A_25 : memref<1x80x128xi32, #tpu.memory_space<hbm>> -> memref<80x128xi32, #tpu.memory_space<hbm>>
      tpu.enqueue_dma source(%dma_start3A_26 : memref<80x128xi32, #tpu.memory_space<hbm>>) target(%arg6 : memref<80x128xi32, #tpu.memory_space<vmem>>) target_semaphore(%run_scoped3A : memref<!tpu.dma_semaphore, #tpu.memory_space<semaphore_mem>>)
      %dma_wait3A = arith.constant 0 : i32
      %dma_wait3A_27 = arith.constant 0 : i32
      %dma_wait3A_28 = tpu.memref_slice %arg2[%add3A, %dma_wait3A, %dma_wait3A_27] : memref<32x80x128xi32, #tpu.memory_space<hbm>> -> memref<1x80x128xi32, #tpu.memory_space<hbm>>
      %dma_wait3A_29 = tpu.memref_squeeze %dma_wait3A_28 : memref<1x80x128xi32, #tpu.memory_space<hbm>> -> memref<80x128xi32, #tpu.memory_space<hbm>>
      %dma_wait3A_30 = arith.constant 0 : i32
      %dma_wait3A_31 = arith.constant 0 : i32
      %dma_wait3A_32 = tpu.memref_slice %arg2[%add3A, %dma_wait3A_30, %dma_wait3A_31] : memref<32x80x128xi32, #tpu.memory_space<hbm>> -> memref<1x80x128xi32, #tpu.memory_space<hbm>>
      %dma_wait3A_33 = tpu.memref_squeeze %dma_wait3A_32 : memref<1x80x128xi32, #tpu.memory_space<hbm>> -> memref<80x128xi32, #tpu.memory_space<hbm>>
      tpu.wait_dma2 semaphore(%run_scoped3A : memref<!tpu.dma_semaphore, #tpu.memory_space<semaphore_mem>>) src(%dma_wait3A_33 : memref<80x128xi32, #tpu.memory_space<hbm>>) dst(%arg6 : memref<80x128xi32, #tpu.memory_space<vmem>>)
      tpu.yield
    }) : () -> ()
    "tpu.region"() ({
      %run_scoped3A = tpu.sem_alloc : memref<!tpu.dma_semaphore, #tpu.memory_space<semaphore_mem>>
      %dma_start3A = arith.constant 0 : i32
      %dma_start3A_20 = arith.constant 0 : i32
      %dma_start3A_21 = tpu.memref_slice %arg3[%add3A, %dma_start3A, %dma_start3A_20] : memref<32x80x128xf32, #tpu.memory_space<hbm>> -> memref<1x80x128xf32, #tpu.memory_space<hbm>>
      %dma_start3A_22 = tpu.memref_squeeze %dma_start3A_21 : memref<1x80x128xf32, #tpu.memory_space<hbm>> -> memref<80x128xf32, #tpu.memory_space<hbm>>
      %dma_start3A_23 = arith.constant 0 : i32
      %dma_start3A_24 = arith.constant 0 : i32
      %dma_start3A_25 = tpu.memref_slice %arg3[%add3A, %dma_start3A_23, %dma_start3A_24] : memref<32x80x128xf32, #tpu.memory_space<hbm>> -> memref<1x80x128xf32, #tpu.memory_space<hbm>>
      %dma_start3A_26 = tpu.memref_squeeze %dma_start3A_25 : memref<1x80x128xf32, #tpu.memory_space<hbm>> -> memref<80x128xf32, #tpu.memory_space<hbm>>
      tpu.enqueue_dma source(%dma_start3A_26 : memref<80x128xf32, #tpu.memory_space<hbm>>) target(%arg7 : memref<80x128xf32, #tpu.memory_space<vmem>>) target_semaphore(%run_scoped3A : memref<!tpu.dma_semaphore, #tpu.memory_space<semaphore_mem>>)
      %dma_wait3A = arith.constant 0 : i32
      %dma_wait3A_27 = arith.constant 0 : i32
      %dma_wait3A_28 = tpu.memref_slice %arg3[%add3A, %dma_wait3A, %dma_wait3A_27] : memref<32x80x128xf32, #tpu.memory_space<hbm>> -> memref<1x80x128xf32, #tpu.memory_space<hbm>>
      %dma_wait3A_29 = tpu.memref_squeeze %dma_wait3A_28 : memref<1x80x128xf32, #tpu.memory_space<hbm>> -> memref<80x128xf32, #tpu.memory_space<hbm>>
      %dma_wait3A_30 = arith.constant 0 : i32
      %dma_wait3A_31 = arith.constant 0 : i32
      %dma_wait3A_32 = tpu.memref_slice %arg3[%add3A, %dma_wait3A_30, %dma_wait3A_31] : memref<32x80x128xf32, #tpu.memory_space<hbm>> -> memref<1x80x128xf32, #tpu.memory_space<hbm>>
      %dma_wait3A_33 = tpu.memref_squeeze %dma_wait3A_32 : memref<1x80x128xf32, #tpu.memory_space<hbm>> -> memref<80x128xf32, #tpu.memory_space<hbm>>
      tpu.wait_dma2 semaphore(%run_scoped3A : memref<!tpu.dma_semaphore, #tpu.memory_space<semaphore_mem>>) src(%dma_wait3A_33 : memref<80x128xf32, #tpu.memory_space<hbm>>) dst(%arg7 : memref<80x128xf32, #tpu.memory_space<vmem>>)
      tpu.yield
    }) : () -> ()
    %barrier3A = arith.constant 0 : index
    tpu.barrier barrier_id(%barrier3A)
    %scan3A = arith.constant 0 : i32
    %scan3A_3 = arith.constant 0 : i32
    %scan3A_4 = arith.constant 80 : i32
    %scan3A_5 = arith.addi %scan3A_3, %scan3A_4 : i32
    %scan3A_6 = arith.constant 1 : i32
    scf.for %scan3A_20 = %scan3A_3 to %scan3A_5 step %scan3A_6  : i32 {
      %dma_start3A = arith.constant 0 : i32
      %dma_start3A_21 = tpu.memref_slice %arg7[%scan3A_20, %dma_start3A] : memref<80x128xf32, #tpu.memory_space<vmem>> -> memref<1x128xf32, #tpu.memory_space<vmem>>
      %dma_start3A_22 = tpu.memref_squeeze %dma_start3A_21 : memref<1x128xf32, #tpu.memory_space<vmem>> -> memref<128xf32, #tpu.memory_space<vmem>>
      %dma_start3A_23 = arith.constant 0 : i32
      %dma_start3A_24 = tpu.memref_slice %arg6[%scan3A_20, %dma_start3A_23] : memref<80x128xi32, #tpu.memory_space<vmem>> -> memref<1x128xi32, #tpu.memory_space<vmem>>
      %dma_start3A_25 = tpu.memref_squeeze %dma_start3A_24 : memref<1x128xi32, #tpu.memory_space<vmem>> -> memref<128xi32, #tpu.memory_space<vmem>>
      %dma_start3A_26 = arith.constant 0 : i32
      %dma_start3A_27 = tpu.memref_slice %arg8[%dma_start3A_26] : memref<10000xf32, #tpu.memory_space<vmem_shared>> -> memref<10000xf32, #tpu.memory_space<vmem_shared>>
      tpu.enqueue_indirect_dma source(%dma_start3A_22 : memref<128xf32, #tpu.memory_space<vmem>>) target(%dma_start3A_27 : memref<10000xf32, #tpu.memory_space<vmem_shared>>) offsets(%dma_start3A_25 : memref<128xi32, #tpu.memory_space<vmem>>) semaphore(%arg9 : memref<!tpu.dma_semaphore, #tpu.memory_space<semaphore_mem>>) {add = true}
    }
    %scan3A_7 = arith.constant 80 : i32
    %scan3A_8 = arith.constant 0 : i32
    %scan3A_9 = arith.constant 0 : i32
    %scan3A_10 = arith.constant 80 : i32
    %scan3A_11 = arith.addi %scan3A_9, %scan3A_10 : i32
    %scan3A_12 = arith.constant 1 : i32
    scf.for %scan3A_20 = %scan3A_9 to %scan3A_11 step %scan3A_12  : i32 {
      %dma_wait3A = arith.constant 0 : i32
      %dma_wait3A_21 = tpu.memref_slice %arg7[%scan3A_20, %dma_wait3A] : memref<80x128xf32, #tpu.memory_space<vmem>> -> memref<1x128xf32, #tpu.memory_space<vmem>>
      %dma_wait3A_22 = tpu.memref_squeeze %dma_wait3A_21 : memref<1x128xf32, #tpu.memory_space<vmem>> -> memref<128xf32, #tpu.memory_space<vmem>>
      %dma_wait3A_23 = arith.constant 0 : i32
      %dma_wait3A_24 = tpu.memref_slice %arg6[%scan3A_20, %dma_wait3A_23] : memref<80x128xi32, #tpu.memory_space<vmem>> -> memref<1x128xi32, #tpu.memory_space<vmem>>
      %dma_wait3A_25 = tpu.memref_squeeze %dma_wait3A_24 : memref<1x128xi32, #tpu.memory_space<vmem>> -> memref<128xi32, #tpu.memory_space<vmem>>
      %dma_wait3A_26 = arith.constant 0 : i32
      %dma_wait3A_27 = tpu.memref_slice %arg8[%dma_wait3A_26] : memref<10000xf32, #tpu.memory_space<vmem_shared>> -> memref<10000xf32, #tpu.memory_space<vmem_shared>>
      tpu.wait_indirect_dma semaphore(%arg9 : memref<!tpu.dma_semaphore, #tpu.memory_space<semaphore_mem>>) src(%dma_wait3A_22 : memref<128xf32, #tpu.memory_space<vmem>>) dst(%dma_wait3A_27 : memref<10000xf32, #tpu.memory_space<vmem_shared>>)
    }
    %scan3A_13 = arith.constant 80 : i32
    %barrier3A_14 = arith.constant 0 : index
    tpu.barrier barrier_id(%barrier3A_14)
    %eq3A_15 = arith.constant 0 : i32
    %eq3A_16 = arith.cmpi eq, %arg1, %eq3A_15 : i32
    %convert_element_type3A_17 = arith.extui %eq3A_16 : i1 to i32
    %cond3A_18 = arith.constant 0 : i32
    %cond3A_19 = arith.cmpi ne, %convert_element_type3A_17, %cond3A_18 : i32
    scf.if %cond3A_19 {
      "tpu.region"() ({
        %run_scoped3A = tpu.sem_alloc : memref<!tpu.dma_semaphore, #tpu.memory_space<semaphore_mem>>
        %dma_start3A = arith.constant 0 : i32
        %dma_start3A_20 = tpu.memref_slice %arg5[%arg0, %dma_start3A] : memref<2x10000xf32, #tpu.memory_space<hbm>> -> memref<1x10000xf32, #tpu.memory_space<hbm>>
        %dma_start3A_21 = tpu.memref_squeeze %dma_start3A_20 : memref<1x10000xf32, #tpu.memory_space<hbm>> -> memref<10000xf32, #tpu.memory_space<hbm>>
        tpu.enqueue_dma source(%arg8 : memref<10000xf32, #tpu.memory_space<vmem_shared>>) target(%dma_start3A_21 : memref<10000xf32, #tpu.memory_space<hbm>>) target_semaphore(%run_scoped3A : memref<!tpu.dma_semaphore, #tpu.memory_space<semaphore_mem>>)
        %dma_wait3A = arith.constant 0 : i32
        %dma_wait3A_22 = tpu.memref_slice %arg5[%arg0, %dma_wait3A] : memref<2x10000xf32, #tpu.memory_space<hbm>> -> memref<1x10000xf32, #tpu.memory_space<hbm>>
        %dma_wait3A_23 = tpu.memref_squeeze %dma_wait3A_22 : memref<1x10000xf32, #tpu.memory_space<hbm>> -> memref<10000xf32, #tpu.memory_space<hbm>>
        tpu.wait_dma2 semaphore(%run_scoped3A : memref<!tpu.dma_semaphore, #tpu.memory_space<semaphore_mem>>) src(%arg8 : memref<10000xf32, #tpu.memory_space<vmem_shared>>) dst(%dma_wait3A_23 : memref<10000xf32, #tpu.memory_space<hbm>>)
        tpu.yield
      }) : () -> ()
    } else {
    }
    return
  }
}

#map = affine_map<(d0, d1) -> (0, 0)>
#map1 = affine_map<(d0, d1) -> (0, 0, 0)>
module attributes {stable_mosaic.version = 14 : i64} {
  func.func @agg_kernel(%arg0: i32, %arg1: i32, %arg2: memref<10000x48xf32, #tpu.memory_space<hbm>>, %arg3: memref<32x80x128xi32, #tpu.memory_space<hbm>>, %arg4: memref<32x80x128xi32, #tpu.memory_space<hbm>>, %arg5: memref<32x40x256xf32, #tpu.memory_space<hbm>>, %arg6: memref<10000x48xf32, #tpu.memory_space<hbm>>, %arg7: memref<2x10000x48xf32, #tpu.memory_space<hbm>>, %arg8: memref<80x128xi32, #tpu.memory_space<vmem>>, %arg9: memref<80x128xi32, #tpu.memory_space<vmem>>, %arg10: memref<40x256xf32, #tpu.memory_space<vmem>>, %arg11: memref<256x48xf32, #tpu.memory_space<vmem>>, %arg12: memref<256x48xf32, #tpu.memory_space<vmem>>, %arg13: memref<256x48xf32, #tpu.memory_space<vmem>>, %arg14: memref<256x48xf32, #tpu.memory_space<vmem>>, %arg15: memref<10000x48xf32, #tpu.memory_space<vmem_shared>>, %arg16: memref<!tpu.dma_semaphore, #tpu.memory_space<semaphore_mem>>, %arg17: memref<!tpu.dma_semaphore, #tpu.memory_space<semaphore_mem>>, %arg18: memref<!tpu.dma_semaphore, #tpu.memory_space<semaphore_mem>>, %arg19: memref<!tpu.dma_semaphore, #tpu.memory_space<semaphore_mem>>, %arg20: memref<!tpu.dma_semaphore, #tpu.memory_space<semaphore_mem>>, %arg21: memref<!tpu.dma_semaphore, #tpu.memory_space<semaphore_mem>>, %arg22: memref<!tpu.dma_semaphore, #tpu.memory_space<semaphore_mem>>, %arg23: memref<!tpu.dma_semaphore, #tpu.memory_space<semaphore_mem>>) attributes {dimension_semantics = [#tpu.dimension_semantics<core_parallel>, #tpu.dimension_semantics<subcore_parallel>], iteration_bounds = array<i64: 2, 16>, scalar_prefetch = 0 : i64, scratch_operands = 16 : i64, tpu.core_type = #tpu.core_type<sc_vector_subcore>, window_params = [{transform_indices = #map}, {transform_indices = #map1}, {transform_indices = #map1}, {transform_indices = #map1}, {transform_indices = #map}, {transform_indices = #map1}]} {
    %mul3A = arith.constant 16 : i32
    %mul3A_0 = arith.muli %arg0, %mul3A : i32
    %add3A = arith.addi %mul3A_0, %arg1 : i32
    %lt3A = arith.constant 15 : i32
    %lt3A_1 = arith.cmpi slt, %arg1, %lt3A : i32
    %convert_element_type3A = arith.extui %lt3A_1 : i1 to i32
    %cond3A = arith.constant 0 : i32
    %cond3A_2 = arith.cmpi ne, %convert_element_type3A, %cond3A : i32
    scf.if %cond3A_2 {
      %mul3A_121 = arith.constant 624 : i32
      %mul3A_122 = arith.muli %arg1, %mul3A_121 : i32
      "tpu.region"() ({
        %run_scoped3A = tpu.sem_alloc : memref<!tpu.dma_semaphore, #tpu.memory_space<semaphore_mem>>
        %dma_start3A_123 = arith.constant 0 : i32
        %dma_start3A_124 = tpu.memref_slice %arg15[%mul3A_122, %dma_start3A_123] : memref<10000x48xf32, #tpu.memory_space<vmem_shared>> -> memref<624x48xf32, #tpu.memory_space<vmem_shared>>
        %dma_start3A_125 = arith.constant 0 : i32
        %dma_start3A_126 = tpu.memref_slice %arg6[%mul3A_122, %dma_start3A_125] : memref<10000x48xf32, #tpu.memory_space<hbm>> -> memref<624x48xf32, #tpu.memory_space<hbm>>
        tpu.enqueue_dma source(%dma_start3A_126 : memref<624x48xf32, #tpu.memory_space<hbm>>) target(%dma_start3A_124 : memref<624x48xf32, #tpu.memory_space<vmem_shared>>) target_semaphore(%run_scoped3A : memref<!tpu.dma_semaphore, #tpu.memory_space<semaphore_mem>>)
        %dma_wait3A_127 = arith.constant 0 : i32
        %dma_wait3A_128 = tpu.memref_slice %arg15[%mul3A_122, %dma_wait3A_127] : memref<10000x48xf32, #tpu.memory_space<vmem_shared>> -> memref<624x48xf32, #tpu.memory_space<vmem_shared>>
        %dma_wait3A_129 = arith.constant 0 : i32
        %dma_wait3A_130 = tpu.memref_slice %arg6[%mul3A_122, %dma_wait3A_129] : memref<10000x48xf32, #tpu.memory_space<hbm>> -> memref<624x48xf32, #tpu.memory_space<hbm>>
        tpu.wait_dma2 semaphore(%run_scoped3A : memref<!tpu.dma_semaphore, #tpu.memory_space<semaphore_mem>>) src(%dma_wait3A_130 : memref<624x48xf32, #tpu.memory_space<hbm>>) dst(%dma_wait3A_128 : memref<624x48xf32, #tpu.memory_space<vmem_shared>>)
        tpu.yield
      }) : () -> ()
    } else {
    }
    %eq3A = arith.constant 15 : i32
    %eq3A_3 = arith.cmpi eq, %arg1, %eq3A : i32
    %convert_element_type3A_4 = arith.extui %eq3A_3 : i1 to i32
    %cond3A_5 = arith.constant 0 : i32
    %cond3A_6 = arith.cmpi ne, %convert_element_type3A_4, %cond3A_5 : i32
    scf.if %cond3A_6 {
      "tpu.region"() ({
        %run_scoped3A = tpu.sem_alloc : memref<!tpu.dma_semaphore, #tpu.memory_space<semaphore_mem>>
        %dma_start3A_121 = arith.constant 9360 : i32
        %dma_start3A_122 = arith.constant 0 : i32
        %dma_start3A_123 = tpu.memref_slice %arg15[%dma_start3A_121, %dma_start3A_122] : memref<10000x48xf32, #tpu.memory_space<vmem_shared>> -> memref<640x48xf32, #tpu.memory_space<vmem_shared>>
        %dma_start3A_124 = arith.constant 9360 : i32
        %dma_start3A_125 = arith.constant 0 : i32
        %dma_start3A_126 = tpu.memref_slice %arg6[%dma_start3A_124, %dma_start3A_125] : memref<10000x48xf32, #tpu.memory_space<hbm>> -> memref<640x48xf32, #tpu.memory_space<hbm>>
        tpu.enqueue_dma source(%dma_start3A_126 : memref<640x48xf32, #tpu.memory_space<hbm>>) target(%dma_start3A_123 : memref<640x48xf32, #tpu.memory_space<vmem_shared>>) target_semaphore(%run_scoped3A : memref<!tpu.dma_semaphore, #tpu.memory_space<semaphore_mem>>)
        %dma_wait3A_127 = arith.constant 9360 : i32
        %dma_wait3A_128 = arith.constant 0 : i32
        %dma_wait3A_129 = tpu.memref_slice %arg15[%dma_wait3A_127, %dma_wait3A_128] : memref<10000x48xf32, #tpu.memory_space<vmem_shared>> -> memref<640x48xf32, #tpu.memory_space<vmem_shared>>
        %dma_wait3A_130 = arith.constant 9360 : i32
        %dma_wait3A_131 = arith.constant 0 : i32
        %dma_wait3A_132 = tpu.memref_slice %arg6[%dma_wait3A_130, %dma_wait3A_131] : memref<10000x48xf32, #tpu.memory_space<hbm>> -> memref<640x48xf32, #tpu.memory_space<hbm>>
        tpu.wait_dma2 semaphore(%run_scoped3A : memref<!tpu.dma_semaphore, #tpu.memory_space<semaphore_mem>>) src(%dma_wait3A_132 : memref<640x48xf32, #tpu.memory_space<hbm>>) dst(%dma_wait3A_129 : memref<640x48xf32, #tpu.memory_space<vmem_shared>>)
        tpu.yield
      }) : () -> ()
    } else {
    }
    "tpu.region"() ({
      %run_scoped3A = tpu.sem_alloc : memref<!tpu.dma_semaphore, #tpu.memory_space<semaphore_mem>>
      %dma_start3A_121 = arith.constant 0 : i32
      %dma_start3A_122 = arith.constant 0 : i32
      %dma_start3A_123 = tpu.memref_slice %arg3[%add3A, %dma_start3A_121, %dma_start3A_122] : memref<32x80x128xi32, #tpu.memory_space<hbm>> -> memref<1x80x128xi32, #tpu.memory_space<hbm>>
      %dma_start3A_124 = tpu.memref_squeeze %dma_start3A_123 : memref<1x80x128xi32, #tpu.memory_space<hbm>> -> memref<80x128xi32, #tpu.memory_space<hbm>>
      %dma_start3A_125 = arith.constant 0 : i32
      %dma_start3A_126 = arith.constant 0 : i32
      %dma_start3A_127 = tpu.memref_slice %arg3[%add3A, %dma_start3A_125, %dma_start3A_126] : memref<32x80x128xi32, #tpu.memory_space<hbm>> -> memref<1x80x128xi32, #tpu.memory_space<hbm>>
      %dma_start3A_128 = tpu.memref_squeeze %dma_start3A_127 : memref<1x80x128xi32, #tpu.memory_space<hbm>> -> memref<80x128xi32, #tpu.memory_space<hbm>>
      tpu.enqueue_dma source(%dma_start3A_128 : memref<80x128xi32, #tpu.memory_space<hbm>>) target(%arg8 : memref<80x128xi32, #tpu.memory_space<vmem>>) target_semaphore(%run_scoped3A : memref<!tpu.dma_semaphore, #tpu.memory_space<semaphore_mem>>)
      %dma_wait3A_129 = arith.constant 0 : i32
      %dma_wait3A_130 = arith.constant 0 : i32
      %dma_wait3A_131 = tpu.memref_slice %arg3[%add3A, %dma_wait3A_129, %dma_wait3A_130] : memref<32x80x128xi32, #tpu.memory_space<hbm>> -> memref<1x80x128xi32, #tpu.memory_space<hbm>>
      %dma_wait3A_132 = tpu.memref_squeeze %dma_wait3A_131 : memref<1x80x128xi32, #tpu.memory_space<hbm>> -> memref<80x128xi32, #tpu.memory_space<hbm>>
      %dma_wait3A_133 = arith.constant 0 : i32
      %dma_wait3A_134 = arith.constant 0 : i32
      %dma_wait3A_135 = tpu.memref_slice %arg3[%add3A, %dma_wait3A_133, %dma_wait3A_134] : memref<32x80x128xi32, #tpu.memory_space<hbm>> -> memref<1x80x128xi32, #tpu.memory_space<hbm>>
      %dma_wait3A_136 = tpu.memref_squeeze %dma_wait3A_135 : memref<1x80x128xi32, #tpu.memory_space<hbm>> -> memref<80x128xi32, #tpu.memory_space<hbm>>
      tpu.wait_dma2 semaphore(%run_scoped3A : memref<!tpu.dma_semaphore, #tpu.memory_space<semaphore_mem>>) src(%dma_wait3A_136 : memref<80x128xi32, #tpu.memory_space<hbm>>) dst(%arg8 : memref<80x128xi32, #tpu.memory_space<vmem>>)
      tpu.yield
    }) : () -> ()
    "tpu.region"() ({
      %run_scoped3A = tpu.sem_alloc : memref<!tpu.dma_semaphore, #tpu.memory_space<semaphore_mem>>
      %dma_start3A_121 = arith.constant 0 : i32
      %dma_start3A_122 = arith.constant 0 : i32
      %dma_start3A_123 = tpu.memref_slice %arg4[%add3A, %dma_start3A_121, %dma_start3A_122] : memref<32x80x128xi32, #tpu.memory_space<hbm>> -> memref<1x80x128xi32, #tpu.memory_space<hbm>>
      %dma_start3A_124 = tpu.memref_squeeze %dma_start3A_123 : memref<1x80x128xi32, #tpu.memory_space<hbm>> -> memref<80x128xi32, #tpu.memory_space<hbm>>
      %dma_start3A_125 = arith.constant 0 : i32
      %dma_start3A_126 = arith.constant 0 : i32
      %dma_start3A_127 = tpu.memref_slice %arg4[%add3A, %dma_start3A_125, %dma_start3A_126] : memref<32x80x128xi32, #tpu.memory_space<hbm>> -> memref<1x80x128xi32, #tpu.memory_space<hbm>>
      %dma_start3A_128 = tpu.memref_squeeze %dma_start3A_127 : memref<1x80x128xi32, #tpu.memory_space<hbm>> -> memref<80x128xi32, #tpu.memory_space<hbm>>
      tpu.enqueue_dma source(%dma_start3A_128 : memref<80x128xi32, #tpu.memory_space<hbm>>) target(%arg9 : memref<80x128xi32, #tpu.memory_space<vmem>>) target_semaphore(%run_scoped3A : memref<!tpu.dma_semaphore, #tpu.memory_space<semaphore_mem>>)
      %dma_wait3A_129 = arith.constant 0 : i32
      %dma_wait3A_130 = arith.constant 0 : i32
      %dma_wait3A_131 = tpu.memref_slice %arg4[%add3A, %dma_wait3A_129, %dma_wait3A_130] : memref<32x80x128xi32, #tpu.memory_space<hbm>> -> memref<1x80x128xi32, #tpu.memory_space<hbm>>
      %dma_wait3A_132 = tpu.memref_squeeze %dma_wait3A_131 : memref<1x80x128xi32, #tpu.memory_space<hbm>> -> memref<80x128xi32, #tpu.memory_space<hbm>>
      %dma_wait3A_133 = arith.constant 0 : i32
      %dma_wait3A_134 = arith.constant 0 : i32
      %dma_wait3A_135 = tpu.memref_slice %arg4[%add3A, %dma_wait3A_133, %dma_wait3A_134] : memref<32x80x128xi32, #tpu.memory_space<hbm>> -> memref<1x80x128xi32, #tpu.memory_space<hbm>>
      %dma_wait3A_136 = tpu.memref_squeeze %dma_wait3A_135 : memref<1x80x128xi32, #tpu.memory_space<hbm>> -> memref<80x128xi32, #tpu.memory_space<hbm>>
      tpu.wait_dma2 semaphore(%run_scoped3A : memref<!tpu.dma_semaphore, #tpu.memory_space<semaphore_mem>>) src(%dma_wait3A_136 : memref<80x128xi32, #tpu.memory_space<hbm>>) dst(%arg9 : memref<80x128xi32, #tpu.memory_space<vmem>>)
      tpu.yield
    }) : () -> ()
    "tpu.region"() ({
      %run_scoped3A = tpu.sem_alloc : memref<!tpu.dma_semaphore, #tpu.memory_space<semaphore_mem>>
      %dma_start3A_121 = arith.constant 0 : i32
      %dma_start3A_122 = arith.constant 0 : i32
      %dma_start3A_123 = tpu.memref_slice %arg5[%add3A, %dma_start3A_121, %dma_start3A_122] : memref<32x40x256xf32, #tpu.memory_space<hbm>> -> memref<1x40x256xf32, #tpu.memory_space<hbm>>
      %dma_start3A_124 = tpu.memref_squeeze %dma_start3A_123 : memref<1x40x256xf32, #tpu.memory_space<hbm>> -> memref<40x256xf32, #tpu.memory_space<hbm>>
      %dma_start3A_125 = arith.constant 0 : i32
      %dma_start3A_126 = arith.constant 0 : i32
      %dma_start3A_127 = tpu.memref_slice %arg5[%add3A, %dma_start3A_125, %dma_start3A_126] : memref<32x40x256xf32, #tpu.memory_space<hbm>> -> memref<1x40x256xf32, #tpu.memory_space<hbm>>
      %dma_start3A_128 = tpu.memref_squeeze %dma_start3A_127 : memref<1x40x256xf32, #tpu.memory_space<hbm>> -> memref<40x256xf32, #tpu.memory_space<hbm>>
      tpu.enqueue_dma source(%dma_start3A_128 : memref<40x256xf32, #tpu.memory_space<hbm>>) target(%arg10 : memref<40x256xf32, #tpu.memory_space<vmem>>) target_semaphore(%run_scoped3A : memref<!tpu.dma_semaphore, #tpu.memory_space<semaphore_mem>>)
      %dma_wait3A_129 = arith.constant 0 : i32
      %dma_wait3A_130 = arith.constant 0 : i32
      %dma_wait3A_131 = tpu.memref_slice %arg5[%add3A, %dma_wait3A_129, %dma_wait3A_130] : memref<32x40x256xf32, #tpu.memory_space<hbm>> -> memref<1x40x256xf32, #tpu.memory_space<hbm>>
      %dma_wait3A_132 = tpu.memref_squeeze %dma_wait3A_131 : memref<1x40x256xf32, #tpu.memory_space<hbm>> -> memref<40x256xf32, #tpu.memory_space<hbm>>
      %dma_wait3A_133 = arith.constant 0 : i32
      %dma_wait3A_134 = arith.constant 0 : i32
      %dma_wait3A_135 = tpu.memref_slice %arg5[%add3A, %dma_wait3A_133, %dma_wait3A_134] : memref<32x40x256xf32, #tpu.memory_space<hbm>> -> memref<1x40x256xf32, #tpu.memory_space<hbm>>
      %dma_wait3A_136 = tpu.memref_squeeze %dma_wait3A_135 : memref<1x40x256xf32, #tpu.memory_space<hbm>> -> memref<40x256xf32, #tpu.memory_space<hbm>>
      tpu.wait_dma2 semaphore(%run_scoped3A : memref<!tpu.dma_semaphore, #tpu.memory_space<semaphore_mem>>) src(%dma_wait3A_136 : memref<40x256xf32, #tpu.memory_space<hbm>>) dst(%arg10 : memref<40x256xf32, #tpu.memory_space<vmem>>)
      tpu.yield
    }) : () -> ()
    %barrier3A = arith.constant 0 : index
    tpu.barrier barrier_id(%barrier3A)
    %dma_start3A = arith.constant 0 : i32
    %dma_start3A_7 = arith.constant 0 : i32
    %dma_start3A_8 = arith.constant 0 : i32
    %dma_start3A_9 = tpu.memref_slice %arg11[%dma_start3A_7, %dma_start3A_8] : memref<256x48xf32, #tpu.memory_space<vmem>> -> memref<128x48xf32, #tpu.memory_space<vmem>>
    %dma_start3A_10 = arith.constant 0 : i32
    %dma_start3A_11 = tpu.memref_slice %arg8[%dma_start3A, %dma_start3A_10] : memref<80x128xi32, #tpu.memory_space<vmem>> -> memref<1x128xi32, #tpu.memory_space<vmem>>
    %dma_start3A_12 = tpu.memref_squeeze %dma_start3A_11 : memref<1x128xi32, #tpu.memory_space<vmem>> -> memref<128xi32, #tpu.memory_space<vmem>>
    %dma_start3A_13 = arith.constant 0 : i32
    %dma_start3A_14 = arith.constant 0 : i32
    %dma_start3A_15 = tpu.memref_slice %arg2[%dma_start3A_13, %dma_start3A_14] : memref<10000x48xf32, #tpu.memory_space<hbm>> -> memref<10000x48xf32, #tpu.memory_space<hbm>>
    tpu.enqueue_indirect_dma source(%dma_start3A_15 : memref<10000x48xf32, #tpu.memory_space<hbm>>) target(%dma_start3A_9 : memref<128x48xf32, #tpu.memory_space<vmem>>) offsets(%dma_start3A_12 : memref<128xi32, #tpu.memory_space<vmem>>) semaphore(%arg16 : memref<!tpu.dma_semaphore, #tpu.memory_space<semaphore_mem>>)
    %dma_start3A_16 = arith.constant 1 : i32
    %dma_start3A_17 = arith.constant 128 : i32
    %dma_start3A_18 = arith.constant 0 : i32
    %dma_start3A_19 = tpu.memref_slice %arg11[%dma_start3A_17, %dma_start3A_18] : memref<256x48xf32, #tpu.memory_space<vmem>> -> memref<128x48xf32, #tpu.memory_space<vmem>>
    %dma_start3A_20 = arith.constant 0 : i32
    %dma_start3A_21 = tpu.memref_slice %arg8[%dma_start3A_16, %dma_start3A_20] : memref<80x128xi32, #tpu.memory_space<vmem>> -> memref<1x128xi32, #tpu.memory_space<vmem>>
    %dma_start3A_22 = tpu.memref_squeeze %dma_start3A_21 : memref<1x128xi32, #tpu.memory_space<vmem>> -> memref<128xi32, #tpu.memory_space<vmem>>
    %dma_start3A_23 = arith.constant 0 : i32
    %dma_start3A_24 = arith.constant 0 : i32
    %dma_start3A_25 = tpu.memref_slice %arg2[%dma_start3A_23, %dma_start3A_24] : memref<10000x48xf32, #tpu.memory_space<hbm>> -> memref<10000x48xf32, #tpu.memory_space<hbm>>
    tpu.enqueue_indirect_dma source(%dma_start3A_25 : memref<10000x48xf32, #tpu.memory_space<hbm>>) target(%dma_start3A_19 : memref<128x48xf32, #tpu.memory_space<vmem>>) offsets(%dma_start3A_22 : memref<128xi32, #tpu.memory_space<vmem>>) semaphore(%arg16 : memref<!tpu.dma_semaphore, #tpu.memory_space<semaphore_mem>>)
    %scan3A = arith.constant 0 : i32
    %scan3A_26 = arith.constant 0 : i32
    %scan3A_27 = arith.constant 10 : i32
    %scan3A_28 = arith.addi %scan3A_26, %scan3A_27 : i32
    %scan3A_29 = arith.constant 1 : i32
    scf.for %scan3A_121 = %scan3A_26 to %scan3A_28 step %scan3A_29  : i32 {
      %mul3A_122 = arith.constant 4 : i32
      %mul3A_123 = arith.muli %scan3A_121, %mul3A_122 : i32
      %add3A_124 = arith.constant 0 : i32
      %add3A_125 = arith.addi %mul3A_123, %add3A_124 : i32
      %lt3A_126 = arith.constant 40 : i32
      %lt3A_127 = arith.cmpi slt, %add3A_125, %lt3A_126 : i32
      %convert_element_type3A_128 = arith.extui %lt3A_127 : i1 to i32
      %cond3A_129 = arith.constant 0 : i32
      %cond3A_130 = arith.cmpi ne, %convert_element_type3A_128, %cond3A_129 : i32
      scf.if %cond3A_130 {
        %add3A_158 = arith.constant 1 : i32
        %add3A_159 = arith.addi %add3A_125, %add3A_158 : i32
        %lt3A_160 = arith.constant 40 : i32
        %lt3A_161 = arith.cmpi slt, %add3A_159, %lt3A_160 : i32
        %convert_element_type3A_162 = arith.extui %lt3A_161 : i1 to i32
        %cond3A_163 = arith.constant 0 : i32
        %cond3A_164 = arith.cmpi ne, %convert_element_type3A_162, %cond3A_163 : i32
        scf.if %cond3A_164 {
          %add3A_226 = arith.constant 1 : i32
          %add3A_227 = arith.addi %add3A_125, %add3A_226 : i32
          %ge3A = arith.constant 4 : i32
          %ge3A_228 = arith.cmpi sge, %add3A_227, %ge3A : i32
          %convert_element_type3A_229 = arith.extui %ge3A_228 : i1 to i32
          %cond3A_230 = arith.constant 0 : i32
          %cond3A_231 = arith.cmpi ne, %convert_element_type3A_229, %cond3A_230 : i32
          scf.if %cond3A_231 {
            %add3A_260 = arith.constant 1 : i32
            %add3A_261 = arith.addi %add3A_125, %add3A_260 : i32
            %sub3A = arith.constant 4 : i32
            %sub3A_262 = arith.subi %add3A_261, %sub3A : i32
            %mul3A_263 = arith.constant 2 : i32
            %mul3A_264 = arith.muli %mul3A_263, %sub3A_262 : i32
            %add3A_265 = arith.constant 0 : i32
            %add3A_266 = arith.addi %mul3A_264, %add3A_265 : i32
            %dma_wait3A_267 = arith.constant 0 : i32
            %dma_wait3A_268 = arith.constant 0 : i32
            %dma_wait3A_269 = tpu.memref_slice %arg12[%dma_wait3A_267, %dma_wait3A_268] : memref<256x48xf32, #tpu.memory_space<vmem>> -> memref<128x48xf32, #tpu.memory_space<vmem>>
            %dma_wait3A_270 = arith.constant 0 : i32
            %dma_wait3A_271 = tpu.memref_slice %arg9[%add3A_266, %dma_wait3A_270] : memref<80x128xi32, #tpu.memory_space<vmem>> -> memref<1x128xi32, #tpu.memory_space<vmem>>
            %dma_wait3A_272 = tpu.memref_squeeze %dma_wait3A_271 : memref<1x128xi32, #tpu.memory_space<vmem>> -> memref<128xi32, #tpu.memory_space<vmem>>
            %dma_wait3A_273 = arith.constant 0 : i32
            %dma_wait3A_274 = arith.constant 0 : i32
            %dma_wait3A_275 = tpu.memref_slice %arg15[%dma_wait3A_273, %dma_wait3A_274] : memref<10000x48xf32, #tpu.memory_space<vmem_shared>> -> memref<10000x48xf32, #tpu.memory_space<vmem_shared>>
            tpu.wait_indirect_dma semaphore(%arg21 : memref<!tpu.dma_semaphore, #tpu.memory_space<semaphore_mem>>) src(%dma_wait3A_269 : memref<128x48xf32, #tpu.memory_space<vmem>>) dst(%dma_wait3A_275 : memref<10000x48xf32, #tpu.memory_space<vmem_shared>>)
            %mul3A_276 = arith.constant 2 : i32
            %mul3A_277 = arith.muli %mul3A_276, %sub3A_262 : i32
            %add3A_278 = arith.constant 1 : i32
            %add3A_279 = arith.addi %mul3A_277, %add3A_278 : i32
            %dma_wait3A_280 = arith.constant 128 : i32
            %dma_wait3A_281 = arith.constant 0 : i32
            %dma_wait3A_282 = tpu.memref_slice %arg12[%dma_wait3A_280, %dma_wait3A_281] : memref<256x48xf32, #tpu.memory_space<vmem>> -> memref<128x48xf32, #tpu.memory_space<vmem>>
            %dma_wait3A_283 = arith.constant 0 : i32
            %dma_wait3A_284 = tpu.memref_slice %arg9[%add3A_279, %dma_wait3A_283] : memref<80x128xi32, #tpu.memory_space<vmem>> -> memref<1x128xi32, #tpu.memory_space<vmem>>
            %dma_wait3A_285 = tpu.memref_squeeze %dma_wait3A_284 : memref<1x128xi32, #tpu.memory_space<vmem>> -> memref<128xi32, #tpu.memory_space<vmem>>
            %dma_wait3A_286 = arith.constant 0 : i32
            %dma_wait3A_287 = arith.constant 0 : i32
            %dma_wait3A_288 = tpu.memref_slice %arg15[%dma_wait3A_286, %dma_wait3A_287] : memref<10000x48xf32, #tpu.memory_space<vmem_shared>> -> memref<10000x48xf32, #tpu.memory_space<vmem_shared>>
            tpu.wait_indirect_dma semaphore(%arg21 : memref<!tpu.dma_semaphore, #tpu.memory_space<semaphore_mem>>) src(%dma_wait3A_282 : memref<128x48xf32, #tpu.memory_space<vmem>>) dst(%dma_wait3A_288 : memref<10000x48xf32, #tpu.memory_space<vmem_shared>>)
          } else {
          }
          %add3A_232 = arith.constant 1 : i32
          %add3A_233 = arith.addi %add3A_125, %add3A_232 : i32
          %mul3A_234 = arith.constant 2 : i32
          %mul3A_235 = arith.muli %mul3A_234, %add3A_233 : i32
          %add3A_236 = arith.constant 0 : i32
          %add3A_237 = arith.addi %mul3A_235, %add3A_236 : i32
          %dma_start3A_238 = arith.constant 0 : i32
          %dma_start3A_239 = arith.constant 0 : i32
          %dma_start3A_240 = tpu.memref_slice %arg12[%dma_start3A_238, %dma_start3A_239] : memref<256x48xf32, #tpu.memory_space<vmem>> -> memref<128x48xf32, #tpu.memory_space<vmem>>
          %dma_start3A_241 = arith.constant 0 : i32
          %dma_start3A_242 = tpu.memref_slice %arg8[%add3A_237, %dma_start3A_241] : memref<80x128xi32, #tpu.memory_space<vmem>> -> memref<1x128xi32, #tpu.memory_space<vmem>>
          %dma_start3A_243 = tpu.memref_squeeze %dma_start3A_242 : memref<1x128xi32, #tpu.memory_space<vmem>> -> memref<128xi32, #tpu.memory_space<vmem>>
          %dma_start3A_244 = arith.constant 0 : i32
          %dma_start3A_245 = arith.constant 0 : i32
          %dma_start3A_246 = tpu.memref_slice %arg2[%dma_start3A_244, %dma_start3A_245] : memref<10000x48xf32, #tpu.memory_space<hbm>> -> memref<10000x48xf32, #tpu.memory_space<hbm>>
          tpu.enqueue_indirect_dma source(%dma_start3A_246 : memref<10000x48xf32, #tpu.memory_space<hbm>>) target(%dma_start3A_240 : memref<128x48xf32, #tpu.memory_space<vmem>>) offsets(%dma_start3A_243 : memref<128xi32, #tpu.memory_space<vmem>>) semaphore(%arg17 : memref<!tpu.dma_semaphore, #tpu.memory_space<semaphore_mem>>)
          %mul3A_247 = arith.constant 2 : i32
          %mul3A_248 = arith.muli %mul3A_247, %add3A_233 : i32
          %add3A_249 = arith.constant 1 : i32
          %add3A_250 = arith.addi %mul3A_248, %add3A_249 : i32
          %dma_start3A_251 = arith.constant 128 : i32
          %dma_start3A_252 = arith.constant 0 : i32
          %dma_start3A_253 = tpu.memref_slice %arg12[%dma_start3A_251, %dma_start3A_252] : memref<256x48xf32, #tpu.memory_space<vmem>> -> memref<128x48xf32, #tpu.memory_space<vmem>>
          %dma_start3A_254 = arith.constant 0 : i32
          %dma_start3A_255 = tpu.memref_slice %arg8[%add3A_250, %dma_start3A_254] : memref<80x128xi32, #tpu.memory_space<vmem>> -> memref<1x128xi32, #tpu.memory_space<vmem>>
          %dma_start3A_256 = tpu.memref_squeeze %dma_start3A_255 : memref<1x128xi32, #tpu.memory_space<vmem>> -> memref<128xi32, #tpu.memory_space<vmem>>
          %dma_start3A_257 = arith.constant 0 : i32
          %dma_start3A_258 = arith.constant 0 : i32
          %dma_start3A_259 = tpu.memref_slice %arg2[%dma_start3A_257, %dma_start3A_258] : memref<10000x48xf32, #tpu.memory_space<hbm>> -> memref<10000x48xf32, #tpu.memory_space<hbm>>
          tpu.enqueue_indirect_dma source(%dma_start3A_259 : memref<10000x48xf32, #tpu.memory_space<hbm>>) target(%dma_start3A_253 : memref<128x48xf32, #tpu.memory_space<vmem>>) offsets(%dma_start3A_256 : memref<128xi32, #tpu.memory_space<vmem>>) semaphore(%arg17 : memref<!tpu.dma_semaphore, #tpu.memory_space<semaphore_mem>>)
        } else {
        }
        %mul3A_165 = arith.constant 2 : i32
        %mul3A_166 = arith.muli %mul3A_165, %add3A_125 : i32
        %add3A_167 = arith.constant 0 : i32
        %add3A_168 = arith.addi %mul3A_166, %add3A_167 : i32
        %dma_wait3A_169 = arith.constant 0 : i32
        %dma_wait3A_170 = arith.constant 0 : i32
        %dma_wait3A_171 = tpu.memref_slice %arg11[%dma_wait3A_169, %dma_wait3A_170] : memref<256x48xf32, #tpu.memory_space<vmem>> -> memref<128x48xf32, #tpu.memory_space<vmem>>
        %dma_wait3A_172 = arith.constant 0 : i32
        %dma_wait3A_173 = tpu.memref_slice %arg8[%add3A_168, %dma_wait3A_172] : memref<80x128xi32, #tpu.memory_space<vmem>> -> memref<1x128xi32, #tpu.memory_space<vmem>>
        %dma_wait3A_174 = tpu.memref_squeeze %dma_wait3A_173 : memref<1x128xi32, #tpu.memory_space<vmem>> -> memref<128xi32, #tpu.memory_space<vmem>>
        %dma_wait3A_175 = arith.constant 0 : i32
        %dma_wait3A_176 = arith.constant 0 : i32
        %dma_wait3A_177 = tpu.memref_slice %arg2[%dma_wait3A_175, %dma_wait3A_176] : memref<10000x48xf32, #tpu.memory_space<hbm>> -> memref<10000x48xf32, #tpu.memory_space<hbm>>
        tpu.wait_indirect_dma semaphore(%arg16 : memref<!tpu.dma_semaphore, #tpu.memory_space<semaphore_mem>>) src(%dma_wait3A_177 : memref<10000x48xf32, #tpu.memory_space<hbm>>) dst(%dma_wait3A_171 : memref<128x48xf32, #tpu.memory_space<vmem>>)
        %mul3A_178 = arith.constant 2 : i32
        %mul3A_179 = arith.muli %mul3A_178, %add3A_125 : i32
        %add3A_180 = arith.constant 1 : i32
        %add3A_181 = arith.addi %mul3A_179, %add3A_180 : i32
        %dma_wait3A_182 = arith.constant 128 : i32
        %dma_wait3A_183 = arith.constant 0 : i32
        %dma_wait3A_184 = tpu.memref_slice %arg11[%dma_wait3A_182, %dma_wait3A_183] : memref<256x48xf32, #tpu.memory_space<vmem>> -> memref<128x48xf32, #tpu.memory_space<vmem>>
        %dma_wait3A_185 = arith.constant 0 : i32
        %dma_wait3A_186 = tpu.memref_slice %arg8[%add3A_181, %dma_wait3A_185] : memref<80x128xi32, #tpu.memory_space<vmem>> -> memref<1x128xi32, #tpu.memory_space<vmem>>
        %dma_wait3A_187 = tpu.memref_squeeze %dma_wait3A_186 : memref<1x128xi32, #tpu.memory_space<vmem>> -> memref<128xi32, #tpu.memory_space<vmem>>
        %dma_wait3A_188 = arith.constant 0 : i32
        %dma_wait3A_189 = arith.constant 0 : i32
        %dma_wait3A_190 = tpu.memref_slice %arg2[%dma_wait3A_188, %dma_wait3A_189] : memref<10000x48xf32, #tpu.memory_space<hbm>> -> memref<10000x48xf32, #tpu.memory_space<hbm>>
        tpu.wait_indirect_dma semaphore(%arg16 : memref<!tpu.dma_semaphore, #tpu.memory_space<semaphore_mem>>) src(%dma_wait3A_190 : memref<10000x48xf32, #tpu.memory_space<hbm>>) dst(%dma_wait3A_184 : memref<128x48xf32, #tpu.memory_space<vmem>>)
        %broadcast_in_dim3A = arith.constant 0 : i32
        %broadcast_in_dim3A_191 = vector.broadcast %broadcast_in_dim3A : i32 to vector<16xi32>
        %add3A_192 = vector.broadcast %add3A_125 : i32 to vector<16xi32>
        %add3A_193 = arith.addi %broadcast_in_dim3A_191, %add3A_192 : vector<16xi32>
        %scan3A_194 = arith.constant 0 : i32
        %scan3A_195 = arith.constant 0 : i32
        %scan3A_196 = arith.constant 256 : i32
        %scan3A_197 = arith.addi %scan3A_195, %scan3A_196 : i32
        %scan3A_198 = arith.constant 8 : i32
        scf.for %scan3A_226 = %scan3A_195 to %scan3A_197 step %scan3A_198  : i32 {
          %broadcast_in_dim3A_227 = arith.constant 0 : i32
          %broadcast_in_dim3A_228 = vector.broadcast %broadcast_in_dim3A_227 : i32 to vector<16xi32>
          %add3A_229 = vector.broadcast %scan3A_226 : i32 to vector<16xi32>
          %add3A_230 = arith.addi %broadcast_in_dim3A_228, %add3A_229 : vector<16xi32>
          %gather3A = tpu.vector_load_idx %arg10[%add3A_193, %add3A_230] : memref<40x256xf32, #tpu.memory_space<vmem>>[vector<16xi32>, vector<16xi32>], vector<16xf32>,
          %get3A = arith.index_cast %scan3A_226 : i32 to index
          %get3A_231 = arith.constant 0 : index
          %get3A_232 = tpu.vector_load %arg11[%get3A, %get3A_231] {strides = array<i32>} : memref<256x48xf32, #tpu.memory_space<vmem>>, vector<16xf32>,
          %mul3A_233 = arith.mulf %get3A_232, %gather3A : vector<16xf32>
          %swap3A = arith.index_cast %scan3A_226 : i32 to index
          %swap3A_234 = arith.constant 0 : index
          %swap3A_235 = tpu.vector_load %arg11[%swap3A, %swap3A_234] {strides = array<i32>} : memref<256x48xf32, #tpu.memory_space<vmem>>, vector<16xf32>,
          tpu.vector_store %arg11[%swap3A, %swap3A_234], %mul3A_233 {strides = array<i32>} : memref<256x48xf32, #tpu.memory_space<vmem>>, vector<16xf32>,
          %get3A_236 = arith.index_cast %scan3A_226 : i32 to index
          %get3A_237 = arith.constant 16 : index
          %get3A_238 = tpu.vector_load %arg11[%get3A_236, %get3A_237] {strides = array<i32>} : memref<256x48xf32, #tpu.memory_space<vmem>>, vector<16xf32>,
          %mul3A_239 = arith.mulf %get3A_238, %gather3A : vector<16xf32>
          %swap3A_240 = arith.index_cast %scan3A_226 : i32 to index
          %swap3A_241 = arith.constant 16 : index
          %swap3A_242 = tpu.vector_load %arg11[%swap3A_240, %swap3A_241] {strides = array<i32>} : memref<256x48xf32, #tpu.memory_space<vmem>>, vector<16xf32>,
          tpu.vector_store %arg11[%swap3A_240, %swap3A_241], %mul3A_239 {strides = array<i32>} : memref<256x48xf32, #tpu.memory_space<vmem>>, vector<16xf32>,
          %get3A_243 = arith.index_cast %scan3A_226 : i32 to index
          %get3A_244 = arith.constant 32 : index
          %get3A_245 = tpu.vector_load %arg11[%get3A_243, %get3A_244] {strides = array<i32>} : memref<256x48xf32, #tpu.memory_space<vmem>>, vector<16xf32>,
          %mul3A_246 = arith.mulf %get3A_245, %gather3A : vector<16xf32>
          %swap3A_247 = arith.index_cast %scan3A_226 : i32 to index
          %swap3A_248 = arith.constant 32 : index
          %swap3A_249 = tpu.vector_load %arg11[%swap3A_247, %swap3A_248] {strides = array<i32>} : memref<256x48xf32, #tpu.memory_space<vmem>>, vector<16xf32>,
          tpu.vector_store %arg11[%swap3A_247, %swap3A_248], %mul3A_246 {strides = array<i32>} : memref<256x48xf32, #tpu.memory_space<vmem>>, vector<16xf32>,
          %scan3A_250 = arith.constant 1 : i32
          %scan3A_251 = arith.addi %scan3A_226, %scan3A_250 : i32
          %broadcast_in_dim3A_252 = arith.constant 0 : i32
          %broadcast_in_dim3A_253 = vector.broadcast %broadcast_in_dim3A_252 : i32 to vector<16xi32>
          %add3A_254 = vector.broadcast %scan3A_251 : i32 to vector<16xi32>
          %add3A_255 = arith.addi %broadcast_in_dim3A_253, %add3A_254 : vector<16xi32>
          %gather3A_256 = tpu.vector_load_idx %arg10[%add3A_193, %add3A_255] : memref<40x256xf32, #tpu.memory_space<vmem>>[vector<16xi32>, vector<16xi32>], vector<16xf32>,
          %get3A_257 = arith.index_cast %scan3A_251 : i32 to index
          %get3A_258 = arith.constant 0 : index
          %get3A_259 = tpu.vector_load %arg11[%get3A_257, %get3A_258] {strides = array<i32>} : memref<256x48xf32, #tpu.memory_space<vmem>>, vector<16xf32>,
          %mul3A_260 = arith.mulf %get3A_259, %gather3A_256 : vector<16xf32>
          %swap3A_261 = arith.index_cast %scan3A_251 : i32 to index
          %swap3A_262 = arith.constant 0 : index
          %swap3A_263 = tpu.vector_load %arg11[%swap3A_261, %swap3A_262] {strides = array<i32>} : memref<256x48xf32, #tpu.memory_space<vmem>>, vector<16xf32>,
          tpu.vector_store %arg11[%swap3A_261, %swap3A_262], %mul3A_260 {strides = array<i32>} : memref<256x48xf32, #tpu.memory_space<vmem>>, vector<16xf32>,
          %get3A_264 = arith.index_cast %scan3A_251 : i32 to index
          %get3A_265 = arith.constant 16 : index
          %get3A_266 = tpu.vector_load %arg11[%get3A_264, %get3A_265] {strides = array<i32>} : memref<256x48xf32, #tpu.memory_space<vmem>>, vector<16xf32>,
          %mul3A_267 = arith.mulf %get3A_266, %gather3A_256 : vector<16xf32>
          %swap3A_268 = arith.index_cast %scan3A_251 : i32 to index
          %swap3A_269 = arith.constant 16 : index
          %swap3A_270 = tpu.vector_load %arg11[%swap3A_268, %swap3A_269] {strides = array<i32>} : memref<256x48xf32, #tpu.memory_space<vmem>>, vector<16xf32>,
          tpu.vector_store %arg11[%swap3A_268, %swap3A_269], %mul3A_267 {strides = array<i32>} : memref<256x48xf32, #tpu.memory_space<vmem>>, vector<16xf32>,
          %get3A_271 = arith.index_cast %scan3A_251 : i32 to index
          %get3A_272 = arith.constant 32 : index
          %get3A_273 = tpu.vector_load %arg11[%get3A_271, %get3A_272] {strides = array<i32>} : memref<256x48xf32, #tpu.memory_space<vmem>>, vector<16xf32>,
          %mul3A_274 = arith.mulf %get3A_273, %gather3A_256 : vector<16xf32>
          %swap3A_275 = arith.index_cast %scan3A_251 : i32 to index
          %swap3A_276 = arith.constant 32 : index
          %swap3A_277 = tpu.vector_load %arg11[%swap3A_275, %swap3A_276] {strides = array<i32>} : memref<256x48xf32, #tpu.memory_space<vmem>>, vector<16xf32>,
          tpu.vector_store %arg11[%swap3A_275, %swap3A_276], %mul3A_274 {strides = array<i32>} : memref<256x48xf32, #tpu.memory_space<vmem>>, vector<16xf32>,
          %scan3A_278 = arith.constant 2 : i32
          %scan3A_279 = arith.addi %scan3A_226, %scan3A_278 : i32
          %broadcast_in_dim3A_280 = arith.constant 0 : i32
          %broadcast_in_dim3A_281 = vector.broadcast %broadcast_in_dim3A_280 : i32 to vector<16xi32>
          %add3A_282 = vector.broadcast %scan3A_279 : i32 to vector<16xi32>
          %add3A_283 = arith.addi %broadcast_in_dim3A_281, %add3A_282 : vector<16xi32>
          %gather3A_284 = tpu.vector_load_idx %arg10[%add3A_193, %add3A_283] : memref<40x256xf32, #tpu.memory_space<vmem>>[vector<16xi32>, vector<16xi32>], vector<16xf32>,
          %get3A_285 = arith.index_cast %scan3A_279 : i32 to index
          %get3A_286 = arith.constant 0 : index
          %get3A_287 = tpu.vector_load %arg11[%get3A_285, %get3A_286] {strides = array<i32>} : memref<256x48xf32, #tpu.memory_space<vmem>>, vector<16xf32>,
          %mul3A_288 = arith.mulf %get3A_287, %gather3A_284 : vector<16xf32>
          %swap3A_289 = arith.index_cast %scan3A_279 : i32 to index
          %swap3A_290 = arith.constant 0 : index
          %swap3A_291 = tpu.vector_load %arg11[%swap3A_289, %swap3A_290] {strides = array<i32>} : memref<256x48xf32, #tpu.memory_space<vmem>>, vector<16xf32>,
          tpu.vector_store %arg11[%swap3A_289, %swap3A_290], %mul3A_288 {strides = array<i32>} : memref<256x48xf32, #tpu.memory_space<vmem>>, vector<16xf32>,
          %get3A_292 = arith.index_cast %scan3A_279 : i32 to index
          %get3A_293 = arith.constant 16 : index
          %get3A_294 = tpu.vector_load %arg11[%get3A_292, %get3A_293] {strides = array<i32>} : memref<256x48xf32, #tpu.memory_space<vmem>>, vector<16xf32>,
          %mul3A_295 = arith.mulf %get3A_294, %gather3A_284 : vector<16xf32>
          %swap3A_296 = arith.index_cast %scan3A_279 : i32 to index
          %swap3A_297 = arith.constant 16 : index
          %swap3A_298 = tpu.vector_load %arg11[%swap3A_296, %swap3A_297] {strides = array<i32>} : memref<256x48xf32, #tpu.memory_space<vmem>>, vector<16xf32>,
          tpu.vector_store %arg11[%swap3A_296, %swap3A_297], %mul3A_295 {strides = array<i32>} : memref<256x48xf32, #tpu.memory_space<vmem>>, vector<16xf32>,
          %get3A_299 = arith.index_cast %scan3A_279 : i32 to index
          %get3A_300 = arith.constant 32 : index
          %get3A_301 = tpu.vector_load %arg11[%get3A_299, %get3A_300] {strides = array<i32>} : memref<256x48xf32, #tpu.memory_space<vmem>>, vector<16xf32>,
          %mul3A_302 = arith.mulf %get3A_301, %gather3A_284 : vector<16xf32>
          %swap3A_303 = arith.index_cast %scan3A_279 : i32 to index
          %swap3A_304 = arith.constant 32 : index
          %swap3A_305 = tpu.vector_load %arg11[%swap3A_303, %swap3A_304] {strides = array<i32>} : memref<256x48xf32, #tpu.memory_space<vmem>>, vector<16xf32>,
          tpu.vector_store %arg11[%swap3A_303, %swap3A_304], %mul3A_302 {strides = array<i32>} : memref<256x48xf32, #tpu.memory_space<vmem>>, vector<16xf32>,
          %scan3A_306 = arith.constant 3 : i32
          %scan3A_307 = arith.addi %scan3A_226, %scan3A_306 : i32
          %broadcast_in_dim3A_308 = arith.constant 0 : i32
          %broadcast_in_dim3A_309 = vector.broadcast %broadcast_in_dim3A_308 : i32 to vector<16xi32>
          %add3A_310 = vector.broadcast %scan3A_307 : i32 to vector<16xi32>
          %add3A_311 = arith.addi %broadcast_in_dim3A_309, %add3A_310 : vector<16xi32>
          %gather3A_312 = tpu.vector_load_idx %arg10[%add3A_193, %add3A_311] : memref<40x256xf32, #tpu.memory_space<vmem>>[vector<16xi32>, vector<16xi32>], vector<16xf32>,
          %get3A_313 = arith.index_cast %scan3A_307 : i32 to index
          %get3A_314 = arith.constant 0 : index
          %get3A_315 = tpu.vector_load %arg11[%get3A_313, %get3A_314] {strides = array<i32>} : memref<256x48xf32, #tpu.memory_space<vmem>>, vector<16xf32>,
          %mul3A_316 = arith.mulf %get3A_315, %gather3A_312 : vector<16xf32>
          %swap3A_317 = arith.index_cast %scan3A_307 : i32 to index
          %swap3A_318 = arith.constant 0 : index
          %swap3A_319 = tpu.vector_load %arg11[%swap3A_317, %swap3A_318] {strides = array<i32>} : memref<256x48xf32, #tpu.memory_space<vmem>>, vector<16xf32>,
          tpu.vector_store %arg11[%swap3A_317, %swap3A_318], %mul3A_316 {strides = array<i32>} : memref<256x48xf32, #tpu.memory_space<vmem>>, vector<16xf32>,
          %get3A_320 = arith.index_cast %scan3A_307 : i32 to index
          %get3A_321 = arith.constant 16 : index
          %get3A_322 = tpu.vector_load %arg11[%get3A_320, %get3A_321] {strides = array<i32>} : memref<256x48xf32, #tpu.memory_space<vmem>>, vector<16xf32>,
          %mul3A_323 = arith.mulf %get3A_322, %gather3A_312 : vector<16xf32>
          %swap3A_324 = arith.index_cast %scan3A_307 : i32 to index
          %swap3A_325 = arith.constant 16 : index
          %swap3A_326 = tpu.vector_load %arg11[%swap3A_324, %swap3A_325] {strides = array<i32>} : memref<256x48xf32, #tpu.memory_space<vmem>>, vector<16xf32>,
          tpu.vector_store %arg11[%swap3A_324, %swap3A_325], %mul3A_323 {strides = array<i32>} : memref<256x48xf32, #tpu.memory_space<vmem>>, vector<16xf32>,
          %get3A_327 = arith.index_cast %scan3A_307 : i32 to index
          %get3A_328 = arith.constant 32 : index
          %get3A_329 = tpu.vector_load %arg11[%get3A_327, %get3A_328] {strides = array<i32>} : memref<256x48xf32, #tpu.memory_space<vmem>>, vector<16xf32>,
          %mul3A_330 = arith.mulf %get3A_329, %gather3A_312 : vector<16xf32>
          %swap3A_331 = arith.index_cast %scan3A_307 : i32 to index
          %swap3A_332 = arith.constant 32 : index
          %swap3A_333 = tpu.vector_load %arg11[%swap3A_331, %swap3A_332] {strides = array<i32>} : memref<256x48xf32, #tpu.memory_space<vmem>>, vector<16xf32>,
          tpu.vector_store %arg11[%swap3A_331, %swap3A_332], %mul3A_330 {strides = array<i32>} : memref<256x48xf32, #tpu.memory_space<vmem>>, vector<16xf32>,
          %scan3A_334 = arith.constant 4 : i32
          %scan3A_335 = arith.addi %scan3A_226, %scan3A_334 : i32
          %broadcast_in_dim3A_336 = arith.constant 0 : i32
          %broadcast_in_dim3A_337 = vector.broadcast %broadcast_in_dim3A_336 : i32 to vector<16xi32>
          %add3A_338 = vector.broadcast %scan3A_335 : i32 to vector<16xi32>
          %add3A_339 = arith.addi %broadcast_in_dim3A_337, %add3A_338 : vector<16xi32>
          %gather3A_340 = tpu.vector_load_idx %arg10[%add3A_193, %add3A_339] : memref<40x256xf32, #tpu.memory_space<vmem>>[vector<16xi32>, vector<16xi32>], vector<16xf32>,
          %get3A_341 = arith.index_cast %scan3A_335 : i32 to index
          %get3A_342 = arith.constant 0 : index
          %get3A_343 = tpu.vector_load %arg11[%get3A_341, %get3A_342] {strides = array<i32>} : memref<256x48xf32, #tpu.memory_space<vmem>>, vector<16xf32>,
          %mul3A_344 = arith.mulf %get3A_343, %gather3A_340 : vector<16xf32>
          %swap3A_345 = arith.index_cast %scan3A_335 : i32 to index
          %swap3A_346 = arith.constant 0 : index
          %swap3A_347 = tpu.vector_load %arg11[%swap3A_345, %swap3A_346] {strides = array<i32>} : memref<256x48xf32, #tpu.memory_space<vmem>>, vector<16xf32>,
          tpu.vector_store %arg11[%swap3A_345, %swap3A_346], %mul3A_344 {strides = array<i32>} : memref<256x48xf32, #tpu.memory_space<vmem>>, vector<16xf32>,
          %get3A_348 = arith.index_cast %scan3A_335 : i32 to index
          %get3A_349 = arith.constant 16 : index
          %get3A_350 = tpu.vector_load %arg11[%get3A_348, %get3A_349] {strides = array<i32>} : memref<256x48xf32, #tpu.memory_space<vmem>>, vector<16xf32>,
          %mul3A_351 = arith.mulf %get3A_350, %gather3A_340 : vector<16xf32>
          %swap3A_352 = arith.index_cast %scan3A_335 : i32 to index
          %swap3A_353 = arith.constant 16 : index
          %swap3A_354 = tpu.vector_load %arg11[%swap3A_352, %swap3A_353] {strides = array<i32>} : memref<256x48xf32, #tpu.memory_space<vmem>>, vector<16xf32>,
          tpu.vector_store %arg11[%swap3A_352, %swap3A_353], %mul3A_351 {strides = array<i32>} : memref<256x48xf32, #tpu.memory_space<vmem>>, vector<16xf32>,
          %get3A_355 = arith.index_cast %scan3A_335 : i32 to index
          %get3A_356 = arith.constant 32 : index
          %get3A_357 = tpu.vector_load %arg11[%get3A_355, %get3A_356] {strides = array<i32>} : memref<256x48xf32, #tpu.memory_space<vmem>>, vector<16xf32>,
          %mul3A_358 = arith.mulf %get3A_357, %gather3A_340 : vector<16xf32>
          %swap3A_359 = arith.index_cast %scan3A_335 : i32 to index
          %swap3A_360 = arith.constant 32 : index
          %swap3A_361 = tpu.vector_load %arg11[%swap3A_359, %swap3A_360] {strides = array<i32>} : memref<256x48xf32, #tpu.memory_space<vmem>>, vector<16xf32>,
          tpu.vector_store %arg11[%swap3A_359, %swap3A_360], %mul3A_358 {strides = array<i32>} : memref<256x48xf32, #tpu.memory_space<vmem>>, vector<16xf32>,
          %scan3A_362 = arith.constant 5 : i32
          %scan3A_363 = arith.addi %scan3A_226, %scan3A_362 : i32
          %broadcast_in_dim3A_364 = arith.constant 0 : i32
          %broadcast_in_dim3A_365 = vector.broadcast %broadcast_in_dim3A_364 : i32 to vector<16xi32>
          %add3A_366 = vector.broadcast %scan3A_363 : i32 to vector<16xi32>
          %add3A_367 = arith.addi %broadcast_in_dim3A_365, %add3A_366 : vector<16xi32>
          %gather3A_368 = tpu.vector_load_idx %arg10[%add3A_193, %add3A_367] : memref<40x256xf32, #tpu.memory_space<vmem>>[vector<16xi32>, vector<16xi32>], vector<16xf32>,
          %get3A_369 = arith.index_cast %scan3A_363 : i32 to index
          %get3A_370 = arith.constant 0 : index
          %get3A_371 = tpu.vector_load %arg11[%get3A_369, %get3A_370] {strides = array<i32>} : memref<256x48xf32, #tpu.memory_space<vmem>>, vector<16xf32>,
          %mul3A_372 = arith.mulf %get3A_371, %gather3A_368 : vector<16xf32>
          %swap3A_373 = arith.index_cast %scan3A_363 : i32 to index
          %swap3A_374 = arith.constant 0 : index
          %swap3A_375 = tpu.vector_load %arg11[%swap3A_373, %swap3A_374] {strides = array<i32>} : memref<256x48xf32, #tpu.memory_space<vmem>>, vector<16xf32>,
          tpu.vector_store %arg11[%swap3A_373, %swap3A_374], %mul3A_372 {strides = array<i32>} : memref<256x48xf32, #tpu.memory_space<vmem>>, vector<16xf32>,
          %get3A_376 = arith.index_cast %scan3A_363 : i32 to index
          %get3A_377 = arith.constant 16 : index
          %get3A_378 = tpu.vector_load %arg11[%get3A_376, %get3A_377] {strides = array<i32>} : memref<256x48xf32, #tpu.memory_space<vmem>>, vector<16xf32>,
          %mul3A_379 = arith.mulf %get3A_378, %gather3A_368 : vector<16xf32>
          %swap3A_380 = arith.index_cast %scan3A_363 : i32 to index
          %swap3A_381 = arith.constant 16 : index
          %swap3A_382 = tpu.vector_load %arg11[%swap3A_380, %swap3A_381] {strides = array<i32>} : memref<256x48xf32, #tpu.memory_space<vmem>>, vector<16xf32>,
          tpu.vector_store %arg11[%swap3A_380, %swap3A_381], %mul3A_379 {strides = array<i32>} : memref<256x48xf32, #tpu.memory_space<vmem>>, vector<16xf32>,
          %get3A_383 = arith.index_cast %scan3A_363 : i32 to index
          %get3A_384 = arith.constant 32 : index
          %get3A_385 = tpu.vector_load %arg11[%get3A_383, %get3A_384] {strides = array<i32>} : memref<256x48xf32, #tpu.memory_space<vmem>>, vector<16xf32>,
          %mul3A_386 = arith.mulf %get3A_385, %gather3A_368 : vector<16xf32>
          %swap3A_387 = arith.index_cast %scan3A_363 : i32 to index
          %swap3A_388 = arith.constant 32 : index
          %swap3A_389 = tpu.vector_load %arg11[%swap3A_387, %swap3A_388] {strides = array<i32>} : memref<256x48xf32, #tpu.memory_space<vmem>>, vector<16xf32>,
          tpu.vector_store %arg11[%swap3A_387, %swap3A_388], %mul3A_386 {strides = array<i32>} : memref<256x48xf32, #tpu.memory_space<vmem>>, vector<16xf32>,
          %scan3A_390 = arith.constant 6 : i32
          %scan3A_391 = arith.addi %scan3A_226, %scan3A_390 : i32
          %broadcast_in_dim3A_392 = arith.constant 0 : i32
          %broadcast_in_dim3A_393 = vector.broadcast %broadcast_in_dim3A_392 : i32 to vector<16xi32>
          %add3A_394 = vector.broadcast %scan3A_391 : i32 to vector<16xi32>
          %add3A_395 = arith.addi %broadcast_in_dim3A_393, %add3A_394 : vector<16xi32>
          %gather3A_396 = tpu.vector_load_idx %arg10[%add3A_193, %add3A_395] : memref<40x256xf32, #tpu.memory_space<vmem>>[vector<16xi32>, vector<16xi32>], vector<16xf32>,
          %get3A_397 = arith.index_cast %scan3A_391 : i32 to index
          %get3A_398 = arith.constant 0 : index
          %get3A_399 = tpu.vector_load %arg11[%get3A_397, %get3A_398] {strides = array<i32>} : memref<256x48xf32, #tpu.memory_space<vmem>>, vector<16xf32>,
          %mul3A_400 = arith.mulf %get3A_399, %gather3A_396 : vector<16xf32>
          %swap3A_401 = arith.index_cast %scan3A_391 : i32 to index
          %swap3A_402 = arith.constant 0 : index
          %swap3A_403 = tpu.vector_load %arg11[%swap3A_401, %swap3A_402] {strides = array<i32>} : memref<256x48xf32, #tpu.memory_space<vmem>>, vector<16xf32>,
          tpu.vector_store %arg11[%swap3A_401, %swap3A_402], %mul3A_400 {strides = array<i32>} : memref<256x48xf32, #tpu.memory_space<vmem>>, vector<16xf32>,
          %get3A_404 = arith.index_cast %scan3A_391 : i32 to index
          %get3A_405 = arith.constant 16 : index
          %get3A_406 = tpu.vector_load %arg11[%get3A_404, %get3A_405] {strides = array<i32>} : memref<256x48xf32, #tpu.memory_space<vmem>>, vector<16xf32>,
          %mul3A_407 = arith.mulf %get3A_406, %gather3A_396 : vector<16xf32>
          %swap3A_408 = arith.index_cast %scan3A_391 : i32 to index
          %swap3A_409 = arith.constant 16 : index
          %swap3A_410 = tpu.vector_load %arg11[%swap3A_408, %swap3A_409] {strides = array<i32>} : memref<256x48xf32, #tpu.memory_space<vmem>>, vector<16xf32>,
          tpu.vector_store %arg11[%swap3A_408, %swap3A_409], %mul3A_407 {strides = array<i32>} : memref<256x48xf32, #tpu.memory_space<vmem>>, vector<16xf32>,
          %get3A_411 = arith.index_cast %scan3A_391 : i32 to index
          %get3A_412 = arith.constant 32 : index
          %get3A_413 = tpu.vector_load %arg11[%get3A_411, %get3A_412] {strides = array<i32>} : memref<256x48xf32, #tpu.memory_space<vmem>>, vector<16xf32>,
          %mul3A_414 = arith.mulf %get3A_413, %gather3A_396 : vector<16xf32>
          %swap3A_415 = arith.index_cast %scan3A_391 : i32 to index
          %swap3A_416 = arith.constant 32 : index
          %swap3A_417 = tpu.vector_load %arg11[%swap3A_415, %swap3A_416] {strides = array<i32>} : memref<256x48xf32, #tpu.memory_space<vmem>>, vector<16xf32>,
          tpu.vector_store %arg11[%swap3A_415, %swap3A_416], %mul3A_414 {strides = array<i32>} : memref<256x48xf32, #tpu.memory_space<vmem>>, vector<16xf32>,
          %scan3A_418 = arith.constant 7 : i32
          %scan3A_419 = arith.addi %scan3A_226, %scan3A_418 : i32
          %broadcast_in_dim3A_420 = arith.constant 0 : i32
          %broadcast_in_dim3A_421 = vector.broadcast %broadcast_in_dim3A_420 : i32 to vector<16xi32>
          %add3A_422 = vector.broadcast %scan3A_419 : i32 to vector<16xi32>
          %add3A_423 = arith.addi %broadcast_in_dim3A_421, %add3A_422 : vector<16xi32>
          %gather3A_424 = tpu.vector_load_idx %arg10[%add3A_193, %add3A_423] : memref<40x256xf32, #tpu.memory_space<vmem>>[vector<16xi32>, vector<16xi32>], vector<16xf32>,
          %get3A_425 = arith.index_cast %scan3A_419 : i32 to index
          %get3A_426 = arith.constant 0 : index
          %get3A_427 = tpu.vector_load %arg11[%get3A_425, %get3A_426] {strides = array<i32>} : memref<256x48xf32, #tpu.memory_space<vmem>>, vector<16xf32>,
          %mul3A_428 = arith.mulf %get3A_427, %gather3A_424 : vector<16xf32>
          %swap3A_429 = arith.index_cast %scan3A_419 : i32 to index
          %swap3A_430 = arith.constant 0 : index
          %swap3A_431 = tpu.vector_load %arg11[%swap3A_429, %swap3A_430] {strides = array<i32>} : memref<256x48xf32, #tpu.memory_space<vmem>>, vector<16xf32>,
          tpu.vector_store %arg11[%swap3A_429, %swap3A_430], %mul3A_428 {strides = array<i32>} : memref<256x48xf32, #tpu.memory_space<vmem>>, vector<16xf32>,
          %get3A_432 = arith.index_cast %scan3A_419 : i32 to index
          %get3A_433 = arith.constant 16 : index
          %get3A_434 = tpu.vector_load %arg11[%get3A_432, %get3A_433] {strides = array<i32>} : memref<256x48xf32, #tpu.memory_space<vmem>>, vector<16xf32>,
          %mul3A_435 = arith.mulf %get3A_434, %gather3A_424 : vector<16xf32>
          %swap3A_436 = arith.index_cast %scan3A_419 : i32 to index
          %swap3A_437 = arith.constant 16 : index
          %swap3A_438 = tpu.vector_load %arg11[%swap3A_436, %swap3A_437] {strides = array<i32>} : memref<256x48xf32, #tpu.memory_space<vmem>>, vector<16xf32>,
          tpu.vector_store %arg11[%swap3A_436, %swap3A_437], %mul3A_435 {strides = array<i32>} : memref<256x48xf32, #tpu.memory_space<vmem>>, vector<16xf32>,
          %get3A_439 = arith.index_cast %scan3A_419 : i32 to index
          %get3A_440 = arith.constant 32 : index
          %get3A_441 = tpu.vector_load %arg11[%get3A_439, %get3A_440] {strides = array<i32>} : memref<256x48xf32, #tpu.memory_space<vmem>>, vector<16xf32>,
          %mul3A_442 = arith.mulf %get3A_441, %gather3A_424 : vector<16xf32>
          %swap3A_443 = arith.index_cast %scan3A_419 : i32 to index
          %swap3A_444 = arith.constant 32 : index
          %swap3A_445 = tpu.vector_load %arg11[%swap3A_443, %swap3A_444] {strides = array<i32>} : memref<256x48xf32, #tpu.memory_space<vmem>>, vector<16xf32>,
          tpu.vector_store %arg11[%swap3A_443, %swap3A_444], %mul3A_442 {strides = array<i32>} : memref<256x48xf32, #tpu.memory_space<vmem>>, vector<16xf32>,
        }
        %scan3A_199 = arith.constant 256 : i32
        %mul3A_200 = arith.constant 2 : i32
        %mul3A_201 = arith.muli %mul3A_200, %add3A_125 : i32
        %add3A_202 = arith.constant 0 : i32
        %add3A_203 = arith.addi %mul3A_201, %add3A_202 : i32
        %dma_start3A_204 = arith.constant 0 : i32
        %dma_start3A_205 = arith.constant 0 : i32
        %dma_start3A_206 = tpu.memref_slice %arg11[%dma_start3A_204, %dma_start3A_205] : memref<256x48xf32, #tpu.memory_space<vmem>> -> memref<128x48xf32, #tpu.memory_space<vmem>>
        %dma_start3A_207 = arith.constant 0 : i32
        %dma_start3A_208 = tpu.memref_slice %arg9[%add3A_203, %dma_start3A_207] : memref<80x128xi32, #tpu.memory_space<vmem>> -> memref<1x128xi32, #tpu.memory_space<vmem>>
        %dma_start3A_209 = tpu.memref_squeeze %dma_start3A_208 : memref<1x128xi32, #tpu.memory_space<vmem>> -> memref<128xi32, #tpu.memory_space<vmem>>
        %dma_start3A_210 = arith.constant 0 : i32
        %dma_start3A_211 = arith.constant 0 : i32
        %dma_start3A_212 = tpu.memref_slice %arg15[%dma_start3A_210, %dma_start3A_211] : memref<10000x48xf32, #tpu.memory_space<vmem_shared>> -> memref<10000x48xf32, #tpu.memory_space<vmem_shared>>
        tpu.enqueue_indirect_dma source(%dma_start3A_206 : memref<128x48xf32, #tpu.memory_space<vmem>>) target(%dma_start3A_212 : memref<10000x48xf32, #tpu.memory_space<vmem_shared>>) offsets(%dma_start3A_209 : memref<128xi32, #tpu.memory_space<vmem>>) semaphore(%arg20 : memref<!tpu.dma_semaphore, #tpu.memory_space<semaphore_mem>>) {add = true}
        %mul3A_213 = arith.constant 2 : i32
        %mul3A_214 = arith.muli %mul3A_213, %add3A_125 : i32
        %add3A_215 = arith.constant 1 : i32
        %add3A_216 = arith.addi %mul3A_214, %add3A_215 : i32
        %dma_start3A_217 = arith.constant 128 : i32
        %dma_start3A_218 = arith.constant 0 : i32
        %dma_start3A_219 = tpu.memref_slice %arg11[%dma_start3A_217, %dma_start3A_218] : memref<256x48xf32, #tpu.memory_space<vmem>> -> memref<128x48xf32, #tpu.memory_space<vmem>>
        %dma_start3A_220 = arith.constant 0 : i32
        %dma_start3A_221 = tpu.memref_slice %arg9[%add3A_216, %dma_start3A_220] : memref<80x128xi32, #tpu.memory_space<vmem>> -> memref<1x128xi32, #tpu.memory_space<vmem>>
        %dma_start3A_222 = tpu.memref_squeeze %dma_start3A_221 : memref<1x128xi32, #tpu.memory_space<vmem>> -> memref<128xi32, #tpu.memory_space<vmem>>
        %dma_start3A_223 = arith.constant 0 : i32
        %dma_start3A_224 = arith.constant 0 : i32
        %dma_start3A_225 = tpu.memref_slice %arg15[%dma_start3A_223, %dma_start3A_224] : memref<10000x48xf32, #tpu.memory_space<vmem_shared>> -> memref<10000x48xf32, #tpu.memory_space<vmem_shared>>
        tpu.enqueue_indirect_dma source(%dma_start3A_219 : memref<128x48xf32, #tpu.memory_space<vmem>>) target(%dma_start3A_225 : memref<10000x48xf32, #tpu.memory_space<vmem_shared>>) offsets(%dma_start3A_222 : memref<128xi32, #tpu.memory_space<vmem>>) semaphore(%arg20 : memref<!tpu.dma_semaphore, #tpu.memory_space<semaphore_mem>>) {add = true}
      } else {
      }
      %mul3A_131 = arith.constant 4 : i32
      %mul3A_132 = arith.muli %scan3A_121, %mul3A_131 : i32
      %add3A_133 = arith.constant 1 : i32
      %add3A_134 = arith.addi %mul3A_132, %add3A_133 : i32
      %lt3A_135 = arith.constant 40 : i32
      %lt3A_136 = arith.cmpi slt, %add3A_134, %lt3A_135 : i32
      %convert_element_type3A_137 = arith.extui %lt3A_136 : i1 to i32
      %cond3A_138 = arith.constant 0 : i32
      %cond3A_139 = arith.cmpi ne, %convert_element_type3A_137, %cond3A_138 : i32
      scf.if %cond3A_139 {
        %add3A_158 = arith.constant 1 : i32
        %add3A_159 = arith.addi %add3A_134, %add3A_158 : i32
        %lt3A_160 = arith.constant 40 : i32
        %lt3A_161 = arith.cmpi slt, %add3A_159, %lt3A_160 : i32
        %convert_element_type3A_162 = arith.extui %lt3A_161 : i1 to i32
        %cond3A_163 = arith.constant 0 : i32
        %cond3A_164 = arith.cmpi ne, %convert_element_type3A_162, %cond3A_163 : i32
        scf.if %cond3A_164 {
          %add3A_226 = arith.constant 1 : i32
          %add3A_227 = arith.addi %add3A_134, %add3A_226 : i32
          %ge3A = arith.constant 4 : i32
          %ge3A_228 = arith.cmpi sge, %add3A_227, %ge3A : i32
          %convert_element_type3A_229 = arith.extui %ge3A_228 : i1 to i32
          %cond3A_230 = arith.constant 0 : i32
          %cond3A_231 = arith.cmpi ne, %convert_element_type3A_229, %cond3A_230 : i32
          scf.if %cond3A_231 {
            %add3A_260 = arith.constant 1 : i32
            %add3A_261 = arith.addi %add3A_134, %add3A_260 : i32
            %sub3A = arith.constant 4 : i32
            %sub3A_262 = arith.subi %add3A_261, %sub3A : i32
            %mul3A_263 = arith.constant 2 : i32
            %mul3A_264 = arith.muli %mul3A_263, %sub3A_262 : i32
            %add3A_265 = arith.constant 0 : i32
            %add3A_266 = arith.addi %mul3A_264, %add3A_265 : i32
            %dma_wait3A_267 = arith.constant 0 : i32
            %dma_wait3A_268 = arith.constant 0 : i32
            %dma_wait3A_269 = tpu.memref_slice %arg13[%dma_wait3A_267, %dma_wait3A_268] : memref<256x48xf32, #tpu.memory_space<vmem>> -> memref<128x48xf32, #tpu.memory_space<vmem>>
            %dma_wait3A_270 = arith.constant 0 : i32
            %dma_wait3A_271 = tpu.memref_slice %arg9[%add3A_266, %dma_wait3A_270] : memref<80x128xi32, #tpu.memory_space<vmem>> -> memref<1x128xi32, #tpu.memory_space<vmem>>
            %dma_wait3A_272 = tpu.memref_squeeze %dma_wait3A_271 : memref<1x128xi32, #tpu.memory_space<vmem>> -> memref<128xi32, #tpu.memory_space<vmem>>
            %dma_wait3A_273 = arith.constant 0 : i32
            %dma_wait3A_274 = arith.constant 0 : i32
            %dma_wait3A_275 = tpu.memref_slice %arg15[%dma_wait3A_273, %dma_wait3A_274] : memref<10000x48xf32, #tpu.memory_space<vmem_shared>> -> memref<10000x48xf32, #tpu.memory_space<vmem_shared>>
            tpu.wait_indirect_dma semaphore(%arg22 : memref<!tpu.dma_semaphore, #tpu.memory_space<semaphore_mem>>) src(%dma_wait3A_269 : memref<128x48xf32, #tpu.memory_space<vmem>>) dst(%dma_wait3A_275 : memref<10000x48xf32, #tpu.memory_space<vmem_shared>>)
            %mul3A_276 = arith.constant 2 : i32
            %mul3A_277 = arith.muli %mul3A_276, %sub3A_262 : i32
            %add3A_278 = arith.constant 1 : i32
            %add3A_279 = arith.addi %mul3A_277, %add3A_278 : i32
            %dma_wait3A_280 = arith.constant 128 : i32
            %dma_wait3A_281 = arith.constant 0 : i32
            %dma_wait3A_282 = tpu.memref_slice %arg13[%dma_wait3A_280, %dma_wait3A_281] : memref<256x48xf32, #tpu.memory_space<vmem>> -> memref<128x48xf32, #tpu.memory_space<vmem>>
            %dma_wait3A_283 = arith.constant 0 : i32
            %dma_wait3A_284 = tpu.memref_slice %arg9[%add3A_279, %dma_wait3A_283] : memref<80x128xi32, #tpu.memory_space<vmem>> -> memref<1x128xi32, #tpu.memory_space<vmem>>
            %dma_wait3A_285 = tpu.memref_squeeze %dma_wait3A_284 : memref<1x128xi32, #tpu.memory_space<vmem>> -> memref<128xi32, #tpu.memory_space<vmem>>
            %dma_wait3A_286 = arith.constant 0 : i32
            %dma_wait3A_287 = arith.constant 0 : i32
            %dma_wait3A_288 = tpu.memref_slice %arg15[%dma_wait3A_286, %dma_wait3A_287] : memref<10000x48xf32, #tpu.memory_space<vmem_shared>> -> memref<10000x48xf32, #tpu.memory_space<vmem_shared>>
            tpu.wait_indirect_dma semaphore(%arg22 : memref<!tpu.dma_semaphore, #tpu.memory_space<semaphore_mem>>) src(%dma_wait3A_282 : memref<128x48xf32, #tpu.memory_space<vmem>>) dst(%dma_wait3A_288 : memref<10000x48xf32, #tpu.memory_space<vmem_shared>>)
          } else {
          }
          %add3A_232 = arith.constant 1 : i32
          %add3A_233 = arith.addi %add3A_134, %add3A_232 : i32
          %mul3A_234 = arith.constant 2 : i32
          %mul3A_235 = arith.muli %mul3A_234, %add3A_233 : i32
          %add3A_236 = arith.constant 0 : i32
          %add3A_237 = arith.addi %mul3A_235, %add3A_236 : i32
          %dma_start3A_238 = arith.constant 0 : i32
          %dma_start3A_239 = arith.constant 0 : i32
          %dma_start3A_240 = tpu.memref_slice %arg13[%dma_start3A_238, %dma_start3A_239] : memref<256x48xf32, #tpu.memory_space<vmem>> -> memref<128x48xf32, #tpu.memory_space<vmem>>
          %dma_start3A_241 = arith.constant 0 : i32
          %dma_start3A_242 = tpu.memref_slice %arg8[%add3A_237, %dma_start3A_241] : memref<80x128xi32, #tpu.memory_space<vmem>> -> memref<1x128xi32, #tpu.memory_space<vmem>>
          %dma_start3A_243 = tpu.memref_squeeze %dma_start3A_242 : memref<1x128xi32, #tpu.memory_space<vmem>> -> memref<128xi32, #tpu.memory_space<vmem>>
          %dma_start3A_244 = arith.constant 0 : i32
          %dma_start3A_245 = arith.constant 0 : i32
          %dma_start3A_246 = tpu.memref_slice %arg2[%dma_start3A_244, %dma_start3A_245] : memref<10000x48xf32, #tpu.memory_space<hbm>> -> memref<10000x48xf32, #tpu.memory_space<hbm>>
          tpu.enqueue_indirect_dma source(%dma_start3A_246 : memref<10000x48xf32, #tpu.memory_space<hbm>>) target(%dma_start3A_240 : memref<128x48xf32, #tpu.memory_space<vmem>>) offsets(%dma_start3A_243 : memref<128xi32, #tpu.memory_space<vmem>>) semaphore(%arg18 : memref<!tpu.dma_semaphore, #tpu.memory_space<semaphore_mem>>)
          %mul3A_247 = arith.constant 2 : i32
          %mul3A_248 = arith.muli %mul3A_247, %add3A_233 : i32
          %add3A_249 = arith.constant 1 : i32
          %add3A_250 = arith.addi %mul3A_248, %add3A_249 : i32
          %dma_start3A_251 = arith.constant 128 : i32
          %dma_start3A_252 = arith.constant 0 : i32
          %dma_start3A_253 = tpu.memref_slice %arg13[%dma_start3A_251, %dma_start3A_252] : memref<256x48xf32, #tpu.memory_space<vmem>> -> memref<128x48xf32, #tpu.memory_space<vmem>>
          %dma_start3A_254 = arith.constant 0 : i32
          %dma_start3A_255 = tpu.memref_slice %arg8[%add3A_250, %dma_start3A_254] : memref<80x128xi32, #tpu.memory_space<vmem>> -> memref<1x128xi32, #tpu.memory_space<vmem>>
          %dma_start3A_256 = tpu.memref_squeeze %dma_start3A_255 : memref<1x128xi32, #tpu.memory_space<vmem>> -> memref<128xi32, #tpu.memory_space<vmem>>
          %dma_start3A_257 = arith.constant 0 : i32
          %dma_start3A_258 = arith.constant 0 : i32
          %dma_start3A_259 = tpu.memref_slice %arg2[%dma_start3A_257, %dma_start3A_258] : memref<10000x48xf32, #tpu.memory_space<hbm>> -> memref<10000x48xf32, #tpu.memory_space<hbm>>
          tpu.enqueue_indirect_dma source(%dma_start3A_259 : memref<10000x48xf32, #tpu.memory_space<hbm>>) target(%dma_start3A_253 : memref<128x48xf32, #tpu.memory_space<vmem>>) offsets(%dma_start3A_256 : memref<128xi32, #tpu.memory_space<vmem>>) semaphore(%arg18 : memref<!tpu.dma_semaphore, #tpu.memory_space<semaphore_mem>>)
        } else {
        }
        %mul3A_165 = arith.constant 2 : i32
        %mul3A_166 = arith.muli %mul3A_165, %add3A_134 : i32
        %add3A_167 = arith.constant 0 : i32
        %add3A_168 = arith.addi %mul3A_166, %add3A_167 : i32
        %dma_wait3A_169 = arith.constant 0 : i32
        %dma_wait3A_170 = arith.constant 0 : i32
        %dma_wait3A_171 = tpu.memref_slice %arg12[%dma_wait3A_169, %dma_wait3A_170] : memref<256x48xf32, #tpu.memory_space<vmem>> -> memref<128x48xf32, #tpu.memory_space<vmem>>
        %dma_wait3A_172 = arith.constant 0 : i32
        %dma_wait3A_173 = tpu.memref_slice %arg8[%add3A_168, %dma_wait3A_172] : memref<80x128xi32, #tpu.memory_space<vmem>> -> memref<1x128xi32, #tpu.memory_space<vmem>>
        %dma_wait3A_174 = tpu.memref_squeeze %dma_wait3A_173 : memref<1x128xi32, #tpu.memory_space<vmem>> -> memref<128xi32, #tpu.memory_space<vmem>>
        %dma_wait3A_175 = arith.constant 0 : i32
        %dma_wait3A_176 = arith.constant 0 : i32
        %dma_wait3A_177 = tpu.memref_slice %arg2[%dma_wait3A_175, %dma_wait3A_176] : memref<10000x48xf32, #tpu.memory_space<hbm>> -> memref<10000x48xf32, #tpu.memory_space<hbm>>
        tpu.wait_indirect_dma semaphore(%arg17 : memref<!tpu.dma_semaphore, #tpu.memory_space<semaphore_mem>>) src(%dma_wait3A_177 : memref<10000x48xf32, #tpu.memory_space<hbm>>) dst(%dma_wait3A_171 : memref<128x48xf32, #tpu.memory_space<vmem>>)
        %mul3A_178 = arith.constant 2 : i32
        %mul3A_179 = arith.muli %mul3A_178, %add3A_134 : i32
        %add3A_180 = arith.constant 1 : i32
        %add3A_181 = arith.addi %mul3A_179, %add3A_180 : i32
        %dma_wait3A_182 = arith.constant 128 : i32
        %dma_wait3A_183 = arith.constant 0 : i32
        %dma_wait3A_184 = tpu.memref_slice %arg12[%dma_wait3A_182, %dma_wait3A_183] : memref<256x48xf32, #tpu.memory_space<vmem>> -> memref<128x48xf32, #tpu.memory_space<vmem>>
        %dma_wait3A_185 = arith.constant 0 : i32
        %dma_wait3A_186 = tpu.memref_slice %arg8[%add3A_181, %dma_wait3A_185] : memref<80x128xi32, #tpu.memory_space<vmem>> -> memref<1x128xi32, #tpu.memory_space<vmem>>
        %dma_wait3A_187 = tpu.memref_squeeze %dma_wait3A_186 : memref<1x128xi32, #tpu.memory_space<vmem>> -> memref<128xi32, #tpu.memory_space<vmem>>
        %dma_wait3A_188 = arith.constant 0 : i32
        %dma_wait3A_189 = arith.constant 0 : i32
        %dma_wait3A_190 = tpu.memref_slice %arg2[%dma_wait3A_188, %dma_wait3A_189] : memref<10000x48xf32, #tpu.memory_space<hbm>> -> memref<10000x48xf32, #tpu.memory_space<hbm>>
        tpu.wait_indirect_dma semaphore(%arg17 : memref<!tpu.dma_semaphore, #tpu.memory_space<semaphore_mem>>) src(%dma_wait3A_190 : memref<10000x48xf32, #tpu.memory_space<hbm>>) dst(%dma_wait3A_184 : memref<128x48xf32, #tpu.memory_space<vmem>>)
        %broadcast_in_dim3A = arith.constant 0 : i32
        %broadcast_in_dim3A_191 = vector.broadcast %broadcast_in_dim3A : i32 to vector<16xi32>
        %add3A_192 = vector.broadcast %add3A_134 : i32 to vector<16xi32>
        %add3A_193 = arith.addi %broadcast_in_dim3A_191, %add3A_192 : vector<16xi32>
        %scan3A_194 = arith.constant 0 : i32
        %scan3A_195 = arith.constant 0 : i32
        %scan3A_196 = arith.constant 256 : i32
        %scan3A_197 = arith.addi %scan3A_195, %scan3A_196 : i32
        %scan3A_198 = arith.constant 8 : i32
        scf.for %scan3A_226 = %scan3A_195 to %scan3A_197 step %scan3A_198  : i32 {
          %broadcast_in_dim3A_227 = arith.constant 0 : i32
          %broadcast_in_dim3A_228 = vector.broadcast %broadcast_in_dim3A_227 : i32 to vector<16xi32>
          %add3A_229 = vector.broadcast %scan3A_226 : i32 to vector<16xi32>
          %add3A_230 = arith.addi %broadcast_in_dim3A_228, %add3A_229 : vector<16xi32>
          %gather3A = tpu.vector_load_idx %arg10[%add3A_193, %add3A_230] : memref<40x256xf32, #tpu.memory_space<vmem>>[vector<16xi32>, vector<16xi32>], vector<16xf32>,
          %get3A = arith.index_cast %scan3A_226 : i32 to index
          %get3A_231 = arith.constant 0 : index
          %get3A_232 = tpu.vector_load %arg12[%get3A, %get3A_231] {strides = array<i32>} : memref<256x48xf32, #tpu.memory_space<vmem>>, vector<16xf32>,
          %mul3A_233 = arith.mulf %get3A_232, %gather3A : vector<16xf32>
          %swap3A = arith.index_cast %scan3A_226 : i32 to index
          %swap3A_234 = arith.constant 0 : index
          %swap3A_235 = tpu.vector_load %arg12[%swap3A, %swap3A_234] {strides = array<i32>} : memref<256x48xf32, #tpu.memory_space<vmem>>, vector<16xf32>,
          tpu.vector_store %arg12[%swap3A, %swap3A_234], %mul3A_233 {strides = array<i32>} : memref<256x48xf32, #tpu.memory_space<vmem>>, vector<16xf32>,
          %get3A_236 = arith.index_cast %scan3A_226 : i32 to index
          %get3A_237 = arith.constant 16 : index
          %get3A_238 = tpu.vector_load %arg12[%get3A_236, %get3A_237] {strides = array<i32>} : memref<256x48xf32, #tpu.memory_space<vmem>>, vector<16xf32>,
          %mul3A_239 = arith.mulf %get3A_238, %gather3A : vector<16xf32>
          %swap3A_240 = arith.index_cast %scan3A_226 : i32 to index
          %swap3A_241 = arith.constant 16 : index
          %swap3A_242 = tpu.vector_load %arg12[%swap3A_240, %swap3A_241] {strides = array<i32>} : memref<256x48xf32, #tpu.memory_space<vmem>>, vector<16xf32>,
          tpu.vector_store %arg12[%swap3A_240, %swap3A_241], %mul3A_239 {strides = array<i32>} : memref<256x48xf32, #tpu.memory_space<vmem>>, vector<16xf32>,
          %get3A_243 = arith.index_cast %scan3A_226 : i32 to index
          %get3A_244 = arith.constant 32 : index
          %get3A_245 = tpu.vector_load %arg12[%get3A_243, %get3A_244] {strides = array<i32>} : memref<256x48xf32, #tpu.memory_space<vmem>>, vector<16xf32>,
          %mul3A_246 = arith.mulf %get3A_245, %gather3A : vector<16xf32>
          %swap3A_247 = arith.index_cast %scan3A_226 : i32 to index
          %swap3A_248 = arith.constant 32 : index
          %swap3A_249 = tpu.vector_load %arg12[%swap3A_247, %swap3A_248] {strides = array<i32>} : memref<256x48xf32, #tpu.memory_space<vmem>>, vector<16xf32>,
          tpu.vector_store %arg12[%swap3A_247, %swap3A_248], %mul3A_246 {strides = array<i32>} : memref<256x48xf32, #tpu.memory_space<vmem>>, vector<16xf32>,
          %scan3A_250 = arith.constant 1 : i32
          %scan3A_251 = arith.addi %scan3A_226, %scan3A_250 : i32
          %broadcast_in_dim3A_252 = arith.constant 0 : i32
          %broadcast_in_dim3A_253 = vector.broadcast %broadcast_in_dim3A_252 : i32 to vector<16xi32>
          %add3A_254 = vector.broadcast %scan3A_251 : i32 to vector<16xi32>
          %add3A_255 = arith.addi %broadcast_in_dim3A_253, %add3A_254 : vector<16xi32>
          %gather3A_256 = tpu.vector_load_idx %arg10[%add3A_193, %add3A_255] : memref<40x256xf32, #tpu.memory_space<vmem>>[vector<16xi32>, vector<16xi32>], vector<16xf32>,
          %get3A_257 = arith.index_cast %scan3A_251 : i32 to index
          %get3A_258 = arith.constant 0 : index
          %get3A_259 = tpu.vector_load %arg12[%get3A_257, %get3A_258] {strides = array<i32>} : memref<256x48xf32, #tpu.memory_space<vmem>>, vector<16xf32>,
          %mul3A_260 = arith.mulf %get3A_259, %gather3A_256 : vector<16xf32>
          %swap3A_261 = arith.index_cast %scan3A_251 : i32 to index
          %swap3A_262 = arith.constant 0 : index
          %swap3A_263 = tpu.vector_load %arg12[%swap3A_261, %swap3A_262] {strides = array<i32>} : memref<256x48xf32, #tpu.memory_space<vmem>>, vector<16xf32>,
          tpu.vector_store %arg12[%swap3A_261, %swap3A_262], %mul3A_260 {strides = array<i32>} : memref<256x48xf32, #tpu.memory_space<vmem>>, vector<16xf32>,
          %get3A_264 = arith.index_cast %scan3A_251 : i32 to index
          %get3A_265 = arith.constant 16 : index
          %get3A_266 = tpu.vector_load %arg12[%get3A_264, %get3A_265] {strides = array<i32>} : memref<256x48xf32, #tpu.memory_space<vmem>>, vector<16xf32>,
          %mul3A_267 = arith.mulf %get3A_266, %gather3A_256 : vector<16xf32>
          %swap3A_268 = arith.index_cast %scan3A_251 : i32 to index
          %swap3A_269 = arith.constant 16 : index
          %swap3A_270 = tpu.vector_load %arg12[%swap3A_268, %swap3A_269] {strides = array<i32>} : memref<256x48xf32, #tpu.memory_space<vmem>>, vector<16xf32>,
          tpu.vector_store %arg12[%swap3A_268, %swap3A_269], %mul3A_267 {strides = array<i32>} : memref<256x48xf32, #tpu.memory_space<vmem>>, vector<16xf32>,
          %get3A_271 = arith.index_cast %scan3A_251 : i32 to index
          %get3A_272 = arith.constant 32 : index
          %get3A_273 = tpu.vector_load %arg12[%get3A_271, %get3A_272] {strides = array<i32>} : memref<256x48xf32, #tpu.memory_space<vmem>>, vector<16xf32>,
          %mul3A_274 = arith.mulf %get3A_273, %gather3A_256 : vector<16xf32>
          %swap3A_275 = arith.index_cast %scan3A_251 : i32 to index
          %swap3A_276 = arith.constant 32 : index
          %swap3A_277 = tpu.vector_load %arg12[%swap3A_275, %swap3A_276] {strides = array<i32>} : memref<256x48xf32, #tpu.memory_space<vmem>>, vector<16xf32>,
          tpu.vector_store %arg12[%swap3A_275, %swap3A_276], %mul3A_274 {strides = array<i32>} : memref<256x48xf32, #tpu.memory_space<vmem>>, vector<16xf32>,
          %scan3A_278 = arith.constant 2 : i32
          %scan3A_279 = arith.addi %scan3A_226, %scan3A_278 : i32
          %broadcast_in_dim3A_280 = arith.constant 0 : i32
          %broadcast_in_dim3A_281 = vector.broadcast %broadcast_in_dim3A_280 : i32 to vector<16xi32>
          %add3A_282 = vector.broadcast %scan3A_279 : i32 to vector<16xi32>
          %add3A_283 = arith.addi %broadcast_in_dim3A_281, %add3A_282 : vector<16xi32>
          %gather3A_284 = tpu.vector_load_idx %arg10[%add3A_193, %add3A_283] : memref<40x256xf32, #tpu.memory_space<vmem>>[vector<16xi32>, vector<16xi32>], vector<16xf32>,
          %get3A_285 = arith.index_cast %scan3A_279 : i32 to index
          %get3A_286 = arith.constant 0 : index
          %get3A_287 = tpu.vector_load %arg12[%get3A_285, %get3A_286] {strides = array<i32>} : memref<256x48xf32, #tpu.memory_space<vmem>>, vector<16xf32>,
          %mul3A_288 = arith.mulf %get3A_287, %gather3A_284 : vector<16xf32>
          %swap3A_289 = arith.index_cast %scan3A_279 : i32 to index
          %swap3A_290 = arith.constant 0 : index
          %swap3A_291 = tpu.vector_load %arg12[%swap3A_289, %swap3A_290] {strides = array<i32>} : memref<256x48xf32, #tpu.memory_space<vmem>>, vector<16xf32>,
          tpu.vector_store %arg12[%swap3A_289, %swap3A_290], %mul3A_288 {strides = array<i32>} : memref<256x48xf32, #tpu.memory_space<vmem>>, vector<16xf32>,
          %get3A_292 = arith.index_cast %scan3A_279 : i32 to index
          %get3A_293 = arith.constant 16 : index
          %get3A_294 = tpu.vector_load %arg12[%get3A_292, %get3A_293] {strides = array<i32>} : memref<256x48xf32, #tpu.memory_space<vmem>>, vector<16xf32>,
          %mul3A_295 = arith.mulf %get3A_294, %gather3A_284 : vector<16xf32>
          %swap3A_296 = arith.index_cast %scan3A_279 : i32 to index
          %swap3A_297 = arith.constant 16 : index
          %swap3A_298 = tpu.vector_load %arg12[%swap3A_296, %swap3A_297] {strides = array<i32>} : memref<256x48xf32, #tpu.memory_space<vmem>>, vector<16xf32>,
          tpu.vector_store %arg12[%swap3A_296, %swap3A_297], %mul3A_295 {strides = array<i32>} : memref<256x48xf32, #tpu.memory_space<vmem>>, vector<16xf32>,
          %get3A_299 = arith.index_cast %scan3A_279 : i32 to index
          %get3A_300 = arith.constant 32 : index
          %get3A_301 = tpu.vector_load %arg12[%get3A_299, %get3A_300] {strides = array<i32>} : memref<256x48xf32, #tpu.memory_space<vmem>>, vector<16xf32>,
          %mul3A_302 = arith.mulf %get3A_301, %gather3A_284 : vector<16xf32>
          %swap3A_303 = arith.index_cast %scan3A_279 : i32 to index
          %swap3A_304 = arith.constant 32 : index
          %swap3A_305 = tpu.vector_load %arg12[%swap3A_303, %swap3A_304] {strides = array<i32>} : memref<256x48xf32, #tpu.memory_space<vmem>>, vector<16xf32>,
          tpu.vector_store %arg12[%swap3A_303, %swap3A_304], %mul3A_302 {strides = array<i32>} : memref<256x48xf32, #tpu.memory_space<vmem>>, vector<16xf32>,
          %scan3A_306 = arith.constant 3 : i32
          %scan3A_307 = arith.addi %scan3A_226, %scan3A_306 : i32
          %broadcast_in_dim3A_308 = arith.constant 0 : i32
          %broadcast_in_dim3A_309 = vector.broadcast %broadcast_in_dim3A_308 : i32 to vector<16xi32>
          %add3A_310 = vector.broadcast %scan3A_307 : i32 to vector<16xi32>
          %add3A_311 = arith.addi %broadcast_in_dim3A_309, %add3A_310 : vector<16xi32>
          %gather3A_312 = tpu.vector_load_idx %arg10[%add3A_193, %add3A_311] : memref<40x256xf32, #tpu.memory_space<vmem>>[vector<16xi32>, vector<16xi32>], vector<16xf32>,
          %get3A_313 = arith.index_cast %scan3A_307 : i32 to index
          %get3A_314 = arith.constant 0 : index
          %get3A_315 = tpu.vector_load %arg12[%get3A_313, %get3A_314] {strides = array<i32>} : memref<256x48xf32, #tpu.memory_space<vmem>>, vector<16xf32>,
          %mul3A_316 = arith.mulf %get3A_315, %gather3A_312 : vector<16xf32>
          %swap3A_317 = arith.index_cast %scan3A_307 : i32 to index
          %swap3A_318 = arith.constant 0 : index
          %swap3A_319 = tpu.vector_load %arg12[%swap3A_317, %swap3A_318] {strides = array<i32>} : memref<256x48xf32, #tpu.memory_space<vmem>>, vector<16xf32>,
          tpu.vector_store %arg12[%swap3A_317, %swap3A_318], %mul3A_316 {strides = array<i32>} : memref<256x48xf32, #tpu.memory_space<vmem>>, vector<16xf32>,
          %get3A_320 = arith.index_cast %scan3A_307 : i32 to index
          %get3A_321 = arith.constant 16 : index
          %get3A_322 = tpu.vector_load %arg12[%get3A_320, %get3A_321] {strides = array<i32>} : memref<256x48xf32, #tpu.memory_space<vmem>>, vector<16xf32>,
          %mul3A_323 = arith.mulf %get3A_322, %gather3A_312 : vector<16xf32>
          %swap3A_324 = arith.index_cast %scan3A_307 : i32 to index
          %swap3A_325 = arith.constant 16 : index
          %swap3A_326 = tpu.vector_load %arg12[%swap3A_324, %swap3A_325] {strides = array<i32>} : memref<256x48xf32, #tpu.memory_space<vmem>>, vector<16xf32>,
          tpu.vector_store %arg12[%swap3A_324, %swap3A_325], %mul3A_323 {strides = array<i32>} : memref<256x48xf32, #tpu.memory_space<vmem>>, vector<16xf32>,
          %get3A_327 = arith.index_cast %scan3A_307 : i32 to index
          %get3A_328 = arith.constant 32 : index
          %get3A_329 = tpu.vector_load %arg12[%get3A_327, %get3A_328] {strides = array<i32>} : memref<256x48xf32, #tpu.memory_space<vmem>>, vector<16xf32>,
          %mul3A_330 = arith.mulf %get3A_329, %gather3A_312 : vector<16xf32>
          %swap3A_331 = arith.index_cast %scan3A_307 : i32 to index
          %swap3A_332 = arith.constant 32 : index
          %swap3A_333 = tpu.vector_load %arg12[%swap3A_331, %swap3A_332] {strides = array<i32>} : memref<256x48xf32, #tpu.memory_space<vmem>>, vector<16xf32>,
          tpu.vector_store %arg12[%swap3A_331, %swap3A_332], %mul3A_330 {strides = array<i32>} : memref<256x48xf32, #tpu.memory_space<vmem>>, vector<16xf32>,
          %scan3A_334 = arith.constant 4 : i32
          %scan3A_335 = arith.addi %scan3A_226, %scan3A_334 : i32
          %broadcast_in_dim3A_336 = arith.constant 0 : i32
          %broadcast_in_dim3A_337 = vector.broadcast %broadcast_in_dim3A_336 : i32 to vector<16xi32>
          %add3A_338 = vector.broadcast %scan3A_335 : i32 to vector<16xi32>
          %add3A_339 = arith.addi %broadcast_in_dim3A_337, %add3A_338 : vector<16xi32>
          %gather3A_340 = tpu.vector_load_idx %arg10[%add3A_193, %add3A_339] : memref<40x256xf32, #tpu.memory_space<vmem>>[vector<16xi32>, vector<16xi32>], vector<16xf32>,
          %get3A_341 = arith.index_cast %scan3A_335 : i32 to index
          %get3A_342 = arith.constant 0 : index
          %get3A_343 = tpu.vector_load %arg12[%get3A_341, %get3A_342] {strides = array<i32>} : memref<256x48xf32, #tpu.memory_space<vmem>>, vector<16xf32>,
          %mul3A_344 = arith.mulf %get3A_343, %gather3A_340 : vector<16xf32>
          %swap3A_345 = arith.index_cast %scan3A_335 : i32 to index
          %swap3A_346 = arith.constant 0 : index
          %swap3A_347 = tpu.vector_load %arg12[%swap3A_345, %swap3A_346] {strides = array<i32>} : memref<256x48xf32, #tpu.memory_space<vmem>>, vector<16xf32>,
          tpu.vector_store %arg12[%swap3A_345, %swap3A_346], %mul3A_344 {strides = array<i32>} : memref<256x48xf32, #tpu.memory_space<vmem>>, vector<16xf32>,
          %get3A_348 = arith.index_cast %scan3A_335 : i32 to index
          %get3A_349 = arith.constant 16 : index
          %get3A_350 = tpu.vector_load %arg12[%get3A_348, %get3A_349] {strides = array<i32>} : memref<256x48xf32, #tpu.memory_space<vmem>>, vector<16xf32>,
          %mul3A_351 = arith.mulf %get3A_350, %gather3A_340 : vector<16xf32>
          %swap3A_352 = arith.index_cast %scan3A_335 : i32 to index
          %swap3A_353 = arith.constant 16 : index
          %swap3A_354 = tpu.vector_load %arg12[%swap3A_352, %swap3A_353] {strides = array<i32>} : memref<256x48xf32, #tpu.memory_space<vmem>>, vector<16xf32>,
          tpu.vector_store %arg12[%swap3A_352, %swap3A_353], %mul3A_351 {strides = array<i32>} : memref<256x48xf32, #tpu.memory_space<vmem>>, vector<16xf32>,
          %get3A_355 = arith.index_cast %scan3A_335 : i32 to index
          %get3A_356 = arith.constant 32 : index
          %get3A_357 = tpu.vector_load %arg12[%get3A_355, %get3A_356] {strides = array<i32>} : memref<256x48xf32, #tpu.memory_space<vmem>>, vector<16xf32>,
          %mul3A_358 = arith.mulf %get3A_357, %gather3A_340 : vector<16xf32>
          %swap3A_359 = arith.index_cast %scan3A_335 : i32 to index
          %swap3A_360 = arith.constant 32 : index
          %swap3A_361 = tpu.vector_load %arg12[%swap3A_359, %swap3A_360] {strides = array<i32>} : memref<256x48xf32, #tpu.memory_space<vmem>>, vector<16xf32>,
          tpu.vector_store %arg12[%swap3A_359, %swap3A_360], %mul3A_358 {strides = array<i32>} : memref<256x48xf32, #tpu.memory_space<vmem>>, vector<16xf32>,
          %scan3A_362 = arith.constant 5 : i32
          %scan3A_363 = arith.addi %scan3A_226, %scan3A_362 : i32
          %broadcast_in_dim3A_364 = arith.constant 0 : i32
          %broadcast_in_dim3A_365 = vector.broadcast %broadcast_in_dim3A_364 : i32 to vector<16xi32>
          %add3A_366 = vector.broadcast %scan3A_363 : i32 to vector<16xi32>
          %add3A_367 = arith.addi %broadcast_in_dim3A_365, %add3A_366 : vector<16xi32>
          %gather3A_368 = tpu.vector_load_idx %arg10[%add3A_193, %add3A_367] : memref<40x256xf32, #tpu.memory_space<vmem>>[vector<16xi32>, vector<16xi32>], vector<16xf32>,
          %get3A_369 = arith.index_cast %scan3A_363 : i32 to index
          %get3A_370 = arith.constant 0 : index
          %get3A_371 = tpu.vector_load %arg12[%get3A_369, %get3A_370] {strides = array<i32>} : memref<256x48xf32, #tpu.memory_space<vmem>>, vector<16xf32>,
          %mul3A_372 = arith.mulf %get3A_371, %gather3A_368 : vector<16xf32>
          %swap3A_373 = arith.index_cast %scan3A_363 : i32 to index
          %swap3A_374 = arith.constant 0 : index
          %swap3A_375 = tpu.vector_load %arg12[%swap3A_373, %swap3A_374] {strides = array<i32>} : memref<256x48xf32, #tpu.memory_space<vmem>>, vector<16xf32>,
          tpu.vector_store %arg12[%swap3A_373, %swap3A_374], %mul3A_372 {strides = array<i32>} : memref<256x48xf32, #tpu.memory_space<vmem>>, vector<16xf32>,
          %get3A_376 = arith.index_cast %scan3A_363 : i32 to index
          %get3A_377 = arith.constant 16 : index
          %get3A_378 = tpu.vector_load %arg12[%get3A_376, %get3A_377] {strides = array<i32>} : memref<256x48xf32, #tpu.memory_space<vmem>>, vector<16xf32>,
          %mul3A_379 = arith.mulf %get3A_378, %gather3A_368 : vector<16xf32>
          %swap3A_380 = arith.index_cast %scan3A_363 : i32 to index
          %swap3A_381 = arith.constant 16 : index
          %swap3A_382 = tpu.vector_load %arg12[%swap3A_380, %swap3A_381] {strides = array<i32>} : memref<256x48xf32, #tpu.memory_space<vmem>>, vector<16xf32>,
          tpu.vector_store %arg12[%swap3A_380, %swap3A_381], %mul3A_379 {strides = array<i32>} : memref<256x48xf32, #tpu.memory_space<vmem>>, vector<16xf32>,
          %get3A_383 = arith.index_cast %scan3A_363 : i32 to index
          %get3A_384 = arith.constant 32 : index
          %get3A_385 = tpu.vector_load %arg12[%get3A_383, %get3A_384] {strides = array<i32>} : memref<256x48xf32, #tpu.memory_space<vmem>>, vector<16xf32>,
          %mul3A_386 = arith.mulf %get3A_385, %gather3A_368 : vector<16xf32>
          %swap3A_387 = arith.index_cast %scan3A_363 : i32 to index
          %swap3A_388 = arith.constant 32 : index
          %swap3A_389 = tpu.vector_load %arg12[%swap3A_387, %swap3A_388] {strides = array<i32>} : memref<256x48xf32, #tpu.memory_space<vmem>>, vector<16xf32>,
          tpu.vector_store %arg12[%swap3A_387, %swap3A_388], %mul3A_386 {strides = array<i32>} : memref<256x48xf32, #tpu.memory_space<vmem>>, vector<16xf32>,
          %scan3A_390 = arith.constant 6 : i32
          %scan3A_391 = arith.addi %scan3A_226, %scan3A_390 : i32
          %broadcast_in_dim3A_392 = arith.constant 0 : i32
          %broadcast_in_dim3A_393 = vector.broadcast %broadcast_in_dim3A_392 : i32 to vector<16xi32>
          %add3A_394 = vector.broadcast %scan3A_391 : i32 to vector<16xi32>
          %add3A_395 = arith.addi %broadcast_in_dim3A_393, %add3A_394 : vector<16xi32>
          %gather3A_396 = tpu.vector_load_idx %arg10[%add3A_193, %add3A_395] : memref<40x256xf32, #tpu.memory_space<vmem>>[vector<16xi32>, vector<16xi32>], vector<16xf32>,
          %get3A_397 = arith.index_cast %scan3A_391 : i32 to index
          %get3A_398 = arith.constant 0 : index
          %get3A_399 = tpu.vector_load %arg12[%get3A_397, %get3A_398] {strides = array<i32>} : memref<256x48xf32, #tpu.memory_space<vmem>>, vector<16xf32>,
          %mul3A_400 = arith.mulf %get3A_399, %gather3A_396 : vector<16xf32>
          %swap3A_401 = arith.index_cast %scan3A_391 : i32 to index
          %swap3A_402 = arith.constant 0 : index
          %swap3A_403 = tpu.vector_load %arg12[%swap3A_401, %swap3A_402] {strides = array<i32>} : memref<256x48xf32, #tpu.memory_space<vmem>>, vector<16xf32>,
          tpu.vector_store %arg12[%swap3A_401, %swap3A_402], %mul3A_400 {strides = array<i32>} : memref<256x48xf32, #tpu.memory_space<vmem>>, vector<16xf32>,
          %get3A_404 = arith.index_cast %scan3A_391 : i32 to index
          %get3A_405 = arith.constant 16 : index
          %get3A_406 = tpu.vector_load %arg12[%get3A_404, %get3A_405] {strides = array<i32>} : memref<256x48xf32, #tpu.memory_space<vmem>>, vector<16xf32>,
          %mul3A_407 = arith.mulf %get3A_406, %gather3A_396 : vector<16xf32>
          %swap3A_408 = arith.index_cast %scan3A_391 : i32 to index
          %swap3A_409 = arith.constant 16 : index
          %swap3A_410 = tpu.vector_load %arg12[%swap3A_408, %swap3A_409] {strides = array<i32>} : memref<256x48xf32, #tpu.memory_space<vmem>>, vector<16xf32>,
          tpu.vector_store %arg12[%swap3A_408, %swap3A_409], %mul3A_407 {strides = array<i32>} : memref<256x48xf32, #tpu.memory_space<vmem>>, vector<16xf32>,
          %get3A_411 = arith.index_cast %scan3A_391 : i32 to index
          %get3A_412 = arith.constant 32 : index
          %get3A_413 = tpu.vector_load %arg12[%get3A_411, %get3A_412] {strides = array<i32>} : memref<256x48xf32, #tpu.memory_space<vmem>>, vector<16xf32>,
          %mul3A_414 = arith.mulf %get3A_413, %gather3A_396 : vector<16xf32>
          %swap3A_415 = arith.index_cast %scan3A_391 : i32 to index
          %swap3A_416 = arith.constant 32 : index
          %swap3A_417 = tpu.vector_load %arg12[%swap3A_415, %swap3A_416] {strides = array<i32>} : memref<256x48xf32, #tpu.memory_space<vmem>>, vector<16xf32>,
          tpu.vector_store %arg12[%swap3A_415, %swap3A_416], %mul3A_414 {strides = array<i32>} : memref<256x48xf32, #tpu.memory_space<vmem>>, vector<16xf32>,
          %scan3A_418 = arith.constant 7 : i32
          %scan3A_419 = arith.addi %scan3A_226, %scan3A_418 : i32
          %broadcast_in_dim3A_420 = arith.constant 0 : i32
          %broadcast_in_dim3A_421 = vector.broadcast %broadcast_in_dim3A_420 : i32 to vector<16xi32>
          %add3A_422 = vector.broadcast %scan3A_419 : i32 to vector<16xi32>
          %add3A_423 = arith.addi %broadcast_in_dim3A_421, %add3A_422 : vector<16xi32>
          %gather3A_424 = tpu.vector_load_idx %arg10[%add3A_193, %add3A_423] : memref<40x256xf32, #tpu.memory_space<vmem>>[vector<16xi32>, vector<16xi32>], vector<16xf32>,
          %get3A_425 = arith.index_cast %scan3A_419 : i32 to index
          %get3A_426 = arith.constant 0 : index
          %get3A_427 = tpu.vector_load %arg12[%get3A_425, %get3A_426] {strides = array<i32>} : memref<256x48xf32, #tpu.memory_space<vmem>>, vector<16xf32>,
          %mul3A_428 = arith.mulf %get3A_427, %gather3A_424 : vector<16xf32>
          %swap3A_429 = arith.index_cast %scan3A_419 : i32 to index
          %swap3A_430 = arith.constant 0 : index
          %swap3A_431 = tpu.vector_load %arg12[%swap3A_429, %swap3A_430] {strides = array<i32>} : memref<256x48xf32, #tpu.memory_space<vmem>>, vector<16xf32>,
          tpu.vector_store %arg12[%swap3A_429, %swap3A_430], %mul3A_428 {strides = array<i32>} : memref<256x48xf32, #tpu.memory_space<vmem>>, vector<16xf32>,
          %get3A_432 = arith.index_cast %scan3A_419 : i32 to index
          %get3A_433 = arith.constant 16 : index
          %get3A_434 = tpu.vector_load %arg12[%get3A_432, %get3A_433] {strides = array<i32>} : memref<256x48xf32, #tpu.memory_space<vmem>>, vector<16xf32>,
          %mul3A_435 = arith.mulf %get3A_434, %gather3A_424 : vector<16xf32>
          %swap3A_436 = arith.index_cast %scan3A_419 : i32 to index
          %swap3A_437 = arith.constant 16 : index
          %swap3A_438 = tpu.vector_load %arg12[%swap3A_436, %swap3A_437] {strides = array<i32>} : memref<256x48xf32, #tpu.memory_space<vmem>>, vector<16xf32>,
          tpu.vector_store %arg12[%swap3A_436, %swap3A_437], %mul3A_435 {strides = array<i32>} : memref<256x48xf32, #tpu.memory_space<vmem>>, vector<16xf32>,
          %get3A_439 = arith.index_cast %scan3A_419 : i32 to index
          %get3A_440 = arith.constant 32 : index
          %get3A_441 = tpu.vector_load %arg12[%get3A_439, %get3A_440] {strides = array<i32>} : memref<256x48xf32, #tpu.memory_space<vmem>>, vector<16xf32>,
          %mul3A_442 = arith.mulf %get3A_441, %gather3A_424 : vector<16xf32>
          %swap3A_443 = arith.index_cast %scan3A_419 : i32 to index
          %swap3A_444 = arith.constant 32 : index
          %swap3A_445 = tpu.vector_load %arg12[%swap3A_443, %swap3A_444] {strides = array<i32>} : memref<256x48xf32, #tpu.memory_space<vmem>>, vector<16xf32>,
          tpu.vector_store %arg12[%swap3A_443, %swap3A_444], %mul3A_442 {strides = array<i32>} : memref<256x48xf32, #tpu.memory_space<vmem>>, vector<16xf32>,
        }
        %scan3A_199 = arith.constant 256 : i32
        %mul3A_200 = arith.constant 2 : i32
        %mul3A_201 = arith.muli %mul3A_200, %add3A_134 : i32
        %add3A_202 = arith.constant 0 : i32
        %add3A_203 = arith.addi %mul3A_201, %add3A_202 : i32
        %dma_start3A_204 = arith.constant 0 : i32
        %dma_start3A_205 = arith.constant 0 : i32
        %dma_start3A_206 = tpu.memref_slice %arg12[%dma_start3A_204, %dma_start3A_205] : memref<256x48xf32, #tpu.memory_space<vmem>> -> memref<128x48xf32, #tpu.memory_space<vmem>>
        %dma_start3A_207 = arith.constant 0 : i32
        %dma_start3A_208 = tpu.memref_slice %arg9[%add3A_203, %dma_start3A_207] : memref<80x128xi32, #tpu.memory_space<vmem>> -> memref<1x128xi32, #tpu.memory_space<vmem>>
        %dma_start3A_209 = tpu.memref_squeeze %dma_start3A_208 : memref<1x128xi32, #tpu.memory_space<vmem>> -> memref<128xi32, #tpu.memory_space<vmem>>
        %dma_start3A_210 = arith.constant 0 : i32
        %dma_start3A_211 = arith.constant 0 : i32
        %dma_start3A_212 = tpu.memref_slice %arg15[%dma_start3A_210, %dma_start3A_211] : memref<10000x48xf32, #tpu.memory_space<vmem_shared>> -> memref<10000x48xf32, #tpu.memory_space<vmem_shared>>
        tpu.enqueue_indirect_dma source(%dma_start3A_206 : memref<128x48xf32, #tpu.memory_space<vmem>>) target(%dma_start3A_212 : memref<10000x48xf32, #tpu.memory_space<vmem_shared>>) offsets(%dma_start3A_209 : memref<128xi32, #tpu.memory_space<vmem>>) semaphore(%arg21 : memref<!tpu.dma_semaphore, #tpu.memory_space<semaphore_mem>>) {add = true}
        %mul3A_213 = arith.constant 2 : i32
        %mul3A_214 = arith.muli %mul3A_213, %add3A_134 : i32
        %add3A_215 = arith.constant 1 : i32
        %add3A_216 = arith.addi %mul3A_214, %add3A_215 : i32
        %dma_start3A_217 = arith.constant 128 : i32
        %dma_start3A_218 = arith.constant 0 : i32
        %dma_start3A_219 = tpu.memref_slice %arg12[%dma_start3A_217, %dma_start3A_218] : memref<256x48xf32, #tpu.memory_space<vmem>> -> memref<128x48xf32, #tpu.memory_space<vmem>>
        %dma_start3A_220 = arith.constant 0 : i32
        %dma_start3A_221 = tpu.memref_slice %arg9[%add3A_216, %dma_start3A_220] : memref<80x128xi32, #tpu.memory_space<vmem>> -> memref<1x128xi32, #tpu.memory_space<vmem>>
        %dma_start3A_222 = tpu.memref_squeeze %dma_start3A_221 : memref<1x128xi32, #tpu.memory_space<vmem>> -> memref<128xi32, #tpu.memory_space<vmem>>
        %dma_start3A_223 = arith.constant 0 : i32
        %dma_start3A_224 = arith.constant 0 : i32
        %dma_start3A_225 = tpu.memref_slice %arg15[%dma_start3A_223, %dma_start3A_224] : memref<10000x48xf32, #tpu.memory_space<vmem_shared>> -> memref<10000x48xf32, #tpu.memory_space<vmem_shared>>
        tpu.enqueue_indirect_dma source(%dma_start3A_219 : memref<128x48xf32, #tpu.memory_space<vmem>>) target(%dma_start3A_225 : memref<10000x48xf32, #tpu.memory_space<vmem_shared>>) offsets(%dma_start3A_222 : memref<128xi32, #tpu.memory_space<vmem>>) semaphore(%arg21 : memref<!tpu.dma_semaphore, #tpu.memory_space<semaphore_mem>>) {add = true}
      } else {
      }
      %mul3A_140 = arith.constant 4 : i32
      %mul3A_141 = arith.muli %scan3A_121, %mul3A_140 : i32
      %add3A_142 = arith.constant 2 : i32
      %add3A_143 = arith.addi %mul3A_141, %add3A_142 : i32
      %lt3A_144 = arith.constant 40 : i32
      %lt3A_145 = arith.cmpi slt, %add3A_143, %lt3A_144 : i32
      %convert_element_type3A_146 = arith.extui %lt3A_145 : i1 to i32
      %cond3A_147 = arith.constant 0 : i32
      %cond3A_148 = arith.cmpi ne, %convert_element_type3A_146, %cond3A_147 : i32
      scf.if %cond3A_148 {
        %add3A_158 = arith.constant 1 : i32
        %add3A_159 = arith.addi %add3A_143, %add3A_158 : i32
        %lt3A_160 = arith.constant 40 : i32
        %lt3A_161 = arith.cmpi slt, %add3A_159, %lt3A_160 : i32
        %convert_element_type3A_162 = arith.extui %lt3A_161 : i1 to i32
        %cond3A_163 = arith.constant 0 : i32
        %cond3A_164 = arith.cmpi ne, %convert_element_type3A_162, %cond3A_163 : i32
        scf.if %cond3A_164 {
          %add3A_226 = arith.constant 1 : i32
          %add3A_227 = arith.addi %add3A_143, %add3A_226 : i32
          %ge3A = arith.constant 4 : i32
          %ge3A_228 = arith.cmpi sge, %add3A_227, %ge3A : i32
          %convert_element_type3A_229 = arith.extui %ge3A_228 : i1 to i32
          %cond3A_230 = arith.constant 0 : i32
          %cond3A_231 = arith.cmpi ne, %convert_element_type3A_229, %cond3A_230 : i32
          scf.if %cond3A_231 {
            %add3A_260 = arith.constant 1 : i32
            %add3A_261 = arith.addi %add3A_143, %add3A_260 : i32
            %sub3A = arith.constant 4 : i32
            %sub3A_262 = arith.subi %add3A_261, %sub3A : i32
            %mul3A_263 = arith.constant 2 : i32
            %mul3A_264 = arith.muli %mul3A_263, %sub3A_262 : i32
            %add3A_265 = arith.constant 0 : i32
            %add3A_266 = arith.addi %mul3A_264, %add3A_265 : i32
            %dma_wait3A_267 = arith.constant 0 : i32
            %dma_wait3A_268 = arith.constant 0 : i32
            %dma_wait3A_269 = tpu.memref_slice %arg14[%dma_wait3A_267, %dma_wait3A_268] : memref<256x48xf32, #tpu.memory_space<vmem>> -> memref<128x48xf32, #tpu.memory_space<vmem>>
            %dma_wait3A_270 = arith.constant 0 : i32
            %dma_wait3A_271 = tpu.memref_slice %arg9[%add3A_266, %dma_wait3A_270] : memref<80x128xi32, #tpu.memory_space<vmem>> -> memref<1x128xi32, #tpu.memory_space<vmem>>
            %dma_wait3A_272 = tpu.memref_squeeze %dma_wait3A_271 : memref<1x128xi32, #tpu.memory_space<vmem>> -> memref<128xi32, #tpu.memory_space<vmem>>
            %dma_wait3A_273 = arith.constant 0 : i32
            %dma_wait3A_274 = arith.constant 0 : i32
            %dma_wait3A_275 = tpu.memref_slice %arg15[%dma_wait3A_273, %dma_wait3A_274] : memref<10000x48xf32, #tpu.memory_space<vmem_shared>> -> memref<10000x48xf32, #tpu.memory_space<vmem_shared>>
            tpu.wait_indirect_dma semaphore(%arg23 : memref<!tpu.dma_semaphore, #tpu.memory_space<semaphore_mem>>) src(%dma_wait3A_269 : memref<128x48xf32, #tpu.memory_space<vmem>>) dst(%dma_wait3A_275 : memref<10000x48xf32, #tpu.memory_space<vmem_shared>>)
            %mul3A_276 = arith.constant 2 : i32
            %mul3A_277 = arith.muli %mul3A_276, %sub3A_262 : i32
            %add3A_278 = arith.constant 1 : i32
            %add3A_279 = arith.addi %mul3A_277, %add3A_278 : i32
            %dma_wait3A_280 = arith.constant 128 : i32
            %dma_wait3A_281 = arith.constant 0 : i32
            %dma_wait3A_282 = tpu.memref_slice %arg14[%dma_wait3A_280, %dma_wait3A_281] : memref<256x48xf32, #tpu.memory_space<vmem>> -> memref<128x48xf32, #tpu.memory_space<vmem>>
            %dma_wait3A_283 = arith.constant 0 : i32
            %dma_wait3A_284 = tpu.memref_slice %arg9[%add3A_279, %dma_wait3A_283] : memref<80x128xi32, #tpu.memory_space<vmem>> -> memref<1x128xi32, #tpu.memory_space<vmem>>
            %dma_wait3A_285 = tpu.memref_squeeze %dma_wait3A_284 : memref<1x128xi32, #tpu.memory_space<vmem>> -> memref<128xi32, #tpu.memory_space<vmem>>
            %dma_wait3A_286 = arith.constant 0 : i32
            %dma_wait3A_287 = arith.constant 0 : i32
            %dma_wait3A_288 = tpu.memref_slice %arg15[%dma_wait3A_286, %dma_wait3A_287] : memref<10000x48xf32, #tpu.memory_space<vmem_shared>> -> memref<10000x48xf32, #tpu.memory_space<vmem_shared>>
            tpu.wait_indirect_dma semaphore(%arg23 : memref<!tpu.dma_semaphore, #tpu.memory_space<semaphore_mem>>) src(%dma_wait3A_282 : memref<128x48xf32, #tpu.memory_space<vmem>>) dst(%dma_wait3A_288 : memref<10000x48xf32, #tpu.memory_space<vmem_shared>>)
          } else {
          }
          %add3A_232 = arith.constant 1 : i32
          %add3A_233 = arith.addi %add3A_143, %add3A_232 : i32
          %mul3A_234 = arith.constant 2 : i32
          %mul3A_235 = arith.muli %mul3A_234, %add3A_233 : i32
          %add3A_236 = arith.constant 0 : i32
          %add3A_237 = arith.addi %mul3A_235, %add3A_236 : i32
          %dma_start3A_238 = arith.constant 0 : i32
          %dma_start3A_239 = arith.constant 0 : i32
          %dma_start3A_240 = tpu.memref_slice %arg14[%dma_start3A_238, %dma_start3A_239] : memref<256x48xf32, #tpu.memory_space<vmem>> -> memref<128x48xf32, #tpu.memory_space<vmem>>
          %dma_start3A_241 = arith.constant 0 : i32
          %dma_start3A_242 = tpu.memref_slice %arg8[%add3A_237, %dma_start3A_241] : memref<80x128xi32, #tpu.memory_space<vmem>> -> memref<1x128xi32, #tpu.memory_space<vmem>>
          %dma_start3A_243 = tpu.memref_squeeze %dma_start3A_242 : memref<1x128xi32, #tpu.memory_space<vmem>> -> memref<128xi32, #tpu.memory_space<vmem>>
          %dma_start3A_244 = arith.constant 0 : i32
          %dma_start3A_245 = arith.constant 0 : i32
          %dma_start3A_246 = tpu.memref_slice %arg2[%dma_start3A_244, %dma_start3A_245] : memref<10000x48xf32, #tpu.memory_space<hbm>> -> memref<10000x48xf32, #tpu.memory_space<hbm>>
          tpu.enqueue_indirect_dma source(%dma_start3A_246 : memref<10000x48xf32, #tpu.memory_space<hbm>>) target(%dma_start3A_240 : memref<128x48xf32, #tpu.memory_space<vmem>>) offsets(%dma_start3A_243 : memref<128xi32, #tpu.memory_space<vmem>>) semaphore(%arg19 : memref<!tpu.dma_semaphore, #tpu.memory_space<semaphore_mem>>)
          %mul3A_247 = arith.constant 2 : i32
          %mul3A_248 = arith.muli %mul3A_247, %add3A_233 : i32
          %add3A_249 = arith.constant 1 : i32
          %add3A_250 = arith.addi %mul3A_248, %add3A_249 : i32
          %dma_start3A_251 = arith.constant 128 : i32
          %dma_start3A_252 = arith.constant 0 : i32
          %dma_start3A_253 = tpu.memref_slice %arg14[%dma_start3A_251, %dma_start3A_252] : memref<256x48xf32, #tpu.memory_space<vmem>> -> memref<128x48xf32, #tpu.memory_space<vmem>>
          %dma_start3A_254 = arith.constant 0 : i32
          %dma_start3A_255 = tpu.memref_slice %arg8[%add3A_250, %dma_start3A_254] : memref<80x128xi32, #tpu.memory_space<vmem>> -> memref<1x128xi32, #tpu.memory_space<vmem>>
          %dma_start3A_256 = tpu.memref_squeeze %dma_start3A_255 : memref<1x128xi32, #tpu.memory_space<vmem>> -> memref<128xi32, #tpu.memory_space<vmem>>
          %dma_start3A_257 = arith.constant 0 : i32
          %dma_start3A_258 = arith.constant 0 : i32
          %dma_start3A_259 = tpu.memref_slice %arg2[%dma_start3A_257, %dma_start3A_258] : memref<10000x48xf32, #tpu.memory_space<hbm>> -> memref<10000x48xf32, #tpu.memory_space<hbm>>
          tpu.enqueue_indirect_dma source(%dma_start3A_259 : memref<10000x48xf32, #tpu.memory_space<hbm>>) target(%dma_start3A_253 : memref<128x48xf32, #tpu.memory_space<vmem>>) offsets(%dma_start3A_256 : memref<128xi32, #tpu.memory_space<vmem>>) semaphore(%arg19 : memref<!tpu.dma_semaphore, #tpu.memory_space<semaphore_mem>>)
        } else {
        }
        %mul3A_165 = arith.constant 2 : i32
        %mul3A_166 = arith.muli %mul3A_165, %add3A_143 : i32
        %add3A_167 = arith.constant 0 : i32
        %add3A_168 = arith.addi %mul3A_166, %add3A_167 : i32
        %dma_wait3A_169 = arith.constant 0 : i32
        %dma_wait3A_170 = arith.constant 0 : i32
        %dma_wait3A_171 = tpu.memref_slice %arg13[%dma_wait3A_169, %dma_wait3A_170] : memref<256x48xf32, #tpu.memory_space<vmem>> -> memref<128x48xf32, #tpu.memory_space<vmem>>
        %dma_wait3A_172 = arith.constant 0 : i32
        %dma_wait3A_173 = tpu.memref_slice %arg8[%add3A_168, %dma_wait3A_172] : memref<80x128xi32, #tpu.memory_space<vmem>> -> memref<1x128xi32, #tpu.memory_space<vmem>>
        %dma_wait3A_174 = tpu.memref_squeeze %dma_wait3A_173 : memref<1x128xi32, #tpu.memory_space<vmem>> -> memref<128xi32, #tpu.memory_space<vmem>>
        %dma_wait3A_175 = arith.constant 0 : i32
        %dma_wait3A_176 = arith.constant 0 : i32
        %dma_wait3A_177 = tpu.memref_slice %arg2[%dma_wait3A_175, %dma_wait3A_176] : memref<10000x48xf32, #tpu.memory_space<hbm>> -> memref<10000x48xf32, #tpu.memory_space<hbm>>
        tpu.wait_indirect_dma semaphore(%arg18 : memref<!tpu.dma_semaphore, #tpu.memory_space<semaphore_mem>>) src(%dma_wait3A_177 : memref<10000x48xf32, #tpu.memory_space<hbm>>) dst(%dma_wait3A_171 : memref<128x48xf32, #tpu.memory_space<vmem>>)
        %mul3A_178 = arith.constant 2 : i32
        %mul3A_179 = arith.muli %mul3A_178, %add3A_143 : i32
        %add3A_180 = arith.constant 1 : i32
        %add3A_181 = arith.addi %mul3A_179, %add3A_180 : i32
        %dma_wait3A_182 = arith.constant 128 : i32
        %dma_wait3A_183 = arith.constant 0 : i32
        %dma_wait3A_184 = tpu.memref_slice %arg13[%dma_wait3A_182, %dma_wait3A_183] : memref<256x48xf32, #tpu.memory_space<vmem>> -> memref<128x48xf32, #tpu.memory_space<vmem>>
        %dma_wait3A_185 = arith.constant 0 : i32
        %dma_wait3A_186 = tpu.memref_slice %arg8[%add3A_181, %dma_wait3A_185] : memref<80x128xi32, #tpu.memory_space<vmem>> -> memref<1x128xi32, #tpu.memory_space<vmem>>
        %dma_wait3A_187 = tpu.memref_squeeze %dma_wait3A_186 : memref<1x128xi32, #tpu.memory_space<vmem>> -> memref<128xi32, #tpu.memory_space<vmem>>
        %dma_wait3A_188 = arith.constant 0 : i32
        %dma_wait3A_189 = arith.constant 0 : i32
        %dma_wait3A_190 = tpu.memref_slice %arg2[%dma_wait3A_188, %dma_wait3A_189] : memref<10000x48xf32, #tpu.memory_space<hbm>> -> memref<10000x48xf32, #tpu.memory_space<hbm>>
        tpu.wait_indirect_dma semaphore(%arg18 : memref<!tpu.dma_semaphore, #tpu.memory_space<semaphore_mem>>) src(%dma_wait3A_190 : memref<10000x48xf32, #tpu.memory_space<hbm>>) dst(%dma_wait3A_184 : memref<128x48xf32, #tpu.memory_space<vmem>>)
        %broadcast_in_dim3A = arith.constant 0 : i32
        %broadcast_in_dim3A_191 = vector.broadcast %broadcast_in_dim3A : i32 to vector<16xi32>
        %add3A_192 = vector.broadcast %add3A_143 : i32 to vector<16xi32>
        %add3A_193 = arith.addi %broadcast_in_dim3A_191, %add3A_192 : vector<16xi32>
        %scan3A_194 = arith.constant 0 : i32
        %scan3A_195 = arith.constant 0 : i32
        %scan3A_196 = arith.constant 256 : i32
        %scan3A_197 = arith.addi %scan3A_195, %scan3A_196 : i32
        %scan3A_198 = arith.constant 8 : i32
        scf.for %scan3A_226 = %scan3A_195 to %scan3A_197 step %scan3A_198  : i32 {
          %broadcast_in_dim3A_227 = arith.constant 0 : i32
          %broadcast_in_dim3A_228 = vector.broadcast %broadcast_in_dim3A_227 : i32 to vector<16xi32>
          %add3A_229 = vector.broadcast %scan3A_226 : i32 to vector<16xi32>
          %add3A_230 = arith.addi %broadcast_in_dim3A_228, %add3A_229 : vector<16xi32>
          %gather3A = tpu.vector_load_idx %arg10[%add3A_193, %add3A_230] : memref<40x256xf32, #tpu.memory_space<vmem>>[vector<16xi32>, vector<16xi32>], vector<16xf32>,
          %get3A = arith.index_cast %scan3A_226 : i32 to index
          %get3A_231 = arith.constant 0 : index
          %get3A_232 = tpu.vector_load %arg13[%get3A, %get3A_231] {strides = array<i32>} : memref<256x48xf32, #tpu.memory_space<vmem>>, vector<16xf32>,
          %mul3A_233 = arith.mulf %get3A_232, %gather3A : vector<16xf32>
          %swap3A = arith.index_cast %scan3A_226 : i32 to index
          %swap3A_234 = arith.constant 0 : index
          %swap3A_235 = tpu.vector_load %arg13[%swap3A, %swap3A_234] {strides = array<i32>} : memref<256x48xf32, #tpu.memory_space<vmem>>, vector<16xf32>,
          tpu.vector_store %arg13[%swap3A, %swap3A_234], %mul3A_233 {strides = array<i32>} : memref<256x48xf32, #tpu.memory_space<vmem>>, vector<16xf32>,
          %get3A_236 = arith.index_cast %scan3A_226 : i32 to index
          %get3A_237 = arith.constant 16 : index
          %get3A_238 = tpu.vector_load %arg13[%get3A_236, %get3A_237] {strides = array<i32>} : memref<256x48xf32, #tpu.memory_space<vmem>>, vector<16xf32>,
          %mul3A_239 = arith.mulf %get3A_238, %gather3A : vector<16xf32>
          %swap3A_240 = arith.index_cast %scan3A_226 : i32 to index
          %swap3A_241 = arith.constant 16 : index
          %swap3A_242 = tpu.vector_load %arg13[%swap3A_240, %swap3A_241] {strides = array<i32>} : memref<256x48xf32, #tpu.memory_space<vmem>>, vector<16xf32>,
          tpu.vector_store %arg13[%swap3A_240, %swap3A_241], %mul3A_239 {strides = array<i32>} : memref<256x48xf32, #tpu.memory_space<vmem>>, vector<16xf32>,
          %get3A_243 = arith.index_cast %scan3A_226 : i32 to index
          %get3A_244 = arith.constant 32 : index
          %get3A_245 = tpu.vector_load %arg13[%get3A_243, %get3A_244] {strides = array<i32>} : memref<256x48xf32, #tpu.memory_space<vmem>>, vector<16xf32>,
          %mul3A_246 = arith.mulf %get3A_245, %gather3A : vector<16xf32>
          %swap3A_247 = arith.index_cast %scan3A_226 : i32 to index
          %swap3A_248 = arith.constant 32 : index
          %swap3A_249 = tpu.vector_load %arg13[%swap3A_247, %swap3A_248] {strides = array<i32>} : memref<256x48xf32, #tpu.memory_space<vmem>>, vector<16xf32>,
          tpu.vector_store %arg13[%swap3A_247, %swap3A_248], %mul3A_246 {strides = array<i32>} : memref<256x48xf32, #tpu.memory_space<vmem>>, vector<16xf32>,
          %scan3A_250 = arith.constant 1 : i32
          %scan3A_251 = arith.addi %scan3A_226, %scan3A_250 : i32
          %broadcast_in_dim3A_252 = arith.constant 0 : i32
          %broadcast_in_dim3A_253 = vector.broadcast %broadcast_in_dim3A_252 : i32 to vector<16xi32>
          %add3A_254 = vector.broadcast %scan3A_251 : i32 to vector<16xi32>
          %add3A_255 = arith.addi %broadcast_in_dim3A_253, %add3A_254 : vector<16xi32>
          %gather3A_256 = tpu.vector_load_idx %arg10[%add3A_193, %add3A_255] : memref<40x256xf32, #tpu.memory_space<vmem>>[vector<16xi32>, vector<16xi32>], vector<16xf32>,
          %get3A_257 = arith.index_cast %scan3A_251 : i32 to index
          %get3A_258 = arith.constant 0 : index
          %get3A_259 = tpu.vector_load %arg13[%get3A_257, %get3A_258] {strides = array<i32>} : memref<256x48xf32, #tpu.memory_space<vmem>>, vector<16xf32>,
          %mul3A_260 = arith.mulf %get3A_259, %gather3A_256 : vector<16xf32>
          %swap3A_261 = arith.index_cast %scan3A_251 : i32 to index
          %swap3A_262 = arith.constant 0 : index
          %swap3A_263 = tpu.vector_load %arg13[%swap3A_261, %swap3A_262] {strides = array<i32>} : memref<256x48xf32, #tpu.memory_space<vmem>>, vector<16xf32>,
          tpu.vector_store %arg13[%swap3A_261, %swap3A_262], %mul3A_260 {strides = array<i32>} : memref<256x48xf32, #tpu.memory_space<vmem>>, vector<16xf32>,
          %get3A_264 = arith.index_cast %scan3A_251 : i32 to index
          %get3A_265 = arith.constant 16 : index
          %get3A_266 = tpu.vector_load %arg13[%get3A_264, %get3A_265] {strides = array<i32>} : memref<256x48xf32, #tpu.memory_space<vmem>>, vector<16xf32>,
          %mul3A_267 = arith.mulf %get3A_266, %gather3A_256 : vector<16xf32>
          %swap3A_268 = arith.index_cast %scan3A_251 : i32 to index
          %swap3A_269 = arith.constant 16 : index
          %swap3A_270 = tpu.vector_load %arg13[%swap3A_268, %swap3A_269] {strides = array<i32>} : memref<256x48xf32, #tpu.memory_space<vmem>>, vector<16xf32>,
          tpu.vector_store %arg13[%swap3A_268, %swap3A_269], %mul3A_267 {strides = array<i32>} : memref<256x48xf32, #tpu.memory_space<vmem>>, vector<16xf32>,
          %get3A_271 = arith.index_cast %scan3A_251 : i32 to index
          %get3A_272 = arith.constant 32 : index
          %get3A_273 = tpu.vector_load %arg13[%get3A_271, %get3A_272] {strides = array<i32>} : memref<256x48xf32, #tpu.memory_space<vmem>>, vector<16xf32>,
          %mul3A_274 = arith.mulf %get3A_273, %gather3A_256 : vector<16xf32>
          %swap3A_275 = arith.index_cast %scan3A_251 : i32 to index
          %swap3A_276 = arith.constant 32 : index
          %swap3A_277 = tpu.vector_load %arg13[%swap3A_275, %swap3A_276] {strides = array<i32>} : memref<256x48xf32, #tpu.memory_space<vmem>>, vector<16xf32>,
          tpu.vector_store %arg13[%swap3A_275, %swap3A_276], %mul3A_274 {strides = array<i32>} : memref<256x48xf32, #tpu.memory_space<vmem>>, vector<16xf32>,
          %scan3A_278 = arith.constant 2 : i32
          %scan3A_279 = arith.addi %scan3A_226, %scan3A_278 : i32
          %broadcast_in_dim3A_280 = arith.constant 0 : i32
          %broadcast_in_dim3A_281 = vector.broadcast %broadcast_in_dim3A_280 : i32 to vector<16xi32>
          %add3A_282 = vector.broadcast %scan3A_279 : i32 to vector<16xi32>
          %add3A_283 = arith.addi %broadcast_in_dim3A_281, %add3A_282 : vector<16xi32>
          %gather3A_284 = tpu.vector_load_idx %arg10[%add3A_193, %add3A_283] : memref<40x256xf32, #tpu.memory_space<vmem>>[vector<16xi32>, vector<16xi32>], vector<16xf32>,
          %get3A_285 = arith.index_cast %scan3A_279 : i32 to index
          %get3A_286 = arith.constant 0 : index
          %get3A_287 = tpu.vector_load %arg13[%get3A_285, %get3A_286] {strides = array<i32>} : memref<256x48xf32, #tpu.memory_space<vmem>>, vector<16xf32>,
          %mul3A_288 = arith.mulf %get3A_287, %gather3A_284 : vector<16xf32>
          %swap3A_289 = arith.index_cast %scan3A_279 : i32 to index
          %swap3A_290 = arith.constant 0 : index
          %swap3A_291 = tpu.vector_load %arg13[%swap3A_289, %swap3A_290] {strides = array<i32>} : memref<256x48xf32, #tpu.memory_space<vmem>>, vector<16xf32>,
          tpu.vector_store %arg13[%swap3A_289, %swap3A_290], %mul3A_288 {strides = array<i32>} : memref<256x48xf32, #tpu.memory_space<vmem>>, vector<16xf32>,
          %get3A_292 = arith.index_cast %scan3A_279 : i32 to index
          %get3A_293 = arith.constant 16 : index
          %get3A_294 = tpu.vector_load %arg13[%get3A_292, %get3A_293] {strides = array<i32>} : memref<256x48xf32, #tpu.memory_space<vmem>>, vector<16xf32>,
          %mul3A_295 = arith.mulf %get3A_294, %gather3A_284 : vector<16xf32>
          %swap3A_296 = arith.index_cast %scan3A_279 : i32 to index
          %swap3A_297 = arith.constant 16 : index
          %swap3A_298 = tpu.vector_load %arg13[%swap3A_296, %swap3A_297] {strides = array<i32>} : memref<256x48xf32, #tpu.memory_space<vmem>>, vector<16xf32>,
          tpu.vector_store %arg13[%swap3A_296, %swap3A_297], %mul3A_295 {strides = array<i32>} : memref<256x48xf32, #tpu.memory_space<vmem>>, vector<16xf32>,
          %get3A_299 = arith.index_cast %scan3A_279 : i32 to index
          %get3A_300 = arith.constant 32 : index
          %get3A_301 = tpu.vector_load %arg13[%get3A_299, %get3A_300] {strides = array<i32>} : memref<256x48xf32, #tpu.memory_space<vmem>>, vector<16xf32>,
          %mul3A_302 = arith.mulf %get3A_301, %gather3A_284 : vector<16xf32>
          %swap3A_303 = arith.index_cast %scan3A_279 : i32 to index
          %swap3A_304 = arith.constant 32 : index
          %swap3A_305 = tpu.vector_load %arg13[%swap3A_303, %swap3A_304] {strides = array<i32>} : memref<256x48xf32, #tpu.memory_space<vmem>>, vector<16xf32>,
          tpu.vector_store %arg13[%swap3A_303, %swap3A_304], %mul3A_302 {strides = array<i32>} : memref<256x48xf32, #tpu.memory_space<vmem>>, vector<16xf32>,
          %scan3A_306 = arith.constant 3 : i32
          %scan3A_307 = arith.addi %scan3A_226, %scan3A_306 : i32
          %broadcast_in_dim3A_308 = arith.constant 0 : i32
          %broadcast_in_dim3A_309 = vector.broadcast %broadcast_in_dim3A_308 : i32 to vector<16xi32>
          %add3A_310 = vector.broadcast %scan3A_307 : i32 to vector<16xi32>
          %add3A_311 = arith.addi %broadcast_in_dim3A_309, %add3A_310 : vector<16xi32>
          %gather3A_312 = tpu.vector_load_idx %arg10[%add3A_193, %add3A_311] : memref<40x256xf32, #tpu.memory_space<vmem>>[vector<16xi32>, vector<16xi32>], vector<16xf32>,
          %get3A_313 = arith.index_cast %scan3A_307 : i32 to index
          %get3A_314 = arith.constant 0 : index
          %get3A_315 = tpu.vector_load %arg13[%get3A_313, %get3A_314] {strides = array<i32>} : memref<256x48xf32, #tpu.memory_space<vmem>>, vector<16xf32>,
          %mul3A_316 = arith.mulf %get3A_315, %gather3A_312 : vector<16xf32>
          %swap3A_317 = arith.index_cast %scan3A_307 : i32 to index
          %swap3A_318 = arith.constant 0 : index
          %swap3A_319 = tpu.vector_load %arg13[%swap3A_317, %swap3A_318] {strides = array<i32>} : memref<256x48xf32, #tpu.memory_space<vmem>>, vector<16xf32>,
          tpu.vector_store %arg13[%swap3A_317, %swap3A_318], %mul3A_316 {strides = array<i32>} : memref<256x48xf32, #tpu.memory_space<vmem>>, vector<16xf32>,
          %get3A_320 = arith.index_cast %scan3A_307 : i32 to index
          %get3A_321 = arith.constant 16 : index
          %get3A_322 = tpu.vector_load %arg13[%get3A_320, %get3A_321] {strides = array<i32>} : memref<256x48xf32, #tpu.memory_space<vmem>>, vector<16xf32>,
          %mul3A_323 = arith.mulf %get3A_322, %gather3A_312 : vector<16xf32>
          %swap3A_324 = arith.index_cast %scan3A_307 : i32 to index
          %swap3A_325 = arith.constant 16 : index
          %swap3A_326 = tpu.vector_load %arg13[%swap3A_324, %swap3A_325] {strides = array<i32>} : memref<256x48xf32, #tpu.memory_space<vmem>>, vector<16xf32>,
          tpu.vector_store %arg13[%swap3A_324, %swap3A_325], %mul3A_323 {strides = array<i32>} : memref<256x48xf32, #tpu.memory_space<vmem>>, vector<16xf32>,
          %get3A_327 = arith.index_cast %scan3A_307 : i32 to index
          %get3A_328 = arith.constant 32 : index
          %get3A_329 = tpu.vector_load %arg13[%get3A_327, %get3A_328] {strides = array<i32>} : memref<256x48xf32, #tpu.memory_space<vmem>>, vector<16xf32>,
          %mul3A_330 = arith.mulf %get3A_329, %gather3A_312 : vector<16xf32>
          %swap3A_331 = arith.index_cast %scan3A_307 : i32 to index
          %swap3A_332 = arith.constant 32 : index
          %swap3A_333 = tpu.vector_load %arg13[%swap3A_331, %swap3A_332] {strides = array<i32>} : memref<256x48xf32, #tpu.memory_space<vmem>>, vector<16xf32>,
          tpu.vector_store %arg13[%swap3A_331, %swap3A_332], %mul3A_330 {strides = array<i32>} : memref<256x48xf32, #tpu.memory_space<vmem>>, vector<16xf32>,
          %scan3A_334 = arith.constant 4 : i32
          %scan3A_335 = arith.addi %scan3A_226, %scan3A_334 : i32
          %broadcast_in_dim3A_336 = arith.constant 0 : i32
          %broadcast_in_dim3A_337 = vector.broadcast %broadcast_in_dim3A_336 : i32 to vector<16xi32>
          %add3A_338 = vector.broadcast %scan3A_335 : i32 to vector<16xi32>
          %add3A_339 = arith.addi %broadcast_in_dim3A_337, %add3A_338 : vector<16xi32>
          %gather3A_340 = tpu.vector_load_idx %arg10[%add3A_193, %add3A_339] : memref<40x256xf32, #tpu.memory_space<vmem>>[vector<16xi32>, vector<16xi32>], vector<16xf32>,
          %get3A_341 = arith.index_cast %scan3A_335 : i32 to index
          %get3A_342 = arith.constant 0 : index
          %get3A_343 = tpu.vector_load %arg13[%get3A_341, %get3A_342] {strides = array<i32>} : memref<256x48xf32, #tpu.memory_space<vmem>>, vector<16xf32>,
          %mul3A_344 = arith.mulf %get3A_343, %gather3A_340 : vector<16xf32>
          %swap3A_345 = arith.index_cast %scan3A_335 : i32 to index
          %swap3A_346 = arith.constant 0 : index
          %swap3A_347 = tpu.vector_load %arg13[%swap3A_345, %swap3A_346] {strides = array<i32>} : memref<256x48xf32, #tpu.memory_space<vmem>>, vector<16xf32>,
          tpu.vector_store %arg13[%swap3A_345, %swap3A_346], %mul3A_344 {strides = array<i32>} : memref<256x48xf32, #tpu.memory_space<vmem>>, vector<16xf32>,
          %get3A_348 = arith.index_cast %scan3A_335 : i32 to index
          %get3A_349 = arith.constant 16 : index
          %get3A_350 = tpu.vector_load %arg13[%get3A_348, %get3A_349] {strides = array<i32>} : memref<256x48xf32, #tpu.memory_space<vmem>>, vector<16xf32>,
          %mul3A_351 = arith.mulf %get3A_350, %gather3A_340 : vector<16xf32>
          %swap3A_352 = arith.index_cast %scan3A_335 : i32 to index
          %swap3A_353 = arith.constant 16 : index
          %swap3A_354 = tpu.vector_load %arg13[%swap3A_352, %swap3A_353] {strides = array<i32>} : memref<256x48xf32, #tpu.memory_space<vmem>>, vector<16xf32>,
          tpu.vector_store %arg13[%swap3A_352, %swap3A_353], %mul3A_351 {strides = array<i32>} : memref<256x48xf32, #tpu.memory_space<vmem>>, vector<16xf32>,
          %get3A_355 = arith.index_cast %scan3A_335 : i32 to index
          %get3A_356 = arith.constant 32 : index
          %get3A_357 = tpu.vector_load %arg13[%get3A_355, %get3A_356] {strides = array<i32>} : memref<256x48xf32, #tpu.memory_space<vmem>>, vector<16xf32>,
          %mul3A_358 = arith.mulf %get3A_357, %gather3A_340 : vector<16xf32>
          %swap3A_359 = arith.index_cast %scan3A_335 : i32 to index
          %swap3A_360 = arith.constant 32 : index
          %swap3A_361 = tpu.vector_load %arg13[%swap3A_359, %swap3A_360] {strides = array<i32>} : memref<256x48xf32, #tpu.memory_space<vmem>>, vector<16xf32>,
          tpu.vector_store %arg13[%swap3A_359, %swap3A_360], %mul3A_358 {strides = array<i32>} : memref<256x48xf32, #tpu.memory_space<vmem>>, vector<16xf32>,
          %scan3A_362 = arith.constant 5 : i32
          %scan3A_363 = arith.addi %scan3A_226, %scan3A_362 : i32
          %broadcast_in_dim3A_364 = arith.constant 0 : i32
          %broadcast_in_dim3A_365 = vector.broadcast %broadcast_in_dim3A_364 : i32 to vector<16xi32>
          %add3A_366 = vector.broadcast %scan3A_363 : i32 to vector<16xi32>
          %add3A_367 = arith.addi %broadcast_in_dim3A_365, %add3A_366 : vector<16xi32>
          %gather3A_368 = tpu.vector_load_idx %arg10[%add3A_193, %add3A_367] : memref<40x256xf32, #tpu.memory_space<vmem>>[vector<16xi32>, vector<16xi32>], vector<16xf32>,
          %get3A_369 = arith.index_cast %scan3A_363 : i32 to index
          %get3A_370 = arith.constant 0 : index
          %get3A_371 = tpu.vector_load %arg13[%get3A_369, %get3A_370] {strides = array<i32>} : memref<256x48xf32, #tpu.memory_space<vmem>>, vector<16xf32>,
          %mul3A_372 = arith.mulf %get3A_371, %gather3A_368 : vector<16xf32>
          %swap3A_373 = arith.index_cast %scan3A_363 : i32 to index
          %swap3A_374 = arith.constant 0 : index
          %swap3A_375 = tpu.vector_load %arg13[%swap3A_373, %swap3A_374] {strides = array<i32>} : memref<256x48xf32, #tpu.memory_space<vmem>>, vector<16xf32>,
          tpu.vector_store %arg13[%swap3A_373, %swap3A_374], %mul3A_372 {strides = array<i32>} : memref<256x48xf32, #tpu.memory_space<vmem>>, vector<16xf32>,
          %get3A_376 = arith.index_cast %scan3A_363 : i32 to index
          %get3A_377 = arith.constant 16 : index
          %get3A_378 = tpu.vector_load %arg13[%get3A_376, %get3A_377] {strides = array<i32>} : memref<256x48xf32, #tpu.memory_space<vmem>>, vector<16xf32>,
          %mul3A_379 = arith.mulf %get3A_378, %gather3A_368 : vector<16xf32>
          %swap3A_380 = arith.index_cast %scan3A_363 : i32 to index
          %swap3A_381 = arith.constant 16 : index
          %swap3A_382 = tpu.vector_load %arg13[%swap3A_380, %swap3A_381] {strides = array<i32>} : memref<256x48xf32, #tpu.memory_space<vmem>>, vector<16xf32>,
          tpu.vector_store %arg13[%swap3A_380, %swap3A_381], %mul3A_379 {strides = array<i32>} : memref<256x48xf32, #tpu.memory_space<vmem>>, vector<16xf32>,
          %get3A_383 = arith.index_cast %scan3A_363 : i32 to index
          %get3A_384 = arith.constant 32 : index
          %get3A_385 = tpu.vector_load %arg13[%get3A_383, %get3A_384] {strides = array<i32>} : memref<256x48xf32, #tpu.memory_space<vmem>>, vector<16xf32>,
          %mul3A_386 = arith.mulf %get3A_385, %gather3A_368 : vector<16xf32>
          %swap3A_387 = arith.index_cast %scan3A_363 : i32 to index
          %swap3A_388 = arith.constant 32 : index
          %swap3A_389 = tpu.vector_load %arg13[%swap3A_387, %swap3A_388] {strides = array<i32>} : memref<256x48xf32, #tpu.memory_space<vmem>>, vector<16xf32>,
          tpu.vector_store %arg13[%swap3A_387, %swap3A_388], %mul3A_386 {strides = array<i32>} : memref<256x48xf32, #tpu.memory_space<vmem>>, vector<16xf32>,
          %scan3A_390 = arith.constant 6 : i32
          %scan3A_391 = arith.addi %scan3A_226, %scan3A_390 : i32
          %broadcast_in_dim3A_392 = arith.constant 0 : i32
          %broadcast_in_dim3A_393 = vector.broadcast %broadcast_in_dim3A_392 : i32 to vector<16xi32>
          %add3A_394 = vector.broadcast %scan3A_391 : i32 to vector<16xi32>
          %add3A_395 = arith.addi %broadcast_in_dim3A_393, %add3A_394 : vector<16xi32>
          %gather3A_396 = tpu.vector_load_idx %arg10[%add3A_193, %add3A_395] : memref<40x256xf32, #tpu.memory_space<vmem>>[vector<16xi32>, vector<16xi32>], vector<16xf32>,
          %get3A_397 = arith.index_cast %scan3A_391 : i32 to index
          %get3A_398 = arith.constant 0 : index
          %get3A_399 = tpu.vector_load %arg13[%get3A_397, %get3A_398] {strides = array<i32>} : memref<256x48xf32, #tpu.memory_space<vmem>>, vector<16xf32>,
          %mul3A_400 = arith.mulf %get3A_399, %gather3A_396 : vector<16xf32>
          %swap3A_401 = arith.index_cast %scan3A_391 : i32 to index
          %swap3A_402 = arith.constant 0 : index
          %swap3A_403 = tpu.vector_load %arg13[%swap3A_401, %swap3A_402] {strides = array<i32>} : memref<256x48xf32, #tpu.memory_space<vmem>>, vector<16xf32>,
          tpu.vector_store %arg13[%swap3A_401, %swap3A_402], %mul3A_400 {strides = array<i32>} : memref<256x48xf32, #tpu.memory_space<vmem>>, vector<16xf32>,
          %get3A_404 = arith.index_cast %scan3A_391 : i32 to index
          %get3A_405 = arith.constant 16 : index
          %get3A_406 = tpu.vector_load %arg13[%get3A_404, %get3A_405] {strides = array<i32>} : memref<256x48xf32, #tpu.memory_space<vmem>>, vector<16xf32>,
          %mul3A_407 = arith.mulf %get3A_406, %gather3A_396 : vector<16xf32>
          %swap3A_408 = arith.index_cast %scan3A_391 : i32 to index
          %swap3A_409 = arith.constant 16 : index
          %swap3A_410 = tpu.vector_load %arg13[%swap3A_408, %swap3A_409] {strides = array<i32>} : memref<256x48xf32, #tpu.memory_space<vmem>>, vector<16xf32>,
          tpu.vector_store %arg13[%swap3A_408, %swap3A_409], %mul3A_407 {strides = array<i32>} : memref<256x48xf32, #tpu.memory_space<vmem>>, vector<16xf32>,
          %get3A_411 = arith.index_cast %scan3A_391 : i32 to index
          %get3A_412 = arith.constant 32 : index
          %get3A_413 = tpu.vector_load %arg13[%get3A_411, %get3A_412] {strides = array<i32>} : memref<256x48xf32, #tpu.memory_space<vmem>>, vector<16xf32>,
          %mul3A_414 = arith.mulf %get3A_413, %gather3A_396 : vector<16xf32>
          %swap3A_415 = arith.index_cast %scan3A_391 : i32 to index
          %swap3A_416 = arith.constant 32 : index
          %swap3A_417 = tpu.vector_load %arg13[%swap3A_415, %swap3A_416] {strides = array<i32>} : memref<256x48xf32, #tpu.memory_space<vmem>>, vector<16xf32>,
          tpu.vector_store %arg13[%swap3A_415, %swap3A_416], %mul3A_414 {strides = array<i32>} : memref<256x48xf32, #tpu.memory_space<vmem>>, vector<16xf32>,
          %scan3A_418 = arith.constant 7 : i32
          %scan3A_419 = arith.addi %scan3A_226, %scan3A_418 : i32
          %broadcast_in_dim3A_420 = arith.constant 0 : i32
          %broadcast_in_dim3A_421 = vector.broadcast %broadcast_in_dim3A_420 : i32 to vector<16xi32>
          %add3A_422 = vector.broadcast %scan3A_419 : i32 to vector<16xi32>
          %add3A_423 = arith.addi %broadcast_in_dim3A_421, %add3A_422 : vector<16xi32>
          %gather3A_424 = tpu.vector_load_idx %arg10[%add3A_193, %add3A_423] : memref<40x256xf32, #tpu.memory_space<vmem>>[vector<16xi32>, vector<16xi32>], vector<16xf32>,
          %get3A_425 = arith.index_cast %scan3A_419 : i32 to index
          %get3A_426 = arith.constant 0 : index
          %get3A_427 = tpu.vector_load %arg13[%get3A_425, %get3A_426] {strides = array<i32>} : memref<256x48xf32, #tpu.memory_space<vmem>>, vector<16xf32>,
          %mul3A_428 = arith.mulf %get3A_427, %gather3A_424 : vector<16xf32>
          %swap3A_429 = arith.index_cast %scan3A_419 : i32 to index
          %swap3A_430 = arith.constant 0 : index
          %swap3A_431 = tpu.vector_load %arg13[%swap3A_429, %swap3A_430] {strides = array<i32>} : memref<256x48xf32, #tpu.memory_space<vmem>>, vector<16xf32>,
          tpu.vector_store %arg13[%swap3A_429, %swap3A_430], %mul3A_428 {strides = array<i32>} : memref<256x48xf32, #tpu.memory_space<vmem>>, vector<16xf32>,
          %get3A_432 = arith.index_cast %scan3A_419 : i32 to index
          %get3A_433 = arith.constant 16 : index
          %get3A_434 = tpu.vector_load %arg13[%get3A_432, %get3A_433] {strides = array<i32>} : memref<256x48xf32, #tpu.memory_space<vmem>>, vector<16xf32>,
          %mul3A_435 = arith.mulf %get3A_434, %gather3A_424 : vector<16xf32>
          %swap3A_436 = arith.index_cast %scan3A_419 : i32 to index
          %swap3A_437 = arith.constant 16 : index
          %swap3A_438 = tpu.vector_load %arg13[%swap3A_436, %swap3A_437] {strides = array<i32>} : memref<256x48xf32, #tpu.memory_space<vmem>>, vector<16xf32>,
          tpu.vector_store %arg13[%swap3A_436, %swap3A_437], %mul3A_435 {strides = array<i32>} : memref<256x48xf32, #tpu.memory_space<vmem>>, vector<16xf32>,
          %get3A_439 = arith.index_cast %scan3A_419 : i32 to index
          %get3A_440 = arith.constant 32 : index
          %get3A_441 = tpu.vector_load %arg13[%get3A_439, %get3A_440] {strides = array<i32>} : memref<256x48xf32, #tpu.memory_space<vmem>>, vector<16xf32>,
          %mul3A_442 = arith.mulf %get3A_441, %gather3A_424 : vector<16xf32>
          %swap3A_443 = arith.index_cast %scan3A_419 : i32 to index
          %swap3A_444 = arith.constant 32 : index
          %swap3A_445 = tpu.vector_load %arg13[%swap3A_443, %swap3A_444] {strides = array<i32>} : memref<256x48xf32, #tpu.memory_space<vmem>>, vector<16xf32>,
          tpu.vector_store %arg13[%swap3A_443, %swap3A_444], %mul3A_442 {strides = array<i32>} : memref<256x48xf32, #tpu.memory_space<vmem>>, vector<16xf32>,
        }
        %scan3A_199 = arith.constant 256 : i32
        %mul3A_200 = arith.constant 2 : i32
        %mul3A_201 = arith.muli %mul3A_200, %add3A_143 : i32
        %add3A_202 = arith.constant 0 : i32
        %add3A_203 = arith.addi %mul3A_201, %add3A_202 : i32
        %dma_start3A_204 = arith.constant 0 : i32
        %dma_start3A_205 = arith.constant 0 : i32
        %dma_start3A_206 = tpu.memref_slice %arg13[%dma_start3A_204, %dma_start3A_205] : memref<256x48xf32, #tpu.memory_space<vmem>> -> memref<128x48xf32, #tpu.memory_space<vmem>>
        %dma_start3A_207 = arith.constant 0 : i32
        %dma_start3A_208 = tpu.memref_slice %arg9[%add3A_203, %dma_start3A_207] : memref<80x128xi32, #tpu.memory_space<vmem>> -> memref<1x128xi32, #tpu.memory_space<vmem>>
        %dma_start3A_209 = tpu.memref_squeeze %dma_start3A_208 : memref<1x128xi32, #tpu.memory_space<vmem>> -> memref<128xi32, #tpu.memory_space<vmem>>
        %dma_start3A_210 = arith.constant 0 : i32
        %dma_start3A_211 = arith.constant 0 : i32
        %dma_start3A_212 = tpu.memref_slice %arg15[%dma_start3A_210, %dma_start3A_211] : memref<10000x48xf32, #tpu.memory_space<vmem_shared>> -> memref<10000x48xf32, #tpu.memory_space<vmem_shared>>
        tpu.enqueue_indirect_dma source(%dma_start3A_206 : memref<128x48xf32, #tpu.memory_space<vmem>>) target(%dma_start3A_212 : memref<10000x48xf32, #tpu.memory_space<vmem_shared>>) offsets(%dma_start3A_209 : memref<128xi32, #tpu.memory_space<vmem>>) semaphore(%arg22 : memref<!tpu.dma_semaphore, #tpu.memory_space<semaphore_mem>>) {add = true}
        %mul3A_213 = arith.constant 2 : i32
        %mul3A_214 = arith.muli %mul3A_213, %add3A_143 : i32
        %add3A_215 = arith.constant 1 : i32
        %add3A_216 = arith.addi %mul3A_214, %add3A_215 : i32
        %dma_start3A_217 = arith.constant 128 : i32
        %dma_start3A_218 = arith.constant 0 : i32
        %dma_start3A_219 = tpu.memref_slice %arg13[%dma_start3A_217, %dma_start3A_218] : memref<256x48xf32, #tpu.memory_space<vmem>> -> memref<128x48xf32, #tpu.memory_space<vmem>>
        %dma_start3A_220 = arith.constant 0 : i32
        %dma_start3A_221 = tpu.memref_slice %arg9[%add3A_216, %dma_start3A_220] : memref<80x128xi32, #tpu.memory_space<vmem>> -> memref<1x128xi32, #tpu.memory_space<vmem>>
        %dma_start3A_222 = tpu.memref_squeeze %dma_start3A_221 : memref<1x128xi32, #tpu.memory_space<vmem>> -> memref<128xi32, #tpu.memory_space<vmem>>
        %dma_start3A_223 = arith.constant 0 : i32
        %dma_start3A_224 = arith.constant 0 : i32
        %dma_start3A_225 = tpu.memref_slice %arg15[%dma_start3A_223, %dma_start3A_224] : memref<10000x48xf32, #tpu.memory_space<vmem_shared>> -> memref<10000x48xf32, #tpu.memory_space<vmem_shared>>
        tpu.enqueue_indirect_dma source(%dma_start3A_219 : memref<128x48xf32, #tpu.memory_space<vmem>>) target(%dma_start3A_225 : memref<10000x48xf32, #tpu.memory_space<vmem_shared>>) offsets(%dma_start3A_222 : memref<128xi32, #tpu.memory_space<vmem>>) semaphore(%arg22 : memref<!tpu.dma_semaphore, #tpu.memory_space<semaphore_mem>>) {add = true}
      } else {
      }
      %mul3A_149 = arith.constant 4 : i32
      %mul3A_150 = arith.muli %scan3A_121, %mul3A_149 : i32
      %add3A_151 = arith.constant 3 : i32
      %add3A_152 = arith.addi %mul3A_150, %add3A_151 : i32
      %lt3A_153 = arith.constant 40 : i32
      %lt3A_154 = arith.cmpi slt, %add3A_152, %lt3A_153 : i32
      %convert_element_type3A_155 = arith.extui %lt3A_154 : i1 to i32
      %cond3A_156 = arith.constant 0 : i32
      %cond3A_157 = arith.cmpi ne, %convert_element_type3A_155, %cond3A_156 : i32
      scf.if %cond3A_157 {
        %add3A_158 = arith.constant 1 : i32
        %add3A_159 = arith.addi %add3A_152, %add3A_158 : i32
        %lt3A_160 = arith.constant 40 : i32
        %lt3A_161 = arith.cmpi slt, %add3A_159, %lt3A_160 : i32
        %convert_element_type3A_162 = arith.extui %lt3A_161 : i1 to i32
        %cond3A_163 = arith.constant 0 : i32
        %cond3A_164 = arith.cmpi ne, %convert_element_type3A_162, %cond3A_163 : i32
        scf.if %cond3A_164 {
          %add3A_226 = arith.constant 1 : i32
          %add3A_227 = arith.addi %add3A_152, %add3A_226 : i32
          %ge3A = arith.constant 4 : i32
          %ge3A_228 = arith.cmpi sge, %add3A_227, %ge3A : i32
          %convert_element_type3A_229 = arith.extui %ge3A_228 : i1 to i32
          %cond3A_230 = arith.constant 0 : i32
          %cond3A_231 = arith.cmpi ne, %convert_element_type3A_229, %cond3A_230 : i32
          scf.if %cond3A_231 {
            %add3A_260 = arith.constant 1 : i32
            %add3A_261 = arith.addi %add3A_152, %add3A_260 : i32
            %sub3A = arith.constant 4 : i32
            %sub3A_262 = arith.subi %add3A_261, %sub3A : i32
            %mul3A_263 = arith.constant 2 : i32
            %mul3A_264 = arith.muli %mul3A_263, %sub3A_262 : i32
            %add3A_265 = arith.constant 0 : i32
            %add3A_266 = arith.addi %mul3A_264, %add3A_265 : i32
            %dma_wait3A_267 = arith.constant 0 : i32
            %dma_wait3A_268 = arith.constant 0 : i32
            %dma_wait3A_269 = tpu.memref_slice %arg11[%dma_wait3A_267, %dma_wait3A_268] : memref<256x48xf32, #tpu.memory_space<vmem>> -> memref<128x48xf32, #tpu.memory_space<vmem>>
            %dma_wait3A_270 = arith.constant 0 : i32
            %dma_wait3A_271 = tpu.memref_slice %arg9[%add3A_266, %dma_wait3A_270] : memref<80x128xi32, #tpu.memory_space<vmem>> -> memref<1x128xi32, #tpu.memory_space<vmem>>
            %dma_wait3A_272 = tpu.memref_squeeze %dma_wait3A_271 : memref<1x128xi32, #tpu.memory_space<vmem>> -> memref<128xi32, #tpu.memory_space<vmem>>
            %dma_wait3A_273 = arith.constant 0 : i32
            %dma_wait3A_274 = arith.constant 0 : i32
            %dma_wait3A_275 = tpu.memref_slice %arg15[%dma_wait3A_273, %dma_wait3A_274] : memref<10000x48xf32, #tpu.memory_space<vmem_shared>> -> memref<10000x48xf32, #tpu.memory_space<vmem_shared>>
            tpu.wait_indirect_dma semaphore(%arg20 : memref<!tpu.dma_semaphore, #tpu.memory_space<semaphore_mem>>) src(%dma_wait3A_269 : memref<128x48xf32, #tpu.memory_space<vmem>>) dst(%dma_wait3A_275 : memref<10000x48xf32, #tpu.memory_space<vmem_shared>>)
            %mul3A_276 = arith.constant 2 : i32
            %mul3A_277 = arith.muli %mul3A_276, %sub3A_262 : i32
            %add3A_278 = arith.constant 1 : i32
            %add3A_279 = arith.addi %mul3A_277, %add3A_278 : i32
            %dma_wait3A_280 = arith.constant 128 : i32
            %dma_wait3A_281 = arith.constant 0 : i32
            %dma_wait3A_282 = tpu.memref_slice %arg11[%dma_wait3A_280, %dma_wait3A_281] : memref<256x48xf32, #tpu.memory_space<vmem>> -> memref<128x48xf32, #tpu.memory_space<vmem>>
            %dma_wait3A_283 = arith.constant 0 : i32
            %dma_wait3A_284 = tpu.memref_slice %arg9[%add3A_279, %dma_wait3A_283] : memref<80x128xi32, #tpu.memory_space<vmem>> -> memref<1x128xi32, #tpu.memory_space<vmem>>
            %dma_wait3A_285 = tpu.memref_squeeze %dma_wait3A_284 : memref<1x128xi32, #tpu.memory_space<vmem>> -> memref<128xi32, #tpu.memory_space<vmem>>
            %dma_wait3A_286 = arith.constant 0 : i32
            %dma_wait3A_287 = arith.constant 0 : i32
            %dma_wait3A_288 = tpu.memref_slice %arg15[%dma_wait3A_286, %dma_wait3A_287] : memref<10000x48xf32, #tpu.memory_space<vmem_shared>> -> memref<10000x48xf32, #tpu.memory_space<vmem_shared>>
            tpu.wait_indirect_dma semaphore(%arg20 : memref<!tpu.dma_semaphore, #tpu.memory_space<semaphore_mem>>) src(%dma_wait3A_282 : memref<128x48xf32, #tpu.memory_space<vmem>>) dst(%dma_wait3A_288 : memref<10000x48xf32, #tpu.memory_space<vmem_shared>>)
          } else {
          }
          %add3A_232 = arith.constant 1 : i32
          %add3A_233 = arith.addi %add3A_152, %add3A_232 : i32
          %mul3A_234 = arith.constant 2 : i32
          %mul3A_235 = arith.muli %mul3A_234, %add3A_233 : i32
          %add3A_236 = arith.constant 0 : i32
          %add3A_237 = arith.addi %mul3A_235, %add3A_236 : i32
          %dma_start3A_238 = arith.constant 0 : i32
          %dma_start3A_239 = arith.constant 0 : i32
          %dma_start3A_240 = tpu.memref_slice %arg11[%dma_start3A_238, %dma_start3A_239] : memref<256x48xf32, #tpu.memory_space<vmem>> -> memref<128x48xf32, #tpu.memory_space<vmem>>
          %dma_start3A_241 = arith.constant 0 : i32
          %dma_start3A_242 = tpu.memref_slice %arg8[%add3A_237, %dma_start3A_241] : memref<80x128xi32, #tpu.memory_space<vmem>> -> memref<1x128xi32, #tpu.memory_space<vmem>>
          %dma_start3A_243 = tpu.memref_squeeze %dma_start3A_242 : memref<1x128xi32, #tpu.memory_space<vmem>> -> memref<128xi32, #tpu.memory_space<vmem>>
          %dma_start3A_244 = arith.constant 0 : i32
          %dma_start3A_245 = arith.constant 0 : i32
          %dma_start3A_246 = tpu.memref_slice %arg2[%dma_start3A_244, %dma_start3A_245] : memref<10000x48xf32, #tpu.memory_space<hbm>> -> memref<10000x48xf32, #tpu.memory_space<hbm>>
          tpu.enqueue_indirect_dma source(%dma_start3A_246 : memref<10000x48xf32, #tpu.memory_space<hbm>>) target(%dma_start3A_240 : memref<128x48xf32, #tpu.memory_space<vmem>>) offsets(%dma_start3A_243 : memref<128xi32, #tpu.memory_space<vmem>>) semaphore(%arg16 : memref<!tpu.dma_semaphore, #tpu.memory_space<semaphore_mem>>)
          %mul3A_247 = arith.constant 2 : i32
          %mul3A_248 = arith.muli %mul3A_247, %add3A_233 : i32
          %add3A_249 = arith.constant 1 : i32
          %add3A_250 = arith.addi %mul3A_248, %add3A_249 : i32
          %dma_start3A_251 = arith.constant 128 : i32
          %dma_start3A_252 = arith.constant 0 : i32
          %dma_start3A_253 = tpu.memref_slice %arg11[%dma_start3A_251, %dma_start3A_252] : memref<256x48xf32, #tpu.memory_space<vmem>> -> memref<128x48xf32, #tpu.memory_space<vmem>>
          %dma_start3A_254 = arith.constant 0 : i32
          %dma_start3A_255 = tpu.memref_slice %arg8[%add3A_250, %dma_start3A_254] : memref<80x128xi32, #tpu.memory_space<vmem>> -> memref<1x128xi32, #tpu.memory_space<vmem>>
          %dma_start3A_256 = tpu.memref_squeeze %dma_start3A_255 : memref<1x128xi32, #tpu.memory_space<vmem>> -> memref<128xi32, #tpu.memory_space<vmem>>
          %dma_start3A_257 = arith.constant 0 : i32
          %dma_start3A_258 = arith.constant 0 : i32
          %dma_start3A_259 = tpu.memref_slice %arg2[%dma_start3A_257, %dma_start3A_258] : memref<10000x48xf32, #tpu.memory_space<hbm>> -> memref<10000x48xf32, #tpu.memory_space<hbm>>
          tpu.enqueue_indirect_dma source(%dma_start3A_259 : memref<10000x48xf32, #tpu.memory_space<hbm>>) target(%dma_start3A_253 : memref<128x48xf32, #tpu.memory_space<vmem>>) offsets(%dma_start3A_256 : memref<128xi32, #tpu.memory_space<vmem>>) semaphore(%arg16 : memref<!tpu.dma_semaphore, #tpu.memory_space<semaphore_mem>>)
        } else {
        }
        %mul3A_165 = arith.constant 2 : i32
        %mul3A_166 = arith.muli %mul3A_165, %add3A_152 : i32
        %add3A_167 = arith.constant 0 : i32
        %add3A_168 = arith.addi %mul3A_166, %add3A_167 : i32
        %dma_wait3A_169 = arith.constant 0 : i32
        %dma_wait3A_170 = arith.constant 0 : i32
        %dma_wait3A_171 = tpu.memref_slice %arg14[%dma_wait3A_169, %dma_wait3A_170] : memref<256x48xf32, #tpu.memory_space<vmem>> -> memref<128x48xf32, #tpu.memory_space<vmem>>
        %dma_wait3A_172 = arith.constant 0 : i32
        %dma_wait3A_173 = tpu.memref_slice %arg8[%add3A_168, %dma_wait3A_172] : memref<80x128xi32, #tpu.memory_space<vmem>> -> memref<1x128xi32, #tpu.memory_space<vmem>>
        %dma_wait3A_174 = tpu.memref_squeeze %dma_wait3A_173 : memref<1x128xi32, #tpu.memory_space<vmem>> -> memref<128xi32, #tpu.memory_space<vmem>>
        %dma_wait3A_175 = arith.constant 0 : i32
        %dma_wait3A_176 = arith.constant 0 : i32
        %dma_wait3A_177 = tpu.memref_slice %arg2[%dma_wait3A_175, %dma_wait3A_176] : memref<10000x48xf32, #tpu.memory_space<hbm>> -> memref<10000x48xf32, #tpu.memory_space<hbm>>
        tpu.wait_indirect_dma semaphore(%arg19 : memref<!tpu.dma_semaphore, #tpu.memory_space<semaphore_mem>>) src(%dma_wait3A_177 : memref<10000x48xf32, #tpu.memory_space<hbm>>) dst(%dma_wait3A_171 : memref<128x48xf32, #tpu.memory_space<vmem>>)
        %mul3A_178 = arith.constant 2 : i32
        %mul3A_179 = arith.muli %mul3A_178, %add3A_152 : i32
        %add3A_180 = arith.constant 1 : i32
        %add3A_181 = arith.addi %mul3A_179, %add3A_180 : i32
        %dma_wait3A_182 = arith.constant 128 : i32
        %dma_wait3A_183 = arith.constant 0 : i32
        %dma_wait3A_184 = tpu.memref_slice %arg14[%dma_wait3A_182, %dma_wait3A_183] : memref<256x48xf32, #tpu.memory_space<vmem>> -> memref<128x48xf32, #tpu.memory_space<vmem>>
        %dma_wait3A_185 = arith.constant 0 : i32
        %dma_wait3A_186 = tpu.memref_slice %arg8[%add3A_181, %dma_wait3A_185] : memref<80x128xi32, #tpu.memory_space<vmem>> -> memref<1x128xi32, #tpu.memory_space<vmem>>
        %dma_wait3A_187 = tpu.memref_squeeze %dma_wait3A_186 : memref<1x128xi32, #tpu.memory_space<vmem>> -> memref<128xi32, #tpu.memory_space<vmem>>
        %dma_wait3A_188 = arith.constant 0 : i32
        %dma_wait3A_189 = arith.constant 0 : i32
        %dma_wait3A_190 = tpu.memref_slice %arg2[%dma_wait3A_188, %dma_wait3A_189] : memref<10000x48xf32, #tpu.memory_space<hbm>> -> memref<10000x48xf32, #tpu.memory_space<hbm>>
        tpu.wait_indirect_dma semaphore(%arg19 : memref<!tpu.dma_semaphore, #tpu.memory_space<semaphore_mem>>) src(%dma_wait3A_190 : memref<10000x48xf32, #tpu.memory_space<hbm>>) dst(%dma_wait3A_184 : memref<128x48xf32, #tpu.memory_space<vmem>>)
        %broadcast_in_dim3A = arith.constant 0 : i32
        %broadcast_in_dim3A_191 = vector.broadcast %broadcast_in_dim3A : i32 to vector<16xi32>
        %add3A_192 = vector.broadcast %add3A_152 : i32 to vector<16xi32>
        %add3A_193 = arith.addi %broadcast_in_dim3A_191, %add3A_192 : vector<16xi32>
        %scan3A_194 = arith.constant 0 : i32
        %scan3A_195 = arith.constant 0 : i32
        %scan3A_196 = arith.constant 256 : i32
        %scan3A_197 = arith.addi %scan3A_195, %scan3A_196 : i32
        %scan3A_198 = arith.constant 8 : i32
        scf.for %scan3A_226 = %scan3A_195 to %scan3A_197 step %scan3A_198  : i32 {
          %broadcast_in_dim3A_227 = arith.constant 0 : i32
          %broadcast_in_dim3A_228 = vector.broadcast %broadcast_in_dim3A_227 : i32 to vector<16xi32>
          %add3A_229 = vector.broadcast %scan3A_226 : i32 to vector<16xi32>
          %add3A_230 = arith.addi %broadcast_in_dim3A_228, %add3A_229 : vector<16xi32>
          %gather3A = tpu.vector_load_idx %arg10[%add3A_193, %add3A_230] : memref<40x256xf32, #tpu.memory_space<vmem>>[vector<16xi32>, vector<16xi32>], vector<16xf32>,
          %get3A = arith.index_cast %scan3A_226 : i32 to index
          %get3A_231 = arith.constant 0 : index
          %get3A_232 = tpu.vector_load %arg14[%get3A, %get3A_231] {strides = array<i32>} : memref<256x48xf32, #tpu.memory_space<vmem>>, vector<16xf32>,
          %mul3A_233 = arith.mulf %get3A_232, %gather3A : vector<16xf32>
          %swap3A = arith.index_cast %scan3A_226 : i32 to index
          %swap3A_234 = arith.constant 0 : index
          %swap3A_235 = tpu.vector_load %arg14[%swap3A, %swap3A_234] {strides = array<i32>} : memref<256x48xf32, #tpu.memory_space<vmem>>, vector<16xf32>,
          tpu.vector_store %arg14[%swap3A, %swap3A_234], %mul3A_233 {strides = array<i32>} : memref<256x48xf32, #tpu.memory_space<vmem>>, vector<16xf32>,
          %get3A_236 = arith.index_cast %scan3A_226 : i32 to index
          %get3A_237 = arith.constant 16 : index
          %get3A_238 = tpu.vector_load %arg14[%get3A_236, %get3A_237] {strides = array<i32>} : memref<256x48xf32, #tpu.memory_space<vmem>>, vector<16xf32>,
          %mul3A_239 = arith.mulf %get3A_238, %gather3A : vector<16xf32>
          %swap3A_240 = arith.index_cast %scan3A_226 : i32 to index
          %swap3A_241 = arith.constant 16 : index
          %swap3A_242 = tpu.vector_load %arg14[%swap3A_240, %swap3A_241] {strides = array<i32>} : memref<256x48xf32, #tpu.memory_space<vmem>>, vector<16xf32>,
          tpu.vector_store %arg14[%swap3A_240, %swap3A_241], %mul3A_239 {strides = array<i32>} : memref<256x48xf32, #tpu.memory_space<vmem>>, vector<16xf32>,
          %get3A_243 = arith.index_cast %scan3A_226 : i32 to index
          %get3A_244 = arith.constant 32 : index
          %get3A_245 = tpu.vector_load %arg14[%get3A_243, %get3A_244] {strides = array<i32>} : memref<256x48xf32, #tpu.memory_space<vmem>>, vector<16xf32>,
          %mul3A_246 = arith.mulf %get3A_245, %gather3A : vector<16xf32>
          %swap3A_247 = arith.index_cast %scan3A_226 : i32 to index
          %swap3A_248 = arith.constant 32 : index
          %swap3A_249 = tpu.vector_load %arg14[%swap3A_247, %swap3A_248] {strides = array<i32>} : memref<256x48xf32, #tpu.memory_space<vmem>>, vector<16xf32>,
          tpu.vector_store %arg14[%swap3A_247, %swap3A_248], %mul3A_246 {strides = array<i32>} : memref<256x48xf32, #tpu.memory_space<vmem>>, vector<16xf32>,
          %scan3A_250 = arith.constant 1 : i32
          %scan3A_251 = arith.addi %scan3A_226, %scan3A_250 : i32
          %broadcast_in_dim3A_252 = arith.constant 0 : i32
          %broadcast_in_dim3A_253 = vector.broadcast %broadcast_in_dim3A_252 : i32 to vector<16xi32>
          %add3A_254 = vector.broadcast %scan3A_251 : i32 to vector<16xi32>
          %add3A_255 = arith.addi %broadcast_in_dim3A_253, %add3A_254 : vector<16xi32>
          %gather3A_256 = tpu.vector_load_idx %arg10[%add3A_193, %add3A_255] : memref<40x256xf32, #tpu.memory_space<vmem>>[vector<16xi32>, vector<16xi32>], vector<16xf32>,
          %get3A_257 = arith.index_cast %scan3A_251 : i32 to index
          %get3A_258 = arith.constant 0 : index
          %get3A_259 = tpu.vector_load %arg14[%get3A_257, %get3A_258] {strides = array<i32>} : memref<256x48xf32, #tpu.memory_space<vmem>>, vector<16xf32>,
          %mul3A_260 = arith.mulf %get3A_259, %gather3A_256 : vector<16xf32>
          %swap3A_261 = arith.index_cast %scan3A_251 : i32 to index
          %swap3A_262 = arith.constant 0 : index
          %swap3A_263 = tpu.vector_load %arg14[%swap3A_261, %swap3A_262] {strides = array<i32>} : memref<256x48xf32, #tpu.memory_space<vmem>>, vector<16xf32>,
          tpu.vector_store %arg14[%swap3A_261, %swap3A_262], %mul3A_260 {strides = array<i32>} : memref<256x48xf32, #tpu.memory_space<vmem>>, vector<16xf32>,
          %get3A_264 = arith.index_cast %scan3A_251 : i32 to index
          %get3A_265 = arith.constant 16 : index
          %get3A_266 = tpu.vector_load %arg14[%get3A_264, %get3A_265] {strides = array<i32>} : memref<256x48xf32, #tpu.memory_space<vmem>>, vector<16xf32>,
          %mul3A_267 = arith.mulf %get3A_266, %gather3A_256 : vector<16xf32>
          %swap3A_268 = arith.index_cast %scan3A_251 : i32 to index
          %swap3A_269 = arith.constant 16 : index
          %swap3A_270 = tpu.vector_load %arg14[%swap3A_268, %swap3A_269] {strides = array<i32>} : memref<256x48xf32, #tpu.memory_space<vmem>>, vector<16xf32>,
          tpu.vector_store %arg14[%swap3A_268, %swap3A_269], %mul3A_267 {strides = array<i32>} : memref<256x48xf32, #tpu.memory_space<vmem>>, vector<16xf32>,
          %get3A_271 = arith.index_cast %scan3A_251 : i32 to index
          %get3A_272 = arith.constant 32 : index
          %get3A_273 = tpu.vector_load %arg14[%get3A_271, %get3A_272] {strides = array<i32>} : memref<256x48xf32, #tpu.memory_space<vmem>>, vector<16xf32>,
          %mul3A_274 = arith.mulf %get3A_273, %gather3A_256 : vector<16xf32>
          %swap3A_275 = arith.index_cast %scan3A_251 : i32 to index
          %swap3A_276 = arith.constant 32 : index
          %swap3A_277 = tpu.vector_load %arg14[%swap3A_275, %swap3A_276] {strides = array<i32>} : memref<256x48xf32, #tpu.memory_space<vmem>>, vector<16xf32>,
          tpu.vector_store %arg14[%swap3A_275, %swap3A_276], %mul3A_274 {strides = array<i32>} : memref<256x48xf32, #tpu.memory_space<vmem>>, vector<16xf32>,
          %scan3A_278 = arith.constant 2 : i32
          %scan3A_279 = arith.addi %scan3A_226, %scan3A_278 : i32
          %broadcast_in_dim3A_280 = arith.constant 0 : i32
          %broadcast_in_dim3A_281 = vector.broadcast %broadcast_in_dim3A_280 : i32 to vector<16xi32>
          %add3A_282 = vector.broadcast %scan3A_279 : i32 to vector<16xi32>
          %add3A_283 = arith.addi %broadcast_in_dim3A_281, %add3A_282 : vector<16xi32>
          %gather3A_284 = tpu.vector_load_idx %arg10[%add3A_193, %add3A_283] : memref<40x256xf32, #tpu.memory_space<vmem>>[vector<16xi32>, vector<16xi32>], vector<16xf32>,
          %get3A_285 = arith.index_cast %scan3A_279 : i32 to index
          %get3A_286 = arith.constant 0 : index
          %get3A_287 = tpu.vector_load %arg14[%get3A_285, %get3A_286] {strides = array<i32>} : memref<256x48xf32, #tpu.memory_space<vmem>>, vector<16xf32>,
          %mul3A_288 = arith.mulf %get3A_287, %gather3A_284 : vector<16xf32>
          %swap3A_289 = arith.index_cast %scan3A_279 : i32 to index
          %swap3A_290 = arith.constant 0 : index
          %swap3A_291 = tpu.vector_load %arg14[%swap3A_289, %swap3A_290] {strides = array<i32>} : memref<256x48xf32, #tpu.memory_space<vmem>>, vector<16xf32>,
          tpu.vector_store %arg14[%swap3A_289, %swap3A_290], %mul3A_288 {strides = array<i32>} : memref<256x48xf32, #tpu.memory_space<vmem>>, vector<16xf32>,
          %get3A_292 = arith.index_cast %scan3A_279 : i32 to index
          %get3A_293 = arith.constant 16 : index
          %get3A_294 = tpu.vector_load %arg14[%get3A_292, %get3A_293] {strides = array<i32>} : memref<256x48xf32, #tpu.memory_space<vmem>>, vector<16xf32>,
          %mul3A_295 = arith.mulf %get3A_294, %gather3A_284 : vector<16xf32>
          %swap3A_296 = arith.index_cast %scan3A_279 : i32 to index
          %swap3A_297 = arith.constant 16 : index
          %swap3A_298 = tpu.vector_load %arg14[%swap3A_296, %swap3A_297] {strides = array<i32>} : memref<256x48xf32, #tpu.memory_space<vmem>>, vector<16xf32>,
          tpu.vector_store %arg14[%swap3A_296, %swap3A_297], %mul3A_295 {strides = array<i32>} : memref<256x48xf32, #tpu.memory_space<vmem>>, vector<16xf32>,
          %get3A_299 = arith.index_cast %scan3A_279 : i32 to index
          %get3A_300 = arith.constant 32 : index
          %get3A_301 = tpu.vector_load %arg14[%get3A_299, %get3A_300] {strides = array<i32>} : memref<256x48xf32, #tpu.memory_space<vmem>>, vector<16xf32>,
          %mul3A_302 = arith.mulf %get3A_301, %gather3A_284 : vector<16xf32>
          %swap3A_303 = arith.index_cast %scan3A_279 : i32 to index
          %swap3A_304 = arith.constant 32 : index
          %swap3A_305 = tpu.vector_load %arg14[%swap3A_303, %swap3A_304] {strides = array<i32>} : memref<256x48xf32, #tpu.memory_space<vmem>>, vector<16xf32>,
          tpu.vector_store %arg14[%swap3A_303, %swap3A_304], %mul3A_302 {strides = array<i32>} : memref<256x48xf32, #tpu.memory_space<vmem>>, vector<16xf32>,
          %scan3A_306 = arith.constant 3 : i32
          %scan3A_307 = arith.addi %scan3A_226, %scan3A_306 : i32
          %broadcast_in_dim3A_308 = arith.constant 0 : i32
          %broadcast_in_dim3A_309 = vector.broadcast %broadcast_in_dim3A_308 : i32 to vector<16xi32>
          %add3A_310 = vector.broadcast %scan3A_307 : i32 to vector<16xi32>
          %add3A_311 = arith.addi %broadcast_in_dim3A_309, %add3A_310 : vector<16xi32>
          %gather3A_312 = tpu.vector_load_idx %arg10[%add3A_193, %add3A_311] : memref<40x256xf32, #tpu.memory_space<vmem>>[vector<16xi32>, vector<16xi32>], vector<16xf32>,
          %get3A_313 = arith.index_cast %scan3A_307 : i32 to index
          %get3A_314 = arith.constant 0 : index
          %get3A_315 = tpu.vector_load %arg14[%get3A_313, %get3A_314] {strides = array<i32>} : memref<256x48xf32, #tpu.memory_space<vmem>>, vector<16xf32>,
          %mul3A_316 = arith.mulf %get3A_315, %gather3A_312 : vector<16xf32>
          %swap3A_317 = arith.index_cast %scan3A_307 : i32 to index
          %swap3A_318 = arith.constant 0 : index
          %swap3A_319 = tpu.vector_load %arg14[%swap3A_317, %swap3A_318] {strides = array<i32>} : memref<256x48xf32, #tpu.memory_space<vmem>>, vector<16xf32>,
          tpu.vector_store %arg14[%swap3A_317, %swap3A_318], %mul3A_316 {strides = array<i32>} : memref<256x48xf32, #tpu.memory_space<vmem>>, vector<16xf32>,
          %get3A_320 = arith.index_cast %scan3A_307 : i32 to index
          %get3A_321 = arith.constant 16 : index
          %get3A_322 = tpu.vector_load %arg14[%get3A_320, %get3A_321] {strides = array<i32>} : memref<256x48xf32, #tpu.memory_space<vmem>>, vector<16xf32>,
          %mul3A_323 = arith.mulf %get3A_322, %gather3A_312 : vector<16xf32>
          %swap3A_324 = arith.index_cast %scan3A_307 : i32 to index
          %swap3A_325 = arith.constant 16 : index
          %swap3A_326 = tpu.vector_load %arg14[%swap3A_324, %swap3A_325] {strides = array<i32>} : memref<256x48xf32, #tpu.memory_space<vmem>>, vector<16xf32>,
          tpu.vector_store %arg14[%swap3A_324, %swap3A_325], %mul3A_323 {strides = array<i32>} : memref<256x48xf32, #tpu.memory_space<vmem>>, vector<16xf32>,
          %get3A_327 = arith.index_cast %scan3A_307 : i32 to index
          %get3A_328 = arith.constant 32 : index
          %get3A_329 = tpu.vector_load %arg14[%get3A_327, %get3A_328] {strides = array<i32>} : memref<256x48xf32, #tpu.memory_space<vmem>>, vector<16xf32>,
          %mul3A_330 = arith.mulf %get3A_329, %gather3A_312 : vector<16xf32>
          %swap3A_331 = arith.index_cast %scan3A_307 : i32 to index
          %swap3A_332 = arith.constant 32 : index
          %swap3A_333 = tpu.vector_load %arg14[%swap3A_331, %swap3A_332] {strides = array<i32>} : memref<256x48xf32, #tpu.memory_space<vmem>>, vector<16xf32>,
          tpu.vector_store %arg14[%swap3A_331, %swap3A_332], %mul3A_330 {strides = array<i32>} : memref<256x48xf32, #tpu.memory_space<vmem>>, vector<16xf32>,
          %scan3A_334 = arith.constant 4 : i32
          %scan3A_335 = arith.addi %scan3A_226, %scan3A_334 : i32
          %broadcast_in_dim3A_336 = arith.constant 0 : i32
          %broadcast_in_dim3A_337 = vector.broadcast %broadcast_in_dim3A_336 : i32 to vector<16xi32>
          %add3A_338 = vector.broadcast %scan3A_335 : i32 to vector<16xi32>
          %add3A_339 = arith.addi %broadcast_in_dim3A_337, %add3A_338 : vector<16xi32>
          %gather3A_340 = tpu.vector_load_idx %arg10[%add3A_193, %add3A_339] : memref<40x256xf32, #tpu.memory_space<vmem>>[vector<16xi32>, vector<16xi32>], vector<16xf32>,
          %get3A_341 = arith.index_cast %scan3A_335 : i32 to index
          %get3A_342 = arith.constant 0 : index
          %get3A_343 = tpu.vector_load %arg14[%get3A_341, %get3A_342] {strides = array<i32>} : memref<256x48xf32, #tpu.memory_space<vmem>>, vector<16xf32>,
          %mul3A_344 = arith.mulf %get3A_343, %gather3A_340 : vector<16xf32>
          %swap3A_345 = arith.index_cast %scan3A_335 : i32 to index
          %swap3A_346 = arith.constant 0 : index
          %swap3A_347 = tpu.vector_load %arg14[%swap3A_345, %swap3A_346] {strides = array<i32>} : memref<256x48xf32, #tpu.memory_space<vmem>>, vector<16xf32>,
          tpu.vector_store %arg14[%swap3A_345, %swap3A_346], %mul3A_344 {strides = array<i32>} : memref<256x48xf32, #tpu.memory_space<vmem>>, vector<16xf32>,
          %get3A_348 = arith.index_cast %scan3A_335 : i32 to index
          %get3A_349 = arith.constant 16 : index
          %get3A_350 = tpu.vector_load %arg14[%get3A_348, %get3A_349] {strides = array<i32>} : memref<256x48xf32, #tpu.memory_space<vmem>>, vector<16xf32>,
          %mul3A_351 = arith.mulf %get3A_350, %gather3A_340 : vector<16xf32>
          %swap3A_352 = arith.index_cast %scan3A_335 : i32 to index
          %swap3A_353 = arith.constant 16 : index
          %swap3A_354 = tpu.vector_load %arg14[%swap3A_352, %swap3A_353] {strides = array<i32>} : memref<256x48xf32, #tpu.memory_space<vmem>>, vector<16xf32>,
          tpu.vector_store %arg14[%swap3A_352, %swap3A_353], %mul3A_351 {strides = array<i32>} : memref<256x48xf32, #tpu.memory_space<vmem>>, vector<16xf32>,
          %get3A_355 = arith.index_cast %scan3A_335 : i32 to index
          %get3A_356 = arith.constant 32 : index
          %get3A_357 = tpu.vector_load %arg14[%get3A_355, %get3A_356] {strides = array<i32>} : memref<256x48xf32, #tpu.memory_space<vmem>>, vector<16xf32>,
          %mul3A_358 = arith.mulf %get3A_357, %gather3A_340 : vector<16xf32>
          %swap3A_359 = arith.index_cast %scan3A_335 : i32 to index
          %swap3A_360 = arith.constant 32 : index
          %swap3A_361 = tpu.vector_load %arg14[%swap3A_359, %swap3A_360] {strides = array<i32>} : memref<256x48xf32, #tpu.memory_space<vmem>>, vector<16xf32>,
          tpu.vector_store %arg14[%swap3A_359, %swap3A_360], %mul3A_358 {strides = array<i32>} : memref<256x48xf32, #tpu.memory_space<vmem>>, vector<16xf32>,
          %scan3A_362 = arith.constant 5 : i32
          %scan3A_363 = arith.addi %scan3A_226, %scan3A_362 : i32
          %broadcast_in_dim3A_364 = arith.constant 0 : i32
          %broadcast_in_dim3A_365 = vector.broadcast %broadcast_in_dim3A_364 : i32 to vector<16xi32>
          %add3A_366 = vector.broadcast %scan3A_363 : i32 to vector<16xi32>
          %add3A_367 = arith.addi %broadcast_in_dim3A_365, %add3A_366 : vector<16xi32>
          %gather3A_368 = tpu.vector_load_idx %arg10[%add3A_193, %add3A_367] : memref<40x256xf32, #tpu.memory_space<vmem>>[vector<16xi32>, vector<16xi32>], vector<16xf32>,
          %get3A_369 = arith.index_cast %scan3A_363 : i32 to index
          %get3A_370 = arith.constant 0 : index
          %get3A_371 = tpu.vector_load %arg14[%get3A_369, %get3A_370] {strides = array<i32>} : memref<256x48xf32, #tpu.memory_space<vmem>>, vector<16xf32>,
          %mul3A_372 = arith.mulf %get3A_371, %gather3A_368 : vector<16xf32>
          %swap3A_373 = arith.index_cast %scan3A_363 : i32 to index
          %swap3A_374 = arith.constant 0 : index
          %swap3A_375 = tpu.vector_load %arg14[%swap3A_373, %swap3A_374] {strides = array<i32>} : memref<256x48xf32, #tpu.memory_space<vmem>>, vector<16xf32>,
          tpu.vector_store %arg14[%swap3A_373, %swap3A_374], %mul3A_372 {strides = array<i32>} : memref<256x48xf32, #tpu.memory_space<vmem>>, vector<16xf32>,
          %get3A_376 = arith.index_cast %scan3A_363 : i32 to index
          %get3A_377 = arith.constant 16 : index
          %get3A_378 = tpu.vector_load %arg14[%get3A_376, %get3A_377] {strides = array<i32>} : memref<256x48xf32, #tpu.memory_space<vmem>>, vector<16xf32>,
          %mul3A_379 = arith.mulf %get3A_378, %gather3A_368 : vector<16xf32>
          %swap3A_380 = arith.index_cast %scan3A_363 : i32 to index
          %swap3A_381 = arith.constant 16 : index
          %swap3A_382 = tpu.vector_load %arg14[%swap3A_380, %swap3A_381] {strides = array<i32>} : memref<256x48xf32, #tpu.memory_space<vmem>>, vector<16xf32>,
          tpu.vector_store %arg14[%swap3A_380, %swap3A_381], %mul3A_379 {strides = array<i32>} : memref<256x48xf32, #tpu.memory_space<vmem>>, vector<16xf32>,
          %get3A_383 = arith.index_cast %scan3A_363 : i32 to index
          %get3A_384 = arith.constant 32 : index
          %get3A_385 = tpu.vector_load %arg14[%get3A_383, %get3A_384] {strides = array<i32>} : memref<256x48xf32, #tpu.memory_space<vmem>>, vector<16xf32>,
          %mul3A_386 = arith.mulf %get3A_385, %gather3A_368 : vector<16xf32>
          %swap3A_387 = arith.index_cast %scan3A_363 : i32 to index
          %swap3A_388 = arith.constant 32 : index
          %swap3A_389 = tpu.vector_load %arg14[%swap3A_387, %swap3A_388] {strides = array<i32>} : memref<256x48xf32, #tpu.memory_space<vmem>>, vector<16xf32>,
          tpu.vector_store %arg14[%swap3A_387, %swap3A_388], %mul3A_386 {strides = array<i32>} : memref<256x48xf32, #tpu.memory_space<vmem>>, vector<16xf32>,
          %scan3A_390 = arith.constant 6 : i32
          %scan3A_391 = arith.addi %scan3A_226, %scan3A_390 : i32
          %broadcast_in_dim3A_392 = arith.constant 0 : i32
          %broadcast_in_dim3A_393 = vector.broadcast %broadcast_in_dim3A_392 : i32 to vector<16xi32>
          %add3A_394 = vector.broadcast %scan3A_391 : i32 to vector<16xi32>
          %add3A_395 = arith.addi %broadcast_in_dim3A_393, %add3A_394 : vector<16xi32>
          %gather3A_396 = tpu.vector_load_idx %arg10[%add3A_193, %add3A_395] : memref<40x256xf32, #tpu.memory_space<vmem>>[vector<16xi32>, vector<16xi32>], vector<16xf32>,
          %get3A_397 = arith.index_cast %scan3A_391 : i32 to index
          %get3A_398 = arith.constant 0 : index
          %get3A_399 = tpu.vector_load %arg14[%get3A_397, %get3A_398] {strides = array<i32>} : memref<256x48xf32, #tpu.memory_space<vmem>>, vector<16xf32>,
          %mul3A_400 = arith.mulf %get3A_399, %gather3A_396 : vector<16xf32>
          %swap3A_401 = arith.index_cast %scan3A_391 : i32 to index
          %swap3A_402 = arith.constant 0 : index
          %swap3A_403 = tpu.vector_load %arg14[%swap3A_401, %swap3A_402] {strides = array<i32>} : memref<256x48xf32, #tpu.memory_space<vmem>>, vector<16xf32>,
          tpu.vector_store %arg14[%swap3A_401, %swap3A_402], %mul3A_400 {strides = array<i32>} : memref<256x48xf32, #tpu.memory_space<vmem>>, vector<16xf32>,
          %get3A_404 = arith.index_cast %scan3A_391 : i32 to index
          %get3A_405 = arith.constant 16 : index
          %get3A_406 = tpu.vector_load %arg14[%get3A_404, %get3A_405] {strides = array<i32>} : memref<256x48xf32, #tpu.memory_space<vmem>>, vector<16xf32>,
          %mul3A_407 = arith.mulf %get3A_406, %gather3A_396 : vector<16xf32>
          %swap3A_408 = arith.index_cast %scan3A_391 : i32 to index
          %swap3A_409 = arith.constant 16 : index
          %swap3A_410 = tpu.vector_load %arg14[%swap3A_408, %swap3A_409] {strides = array<i32>} : memref<256x48xf32, #tpu.memory_space<vmem>>, vector<16xf32>,
          tpu.vector_store %arg14[%swap3A_408, %swap3A_409], %mul3A_407 {strides = array<i32>} : memref<256x48xf32, #tpu.memory_space<vmem>>, vector<16xf32>,
          %get3A_411 = arith.index_cast %scan3A_391 : i32 to index
          %get3A_412 = arith.constant 32 : index
          %get3A_413 = tpu.vector_load %arg14[%get3A_411, %get3A_412] {strides = array<i32>} : memref<256x48xf32, #tpu.memory_space<vmem>>, vector<16xf32>,
          %mul3A_414 = arith.mulf %get3A_413, %gather3A_396 : vector<16xf32>
          %swap3A_415 = arith.index_cast %scan3A_391 : i32 to index
          %swap3A_416 = arith.constant 32 : index
          %swap3A_417 = tpu.vector_load %arg14[%swap3A_415, %swap3A_416] {strides = array<i32>} : memref<256x48xf32, #tpu.memory_space<vmem>>, vector<16xf32>,
          tpu.vector_store %arg14[%swap3A_415, %swap3A_416], %mul3A_414 {strides = array<i32>} : memref<256x48xf32, #tpu.memory_space<vmem>>, vector<16xf32>,
          %scan3A_418 = arith.constant 7 : i32
          %scan3A_419 = arith.addi %scan3A_226, %scan3A_418 : i32
          %broadcast_in_dim3A_420 = arith.constant 0 : i32
          %broadcast_in_dim3A_421 = vector.broadcast %broadcast_in_dim3A_420 : i32 to vector<16xi32>
          %add3A_422 = vector.broadcast %scan3A_419 : i32 to vector<16xi32>
          %add3A_423 = arith.addi %broadcast_in_dim3A_421, %add3A_422 : vector<16xi32>
          %gather3A_424 = tpu.vector_load_idx %arg10[%add3A_193, %add3A_423] : memref<40x256xf32, #tpu.memory_space<vmem>>[vector<16xi32>, vector<16xi32>], vector<16xf32>,
          %get3A_425 = arith.index_cast %scan3A_419 : i32 to index
          %get3A_426 = arith.constant 0 : index
          %get3A_427 = tpu.vector_load %arg14[%get3A_425, %get3A_426] {strides = array<i32>} : memref<256x48xf32, #tpu.memory_space<vmem>>, vector<16xf32>,
          %mul3A_428 = arith.mulf %get3A_427, %gather3A_424 : vector<16xf32>
          %swap3A_429 = arith.index_cast %scan3A_419 : i32 to index
          %swap3A_430 = arith.constant 0 : index
          %swap3A_431 = tpu.vector_load %arg14[%swap3A_429, %swap3A_430] {strides = array<i32>} : memref<256x48xf32, #tpu.memory_space<vmem>>, vector<16xf32>,
          tpu.vector_store %arg14[%swap3A_429, %swap3A_430], %mul3A_428 {strides = array<i32>} : memref<256x48xf32, #tpu.memory_space<vmem>>, vector<16xf32>,
          %get3A_432 = arith.index_cast %scan3A_419 : i32 to index
          %get3A_433 = arith.constant 16 : index
          %get3A_434 = tpu.vector_load %arg14[%get3A_432, %get3A_433] {strides = array<i32>} : memref<256x48xf32, #tpu.memory_space<vmem>>, vector<16xf32>,
          %mul3A_435 = arith.mulf %get3A_434, %gather3A_424 : vector<16xf32>
          %swap3A_436 = arith.index_cast %scan3A_419 : i32 to index
          %swap3A_437 = arith.constant 16 : index
          %swap3A_438 = tpu.vector_load %arg14[%swap3A_436, %swap3A_437] {strides = array<i32>} : memref<256x48xf32, #tpu.memory_space<vmem>>, vector<16xf32>,
          tpu.vector_store %arg14[%swap3A_436, %swap3A_437], %mul3A_435 {strides = array<i32>} : memref<256x48xf32, #tpu.memory_space<vmem>>, vector<16xf32>,
          %get3A_439 = arith.index_cast %scan3A_419 : i32 to index
          %get3A_440 = arith.constant 32 : index
          %get3A_441 = tpu.vector_load %arg14[%get3A_439, %get3A_440] {strides = array<i32>} : memref<256x48xf32, #tpu.memory_space<vmem>>, vector<16xf32>,
          %mul3A_442 = arith.mulf %get3A_441, %gather3A_424 : vector<16xf32>
          %swap3A_443 = arith.index_cast %scan3A_419 : i32 to index
          %swap3A_444 = arith.constant 32 : index
          %swap3A_445 = tpu.vector_load %arg14[%swap3A_443, %swap3A_444] {strides = array<i32>} : memref<256x48xf32, #tpu.memory_space<vmem>>, vector<16xf32>,
          tpu.vector_store %arg14[%swap3A_443, %swap3A_444], %mul3A_442 {strides = array<i32>} : memref<256x48xf32, #tpu.memory_space<vmem>>, vector<16xf32>,
        }
        %scan3A_199 = arith.constant 256 : i32
        %mul3A_200 = arith.constant 2 : i32
        %mul3A_201 = arith.muli %mul3A_200, %add3A_152 : i32
        %add3A_202 = arith.constant 0 : i32
        %add3A_203 = arith.addi %mul3A_201, %add3A_202 : i32
        %dma_start3A_204 = arith.constant 0 : i32
        %dma_start3A_205 = arith.constant 0 : i32
        %dma_start3A_206 = tpu.memref_slice %arg14[%dma_start3A_204, %dma_start3A_205] : memref<256x48xf32, #tpu.memory_space<vmem>> -> memref<128x48xf32, #tpu.memory_space<vmem>>
        %dma_start3A_207 = arith.constant 0 : i32
        %dma_start3A_208 = tpu.memref_slice %arg9[%add3A_203, %dma_start3A_207] : memref<80x128xi32, #tpu.memory_space<vmem>> -> memref<1x128xi32, #tpu.memory_space<vmem>>
        %dma_start3A_209 = tpu.memref_squeeze %dma_start3A_208 : memref<1x128xi32, #tpu.memory_space<vmem>> -> memref<128xi32, #tpu.memory_space<vmem>>
        %dma_start3A_210 = arith.constant 0 : i32
        %dma_start3A_211 = arith.constant 0 : i32
        %dma_start3A_212 = tpu.memref_slice %arg15[%dma_start3A_210, %dma_start3A_211] : memref<10000x48xf32, #tpu.memory_space<vmem_shared>> -> memref<10000x48xf32, #tpu.memory_space<vmem_shared>>
        tpu.enqueue_indirect_dma source(%dma_start3A_206 : memref<128x48xf32, #tpu.memory_space<vmem>>) target(%dma_start3A_212 : memref<10000x48xf32, #tpu.memory_space<vmem_shared>>) offsets(%dma_start3A_209 : memref<128xi32, #tpu.memory_space<vmem>>) semaphore(%arg23 : memref<!tpu.dma_semaphore, #tpu.memory_space<semaphore_mem>>) {add = true}
        %mul3A_213 = arith.constant 2 : i32
        %mul3A_214 = arith.muli %mul3A_213, %add3A_152 : i32
        %add3A_215 = arith.constant 1 : i32
        %add3A_216 = arith.addi %mul3A_214, %add3A_215 : i32
        %dma_start3A_217 = arith.constant 128 : i32
        %dma_start3A_218 = arith.constant 0 : i32
        %dma_start3A_219 = tpu.memref_slice %arg14[%dma_start3A_217, %dma_start3A_218] : memref<256x48xf32, #tpu.memory_space<vmem>> -> memref<128x48xf32, #tpu.memory_space<vmem>>
        %dma_start3A_220 = arith.constant 0 : i32
        %dma_start3A_221 = tpu.memref_slice %arg9[%add3A_216, %dma_start3A_220] : memref<80x128xi32, #tpu.memory_space<vmem>> -> memref<1x128xi32, #tpu.memory_space<vmem>>
        %dma_start3A_222 = tpu.memref_squeeze %dma_start3A_221 : memref<1x128xi32, #tpu.memory_space<vmem>> -> memref<128xi32, #tpu.memory_space<vmem>>
        %dma_start3A_223 = arith.constant 0 : i32
        %dma_start3A_224 = arith.constant 0 : i32
        %dma_start3A_225 = tpu.memref_slice %arg15[%dma_start3A_223, %dma_start3A_224] : memref<10000x48xf32, #tpu.memory_space<vmem_shared>> -> memref<10000x48xf32, #tpu.memory_space<vmem_shared>>
        tpu.enqueue_indirect_dma source(%dma_start3A_219 : memref<128x48xf32, #tpu.memory_space<vmem>>) target(%dma_start3A_225 : memref<10000x48xf32, #tpu.memory_space<vmem_shared>>) offsets(%dma_start3A_222 : memref<128xi32, #tpu.memory_space<vmem>>) semaphore(%arg23 : memref<!tpu.dma_semaphore, #tpu.memory_space<semaphore_mem>>) {add = true}
      } else {
      }
    }
    %scan3A_30 = arith.constant 10 : i32
    %dma_wait3A = arith.constant 78 : i32
    %dma_wait3A_31 = arith.constant 0 : i32
    %dma_wait3A_32 = arith.constant 0 : i32
    %dma_wait3A_33 = tpu.memref_slice %arg14[%dma_wait3A_31, %dma_wait3A_32] : memref<256x48xf32, #tpu.memory_space<vmem>> -> memref<128x48xf32, #tpu.memory_space<vmem>>
    %dma_wait3A_34 = arith.constant 0 : i32
    %dma_wait3A_35 = tpu.memref_slice %arg9[%dma_wait3A, %dma_wait3A_34] : memref<80x128xi32, #tpu.memory_space<vmem>> -> memref<1x128xi32, #tpu.memory_space<vmem>>
    %dma_wait3A_36 = tpu.memref_squeeze %dma_wait3A_35 : memref<1x128xi32, #tpu.memory_space<vmem>> -> memref<128xi32, #tpu.memory_space<vmem>>
    %dma_wait3A_37 = arith.constant 0 : i32
    %dma_wait3A_38 = arith.constant 0 : i32
    %dma_wait3A_39 = tpu.memref_slice %arg15[%dma_wait3A_37, %dma_wait3A_38] : memref<10000x48xf32, #tpu.memory_space<vmem_shared>> -> memref<10000x48xf32, #tpu.memory_space<vmem_shared>>
    tpu.wait_indirect_dma semaphore(%arg23 : memref<!tpu.dma_semaphore, #tpu.memory_space<semaphore_mem>>) src(%dma_wait3A_33 : memref<128x48xf32, #tpu.memory_space<vmem>>) dst(%dma_wait3A_39 : memref<10000x48xf32, #tpu.memory_space<vmem_shared>>)
    %dma_wait3A_40 = arith.constant 79 : i32
    %dma_wait3A_41 = arith.constant 128 : i32
    %dma_wait3A_42 = arith.constant 0 : i32
    %dma_wait3A_43 = tpu.memref_slice %arg14[%dma_wait3A_41, %dma_wait3A_42] : memref<256x48xf32, #tpu.memory_space<vmem>> -> memref<128x48xf32, #tpu.memory_space<vmem>>
    %dma_wait3A_44 = arith.constant 0 : i32
    %dma_wait3A_45 = tpu.memref_slice %arg9[%dma_wait3A_40, %dma_wait3A_44] : memref<80x128xi32, #tpu.memory_space<vmem>> -> memref<1x128xi32, #tpu.memory_space<vmem>>
    %dma_wait3A_46 = tpu.memref_squeeze %dma_wait3A_45 : memref<1x128xi32, #tpu.memory_space<vmem>> -> memref<128xi32, #tpu.memory_space<vmem>>
    %dma_wait3A_47 = arith.constant 0 : i32
    %dma_wait3A_48 = arith.constant 0 : i32
    %dma_wait3A_49 = tpu.memref_slice %arg15[%dma_wait3A_47, %dma_wait3A_48] : memref<10000x48xf32, #tpu.memory_space<vmem_shared>> -> memref<10000x48xf32, #tpu.memory_space<vmem_shared>>
    tpu.wait_indirect_dma semaphore(%arg23 : memref<!tpu.dma_semaphore, #tpu.memory_space<semaphore_mem>>) src(%dma_wait3A_43 : memref<128x48xf32, #tpu.memory_space<vmem>>) dst(%dma_wait3A_49 : memref<10000x48xf32, #tpu.memory_space<vmem_shared>>)
    %dma_wait3A_50 = arith.constant 76 : i32
    %dma_wait3A_51 = arith.constant 0 : i32
    %dma_wait3A_52 = arith.constant 0 : i32
    %dma_wait3A_53 = tpu.memref_slice %arg13[%dma_wait3A_51, %dma_wait3A_52] : memref<256x48xf32, #tpu.memory_space<vmem>> -> memref<128x48xf32, #tpu.memory_space<vmem>>
    %dma_wait3A_54 = arith.constant 0 : i32
    %dma_wait3A_55 = tpu.memref_slice %arg9[%dma_wait3A_50, %dma_wait3A_54] : memref<80x128xi32, #tpu.memory_space<vmem>> -> memref<1x128xi32, #tpu.memory_space<vmem>>
    %dma_wait3A_56 = tpu.memref_squeeze %dma_wait3A_55 : memref<1x128xi32, #tpu.memory_space<vmem>> -> memref<128xi32, #tpu.memory_space<vmem>>
    %dma_wait3A_57 = arith.constant 0 : i32
    %dma_wait3A_58 = arith.constant 0 : i32
    %dma_wait3A_59 = tpu.memref_slice %arg15[%dma_wait3A_57, %dma_wait3A_58] : memref<10000x48xf32, #tpu.memory_space<vmem_shared>> -> memref<10000x48xf32, #tpu.memory_space<vmem_shared>>
    tpu.wait_indirect_dma semaphore(%arg22 : memref<!tpu.dma_semaphore, #tpu.memory_space<semaphore_mem>>) src(%dma_wait3A_53 : memref<128x48xf32, #tpu.memory_space<vmem>>) dst(%dma_wait3A_59 : memref<10000x48xf32, #tpu.memory_space<vmem_shared>>)
    %dma_wait3A_60 = arith.constant 77 : i32
    %dma_wait3A_61 = arith.constant 128 : i32
    %dma_wait3A_62 = arith.constant 0 : i32
    %dma_wait3A_63 = tpu.memref_slice %arg13[%dma_wait3A_61, %dma_wait3A_62] : memref<256x48xf32, #tpu.memory_space<vmem>> -> memref<128x48xf32, #tpu.memory_space<vmem>>
    %dma_wait3A_64 = arith.constant 0 : i32
    %dma_wait3A_65 = tpu.memref_slice %arg9[%dma_wait3A_60, %dma_wait3A_64] : memref<80x128xi32, #tpu.memory_space<vmem>> -> memref<1x128xi32, #tpu.memory_space<vmem>>
    %dma_wait3A_66 = tpu.memref_squeeze %dma_wait3A_65 : memref<1x128xi32, #tpu.memory_space<vmem>> -> memref<128xi32, #tpu.memory_space<vmem>>
    %dma_wait3A_67 = arith.constant 0 : i32
    %dma_wait3A_68 = arith.constant 0 : i32
    %dma_wait3A_69 = tpu.memref_slice %arg15[%dma_wait3A_67, %dma_wait3A_68] : memref<10000x48xf32, #tpu.memory_space<vmem_shared>> -> memref<10000x48xf32, #tpu.memory_space<vmem_shared>>
    tpu.wait_indirect_dma semaphore(%arg22 : memref<!tpu.dma_semaphore, #tpu.memory_space<semaphore_mem>>) src(%dma_wait3A_63 : memref<128x48xf32, #tpu.memory_space<vmem>>) dst(%dma_wait3A_69 : memref<10000x48xf32, #tpu.memory_space<vmem_shared>>)
    %dma_wait3A_70 = arith.constant 74 : i32
    %dma_wait3A_71 = arith.constant 0 : i32
    %dma_wait3A_72 = arith.constant 0 : i32
    %dma_wait3A_73 = tpu.memref_slice %arg12[%dma_wait3A_71, %dma_wait3A_72] : memref<256x48xf32, #tpu.memory_space<vmem>> -> memref<128x48xf32, #tpu.memory_space<vmem>>
    %dma_wait3A_74 = arith.constant 0 : i32
    %dma_wait3A_75 = tpu.memref_slice %arg9[%dma_wait3A_70, %dma_wait3A_74] : memref<80x128xi32, #tpu.memory_space<vmem>> -> memref<1x128xi32, #tpu.memory_space<vmem>>
    %dma_wait3A_76 = tpu.memref_squeeze %dma_wait3A_75 : memref<1x128xi32, #tpu.memory_space<vmem>> -> memref<128xi32, #tpu.memory_space<vmem>>
    %dma_wait3A_77 = arith.constant 0 : i32
    %dma_wait3A_78 = arith.constant 0 : i32
    %dma_wait3A_79 = tpu.memref_slice %arg15[%dma_wait3A_77, %dma_wait3A_78] : memref<10000x48xf32, #tpu.memory_space<vmem_shared>> -> memref<10000x48xf32, #tpu.memory_space<vmem_shared>>
    tpu.wait_indirect_dma semaphore(%arg21 : memref<!tpu.dma_semaphore, #tpu.memory_space<semaphore_mem>>) src(%dma_wait3A_73 : memref<128x48xf32, #tpu.memory_space<vmem>>) dst(%dma_wait3A_79 : memref<10000x48xf32, #tpu.memory_space<vmem_shared>>)
    %dma_wait3A_80 = arith.constant 75 : i32
    %dma_wait3A_81 = arith.constant 128 : i32
    %dma_wait3A_82 = arith.constant 0 : i32
    %dma_wait3A_83 = tpu.memref_slice %arg12[%dma_wait3A_81, %dma_wait3A_82] : memref<256x48xf32, #tpu.memory_space<vmem>> -> memref<128x48xf32, #tpu.memory_space<vmem>>
    %dma_wait3A_84 = arith.constant 0 : i32
    %dma_wait3A_85 = tpu.memref_slice %arg9[%dma_wait3A_80, %dma_wait3A_84] : memref<80x128xi32, #tpu.memory_space<vmem>> -> memref<1x128xi32, #tpu.memory_space<vmem>>
    %dma_wait3A_86 = tpu.memref_squeeze %dma_wait3A_85 : memref<1x128xi32, #tpu.memory_space<vmem>> -> memref<128xi32, #tpu.memory_space<vmem>>
    %dma_wait3A_87 = arith.constant 0 : i32
    %dma_wait3A_88 = arith.constant 0 : i32
    %dma_wait3A_89 = tpu.memref_slice %arg15[%dma_wait3A_87, %dma_wait3A_88] : memref<10000x48xf32, #tpu.memory_space<vmem_shared>> -> memref<10000x48xf32, #tpu.memory_space<vmem_shared>>
    tpu.wait_indirect_dma semaphore(%arg21 : memref<!tpu.dma_semaphore, #tpu.memory_space<semaphore_mem>>) src(%dma_wait3A_83 : memref<128x48xf32, #tpu.memory_space<vmem>>) dst(%dma_wait3A_89 : memref<10000x48xf32, #tpu.memory_space<vmem_shared>>)
    %dma_wait3A_90 = arith.constant 72 : i32
    %dma_wait3A_91 = arith.constant 0 : i32
    %dma_wait3A_92 = arith.constant 0 : i32
    %dma_wait3A_93 = tpu.memref_slice %arg11[%dma_wait3A_91, %dma_wait3A_92] : memref<256x48xf32, #tpu.memory_space<vmem>> -> memref<128x48xf32, #tpu.memory_space<vmem>>
    %dma_wait3A_94 = arith.constant 0 : i32
    %dma_wait3A_95 = tpu.memref_slice %arg9[%dma_wait3A_90, %dma_wait3A_94] : memref<80x128xi32, #tpu.memory_space<vmem>> -> memref<1x128xi32, #tpu.memory_space<vmem>>
    %dma_wait3A_96 = tpu.memref_squeeze %dma_wait3A_95 : memref<1x128xi32, #tpu.memory_space<vmem>> -> memref<128xi32, #tpu.memory_space<vmem>>
    %dma_wait3A_97 = arith.constant 0 : i32
    %dma_wait3A_98 = arith.constant 0 : i32
    %dma_wait3A_99 = tpu.memref_slice %arg15[%dma_wait3A_97, %dma_wait3A_98] : memref<10000x48xf32, #tpu.memory_space<vmem_shared>> -> memref<10000x48xf32, #tpu.memory_space<vmem_shared>>
    tpu.wait_indirect_dma semaphore(%arg20 : memref<!tpu.dma_semaphore, #tpu.memory_space<semaphore_mem>>) src(%dma_wait3A_93 : memref<128x48xf32, #tpu.memory_space<vmem>>) dst(%dma_wait3A_99 : memref<10000x48xf32, #tpu.memory_space<vmem_shared>>)
    %dma_wait3A_100 = arith.constant 73 : i32
    %dma_wait3A_101 = arith.constant 128 : i32
    %dma_wait3A_102 = arith.constant 0 : i32
    %dma_wait3A_103 = tpu.memref_slice %arg11[%dma_wait3A_101, %dma_wait3A_102] : memref<256x48xf32, #tpu.memory_space<vmem>> -> memref<128x48xf32, #tpu.memory_space<vmem>>
    %dma_wait3A_104 = arith.constant 0 : i32
    %dma_wait3A_105 = tpu.memref_slice %arg9[%dma_wait3A_100, %dma_wait3A_104] : memref<80x128xi32, #tpu.memory_space<vmem>> -> memref<1x128xi32, #tpu.memory_space<vmem>>
    %dma_wait3A_106 = tpu.memref_squeeze %dma_wait3A_105 : memref<1x128xi32, #tpu.memory_space<vmem>> -> memref<128xi32, #tpu.memory_space<vmem>>
    %dma_wait3A_107 = arith.constant 0 : i32
    %dma_wait3A_108 = arith.constant 0 : i32
    %dma_wait3A_109 = tpu.memref_slice %arg15[%dma_wait3A_107, %dma_wait3A_108] : memref<10000x48xf32, #tpu.memory_space<vmem_shared>> -> memref<10000x48xf32, #tpu.memory_space<vmem_shared>>
    tpu.wait_indirect_dma semaphore(%arg20 : memref<!tpu.dma_semaphore, #tpu.memory_space<semaphore_mem>>) src(%dma_wait3A_103 : memref<128x48xf32, #tpu.memory_space<vmem>>) dst(%dma_wait3A_109 : memref<10000x48xf32, #tpu.memory_space<vmem_shared>>)
    %barrier3A_110 = arith.constant 0 : index
    tpu.barrier barrier_id(%barrier3A_110)
    %lt3A_111 = arith.constant 15 : i32
    %lt3A_112 = arith.cmpi slt, %arg1, %lt3A_111 : i32
    %convert_element_type3A_113 = arith.extui %lt3A_112 : i1 to i32
    %cond3A_114 = arith.constant 0 : i32
    %cond3A_115 = arith.cmpi ne, %convert_element_type3A_113, %cond3A_114 : i32
    scf.if %cond3A_115 {
      %mul3A_121 = arith.constant 624 : i32
      %mul3A_122 = arith.muli %arg1, %mul3A_121 : i32
      "tpu.region"() ({
        %run_scoped3A = tpu.sem_alloc : memref<!tpu.dma_semaphore, #tpu.memory_space<semaphore_mem>>
        %dma_start3A_123 = arith.constant 0 : i32
        %dma_start3A_124 = arith.constant 0 : i32
        %dma_start3A_125 = tpu.memref_slice %arg7[%arg0, %dma_start3A_123, %dma_start3A_124] : memref<2x10000x48xf32, #tpu.memory_space<hbm>> -> memref<1x10000x48xf32, #tpu.memory_space<hbm>>
        %dma_start3A_126 = tpu.memref_squeeze %dma_start3A_125 : memref<1x10000x48xf32, #tpu.memory_space<hbm>> -> memref<10000x48xf32, #tpu.memory_space<hbm>>
        %dma_start3A_127 = arith.constant 0 : i32
        %dma_start3A_128 = tpu.memref_slice %dma_start3A_126[%mul3A_122, %dma_start3A_127] : memref<10000x48xf32, #tpu.memory_space<hbm>> -> memref<624x48xf32, #tpu.memory_space<hbm>>
        %dma_start3A_129 = arith.constant 0 : i32
        %dma_start3A_130 = tpu.memref_slice %arg15[%mul3A_122, %dma_start3A_129] : memref<10000x48xf32, #tpu.memory_space<vmem_shared>> -> memref<624x48xf32, #tpu.memory_space<vmem_shared>>
        tpu.enqueue_dma source(%dma_start3A_130 : memref<624x48xf32, #tpu.memory_space<vmem_shared>>) target(%dma_start3A_128 : memref<624x48xf32, #tpu.memory_space<hbm>>) target_semaphore(%run_scoped3A : memref<!tpu.dma_semaphore, #tpu.memory_space<semaphore_mem>>)
        %dma_wait3A_131 = arith.constant 0 : i32
        %dma_wait3A_132 = arith.constant 0 : i32
        %dma_wait3A_133 = tpu.memref_slice %arg7[%arg0, %dma_wait3A_131, %dma_wait3A_132] : memref<2x10000x48xf32, #tpu.memory_space<hbm>> -> memref<1x10000x48xf32, #tpu.memory_space<hbm>>
        %dma_wait3A_134 = tpu.memref_squeeze %dma_wait3A_133 : memref<1x10000x48xf32, #tpu.memory_space<hbm>> -> memref<10000x48xf32, #tpu.memory_space<hbm>>
        %dma_wait3A_135 = arith.constant 0 : i32
        %dma_wait3A_136 = tpu.memref_slice %dma_wait3A_134[%mul3A_122, %dma_wait3A_135] : memref<10000x48xf32, #tpu.memory_space<hbm>> -> memref<624x48xf32, #tpu.memory_space<hbm>>
        %dma_wait3A_137 = arith.constant 0 : i32
        %dma_wait3A_138 = tpu.memref_slice %arg15[%mul3A_122, %dma_wait3A_137] : memref<10000x48xf32, #tpu.memory_space<vmem_shared>> -> memref<624x48xf32, #tpu.memory_space<vmem_shared>>
        tpu.wait_dma2 semaphore(%run_scoped3A : memref<!tpu.dma_semaphore, #tpu.memory_space<semaphore_mem>>) src(%dma_wait3A_138 : memref<624x48xf32, #tpu.memory_space<vmem_shared>>) dst(%dma_wait3A_136 : memref<624x48xf32, #tpu.memory_space<hbm>>)
        tpu.yield
      }) : () -> ()
    } else {
    }
    %eq3A_116 = arith.constant 15 : i32
    %eq3A_117 = arith.cmpi eq, %arg1, %eq3A_116 : i32
    %convert_element_type3A_118 = arith.extui %eq3A_117 : i1 to i32
    %cond3A_119 = arith.constant 0 : i32
    %cond3A_120 = arith.cmpi ne, %convert_element_type3A_118, %cond3A_119 : i32
    scf.if %cond3A_120 {
      "tpu.region"() ({
        %run_scoped3A = tpu.sem_alloc : memref<!tpu.dma_semaphore, #tpu.memory_space<semaphore_mem>>
        %dma_start3A_121 = arith.constant 0 : i32
        %dma_start3A_122 = arith.constant 0 : i32
        %dma_start3A_123 = tpu.memref_slice %arg7[%arg0, %dma_start3A_121, %dma_start3A_122] : memref<2x10000x48xf32, #tpu.memory_space<hbm>> -> memref<1x10000x48xf32, #tpu.memory_space<hbm>>
        %dma_start3A_124 = tpu.memref_squeeze %dma_start3A_123 : memref<1x10000x48xf32, #tpu.memory_space<hbm>> -> memref<10000x48xf32, #tpu.memory_space<hbm>>
        %dma_start3A_125 = arith.constant 9360 : i32
        %dma_start3A_126 = arith.constant 0 : i32
        %dma_start3A_127 = tpu.memref_slice %dma_start3A_124[%dma_start3A_125, %dma_start3A_126] : memref<10000x48xf32, #tpu.memory_space<hbm>> -> memref<640x48xf32, #tpu.memory_space<hbm>>
        %dma_start3A_128 = arith.constant 9360 : i32
        %dma_start3A_129 = arith.constant 0 : i32
        %dma_start3A_130 = tpu.memref_slice %arg15[%dma_start3A_128, %dma_start3A_129] : memref<10000x48xf32, #tpu.memory_space<vmem_shared>> -> memref<640x48xf32, #tpu.memory_space<vmem_shared>>
        tpu.enqueue_dma source(%dma_start3A_130 : memref<640x48xf32, #tpu.memory_space<vmem_shared>>) target(%dma_start3A_127 : memref<640x48xf32, #tpu.memory_space<hbm>>) target_semaphore(%run_scoped3A : memref<!tpu.dma_semaphore, #tpu.memory_space<semaphore_mem>>)
        %dma_wait3A_131 = arith.constant 0 : i32
        %dma_wait3A_132 = arith.constant 0 : i32
        %dma_wait3A_133 = tpu.memref_slice %arg7[%arg0, %dma_wait3A_131, %dma_wait3A_132] : memref<2x10000x48xf32, #tpu.memory_space<hbm>> -> memref<1x10000x48xf32, #tpu.memory_space<hbm>>
        %dma_wait3A_134 = tpu.memref_squeeze %dma_wait3A_133 : memref<1x10000x48xf32, #tpu.memory_space<hbm>> -> memref<10000x48xf32, #tpu.memory_space<hbm>>
        %dma_wait3A_135 = arith.constant 9360 : i32
        %dma_wait3A_136 = arith.constant 0 : i32
        %dma_wait3A_137 = tpu.memref_slice %dma_wait3A_134[%dma_wait3A_135, %dma_wait3A_136] : memref<10000x48xf32, #tpu.memory_space<hbm>> -> memref<640x48xf32, #tpu.memory_space<hbm>>
        %dma_wait3A_138 = arith.constant 9360 : i32
        %dma_wait3A_139 = arith.constant 0 : i32
        %dma_wait3A_140 = tpu.memref_slice %arg15[%dma_wait3A_138, %dma_wait3A_139] : memref<10000x48xf32, #tpu.memory_space<vmem_shared>> -> memref<640x48xf32, #tpu.memory_space<vmem_shared>>
        tpu.wait_dma2 semaphore(%run_scoped3A : memref<!tpu.dma_semaphore, #tpu.memory_space<semaphore_mem>>) src(%dma_wait3A_140 : memref<640x48xf32, #tpu.memory_space<vmem_shared>>) dst(%dma_wait3A_137 : memref<640x48xf32, #tpu.memory_space<hbm>>)
        tpu.yield
      }) : () -> ()
    } else {
    }
    return
  }
}

module attributes {stable_mosaic.version = 14 : i64} {
  func.func @body(%arg0: memref<10000x128xf32, #tpu.memory_space<vmem>>, %arg1: memref<128x16xf32, #tpu.memory_space<vmem>>, %arg2: memref<2x10000xf32, #tpu.memory_space<vmem>>, %arg3: memref<10000x1xf32, #tpu.memory_space<vmem>>, %arg4: memref<10000x16xf32, #tpu.memory_space<vmem>>) attributes {dimension_semantics = [], scalar_prefetch = 0 : i64, scratch_operands = 0 : i64, tpu.core_type = #tpu.core_type<tc>} {
    %get3A = arith.constant 0 : index
    %get3A_0 = arith.constant 0 : index
    %get3A_1 = vector.load %arg0[%get3A, %get3A_0] : memref<10000x128xf32, #tpu.memory_space<vmem>>, vector<10000x128xf32>
    %get3A_2 = arith.constant 0 : index
    %get3A_3 = arith.constant 0 : index
    %get3A_4 = vector.load %arg1[%get3A_2, %get3A_3] : memref<128x16xf32, #tpu.memory_space<vmem>>, vector<128x16xf32>
    %dot_general3A = arith.constant dense<0.000000e+00> : vector<10000x16xf32>
    %dot_general3A_5 = tpu.matmul %get3A_1, %get3A_4, %dot_general3A {dimension_numbers = #tpu.dot_dimension_numbers<[1], [0], [0], [1], [0, 0, 1, 1], [], []>, transpose_lhs_hint = false} : vector<10000x128xf32>, vector<128x16xf32>, vector<10000x16xf32> -> vector<10000x16xf32>
    %get3A_6 = arith.constant 0 : index
    %get3A_7 = arith.constant 0 : index
    %get3A_8 = vector.load %arg2[%get3A_6, %get3A_7] : memref<2x10000xf32, #tpu.memory_space<vmem>>, vector<1x10000xf32>
    %get3A_9 = vector.shape_cast %get3A_8 : vector<1x10000xf32> to vector<10000xf32>
    %add3A = arith.constant 1.000000e+00 : f32
    %add3A_10 = vector.broadcast %add3A : f32 to vector<10000xf32>
    %add3A_11 = arith.addf %add3A_10, %get3A_9 : vector<10000xf32>
    %get3A_12 = arith.constant 1 : index
    %get3A_13 = arith.constant 0 : index
    %get3A_14 = vector.load %arg2[%get3A_12, %get3A_13] : memref<2x10000xf32, #tpu.memory_space<vmem>>, vector<1x10000xf32>
    %get3A_15 = vector.shape_cast %get3A_14 : vector<1x10000xf32> to vector<10000xf32>
    %add3A_16 = arith.addf %add3A_11, %get3A_15 : vector<10000xf32>
    %sqrt3A = math.sqrt %add3A_16 : vector<10000xf32>
    %div3A = arith.constant 1.000000e+00 : f32
    %div3A_17 = vector.broadcast %div3A : f32 to vector<10000xf32>
    %div3A_18 = arith.divf %div3A_17, %sqrt3A : vector<10000xf32>
    %broadcast_in_dim3A = vector.shape_cast %div3A_18 : vector<10000xf32> to vector<10000x1xf32>
    %swap3A = arith.constant 0 : index
    %swap3A_19 = arith.constant 0 : index
    %swap3A_20 = vector.load %arg3[%swap3A, %swap3A_19] : memref<10000x1xf32, #tpu.memory_space<vmem>>, vector<10000x1xf32>
    tpu.vector_store %arg3[%swap3A, %swap3A_19], %broadcast_in_dim3A {strides = array<i32>} : memref<10000x1xf32, #tpu.memory_space<vmem>>, vector<10000x1xf32>,
    %broadcast_in_dim3A_21 = vector.shape_cast %div3A_18 : vector<10000xf32> to vector<10000x1xf32>
    %mul3A = vector.broadcast %broadcast_in_dim3A_21 : vector<10000x1xf32> to vector<10000x16xf32>
    %mul3A_22 = arith.mulf %dot_general3A_5, %mul3A : vector<10000x16xf32>
    %swap3A_23 = arith.constant 0 : index
    %swap3A_24 = arith.constant 0 : index
    %swap3A_25 = vector.load %arg4[%swap3A_23, %swap3A_24] : memref<10000x16xf32, #tpu.memory_space<vmem>>, vector<10000x16xf32>
    tpu.vector_store %arg4[%swap3A_23, %swap3A_24], %mul3A_22 {strides = array<i32>} : memref<10000x16xf32, #tpu.memory_space<vmem>>, vector<10000x16xf32>,
    return
  }
}

module attributes {stable_mosaic.version = 14 : i64} {
  func.func @body(%arg0: memref<2x10000x16xf32, #tpu.memory_space<vmem>>, %arg1: memref<10000x16xf32, #tpu.memory_space<vmem>>, %arg2: memref<10000x1xf32, #tpu.memory_space<vmem>>, %arg3: memref<1x16xf32, #tpu.memory_space<vmem>>, %arg4: memref<16x48xf32, #tpu.memory_space<vmem>>, %arg5: memref<10000x48xf32, #tpu.memory_space<vmem>>) attributes {dimension_semantics = [], scalar_prefetch = 0 : i64, scratch_operands = 0 : i64, tpu.core_type = #tpu.core_type<tc>} {
    %get3A = arith.constant 0 : index
    %get3A_0 = arith.constant 0 : index
    %get3A_1 = arith.constant 0 : index
    %get3A_2 = vector.load %arg0[%get3A, %get3A_0, %get3A_1] : memref<2x10000x16xf32, #tpu.memory_space<vmem>>, vector<1x10000x16xf32>
    %get3A_3 = vector.shape_cast %get3A_2 : vector<1x10000x16xf32> to vector<10000x16xf32>
    %get3A_4 = arith.constant 1 : index
    %get3A_5 = arith.constant 0 : index
    %get3A_6 = arith.constant 0 : index
    %get3A_7 = vector.load %arg0[%get3A_4, %get3A_5, %get3A_6] : memref<2x10000x16xf32, #tpu.memory_space<vmem>>, vector<1x10000x16xf32>
    %get3A_8 = vector.shape_cast %get3A_7 : vector<1x10000x16xf32> to vector<10000x16xf32>
    %add3A = arith.addf %get3A_3, %get3A_8 : vector<10000x16xf32>
    %get3A_9 = arith.constant 0 : index
    %get3A_10 = arith.constant 0 : index
    %get3A_11 = vector.load %arg1[%get3A_9, %get3A_10] : memref<10000x16xf32, #tpu.memory_space<vmem>>, vector<10000x16xf32>
    %add3A_12 = arith.addf %add3A, %get3A_11 : vector<10000x16xf32>
    %get3A_13 = arith.constant 0 : index
    %get3A_14 = arith.constant 0 : index
    %get3A_15 = vector.load %arg2[%get3A_13, %get3A_14] : memref<10000x1xf32, #tpu.memory_space<vmem>>, vector<10000x1xf32>
    %mul3A = vector.broadcast %get3A_15 : vector<10000x1xf32> to vector<10000x16xf32>
    %mul3A_16 = arith.mulf %add3A_12, %mul3A : vector<10000x16xf32>
    %get3A_17 = arith.constant 0 : index
    %get3A_18 = arith.constant 0 : index
    %get3A_19 = vector.load %arg3[%get3A_17, %get3A_18] : memref<1x16xf32, #tpu.memory_space<vmem>>, vector<1x16xf32>
    %add3A_20 = vector.broadcast %get3A_19 : vector<1x16xf32> to vector<10000x16xf32>
    %add3A_21 = arith.addf %mul3A_16, %add3A_20 : vector<10000x16xf32>
    %max3A = arith.constant 0.000000e+00 : f32
    %max3A_22 = vector.broadcast %max3A : f32 to vector<10000x16xf32>
    %max3A_23 = arith.maximumf %add3A_21, %max3A_22 : vector<10000x16xf32>
    %get3A_24 = arith.constant 0 : index
    %get3A_25 = arith.constant 0 : index
    %get3A_26 = vector.load %arg4[%get3A_24, %get3A_25] : memref<16x48xf32, #tpu.memory_space<vmem>>, vector<16x48xf32>
    %dot_general3A = arith.constant dense<0.000000e+00> : vector<10000x48xf32>
    %dot_general3A_27 = tpu.matmul %max3A_23, %get3A_26, %dot_general3A {dimension_numbers = #tpu.dot_dimension_numbers<[1], [0], [0], [1], [0, 0, 1, 1], [], []>, transpose_lhs_hint = false} : vector<10000x16xf32>, vector<16x48xf32>, vector<10000x48xf32> -> vector<10000x48xf32>
    %get3A_28 = arith.constant 0 : index
    %get3A_29 = arith.constant 0 : index
    %get3A_30 = vector.load %arg2[%get3A_28, %get3A_29] : memref<10000x1xf32, #tpu.memory_space<vmem>>, vector<10000x1xf32>
    %mul3A_31 = vector.broadcast %get3A_30 : vector<10000x1xf32> to vector<10000x48xf32>
    %mul3A_32 = arith.mulf %dot_general3A_27, %mul3A_31 : vector<10000x48xf32>
    %swap3A = arith.constant 0 : index
    %swap3A_33 = arith.constant 0 : index
    %swap3A_34 = vector.load %arg5[%swap3A, %swap3A_33] : memref<10000x48xf32, #tpu.memory_space<vmem>>, vector<10000x48xf32>
    tpu.vector_store %arg5[%swap3A, %swap3A_33], %mul3A_32 {strides = array<i32>} : memref<10000x48xf32, #tpu.memory_space<vmem>>, vector<10000x48xf32>,
    return
  }
}

module attributes {stable_mosaic.version = 14 : i64} {
  func.func @body(%arg0: memref<2x10000x48xf32, #tpu.memory_space<vmem>>, %arg1: memref<10000x48xf32, #tpu.memory_space<vmem>>, %arg2: memref<10000x1xf32, #tpu.memory_space<vmem>>, %arg3: memref<1x40xf32, #tpu.memory_space<vmem>>, %arg4: memref<10000x40xf32, #tpu.memory_space<vmem>>) attributes {dimension_semantics = [], scalar_prefetch = 0 : i64, scratch_operands = 0 : i64, tpu.core_type = #tpu.core_type<tc>} {
    %get3A = arith.constant 0 : index
    %get3A_0 = arith.constant 0 : index
    %get3A_1 = arith.constant 0 : index
    %get3A_2 = vector.load %arg0[%get3A, %get3A_0, %get3A_1] : memref<2x10000x48xf32, #tpu.memory_space<vmem>>, vector<1x10000x48xf32>
    %get3A_3 = vector.shape_cast %get3A_2 : vector<1x10000x48xf32> to vector<10000x48xf32>
    %get3A_4 = arith.constant 1 : index
    %get3A_5 = arith.constant 0 : index
    %get3A_6 = arith.constant 0 : index
    %get3A_7 = vector.load %arg0[%get3A_4, %get3A_5, %get3A_6] : memref<2x10000x48xf32, #tpu.memory_space<vmem>>, vector<1x10000x48xf32>
    %get3A_8 = vector.shape_cast %get3A_7 : vector<1x10000x48xf32> to vector<10000x48xf32>
    %add3A = arith.addf %get3A_3, %get3A_8 : vector<10000x48xf32>
    %get3A_9 = arith.constant 0 : index
    %get3A_10 = arith.constant 0 : index
    %get3A_11 = vector.load %arg1[%get3A_9, %get3A_10] : memref<10000x48xf32, #tpu.memory_space<vmem>>, vector<10000x48xf32>
    %add3A_12 = arith.addf %add3A, %get3A_11 : vector<10000x48xf32>
    %slice3A = vector.extract_strided_slice %add3A_12 {offsets = [0, 0], sizes = [10000, 40], strides = [1, 1]} : vector<10000x48xf32> to vector<10000x40xf32>
    %get3A_13 = arith.constant 0 : index
    %get3A_14 = arith.constant 0 : index
    %get3A_15 = vector.load %arg2[%get3A_13, %get3A_14] : memref<10000x1xf32, #tpu.memory_space<vmem>>, vector<10000x1xf32>
    %mul3A = vector.broadcast %get3A_15 : vector<10000x1xf32> to vector<10000x40xf32>
    %mul3A_16 = arith.mulf %slice3A, %mul3A : vector<10000x40xf32>
    %get3A_17 = arith.constant 0 : index
    %get3A_18 = arith.constant 0 : index
    %get3A_19 = vector.load %arg3[%get3A_17, %get3A_18] : memref<1x40xf32, #tpu.memory_space<vmem>>, vector<1x40xf32>
    %add3A_20 = vector.broadcast %get3A_19 : vector<1x40xf32> to vector<10000x40xf32>
    %add3A_21 = arith.addf %mul3A_16, %add3A_20 : vector<10000x40xf32>
    %reduce_max3A = arith.constant dense<0xFF800000> : vector<10000xf32>
    %reduce_max3A_22 = vector.multi_reduction <maximumf>, %add3A_21, %reduce_max3A [1] : vector<10000x40xf32> to vector<10000xf32>
    %broadcast_in_dim3A = vector.shape_cast %reduce_max3A_22 : vector<10000xf32> to vector<10000x1xf32>
    %sub3A = vector.broadcast %broadcast_in_dim3A : vector<10000x1xf32> to vector<10000x40xf32>
    %sub3A_23 = arith.subf %add3A_21, %sub3A : vector<10000x40xf32>
    %exp3A = math.exp %sub3A_23 : vector<10000x40xf32>
    %sub3A_24 = vector.broadcast %broadcast_in_dim3A : vector<10000x1xf32> to vector<10000x40xf32>
    %sub3A_25 = arith.subf %add3A_21, %sub3A_24 : vector<10000x40xf32>
    %reduce_sum3A = arith.constant dense<0.000000e+00> : vector<10000xf32>
    %reduce_sum3A_26 = vector.multi_reduction <add>, %exp3A, %reduce_sum3A [1] : vector<10000x40xf32> to vector<10000xf32>
    %broadcast_in_dim3A_27 = vector.shape_cast %reduce_sum3A_26 : vector<10000xf32> to vector<10000x1xf32>
    %log3A = math.log %broadcast_in_dim3A_27 : vector<10000x1xf32>
    %sub3A_28 = vector.broadcast %log3A : vector<10000x1xf32> to vector<10000x40xf32>
    %sub3A_29 = arith.subf %sub3A_25, %sub3A_28 : vector<10000x40xf32>
    %swap3A = arith.constant 0 : index
    %swap3A_30 = arith.constant 0 : index
    %swap3A_31 = vector.load %arg4[%swap3A, %swap3A_30] : memref<10000x40xf32, #tpu.memory_space<vmem>>, vector<10000x40xf32>
    tpu.vector_store %arg4[%swap3A, %swap3A_30], %sub3A_29 {strides = array<i32>} : memref<10000x40xf32, #tpu.memory_space<vmem>>, vector<10000x40xf32>,
    return
  }
}

</mosaic_0001>

<sc_bundles>
// kernel: kernel.11.cloned.1.call-start
scs
__scs_entry_jumppad:
0x0: {  	(pc) =	sbr.rel $0x88, $3  }
0x1: {  	(tag) =	ssettag $0x0;
	lr =	simm.s32 $0x1  }
0x2: {  	[smem:$0x3F9A] =	sst lr;
	_ =	strace $0xD0000000  }
0x3: {  	_ = 	snop  }
0x4: {  	_ = 	snop  }
0x5: {  	_ = 	snop  }
0x6: {  	_ = 	snop  }
0x7: {  	_ = 	snop  }
__scs_overlays_trampoline_lowered:
0x8: {  	[smem:$0x3FA9] =	sst s0  }
0x9: {  	[smem:$0x3FAA] =	sst s1  }
0xa: {  	[smem:$0x3FAB] =	sst s2  }
0xb: {  	[smem:$0x3FAC] =	sst s3  }
0xc: {  	[smem:$0x3FAD] =	sst s4  }
0xd: {  	[smem:$0x3FAE] =	sst s5  }
0xe: {  	[smem:$0x3FAF] =	sst s6  }
0xf: {  	[smem:$0x3FB0] =	sst s7  }
0x10: {  	[smem:$0x3FB1] =	sst s8  }
0x11: {  	[smem:$0x3FB2] =	sst s9;
	s0 =	simm.s32 @!p0 $0x0  }
0x12: {  	s1 =	sld [smem:$0x3F98];
	s0 =	simm.s32 @p0 $0x1  }
0x13: {  	[smem:$0x3FB3] =	sst s0;
	s0 =	simm.s32 @!p1 $0x0  }
0x14: {  	s2 =	sld [smem:$0x3F97];
	s0 =	simm.s32 @p1 $0x1  }
0x15: {  	[smem:$0x3FB4] =	sst s0;
	s0 =	simm.s32 @!p2 $0x0  }
0x16: {  	s3 =	sld [smem:$0x3FDB];
	s0 =	simm.s32 @p2 $0x1  }
0x17: {  	s4 =	simm.s32 $0x1BF5;
	[smem:$0x3FB6] =	sst s0  }
0x18: {  	s0 =	sld [smem:$0x3F99];
	_ =	swait.ge [sflag:s4], $0x0  }
0x19: {  	s7 =	sld [smem:$0x3F9A]  }
0x1a: {  	s8 =	sadd.s32 $0xFFFFE003, lr  }
0x1b: {  	s9 =	sadd.s32 $0xFFFFFEF7, lr;
	s5 =	simm.s32 $0xFFFFFFFF;
	p2 =	slt.u32 s8, $0xFFFFF086  }
0x1c: {  	p1 =	slt.u32 s9, $0xF7A;
	s5 =	simm.s32 @!p2 $0x0  }
0x1d: {  	s5 =	simm.s32 @p1 $0x1;
	p0 =	seq.s32 s7, s2  }
0x1e: {  	s7 =	smul.u32 @!p0 $0xF7A, s2;
	p2 =	seq.s32 @!p0 s5, $0x0  }
0x1f: {  	s9 =	smul.u32 $0xF7A, s1;
	s8 =	simm.s32 @!p0 $0x1BF5;
	p2 =	por !p2, p0  }
0x20: {  	[sflag:s8] =	ssyncset.s32 @!p0 $0xFFFFF086;
	s6 =	sadd.s32 @!p0 s3, s7;
	s7 =	simm.s32 @!p0 $0x108  }
0x21: {  	s3 =	sadd.s32 s3, s9;
	s6 =	sadd.s32 @!p0 $0x88, s6;
	s7 =	simm.s32 @p2 $0x1082  }
0x22: {  	[simem:s7], [sflag:s8] =	dma.local @!p0 [hbm:s6], $0xF7A  }
0x23: {  	s9 =	sor.u32 $0xD0000000, s2;
	s6 =	simm.s32 $0x108;
	_ =	swait.ge @!p0 [sflag:s8], $0x0  }
0x24: {  	s3 =	sadd.s32 $0x88, s3;
	s6 =	simm.s32 @!p1 $0x1082;
	[sflag:s4] =	ssyncset.s32 $0xFFFFF086  }
0x25: {  	[simem:s6], [sflag:s4] =	dma.local [hbm:s3], $0xF7A  }
0x26: {  	[smem:$0x3F9A] =	sst s1;
	(tag) =	ssettag s2;
	_ =	strace s9  }
0x27: {  	s1 =	sld [smem:$0x3FAA]  }
0x28: {  	s2 =	sld [smem:$0x3FAB]  }
0x29: {  	s4 =	sld [smem:$0x3FAD]  }
0x2a: {  	p0 =	seq.s32 s5, $0x0;
	s5 =	sld [smem:$0x3FAE]  }
0x2b: {  	s6 =	sld [smem:$0x3FAF]  }
0x2c: {  	s7 =	sld [smem:$0x3FB0]  }
0x2d: {  	s3 =	simm.s32 $0x108;
	s8 =	sld [smem:$0x3FB1]  }
0x2e: {  	s3 =	simm.s32 @!p0 $0x1082;
	s9 =	sld [smem:$0x3FB2]  }
0x2f: {  	lr =	sadd.s32 s0, s3;
	s0 =	sld [smem:$0x3FA9]  }
0x30: {  	s3 =	sld [smem:$0x3FAC]  }
0x31: {  	[smem:$0x3FB5] =	sst s10  }
0x32: {  	s10 =	sld [smem:$0x3FB3];
	_ =	sdelay $0x3  }
0x33: {  	p0 =	seq.s32 s10, $0x1;
	s10 =	sld [smem:$0x3FB5];
	_ =	sdelay $0x3  }
0x34: {  	[smem:$0x3FB5] =	sst s10  }
0x35: {  	s10 =	sld [smem:$0x3FB4];
	_ =	sdelay $0x3  }
0x36: {  	p1 =	seq.s32 s10, $0x1;
	s10 =	sld [smem:$0x3FB5];
	_ =	sdelay $0x3  }
0x37: {  	[smem:$0x3FB5] =	sst s10  }
0x38: {  	s10 =	sld [smem:$0x3FB6]  }
0x39: {  	_ = 	snop;
	(pc) =	sbr.ind lr, $3  }
0x3a: {  	_ = 	snop  }
0x3b: {  	_ = 	snop  }
0x3c: {  	p2 =	seq.s32 s10, $0x1;
	s10 =	sld [smem:$0x3FB5]  }
0x3d: {  	_ =	shalt  }
0x3e: {  	_ =	shalt  }
0x3f: {  	_ =	shalt  }
0x40: {  	_ =	shalt  }
0x41: {  	_ =	shalt  }
0x42: {  	_ =	shalt  }
0x43: {  	_ =	shalt  }
0x44: {  	_ =	shalt  }
0x45: {  	_ =	shalt  }
0x46: {  	_ =	shalt  }
0x47: {  	_ =	shalt  }
0x48: {  	_ =	shalt  }
0x49: {  	_ =	shalt  }
0x4a: {  	_ =	shalt  }
0x4b: {  	_ =	shalt  }
0x4c: {  	_ =	shalt  }
0x4d: {  	_ =	shalt  }
0x4e: {  	_ =	shalt  }
0x4f: {  	_ =	shalt  }
0x50: {  	_ =	shalt  }
0x51: {  	_ =	shalt  }
0x52: {  	_ =	shalt  }
0x53: {  	_ =	shalt  }
0x54: {  	_ =	shalt  }
0x55: {  	_ =	shalt  }
0x56: {  	_ =	shalt  }
0x57: {  	_ =	shalt  }
0x58: {  	_ =	shalt  }
0x59: {  	_ =	shalt  }
0x5a: {  	_ =	shalt  }
0x5b: {  	_ =	shalt  }
0x5c: {  	_ =	shalt  }
0x5d: {  	_ =	shalt  }
0x5e: {  	_ =	shalt  }
0x5f: {  	_ =	shalt  }
0x60: {  	_ =	shalt  }
0x61: {  	_ =	shalt  }
0x62: {  	_ =	shalt  }
0x63: {  	_ =	shalt  }
0x64: {  	_ =	shalt  }
0x65: {  	_ =	shalt  }
0x66: {  	_ =	shalt  }
0x67: {  	_ =	shalt  }
0x68: {  	_ =	shalt  }
0x69: {  	_ =	shalt  }
0x6a: {  	_ =	shalt  }
0x6b: {  	_ =	shalt  }
0x6c: {  	_ =	shalt  }
0x6d: {  	_ =	shalt  }
0x6e: {  	_ =	shalt  }
0x6f: {  	_ =	shalt  }
0x70: {  	_ =	shalt  }
0x71: {  	_ =	shalt  }
0x72: {  	_ =	shalt  }
0x73: {  	_ =	shalt  }
0x74: {  	_ =	shalt  }
0x75: {  	_ =	shalt  }
0x76: {  	_ =	shalt  }
0x77: {  	_ =	shalt  }
0x78: {  	_ =	shalt  }
0x79: {  	_ =	shalt  }
0x7a: {  	_ =	shalt  }
0x7b: {  	_ =	shalt  }
0x7c: {  	_ =	shalt  }
0x7d: {  	_ =	shalt  }
0x7e: {  	_ =	shalt  }
0x7f: {  	_ =	shalt  }
0x80: {  	_ =	shalt  }
0x81: {  	_ =	shalt  }
0x82: {  	_ =	shalt  }
0x83: {  	_ =	shalt  }
0x84: {  	_ =	shalt  }
0x85: {  	_ =	shalt  }
0x86: {  	_ =	shalt  }
0x87: {  	_ =	shalt  }
.Lfunc_end0:
.L_simem_size_0:
called_computation.1_lowered:
.L_overlay_start_0:
0x88: {  	s2 =	sld [smem:$0x3FD9]  }
0x89: {  	s3 =	sld [smem:$0x3FFE];
	_ =	sdelay $0x1  }
0x8a: {  	s1 =	srdreg.scid  }
0x8b: {  	s0 =	sand.u32 $0x1, s1  }
0x8c: {  	s17 =	sshll.u32 s0, $0xA;
	s2 =	sadd.s32 s3, s2  }
0x8d: {  	s2 =	sadd.s32 s2, s17  }
0x8e: {  	[smem:$0x3FC1] =	sst s2  }
0x8f: {  	_ = 	snop  }
0x90: {  	s2 =	sld [smem:$0x3FD0];
	(tm) =	ssettm $0x1  }
0x91: {  	s18 =	sld [smem:$0x3FFB];
	_ =	sdelay $0x3  }
0x92: {  	_ =	strace s18  }
0x93: {  	s3 =	sld [smem:$0x3FFC];
	_ =	sdelay $0x3  }
0x94: {  	_ =	strace s3  }
0x95: {  	s3 =	sld [smem:$0x3FFD];
	_ =	sdelay $0x3  }
0x96: {  	_ =	strace s3  }
0x97: {  	_ =	strace $0x8FFFFFFF  }
0x98: {  	s19 =	sld [smem:$0x3FDB];
	_ =	sdelay $0x1  }
0x99: {  	s4 =	simm.s32 $_scs_section_size  }
0x9a: {  	s5 =	simm.s32 $_size__tile_overlayer_lowered;
	s6 =	simm.s32 $_tile_overlayer_lowered  }
0x9b: {  	s22 =	simm.s32 $0x1BFF;
	s21 =	sshll.u32 s6, $0x1;
	s3 =	sadd.s32 s4, s19  }
0x9c: {  	s7 =	simm.s32 $0x0;
	s20 =	sshll.u32 s5, $0x1;
	s5 =	sadd.s32 s21, s3  }
0x9d: {  	[timem:s7], [sflag:s22] =	dma.local [hbm:s5], s20  }
0x9e: {  	_ =	swait.ge [sflag:s22], s20  }
0x9f: {  	s4 =	ssub.s32 $0x0, s20;
	[sflag:s22] =	ssyncset.done $0x0  }
0xa0: {  	[sflag:s22] =	ssyncadd.s32 s4;
	_ =	sdelay $0x1  }
0xa1: {  	s23 =	simm.s32 $0x1B8B  }
0xa2: {  	_ =	swait.ge [sflag:s23], $0x1  }
0xa3: {  	[sflag:s23] =	ssyncset.done $0x0  }
0xa4: {  	s25 =	simm.s32 $0x1B8E;
	s24 =	sld [smem:$0x3FFE];
	[sflag:s23] =	ssyncadd.s32 $0xFFFFFFFF  }
0xa5: {  	s26 =	simm.s32 $execute0_lowered;
	[smem:$0x3FD2] =	sst s25  }
0xa6: {  	s5 =	sshll.u32 s26, $0x1;
	_ =	strace $0x80000049;
	[dreg:$0x1] =	wrdreg $0xFFFFFFFF  }
0xa7: {  	s28 =	simm.s32 $_size_execute0_lowered;
	s3 =	sadd.s32 s3, s5;
	[dreg:$0x0] =	wrdreg $0x0  }
0xa8: {  	s5 =	sshll.u32 s28, $0x1;
	[dreg:$0x2] =	wrdreg s3  }
0xa9: {  	[dreg:$0x3] =	wrdreg s5  }
0xaa: {  	[dreg:$0x4] =	wrdreg $0xC0  }
0xab: {  	_ =	task [dreg:s7], $0x5FFFF  }
0xac: {  	[dreg:$0x1] =	wrdreg $0xFFFFFFFF  }
0xad: {  	[dreg:$0x0] =	wrdreg $0x60  }
0xae: {  	[dreg:$0x2] =	wrdreg s24  }
0xaf: {  	[dreg:$0x3] =	wrdreg s2  }
0xb0: {  	[dreg:$0x4] =	wrdreg $0xB8000  }
0xb1: {  	[dreg:$0x5] =	wrdreg $0x9  }
0xb2: {  	_ =	task.clear_ibuf [dreg:s7], $0x6FFFF;
	_ =	strace $0x90000049  }
0xb3: {  	s29 =	simm.s32 $0x9;
	_ =	strace $0x8000004B  }
0xb4: {  	_ =	swait.ge [sflag:s29], $0x1  }
0xb5: {  	[sflag:s29] =	ssyncadd.s32 $0xFFFFFFFF  }
0xb6: {  	_ =	strace $0x9000004B  }
0xb7: {  	_ =	sfence  }
0xb8: {  	s30 =	sld [smem:$0x0];
	_ =	sdelay $0x2  }
0xb9: {  	s31 =	sshll.u32 s1, $0xD;
	s1 =	sshrl.u32 s1, $0x2  }
0xba: {  	s3 =	sand.u32 $0x4000, s31;
	s1 =	sadd.s32 s1, s30  }
0xbb: {  	s0 =	sor.u32 s3, s0;
	s1 =	sshll.u32 s1, $0x11  }
0xbc: {  	s0 =	sor.u32 s1, s0  }
0xbd: {  	s0 =	sadd.s32 $0x8F2B, s0  }
0xbe: {  	[sflag:s0] =	ssyncadd.remote.s32 $0x1  }
0xbf: {  	_ =	sfence.sel $0xFFFF  }
0xc0: {  	[dreg:$0x0] =	wrdreg $0xFFFFFFFF;
	(pc) =	sbr.abs _section_cstart, $3  }
0xc1: {  	[dreg:$0x1] =	wrdreg $0xFFFFFFFF  }
0xc2: {  	_ =	task.clear_ibuf [dreg:s7], $0x2FFFF;
	_ =	strace $0x9FFFFFFF  }
0xc3: {  	(tm) =	ssettm $0x7FFFFFFF  }
tec
execute0_lowered:
.L_overlay_start_1:
0x0: {  	(tag) =	ssettag $0x1  }
0x1: {  	s1 =	rddreg [dreg:$0x0]  }
0x2: {  	s0 =	srdreg.scid;
	s3 =	rddreg [dreg:$0x1]  }
0x3: {  	s11 =	stileid.u32;
	s2 =	rddreg [dreg:$0x2];
	s6 =	simm.s32 $0x0  }
0x4: {  	s16 =	simm.s32 $0x9;
	s18 =	simm.s32 $0x5000;
	s19 =	simm.s32 $0x80  }
0x5: {  	s20 =	simm.s32 $0x7800;
	s21 =	simm.s32 $0x8000;
	s28 =	simm.s32 $0x2  }
0x6: {  	s29 =	simm.s32 $0xA800;
	s30 =	simm.s32 $0xB000;
	s31 =	simm.s32 $0x3  }
0x7: {  	s17 =	simm.s32 $0x7;
	s0 =	sand.u32 $0x1, s0;
	[smem:$0x7FF] =	sst s6  }
0x8: {  	s22 =	smul.u32 $0x2700, s11;
	p0 =	seq.s32 s11, $0xF;
	s4 =	sshll.u32 s0, $0x4  }
0x9: {  	_ =	strace $0x8000004A;
	s7 =	smul.u32 $0x4E20, s0;
	s0 =	ssub.s32 $0x2, s0  }
0xa: {  	s4 =	sor.u32 s11, s4;
	s9 =	sshrl.u32 s22, $0x3;
	s10 =	sshrl.u32 s0, $0x1  }
0xb: {  	s6 =	sadd.s32 s22, s2;
	s22 =	simm.s32 $0x8800;
	s5 =	smul.u32 $0x500, s4  }
0xc: {  	s4 =	sadd.s32 $0x15A00, s1;
	[dreg:$0x4] =	wrdreg s9;
	s9 =	sadd.s32 s9, s1  }
0xd: {  	s7 =	sadd.s32 s7, s1;
	s0 =	ssub.s32 s0, s10;
	s10 =	sshrl.u32 @!p0 s6, $0x3  }
0xe: {  	s6 =	simm.s32 $0x6;
	s9 =	sadd.s32 $0x1AA00, s9;
	[dreg:$0xe] =	wrdreg s10  }
0xf: {  	s26 =	sadd.s32 $0x1FA00, s7;
	s0 =	smax.u32 s0, $0x1;
	[dreg:$0x5] =	wrdreg s9  }
0x10: {  	s7 =	simm.s32 $0x5;
	s8 =	sadd.s32 s5, s1;
	[dreg:$0xa] =	wrdreg s26  }
0x11: {  	s9 =	sadd.s32 $0x24900, s2;
	s1 =	sadd.s32 $0x1F320, s1;
	[dreg:$0xb] =	wrdreg s0  }
0x12: {  	s23 =	sadd.s32 s3, s5;
	s0 =	sshll.u32 @!p0 s11, $0x6;
	[dreg:$0x6] =	wrdreg s1  }
0x13: {  	s26 =	simm.s32 $0xA000;
	[dreg:$0x7] =	wrdreg s23;
	s24 =	sadd.s32 $0xBA00, s8  }
0x14: {  	s25 =	sadd.s32 $0x1A00, s8;
	s9 =	sshrl.u32 @p0 s9, $0x3;
	[dreg:$0x8] =	wrdreg s24  }
0x15: {  	s5 =	sor.u32 @!p0 $0x1C09, s0;
	s23 =	simm.s32 $0x9000;
	[dreg:$0x9] =	wrdreg s25  }
0x16: {  	v0 =	vimm.s32 $0x0;
	vm0 =	vcmask $0x300;
	s1 =	simm.s32 $0x4;
	s8 =	simm.s32 $0x0;
	[dreg:$0xc] =	wrdreg s9  }
0x17: {  	v0 =	vsel vm0, $0x3, v0;
	s24 =	simm.s32 $0x1;
	s25 =	simm.s32 $0x9800;
	[dreg:$0xd] =	wrdreg s5  }
.LBB2_1:
0x18: {  	s3 =	simm.s32 @p0 $0x1FC9;
	s0 =	rddreg [dreg:$0x6]  }
0x19: {  	[spmem:s9], [sflag:s3] =	dma.local @p0 [hbm:s0], $0x500  }
0x1a: {  	s3 =	simm.s32 @p0 $0x9  }
0x1b: {  	_ =	swait.ge @p0 [sflag:s3], $0x500  }
0x1c: {  	[sflag:s3] =	ssyncset.done @p0 $0x0  }
0x1d: {  	s0 =	rddreg [dreg:$0x5];
	[sflag:s3] =	ssyncadd.s32 @p0 $0xFFFFFB00;
	s3 =	simm.s32 @!p0 $0x9  }
0x1e: {  	[spmem:s10], [sflag:s5] =	dma.local @!p0 [hbm:s0], $0x4E0  }
0x1f: {  	_ =	swait.ge @!p0 [sflag:s3], $0x4E0  }
0x20: {  	[sflag:s3] =	ssyncset.done @!p0 $0x0  }
0x21: {  	s11 =	simm.s32 $0x0;
	s12 =	rddreg [dreg:$0x7];
	[sflag:s3] =	ssyncadd.s32 @!p0 $0xFFFFFB20  }
0x22: {  	[tilespmem:s11], [sflag:$0x9] =	stream.linear.gather [hbm4b:s12+s11], $0x2800, $0x38;
	[tilespmem:$0xDF10] =	vst v63  }
0x23: {  	_ =	swait.ge [sflag:s16], $0x2800  }
0x24: {  	[sflag:s16] =	ssyncset.done $0x0  }
0x25: {  	s14 =	simm.s32 $0x2800;
	s13 =	rddreg [dreg:$0x8];
	[sflag:s16] =	ssyncadd.s32 $0xFFFFD800  }
0x26: {  	[tilespmem:s14], [sflag:$0x9] =	stream.linear.gather [hbm4b:s13+s11], $0x2800, $0x38;
	[tilespmem:$0xDF10] =	vst v63  }
0x27: {  	_ =	swait.ge [sflag:s16], $0x2800  }
0x28: {  	[sflag:s16] =	ssyncset.done $0x0  }
0x29: {  	s15 =	rddreg [dreg:$0x9];
	[sflag:s16] =	ssyncadd.s32 $0xFFFFD800  }
0x2a: {  	[tilespmem:s18], [sflag:$0x9] =	stream.linear.gather [hbm4b:s15+s11], $0x2800, $0x38;
	[tilespmem:$0xDF10] =	vst v63  }
0x2b: {  	_ =	swait.ge [sflag:s16], $0x2800  }
0x2c: {  	[sflag:s16] =	ssyncset.done $0x0  }
0x2d: {  	[sflag:s16] =	ssyncadd.s32 $0xFFFFD800  }
0x2e: {  	[bflag:$0x0] =	sbarrier.arrive $0xFFFF  }
0x2f: {  	[tilespmem:s20], [sflag:$0x1] =	stream.indirect.gather [hbm4b:s4+s19], $0x10, s11, s19, $0xb8;
	[tilespmem:$0xDF10] =	vst v63  }
0x30: {  	s9 =	simm.s32 $0x0  }
0x31: {  	[tilespmem:s21], [sflag:$0x1] =	stream.indirect.gather [hbm4b:s4+s19], $0x10, s19, s19, $0xb8;
	[tilespmem:$0xDF10] =	vst v63  }
.LBB2_2:
0x32: {  	p1 =	seq.s32 s9, $0x0  }
0x33: {  	s3 =	simm.s32 @!p1 $0x6  }
0x34: {  	_ =	swait.ge @!p1 [sflag:s3], $0x800  }
0x35: {  	[sflag:s3] =	ssyncset.done @!p1 $0x0  }
0x36: {  	s12 =	sshll.u32 s9, $0x2;
	[sflag:s3] =	ssyncadd.s32 @!p1 $0xFFFFF800  }
0x37: {  	s11 =	sor.u32 $0x1, s12;
	_ =	swait.ge @!p1 [sflag:s3], $0x800  }
0x38: {  	s15 =	simm.s32 $0x0;
	s5 =	sshll.u32 s11, $0xA;
	[sflag:s3] =	ssyncset.done @!p1 $0x0  }
0x39: {  	v1 =	vmov s15;
	s0 =	sshll.u32 s12, $0x8;
	s5 =	sshrl.u32 s5, $0x2;
	[sflag:s3] =	ssyncadd.s32 @!p1 $0xFFFFF800  }
0x3a: {  	v2 =	vshrl.u32 v1, $0x3;
	[tilespmem:s22], [sflag:$0x2] =	stream.indirect.gather [hbm4b:s4+s19], $0x10, s5, s19, $0xb8;
	[tilespmem:$0xDF10] =	vst v63  }
0x3b: {  	v1 =	vmov s0;
	v2 =	vshll.u32 v2, v0;
	s10 =	sor.u32 $0x80, s5  }
0x3c: {  	v2 =	vadd.s32 v1, v2;
	[tilespmem:s23], [sflag:$0x2] =	stream.indirect.gather [hbm4b:s4+s19], $0x10, s10, s19, $0xb8;
	[tilespmem:$0xDF10] =	vst v63  }
0x3d: {  	v2 =	vbroadcast v2, $0x0;
	_ =	swait.ge [sflag:s24], $0x800  }
0x3e: {  	[sflag:s24] =	ssyncset.done $0x0  }
0x3f: {  	[sflag:s24] =	ssyncadd.s32 $0xFFFFF800  }
0x40: {  	_ =	swait.ge [sflag:s24], $0x800  }
0x41: {  	[sflag:s24] =	ssyncset.done $0x0  }
0x42: {  	s13 =	simm.s32 $0x1;
	[sflag:s24] =	ssyncadd.s32 $0xFFFFF800  }
0x43: {  	v3 =	vmov s13;
	s3 =	simm.s32 $0x7840;
	v4 =	vld.idx.msk [tilespmem:v2+s18+$0x0], $0xffff  }
0x44: {  	v3 =	vshrl.u32 v3, $0x3;
	v5 =	vld [tilespmem:s3+$0xFFFFFFC0]  }
0x45: {  	v3 =	vshll.u32 v3, v0;
	v2 =	vor.u32 $0x1, v1  }
0x46: {  	v3 =	vadd.s32 v3, v2  }
0x47: {  	v3 =	vbroadcast v3, $0x0;
	_ =	sdelay $0x1  }
0x48: {  	v4 =	vmul.f32 v5, v4  }
0x49: {  	s14 =	simm.s32 $0x2  }
0x4a: {  	[tilespmem:s3+$0xFFFFFFC0] =	vst v4;
	v4 =	vmov s14  }
0x4b: {  	v6 =	vld [tilespmem:s3+$0xFFFFFFD0];
	v4 =	vshrl.u32 v4, $0x3  }
0x4c: {  	v5 =	vld.idx.msk [tilespmem:v3+s18+$0x0], $0xffff;
	v3 =	vor.u32 $0x2, v1;
	v4 =	vshll.u32 v4, v0  }
0x4d: {  	v4 =	vadd.s32 v4, v3  }
0x4e: {  	v4 =	vbroadcast v4, $0x0;
	_ =	sdelay $0x2  }
0x4f: {  	v5 =	vmul.f32 v6, v5  }
0x50: {  	s15 =	simm.s32 $0x3  }
0x51: {  	v7 =	vld [tilespmem:s3+$0xFFFFFFE0];
	[tilespmem:s3+$0xFFFFFFD0] =	vst v5;
	v5 =	vmov s15  }
0x52: {  	v5 =	vshrl.u32 v5, $0x3;
	v6 =	vld.idx.msk [tilespmem:v4+s18+$0x0], $0xffff  }
0x53: {  	v4 =	vor.u32 $0x3, v1;
	v5 =	vshll.u32 v5, v0  }
0x54: {  	v5 =	vadd.s32 v5, v4  }
0x55: {  	v5 =	vbroadcast v5, $0x0;
	_ =	sdelay $0x1  }
0x56: {  	v6 =	vmul.f32 v7, v6  }
0x57: {  	s0 =	simm.s32 $0x4  }
0x58: {  	[tilespmem:s3+$0xFFFFFFE0] =	vst v6;
	v6 =	vmov s0  }
0x59: {  	v8 =	vld [tilespmem:s3+$0xFFFFFFF0];
	v6 =	vshrl.u32 v6, $0x3  }
0x5a: {  	v7 =	vld.idx.msk [tilespmem:v5+s18+$0x0], $0xffff;
	v5 =	vor.u32 $0x4, v1;
	v6 =	vshll.u32 v6, v0  }
0x5b: {  	v6 =	vadd.s32 v6, v5  }
0x5c: {  	v6 =	vbroadcast v6, $0x0;
	_ =	sdelay $0x2  }
0x5d: {  	v7 =	vmul.f32 v8, v7  }
0x5e: {  	s13 =	simm.s32 $0x5  }
0x5f: {  	v9 =	vld [tilespmem:s3+$0x0];
	[tilespmem:s3+$0xFFFFFFF0] =	vst v7;
	v7 =	vmov s13  }
0x60: {  	v7 =	vshrl.u32 v7, $0x3;
	v8 =	vld.idx.msk [tilespmem:v6+s18+$0x0], $0xffff  }
0x61: {  	v6 =	vor.u32 $0x5, v1;
	v7 =	vshll.u32 v7, v0  }
0x62: {  	v7 =	vadd.s32 v7, v6  }
0x63: {  	v7 =	vbroadcast v7, $0x0;
	_ =	sdelay $0x1  }
0x64: {  	v8 =	vmul.f32 v9, v8  }
0x65: {  	s14 =	simm.s32 $0x6  }
0x66: {  	[tilespmem:s3+$0x0] =	vst v8;
	v8 =	vmov s14  }
0x67: {  	v10 =	vld [tilespmem:s3+$0x10];
	v8 =	vshrl.u32 v8, $0x3  }
0x68: {  	v9 =	vld.idx.msk [tilespmem:v7+s18+$0x0], $0xffff;
	v7 =	vor.u32 $0x6, v1;
	v8 =	vshll.u32 v8, v0  }
0x69: {  	v8 =	vadd.s32 v8, v7  }
0x6a: {  	v8 =	vbroadcast v8, $0x0;
	_ =	sdelay $0x2  }
0x6b: {  	v9 =	vmul.f32 v10, v9;
	_ =	sdelay $0x1  }
0x6c: {  	v10 =	vld [tilespmem:s3+$0x20];
	[tilespmem:s3+$0x10] =	vst v9  }
0x6d: {  	v9 =	vld.idx.msk [tilespmem:v8+s18+$0x0], $0xffff  }
0x6e: {  	s15 =	simm.s32 $0x7  }
0x6f: {  	v8 =	vmov s15  }
0x70: {  	v11 =	vshrl.u32 v8, $0x3  }
0x71: {  	v8 =	vor.u32 $0x7, v1;
	v11 =	vshll.u32 v11, v0  }
0x72: {  	v12 =	vmul.f32 v10, v9;
	v9 =	vadd.s32 v11, v8  }
0x73: {  	v9 =	vbroadcast v9, $0x0;
	_ =	sdelay $0x3  }
0x74: {  	s10 =	simm.s32 $0x8  }
0x75: {  	s13 =	simm.s32 $0x10;
	v10 =	vmov s10;
	[tilespmem:s3+$0x20] =	vst v12  }
.LBB2_3:
0x76: {  	p2 =	slt.u32 s13, $0xF8;
	v10 =	vshrl.u32 v10, $0x3;
	v9 =	vld.idx.msk [tilespmem:v9+s18+$0x0], $0xffff  }
0x77: {  	v10 =	vshll.u32 v10, v0;
	v11 =	vld [tilespmem:s3+$0x30]  }
0x78: {  	v10 =	vadd.s32 v1, v10  }
0x79: {  	v10 =	vbroadcast v10, $0x0;
	_ =	sdelay $0x2  }
0x7a: {  	v9 =	vmul.f32 v11, v9  }
0x7b: {  	s14 =	sadd.s32 $0x1, s10  }
0x7c: {  	v11 =	vmov s14;
	[tilespmem:s3+$0x30] =	vst v9  }
0x7d: {  	s3 =	sadd.s32 $0x80, s3;
	v9 =	vld.idx.msk [tilespmem:v10+s18+$0x0], $0xffff;
	v10 =	vshrl.u32 v11, $0x3  }
0x7e: {  	v11 =	vld [tilespmem:s3+$0xFFFFFFC0];
	v10 =	vshll.u32 v10, v0  }
0x7f: {  	v10 =	vadd.s32 v10, v2  }
0x80: {  	v10 =	vbroadcast v10, $0x0;
	_ =	sdelay $0x2  }
0x81: {  	v9 =	vmul.f32 v11, v9  }
0x82: {  	s14 =	sadd.s32 $0x2, s10  }
0x83: {  	[tilespmem:s3+$0xFFFFFFC0] =	vst v9;
	v9 =	vmov s14  }
0x84: {  	v10 =	vld.idx.msk [tilespmem:v10+s18+$0x0], $0xffff;
	v9 =	vshrl.u32 v9, $0x3  }
0x85: {  	v11 =	vld [tilespmem:s3+$0xFFFFFFD0];
	v9 =	vshll.u32 v9, v0  }
0x86: {  	v9 =	vadd.s32 v9, v3  }
0x87: {  	v9 =	vbroadcast v9, $0x0;
	_ =	sdelay $0x2  }
0x88: {  	v10 =	vmul.f32 v11, v10  }
0x89: {  	s14 =	sadd.s32 $0x3, s10  }
0x8a: {  	[tilespmem:s3+$0xFFFFFFD0] =	vst v10;
	v10 =	vmov s14  }
0x8b: {  	v9 =	vld.idx.msk [tilespmem:v9+s18+$0x0], $0xffff;
	v10 =	vshrl.u32 v10, $0x3  }
0x8c: {  	v11 =	vld [tilespmem:s3+$0xFFFFFFE0];
	v10 =	vshll.u32 v10, v0  }
0x8d: {  	v10 =	vadd.s32 v10, v4  }
0x8e: {  	v10 =	vbroadcast v10, $0x0;
	_ =	sdelay $0x2  }
0x8f: {  	v9 =	vmul.f32 v11, v9  }
0x90: {  	s14 =	sadd.s32 $0x4, s10  }
0x91: {  	[tilespmem:s3+$0xFFFFFFE0] =	vst v9;
	v9 =	vmov s14  }
0x92: {  	v10 =	vld.idx.msk [tilespmem:v10+s18+$0x0], $0xffff;
	v9 =	vshrl.u32 v9, $0x3  }
0x93: {  	v11 =	vld [tilespmem:s3+$0xFFFFFFF0];
	v9 =	vshll.u32 v9, v0  }
0x94: {  	v9 =	vadd.s32 v9, v5  }
0x95: {  	v9 =	vbroadcast v9, $0x0;
	_ =	sdelay $0x2  }
0x96: {  	v10 =	vmul.f32 v11, v10  }
0x97: {  	s14 =	sadd.s32 $0x5, s10  }
0x98: {  	[tilespmem:s3+$0xFFFFFFF0] =	vst v10;
	v10 =	vmov s14  }
0x99: {  	v9 =	vld.idx.msk [tilespmem:v9+s18+$0x0], $0xffff;
	v10 =	vshrl.u32 v10, $0x3  }
0x9a: {  	v11 =	vld [tilespmem:s3+$0x0];
	v10 =	vshll.u32 v10, v0  }
0x9b: {  	v10 =	vadd.s32 v10, v6  }
0x9c: {  	v10 =	vbroadcast v10, $0x0;
	_ =	sdelay $0x2  }
0x9d: {  	v9 =	vmul.f32 v11, v9  }
0x9e: {  	s14 =	sadd.s32 $0x6, s10  }
0x9f: {  	[tilespmem:s3+$0x0] =	vst v9;
	v9 =	vmov s14  }
0xa0: {  	v10 =	vld.idx.msk [tilespmem:v10+s18+$0x0], $0xffff;
	v9 =	vshrl.u32 v9, $0x3  }
0xa1: {  	v11 =	vld [tilespmem:s3+$0x10];
	v9 =	vshll.u32 v9, v0  }
0xa2: {  	v9 =	vadd.s32 v9, v7  }
0xa3: {  	v9 =	vbroadcast v9, $0x0;
	_ =	sdelay $0x2  }
0xa4: {  	v10 =	vmul.f32 v11, v10  }
0xa5: {  	s14 =	sadd.s32 $0x7, s10;
	s10 =	smov.u32 s13  }
0xa6: {  	[tilespmem:s3+$0x10] =	vst v10;
	v10 =	vmov s14  }
0xa7: {  	v11 =	vld.idx.msk [tilespmem:v9+s18+$0x0], $0xffff;
	v9 =	vshrl.u32 v10, $0x3  }
0xa8: {  	v10 =	vld [tilespmem:s3+$0x20];
	v9 =	vshll.u32 v9, v0  }
0xa9: {  	v9 =	vadd.s32 v9, v8  }
0xaa: {  	v9 =	vbroadcast v9, $0x0  }
.Ltmp0:
0xab: {  	(pc) =	sbr.rel @p2 .LBB2_3-.Ltmp0, $3  }
0xac: {  	_ = 	snop  }
0xad: {  	v11 =	vmul.f32 v10, v11;
	_ =	sdelay $0x1  }
0xae: {  	s13 =	sadd.s32 $0x8, s13;
	v10 =	vmov s10;
	[tilespmem:s3+$0x20] =	vst v11  }
0xaf: {  	_ =	sdelay $0x3  }
0xb0: {  	v9 =	vld.idx.msk [tilespmem:v9+s18+$0x0], $0xffff  }
0xb1: {  	v10 =	vshrl.u32 v10, $0x3;
	v11 =	vld [tilespmem:s3+$0x30]  }
0xb2: {  	v10 =	vshll.u32 v10, v0  }
0xb3: {  	v1 =	vadd.s32 v1, v10  }
0xb4: {  	v1 =	vbroadcast v1, $0x0;
	_ =	sdelay $0x1  }
0xb5: {  	v9 =	vmul.f32 v11, v9  }
0xb6: {  	s13 =	sadd.s32 $0x1, s10  }
0xb7: {  	v10 =	vmov s13;
	[tilespmem:s3+$0x30] =	vst v9;
	s3 =	sadd.s32 $0x80, s3  }
0xb8: {  	v9 =	vshrl.u32 v10, $0x3;
	v10 =	vld [tilespmem:s3+$0xFFFFFFC0]  }
0xb9: {  	v9 =	vshll.u32 v9, v0;
	v1 =	vld.idx.msk [tilespmem:v1+s18+$0x0], $0xffff  }
0xba: {  	v2 =	vadd.s32 v9, v2  }
0xbb: {  	v2 =	vbroadcast v2, $0x0;
	_ =	sdelay $0x2  }
0xbc: {  	v1 =	vmul.f32 v10, v1  }
0xbd: {  	s15 =	sadd.s32 $0x2, s10  }
0xbe: {  	v9 =	vld [tilespmem:s3+$0xFFFFFFD0];
	[tilespmem:s3+$0xFFFFFFC0] =	vst v1;
	v1 =	vmov s15  }
0xbf: {  	v2 =	vld.idx.msk [tilespmem:v2+s18+$0x0], $0xffff;
	v1 =	vshrl.u32 v1, $0x3  }
0xc0: {  	v1 =	vshll.u32 v1, v0  }
0xc1: {  	v1 =	vadd.s32 v1, v3  }
0xc2: {  	v1 =	vbroadcast v1, $0x0;
	_ =	sdelay $0x1  }
0xc3: {  	v2 =	vmul.f32 v9, v2  }
0xc4: {  	s0 =	sadd.s32 $0x3, s10  }
0xc5: {  	[tilespmem:s3+$0xFFFFFFD0] =	vst v2;
	v2 =	vmov s0  }
0xc6: {  	v3 =	vld [tilespmem:s3+$0xFFFFFFE0];
	v2 =	vshrl.u32 v2, $0x3  }
0xc7: {  	v1 =	vld.idx.msk [tilespmem:v1+s18+$0x0], $0xffff;
	v2 =	vshll.u32 v2, v0  }
0xc8: {  	v2 =	vadd.s32 v2, v4  }
0xc9: {  	v2 =	vbroadcast v2, $0x0;
	_ =	sdelay $0x2  }
0xca: {  	v1 =	vmul.f32 v3, v1  }
0xcb: {  	s14 =	sadd.s32 $0x4, s10  }
0xcc: {  	v3 =	vld [tilespmem:s3+$0xFFFFFFF0];
	[tilespmem:s3+$0xFFFFFFE0] =	vst v1;
	v1 =	vmov s14  }
0xcd: {  	v2 =	vld.idx.msk [tilespmem:v2+s18+$0x0], $0xffff;
	v1 =	vshrl.u32 v1, $0x3  }
0xce: {  	v1 =	vshll.u32 v1, v0  }
0xcf: {  	v1 =	vadd.s32 v1, v5  }
0xd0: {  	v1 =	vbroadcast v1, $0x0;
	_ =	sdelay $0x1  }
0xd1: {  	v2 =	vmul.f32 v3, v2  }
0xd2: {  	s15 =	sadd.s32 $0x5, s10  }
0xd3: {  	[tilespmem:s3+$0xFFFFFFF0] =	vst v2;
	v2 =	vmov s15  }
0xd4: {  	v3 =	vld [tilespmem:s3+$0x0];
	v2 =	vshrl.u32 v2, $0x3  }
0xd5: {  	v1 =	vld.idx.msk [tilespmem:v1+s18+$0x0], $0xffff;
	v2 =	vshll.u32 v2, v0  }
0xd6: {  	v2 =	vadd.s32 v2, v6  }
0xd7: {  	v2 =	vbroadcast v2, $0x0;
	_ =	sdelay $0x2  }
0xd8: {  	v1 =	vmul.f32 v3, v1  }
0xd9: {  	s0 =	sadd.s32 $0x6, s10  }
0xda: {  	v3 =	vld [tilespmem:s3+$0x10];
	[tilespmem:s3+$0x0] =	vst v1;
	v1 =	vmov s0  }
0xdb: {  	v2 =	vld.idx.msk [tilespmem:v2+s18+$0x0], $0xffff;
	v1 =	vshrl.u32 v1, $0x3  }
0xdc: {  	v1 =	vshll.u32 v1, v0  }
0xdd: {  	v1 =	vadd.s32 v1, v7  }
0xde: {  	v1 =	vbroadcast v1, $0x0;
	_ =	sdelay $0x1  }
0xdf: {  	v2 =	vmul.f32 v3, v2  }
0xe0: {  	s14 =	sadd.s32 $0x7, s10  }
0xe1: {  	[tilespmem:s3+$0x10] =	vst v2;
	v2 =	vmov s14  }
0xe2: {  	v3 =	vld [tilespmem:s3+$0x20];
	v2 =	vshrl.u32 v2, $0x3  }
0xe3: {  	v1 =	vld.idx.msk [tilespmem:v1+s18+$0x0], $0xffff;
	v2 =	vshll.u32 v2, v0  }
0xe4: {  	v2 =	vadd.s32 v2, v8  }
0xe5: {  	v2 =	vbroadcast v2, $0x0;
	_ =	sdelay $0x2  }
0xe6: {  	v1 =	vmul.f32 v3, v1;
	_ =	sdelay $0x1  }
0xe7: {  	[tilespmem:s3+$0x20] =	vst v1  }
0xe8: {  	v1 =	vld.idx.msk [tilespmem:v2+s18+$0x0], $0xffff  }
0xe9: {  	v2 =	vld [tilespmem:s3+$0x30];
	_ =	sdelay $0x4  }
0xea: {  	s10 =	sshll.u32 s9, $0xC;
	v1 =	vmul.f32 v2, v1  }
0xeb: {  	s15 =	sshrl.u32 s10, $0x2  }
0xec: {  	s0 =	sadd.s32 $0x2800, s15;
	[tilespmem:s3+$0x30] =	vst v1  }
0xed: {  	[spmem:s2] =	stream.indirect.scatter.add.f32 [tilespmem:s20], [sflag:$0x5], $0x10, s0, s19, $0xb8;
	[tilespmem:$0xDF10] =	vst v63  }
0xee: {  	s14 =	sadd.s32 $0x2880, s15;
	s3 =	simm.s32 @!p1 $0x7  }
0xef: {  	[spmem:s2] =	stream.indirect.scatter.add.f32 [tilespmem:s21], [sflag:$0x5], $0x10, s14, s19, $0xb8;
	[tilespmem:$0xDF10] =	vst v63  }
0xf0: {  	_ =	swait.ge @!p1 [sflag:s3], $0x800  }
0xf1: {  	[sflag:s3] =	ssyncset.done @!p1 $0x0  }
0xf2: {  	[sflag:s3] =	ssyncadd.s32 @!p1 $0xFFFFF800  }
0xf3: {  	s13 =	sor.u32 $0x2, s12;
	_ =	swait.ge @!p1 [sflag:s3], $0x800  }
0xf4: {  	s15 =	simm.s32 $0x0;
	s14 =	sshll.u32 s13, $0xA;
	[sflag:s3] =	ssyncset.done @!p1 $0x0  }
0xf5: {  	s11 =	sshll.u32 s11, $0x8;
	v1 =	vmov s15;
	[sflag:s3] =	ssyncadd.s32 @!p1 $0xFFFFF800;
	s3 =	sshrl.u32 s14, $0x2  }
0xf6: {  	v2 =	vshrl.u32 v1, $0x3;
	[tilespmem:s25], [sflag:$0x3] =	stream.indirect.gather [hbm4b:s4+s19], $0x10, s3, s19, $0xb8;
	[tilespmem:$0xDF10] =	vst v63  }
0xf7: {  	v1 =	vmov s11;
	v2 =	vshll.u32 v2, v0;
	s0 =	sor.u32 $0x80, s3  }
0xf8: {  	v2 =	vadd.s32 v1, v2;
	[tilespmem:s26], [sflag:$0x3] =	stream.indirect.gather [hbm4b:s4+s19], $0x10, s0, s19, $0xb8;
	[tilespmem:$0xDF10] =	vst v63  }
0xf9: {  	v2 =	vbroadcast v2, $0x0;
	_ =	swait.ge [sflag:s28], $0x800  }
0xfa: {  	[sflag:s28] =	ssyncset.done $0x0  }
0xfb: {  	[sflag:s28] =	ssyncadd.s32 $0xFFFFF800  }
0xfc: {  	_ =	swait.ge [sflag:s28], $0x800  }
0xfd: {  	[sflag:s28] =	ssyncset.done $0x0  }
0xfe: {  	s15 =	simm.s32 $0x1;
	[sflag:s28] =	ssyncadd.s32 $0xFFFFF800  }
0xff: {  	v3 =	vmov s15;
	s11 =	simm.s32 $0x8840;
	v4 =	vld.idx.msk [tilespmem:v2+s18+$0x0], $0xffff  }
0x100: {  	v3 =	vshrl.u32 v3, $0x3;
	v5 =	vld [tilespmem:s11+$0xFFFFFFC0]  }
0x101: {  	v3 =	vshll.u32 v3, v0;
	v2 =	vor.u32 $0x1, v1  }
0x102: {  	v3 =	vadd.s32 v3, v2  }
0x103: {  	v3 =	vbroadcast v3, $0x0;
	_ =	sdelay $0x1  }
0x104: {  	v4 =	vmul.f32 v5, v4  }
0x105: {  	s0 =	simm.s32 $0x2  }
0x106: {  	[tilespmem:s11+$0xFFFFFFC0] =	vst v4;
	v4 =	vmov s0  }
0x107: {  	v6 =	vld [tilespmem:s11+$0xFFFFFFD0];
	v4 =	vshrl.u32 v4, $0x3  }
0x108: {  	v5 =	vld.idx.msk [tilespmem:v3+s18+$0x0], $0xffff;
	v3 =	vor.u32 $0x2, v1;
	v4 =	vshll.u32 v4, v0  }
0x109: {  	v4 =	vadd.s32 v4, v3  }
0x10a: {  	v4 =	vbroadcast v4, $0x0;
	_ =	sdelay $0x2  }
0x10b: {  	v5 =	vmul.f32 v6, v5  }
0x10c: {  	s15 =	simm.s32 $0x3  }
0x10d: {  	v7 =	vld [tilespmem:s11+$0xFFFFFFE0];
	[tilespmem:s11+$0xFFFFFFD0] =	vst v5;
	v5 =	vmov s15  }
0x10e: {  	v5 =	vshrl.u32 v5, $0x3;
	v6 =	vld.idx.msk [tilespmem:v4+s18+$0x0], $0xffff  }
0x10f: {  	v4 =	vor.u32 $0x3, v1;
	v5 =	vshll.u32 v5, v0  }
0x110: {  	v5 =	vadd.s32 v5, v4  }
0x111: {  	v5 =	vbroadcast v5, $0x0;
	_ =	sdelay $0x1  }
0x112: {  	v6 =	vmul.f32 v7, v6  }
0x113: {  	s0 =	simm.s32 $0x4  }
0x114: {  	[tilespmem:s11+$0xFFFFFFE0] =	vst v6;
	v6 =	vmov s0  }
0x115: {  	v8 =	vld [tilespmem:s11+$0xFFFFFFF0];
	v6 =	vshrl.u32 v6, $0x3  }
0x116: {  	v7 =	vld.idx.msk [tilespmem:v5+s18+$0x0], $0xffff;
	v5 =	vor.u32 $0x4, v1;
	v6 =	vshll.u32 v6, v0  }
0x117: {  	v6 =	vadd.s32 v6, v5  }
0x118: {  	v6 =	vbroadcast v6, $0x0;
	_ =	sdelay $0x2  }
0x119: {  	v7 =	vmul.f32 v8, v7  }
0x11a: {  	s15 =	simm.s32 $0x5  }
0x11b: {  	v9 =	vld [tilespmem:s11+$0x0];
	[tilespmem:s11+$0xFFFFFFF0] =	vst v7;
	v7 =	vmov s15  }
0x11c: {  	v7 =	vshrl.u32 v7, $0x3;
	v8 =	vld.idx.msk [tilespmem:v6+s18+$0x0], $0xffff  }
0x11d: {  	v6 =	vor.u32 $0x5, v1;
	v7 =	vshll.u32 v7, v0  }
0x11e: {  	v7 =	vadd.s32 v7, v6  }
0x11f: {  	v7 =	vbroadcast v7, $0x0;
	_ =	sdelay $0x1  }
0x120: {  	v8 =	vmul.f32 v9, v8  }
0x121: {  	s0 =	simm.s32 $0x6  }
0x122: {  	[tilespmem:s11+$0x0] =	vst v8;
	v8 =	vmov s0  }
0x123: {  	v10 =	vld [tilespmem:s11+$0x10];
	v8 =	vshrl.u32 v8, $0x3  }
0x124: {  	v9 =	vld.idx.msk [tilespmem:v7+s18+$0x0], $0xffff;
	v7 =	vor.u32 $0x6, v1;
	v8 =	vshll.u32 v8, v0  }
0x125: {  	v8 =	vadd.s32 v8, v7  }
0x126: {  	v8 =	vbroadcast v8, $0x0;
	_ =	sdelay $0x2  }
0x127: {  	v9 =	vmul.f32 v10, v9;
	_ =	sdelay $0x1  }
0x128: {  	v10 =	vld [tilespmem:s11+$0x20];
	[tilespmem:s11+$0x10] =	vst v9  }
0x129: {  	v9 =	vld.idx.msk [tilespmem:v8+s18+$0x0], $0xffff  }
0x12a: {  	s15 =	simm.s32 $0x7  }
0x12b: {  	v8 =	vmov s15  }
0x12c: {  	v11 =	vshrl.u32 v8, $0x3  }
0x12d: {  	v8 =	vor.u32 $0x7, v1;
	v11 =	vshll.u32 v11, v0  }
0x12e: {  	v12 =	vmul.f32 v10, v9;
	v9 =	vadd.s32 v11, v8  }
0x12f: {  	v9 =	vbroadcast v9, $0x0;
	_ =	sdelay $0x3  }
0x130: {  	s14 =	simm.s32 $0x8  }
0x131: {  	s15 =	simm.s32 $0x10;
	v10 =	vmov s14;
	[tilespmem:s11+$0x20] =	vst v12  }
.LBB2_5:
0x132: {  	p2 =	slt.u32 s15, $0xF8;
	v10 =	vshrl.u32 v10, $0x3;
	v9 =	vld.idx.msk [tilespmem:v9+s18+$0x0], $0xffff  }
0x133: {  	v10 =	vshll.u32 v10, v0;
	v11 =	vld [tilespmem:s11+$0x30]  }
0x134: {  	v10 =	vadd.s32 v1, v10  }
0x135: {  	v10 =	vbroadcast v10, $0x0;
	_ =	sdelay $0x2  }
0x136: {  	v9 =	vmul.f32 v11, v9  }
0x137: {  	s0 =	sadd.s32 $0x1, s14  }
0x138: {  	v11 =	vmov s0;
	[tilespmem:s11+$0x30] =	vst v9  }
0x139: {  	s11 =	sadd.s32 $0x80, s11;
	v9 =	vld.idx.msk [tilespmem:v10+s18+$0x0], $0xffff;
	v10 =	vshrl.u32 v11, $0x3  }
0x13a: {  	v11 =	vld [tilespmem:s11+$0xFFFFFFC0];
	v10 =	vshll.u32 v10, v0  }
0x13b: {  	v10 =	vadd.s32 v10, v2  }
0x13c: {  	v10 =	vbroadcast v10, $0x0;
	_ =	sdelay $0x2  }
0x13d: {  	v9 =	vmul.f32 v11, v9  }
0x13e: {  	s0 =	sadd.s32 $0x2, s14  }
0x13f: {  	[tilespmem:s11+$0xFFFFFFC0] =	vst v9;
	v9 =	vmov s0  }
0x140: {  	v10 =	vld.idx.msk [tilespmem:v10+s18+$0x0], $0xffff;
	v9 =	vshrl.u32 v9, $0x3  }
0x141: {  	v11 =	vld [tilespmem:s11+$0xFFFFFFD0];
	v9 =	vshll.u32 v9, v0  }
0x142: {  	v9 =	vadd.s32 v9, v3  }
0x143: {  	v9 =	vbroadcast v9, $0x0;
	_ =	sdelay $0x2  }
0x144: {  	v10 =	vmul.f32 v11, v10  }
0x145: {  	s0 =	sadd.s32 $0x3, s14  }
0x146: {  	[tilespmem:s11+$0xFFFFFFD0] =	vst v10;
	v10 =	vmov s0  }
0x147: {  	v9 =	vld.idx.msk [tilespmem:v9+s18+$0x0], $0xffff;
	v10 =	vshrl.u32 v10, $0x3  }
0x148: {  	v11 =	vld [tilespmem:s11+$0xFFFFFFE0];
	v10 =	vshll.u32 v10, v0  }
0x149: {  	v10 =	vadd.s32 v10, v4  }
0x14a: {  	v10 =	vbroadcast v10, $0x0;
	_ =	sdelay $0x2  }
0x14b: {  	v9 =	vmul.f32 v11, v9  }
0x14c: {  	s0 =	sadd.s32 $0x4, s14  }
0x14d: {  	[tilespmem:s11+$0xFFFFFFE0] =	vst v9;
	v9 =	vmov s0  }
0x14e: {  	v10 =	vld.idx.msk [tilespmem:v10+s18+$0x0], $0xffff;
	v9 =	vshrl.u32 v9, $0x3  }
0x14f: {  	v11 =	vld [tilespmem:s11+$0xFFFFFFF0];
	v9 =	vshll.u32 v9, v0  }
0x150: {  	v9 =	vadd.s32 v9, v5  }
0x151: {  	v9 =	vbroadcast v9, $0x0;
	_ =	sdelay $0x2  }
0x152: {  	v10 =	vmul.f32 v11, v10  }
0x153: {  	s0 =	sadd.s32 $0x5, s14  }
0x154: {  	[tilespmem:s11+$0xFFFFFFF0] =	vst v10;
	v10 =	vmov s0  }
0x155: {  	v9 =	vld.idx.msk [tilespmem:v9+s18+$0x0], $0xffff;
	v10 =	vshrl.u32 v10, $0x3  }
0x156: {  	v11 =	vld [tilespmem:s11+$0x0];
	v10 =	vshll.u32 v10, v0  }
0x157: {  	v10 =	vadd.s32 v10, v6  }
0x158: {  	v10 =	vbroadcast v10, $0x0;
	_ =	sdelay $0x2  }
0x159: {  	v9 =	vmul.f32 v11, v9  }
0x15a: {  	s0 =	sadd.s32 $0x6, s14  }
0x15b: {  	[tilespmem:s11+$0x0] =	vst v9;
	v9 =	vmov s0  }
0x15c: {  	v10 =	vld.idx.msk [tilespmem:v10+s18+$0x0], $0xffff;
	v9 =	vshrl.u32 v9, $0x3  }
0x15d: {  	v11 =	vld [tilespmem:s11+$0x10];
	v9 =	vshll.u32 v9, v0  }
0x15e: {  	v9 =	vadd.s32 v9, v7  }
0x15f: {  	v9 =	vbroadcast v9, $0x0;
	_ =	sdelay $0x2  }
0x160: {  	v10 =	vmul.f32 v11, v10  }
0x161: {  	s0 =	sadd.s32 $0x7, s14;
	s14 =	smov.u32 s15  }
0x162: {  	[tilespmem:s11+$0x10] =	vst v10;
	v10 =	vmov s0  }
0x163: {  	v11 =	vld.idx.msk [tilespmem:v9+s18+$0x0], $0xffff;
	v9 =	vshrl.u32 v10, $0x3  }
0x164: {  	v10 =	vld [tilespmem:s11+$0x20];
	v9 =	vshll.u32 v9, v0  }
0x165: {  	v9 =	vadd.s32 v9, v8  }
0x166: {  	v9 =	vbroadcast v9, $0x0  }
.Ltmp1:
0x167: {  	(pc) =	sbr.rel @p2 .LBB2_5-.Ltmp1, $3  }
0x168: {  	_ = 	snop  }
0x169: {  	v11 =	vmul.f32 v10, v11;
	_ =	sdelay $0x1  }
0x16a: {  	s15 =	sadd.s32 $0x8, s15;
	v10 =	vmov s14;
	[tilespmem:s11+$0x20] =	vst v11  }
0x16b: {  	_ =	sdelay $0x3  }
0x16c: {  	v9 =	vld.idx.msk [tilespmem:v9+s18+$0x0], $0xffff  }
0x16d: {  	v10 =	vshrl.u32 v10, $0x3;
	v11 =	vld [tilespmem:s11+$0x30]  }
0x16e: {  	v10 =	vshll.u32 v10, v0  }
0x16f: {  	v1 =	vadd.s32 v1, v10  }
0x170: {  	v1 =	vbroadcast v1, $0x0;
	_ =	sdelay $0x1  }
0x171: {  	v9 =	vmul.f32 v11, v9  }
0x172: {  	s0 =	sadd.s32 $0x1, s14  }
0x173: {  	v10 =	vmov s0;
	[tilespmem:s11+$0x30] =	vst v9;
	s11 =	sadd.s32 $0x80, s11  }
0x174: {  	v9 =	vshrl.u32 v10, $0x3;
	v10 =	vld [tilespmem:s11+$0xFFFFFFC0]  }
0x175: {  	v9 =	vshll.u32 v9, v0;
	v1 =	vld.idx.msk [tilespmem:v1+s18+$0x0], $0xffff  }
0x176: {  	v2 =	vadd.s32 v9, v2  }
0x177: {  	v2 =	vbroadcast v2, $0x0;
	_ =	sdelay $0x2  }
0x178: {  	v1 =	vmul.f32 v10, v1  }
0x179: {  	s15 =	sadd.s32 $0x2, s14  }
0x17a: {  	v9 =	vld [tilespmem:s11+$0xFFFFFFD0];
	[tilespmem:s11+$0xFFFFFFC0] =	vst v1;
	v1 =	vmov s15  }
0x17b: {  	v2 =	vld.idx.msk [tilespmem:v2+s18+$0x0], $0xffff;
	v1 =	vshrl.u32 v1, $0x3  }
0x17c: {  	v1 =	vshll.u32 v1, v0  }
0x17d: {  	v1 =	vadd.s32 v1, v3  }
0x17e: {  	v1 =	vbroadcast v1, $0x0;
	_ =	sdelay $0x1  }
0x17f: {  	v2 =	vmul.f32 v9, v2  }
0x180: {  	s15 =	sadd.s32 $0x3, s14  }
0x181: {  	[tilespmem:s11+$0xFFFFFFD0] =	vst v2;
	v2 =	vmov s15  }
0x182: {  	v3 =	vld [tilespmem:s11+$0xFFFFFFE0];
	v2 =	vshrl.u32 v2, $0x3  }
0x183: {  	v1 =	vld.idx.msk [tilespmem:v1+s18+$0x0], $0xffff;
	v2 =	vshll.u32 v2, v0  }
0x184: {  	v2 =	vadd.s32 v2, v4  }
0x185: {  	v2 =	vbroadcast v2, $0x0;
	_ =	sdelay $0x2  }
0x186: {  	v1 =	vmul.f32 v3, v1  }
0x187: {  	s15 =	sadd.s32 $0x4, s14  }
0x188: {  	v3 =	vld [tilespmem:s11+$0xFFFFFFF0];
	[tilespmem:s11+$0xFFFFFFE0] =	vst v1;
	v1 =	vmov s15  }
0x189: {  	v2 =	vld.idx.msk [tilespmem:v2+s18+$0x0], $0xffff;
	v1 =	vshrl.u32 v1, $0x3  }
0x18a: {  	v1 =	vshll.u32 v1, v0  }
0x18b: {  	v1 =	vadd.s32 v1, v5  }
0x18c: {  	v1 =	vbroadcast v1, $0x0;
	_ =	sdelay $0x1  }
0x18d: {  	v2 =	vmul.f32 v3, v2  }
0x18e: {  	s15 =	sadd.s32 $0x5, s14  }
0x18f: {  	[tilespmem:s11+$0xFFFFFFF0] =	vst v2;
	v2 =	vmov s15  }
0x190: {  	v3 =	vld [tilespmem:s11+$0x0];
	v2 =	vshrl.u32 v2, $0x3  }
0x191: {  	v1 =	vld.idx.msk [tilespmem:v1+s18+$0x0], $0xffff;
	v2 =	vshll.u32 v2, v0  }
0x192: {  	v2 =	vadd.s32 v2, v6  }
0x193: {  	v2 =	vbroadcast v2, $0x0;
	_ =	sdelay $0x2  }
0x194: {  	v1 =	vmul.f32 v3, v1  }
0x195: {  	s15 =	sadd.s32 $0x6, s14  }
0x196: {  	v3 =	vld [tilespmem:s11+$0x10];
	[tilespmem:s11+$0x0] =	vst v1;
	v1 =	vmov s15  }
0x197: {  	v2 =	vld.idx.msk [tilespmem:v2+s18+$0x0], $0xffff;
	v1 =	vshrl.u32 v1, $0x3  }
0x198: {  	v1 =	vshll.u32 v1, v0  }
0x199: {  	v1 =	vadd.s32 v1, v7  }
0x19a: {  	v1 =	vbroadcast v1, $0x0;
	_ =	sdelay $0x1  }
0x19b: {  	v2 =	vmul.f32 v3, v2  }
0x19c: {  	s14 =	sadd.s32 $0x7, s14  }
0x19d: {  	[tilespmem:s11+$0x10] =	vst v2;
	v2 =	vmov s14  }
0x19e: {  	v3 =	vld [tilespmem:s11+$0x20];
	v2 =	vshrl.u32 v2, $0x3  }
0x19f: {  	v1 =	vld.idx.msk [tilespmem:v1+s18+$0x0], $0xffff;
	v2 =	vshll.u32 v2, v0  }
0x1a0: {  	v2 =	vadd.s32 v2, v8  }
0x1a1: {  	v2 =	vbroadcast v2, $0x0;
	_ =	sdelay $0x2  }
0x1a2: {  	v1 =	vmul.f32 v3, v1;
	_ =	sdelay $0x1  }
0x1a3: {  	[tilespmem:s11+$0x20] =	vst v1  }
0x1a4: {  	v1 =	vld.idx.msk [tilespmem:v2+s18+$0x0], $0xffff  }
0x1a5: {  	v2 =	vld [tilespmem:s11+$0x30];
	_ =	sdelay $0x4  }
0x1a6: {  	v1 =	vmul.f32 v2, v1;
	_ =	sdelay $0x1  }
0x1a7: {  	s15 =	sadd.s32 $0x2800, s5;
	[tilespmem:s11+$0x30] =	vst v1  }
0x1a8: {  	[spmem:s2] =	stream.indirect.scatter.add.f32 [tilespmem:s22], [sflag:$0x6], $0x10, s15, s19, $0xb8;
	[tilespmem:$0xDF10] =	vst v63  }
0x1a9: {  	s0 =	simm.s32 @!p1 $0x8;
	s11 =	sadd.s32 $0x2880, s5  }
0x1aa: {  	[spmem:s2] =	stream.indirect.scatter.add.f32 [tilespmem:s23], [sflag:$0x6], $0x10, s11, s19, $0xb8;
	[tilespmem:$0xDF10] =	vst v63  }
0x1ab: {  	_ =	swait.ge @!p1 [sflag:s0], $0x800  }
0x1ac: {  	[sflag:s0] =	ssyncset.done @!p1 $0x0  }
0x1ad: {  	[sflag:s0] =	ssyncadd.s32 @!p1 $0xFFFFF800  }
0x1ae: {  	s5 =	sor.u32 $0x3, s12;
	_ =	swait.ge @!p1 [sflag:s0], $0x800  }
0x1af: {  	s14 =	simm.s32 $0x0;
	s12 =	sshll.u32 s5, $0xA;
	[sflag:s0] =	ssyncset.done @!p1 $0x0  }
0x1b0: {  	v1 =	vmov s14;
	s15 =	sshll.u32 s13, $0x8;
	s12 =	sshrl.u32 s12, $0x2;
	[sflag:s0] =	ssyncadd.s32 @!p1 $0xFFFFF800  }
0x1b1: {  	v2 =	vshrl.u32 v1, $0x3;
	[tilespmem:s29], [sflag:$0x4] =	stream.indirect.gather [hbm4b:s4+s19], $0x10, s12, s19, $0xb8;
	[tilespmem:$0xDF10] =	vst v63  }
0x1b2: {  	v1 =	vmov s15;
	v2 =	vshll.u32 v2, v0;
	s11 =	sor.u32 $0x80, s12  }
0x1b3: {  	v2 =	vadd.s32 v1, v2;
	[tilespmem:s30], [sflag:$0x4] =	stream.indirect.gather [hbm4b:s4+s19], $0x10, s11, s19, $0xb8;
	[tilespmem:$0xDF10] =	vst v63  }
0x1b4: {  	v2 =	vbroadcast v2, $0x0;
	_ =	swait.ge [sflag:s31], $0x800  }
0x1b5: {  	[sflag:s31] =	ssyncset.done $0x0  }
0x1b6: {  	[sflag:s31] =	ssyncadd.s32 $0xFFFFF800  }
0x1b7: {  	_ =	swait.ge [sflag:s31], $0x800  }
0x1b8: {  	[sflag:s31] =	ssyncset.done $0x0  }
0x1b9: {  	s11 =	simm.s32 $0x1;
	[sflag:s31] =	ssyncadd.s32 $0xFFFFF800  }
0x1ba: {  	v3 =	vmov s11;
	s11 =	simm.s32 $0x9840;
	v4 =	vld.idx.msk [tilespmem:v2+s18+$0x0], $0xffff  }
0x1bb: {  	v3 =	vshrl.u32 v3, $0x3;
	v5 =	vld [tilespmem:s11+$0xFFFFFFC0]  }
0x1bc: {  	v3 =	vshll.u32 v3, v0;
	v2 =	vor.u32 $0x1, v1  }
0x1bd: {  	v3 =	vadd.s32 v3, v2  }
0x1be: {  	v3 =	vbroadcast v3, $0x0;
	_ =	sdelay $0x1  }
0x1bf: {  	v4 =	vmul.f32 v5, v4  }
0x1c0: {  	s13 =	simm.s32 $0x2  }
0x1c1: {  	[tilespmem:s11+$0xFFFFFFC0] =	vst v4;
	v4 =	vmov s13  }
0x1c2: {  	v6 =	vld [tilespmem:s11+$0xFFFFFFD0];
	v4 =	vshrl.u32 v4, $0x3  }
0x1c3: {  	v5 =	vld.idx.msk [tilespmem:v3+s18+$0x0], $0xffff;
	v3 =	vor.u32 $0x2, v1;
	v4 =	vshll.u32 v4, v0  }
0x1c4: {  	v4 =	vadd.s32 v4, v3  }
0x1c5: {  	v4 =	vbroadcast v4, $0x0;
	_ =	sdelay $0x2  }
0x1c6: {  	v5 =	vmul.f32 v6, v5  }
0x1c7: {  	s14 =	simm.s32 $0x3  }
0x1c8: {  	v7 =	vld [tilespmem:s11+$0xFFFFFFE0];
	[tilespmem:s11+$0xFFFFFFD0] =	vst v5;
	v5 =	vmov s14  }
0x1c9: {  	v5 =	vshrl.u32 v5, $0x3;
	v6 =	vld.idx.msk [tilespmem:v4+s18+$0x0], $0xffff  }
0x1ca: {  	v4 =	vor.u32 $0x3, v1;
	v5 =	vshll.u32 v5, v0  }
0x1cb: {  	v5 =	vadd.s32 v5, v4  }
0x1cc: {  	v5 =	vbroadcast v5, $0x0;
	_ =	sdelay $0x1  }
0x1cd: {  	v6 =	vmul.f32 v7, v6  }
0x1ce: {  	s15 =	simm.s32 $0x4  }
0x1cf: {  	[tilespmem:s11+$0xFFFFFFE0] =	vst v6;
	v6 =	vmov s15  }
0x1d0: {  	v8 =	vld [tilespmem:s11+$0xFFFFFFF0];
	v6 =	vshrl.u32 v6, $0x3  }
0x1d1: {  	v7 =	vld.idx.msk [tilespmem:v5+s18+$0x0], $0xffff;
	v5 =	vor.u32 $0x4, v1;
	v6 =	vshll.u32 v6, v0  }
0x1d2: {  	v6 =	vadd.s32 v6, v5  }
0x1d3: {  	v6 =	vbroadcast v6, $0x0;
	_ =	sdelay $0x2  }
0x1d4: {  	v7 =	vmul.f32 v8, v7  }
0x1d5: {  	s13 =	simm.s32 $0x5  }
0x1d6: {  	v9 =	vld [tilespmem:s11+$0x0];
	[tilespmem:s11+$0xFFFFFFF0] =	vst v7;
	v7 =	vmov s13  }
0x1d7: {  	v7 =	vshrl.u32 v7, $0x3;
	v8 =	vld.idx.msk [tilespmem:v6+s18+$0x0], $0xffff  }
0x1d8: {  	v6 =	vor.u32 $0x5, v1;
	v7 =	vshll.u32 v7, v0  }
0x1d9: {  	v7 =	vadd.s32 v7, v6  }
0x1da: {  	v7 =	vbroadcast v7, $0x0;
	_ =	sdelay $0x1  }
0x1db: {  	v8 =	vmul.f32 v9, v8  }
0x1dc: {  	s14 =	simm.s32 $0x6  }
0x1dd: {  	[tilespmem:s11+$0x0] =	vst v8;
	v8 =	vmov s14  }
0x1de: {  	v10 =	vld [tilespmem:s11+$0x10];
	v8 =	vshrl.u32 v8, $0x3  }
0x1df: {  	v9 =	vld.idx.msk [tilespmem:v7+s18+$0x0], $0xffff;
	v7 =	vor.u32 $0x6, v1;
	v8 =	vshll.u32 v8, v0  }
0x1e0: {  	v8 =	vadd.s32 v8, v7  }
0x1e1: {  	v8 =	vbroadcast v8, $0x0;
	_ =	sdelay $0x2  }
0x1e2: {  	v9 =	vmul.f32 v10, v9;
	_ =	sdelay $0x1  }
0x1e3: {  	v10 =	vld [tilespmem:s11+$0x20];
	[tilespmem:s11+$0x10] =	vst v9  }
0x1e4: {  	v9 =	vld.idx.msk [tilespmem:v8+s18+$0x0], $0xffff  }
0x1e5: {  	s15 =	simm.s32 $0x7  }
0x1e6: {  	v8 =	vmov s15  }
0x1e7: {  	v11 =	vshrl.u32 v8, $0x3  }
0x1e8: {  	v8 =	vor.u32 $0x7, v1;
	v11 =	vshll.u32 v11, v0  }
0x1e9: {  	v12 =	vmul.f32 v10, v9;
	v9 =	vadd.s32 v11, v8  }
0x1ea: {  	v9 =	vbroadcast v9, $0x0;
	_ =	sdelay $0x3  }
0x1eb: {  	s13 =	simm.s32 $0x8  }
0x1ec: {  	s14 =	simm.s32 $0x10;
	v10 =	vmov s13;
	[tilespmem:s11+$0x20] =	vst v12  }
.LBB2_7:
0x1ed: {  	p1 =	slt.u32 s14, $0xF8;
	v10 =	vshrl.u32 v10, $0x3;
	v9 =	vld.idx.msk [tilespmem:v9+s18+$0x0], $0xffff  }
0x1ee: {  	v10 =	vshll.u32 v10, v0;
	v11 =	vld [tilespmem:s11+$0x30]  }
0x1ef: {  	v10 =	vadd.s32 v1, v10  }
0x1f0: {  	v10 =	vbroadcast v10, $0x0;
	_ =	sdelay $0x2  }
0x1f1: {  	v9 =	vmul.f32 v11, v9  }
0x1f2: {  	s0 =	sadd.s32 $0x1, s13  }
0x1f3: {  	v11 =	vmov s0;
	[tilespmem:s11+$0x30] =	vst v9  }
0x1f4: {  	s11 =	sadd.s32 $0x80, s11;
	v9 =	vld.idx.msk [tilespmem:v10+s18+$0x0], $0xffff;
	v10 =	vshrl.u32 v11, $0x3  }
0x1f5: {  	v11 =	vld [tilespmem:s11+$0xFFFFFFC0];
	v10 =	vshll.u32 v10, v0  }
0x1f6: {  	v10 =	vadd.s32 v10, v2  }
0x1f7: {  	v10 =	vbroadcast v10, $0x0;
	_ =	sdelay $0x2  }
0x1f8: {  	v9 =	vmul.f32 v11, v9  }
0x1f9: {  	s0 =	sadd.s32 $0x2, s13  }
0x1fa: {  	[tilespmem:s11+$0xFFFFFFC0] =	vst v9;
	v9 =	vmov s0  }
0x1fb: {  	v10 =	vld.idx.msk [tilespmem:v10+s18+$0x0], $0xffff;
	v9 =	vshrl.u32 v9, $0x3  }
0x1fc: {  	v11 =	vld [tilespmem:s11+$0xFFFFFFD0];
	v9 =	vshll.u32 v9, v0  }
0x1fd: {  	v9 =	vadd.s32 v9, v3  }
0x1fe: {  	v9 =	vbroadcast v9, $0x0;
	_ =	sdelay $0x2  }
0x1ff: {  	v10 =	vmul.f32 v11, v10  }
0x200: {  	s0 =	sadd.s32 $0x3, s13  }
0x201: {  	[tilespmem:s11+$0xFFFFFFD0] =	vst v10;
	v10 =	vmov s0  }
0x202: {  	v9 =	vld.idx.msk [tilespmem:v9+s18+$0x0], $0xffff;
	v10 =	vshrl.u32 v10, $0x3  }
0x203: {  	v11 =	vld [tilespmem:s11+$0xFFFFFFE0];
	v10 =	vshll.u32 v10, v0  }
0x204: {  	v10 =	vadd.s32 v10, v4  }
0x205: {  	v10 =	vbroadcast v10, $0x0;
	_ =	sdelay $0x2  }
0x206: {  	v9 =	vmul.f32 v11, v9  }
0x207: {  	s0 =	sadd.s32 $0x4, s13  }
0x208: {  	[tilespmem:s11+$0xFFFFFFE0] =	vst v9;
	v9 =	vmov s0  }
0x209: {  	v10 =	vld.idx.msk [tilespmem:v10+s18+$0x0], $0xffff;
	v9 =	vshrl.u32 v9, $0x3  }
0x20a: {  	v11 =	vld [tilespmem:s11+$0xFFFFFFF0];
	v9 =	vshll.u32 v9, v0  }
0x20b: {  	v9 =	vadd.s32 v9, v5  }
0x20c: {  	v9 =	vbroadcast v9, $0x0;
	_ =	sdelay $0x2  }
0x20d: {  	v10 =	vmul.f32 v11, v10  }
0x20e: {  	s0 =	sadd.s32 $0x5, s13  }
0x20f: {  	[tilespmem:s11+$0xFFFFFFF0] =	vst v10;
	v10 =	vmov s0  }
0x210: {  	v9 =	vld.idx.msk [tilespmem:v9+s18+$0x0], $0xffff;
	v10 =	vshrl.u32 v10, $0x3  }
0x211: {  	v11 =	vld [tilespmem:s11+$0x0];
	v10 =	vshll.u32 v10, v0  }
0x212: {  	v10 =	vadd.s32 v10, v6  }
0x213: {  	v10 =	vbroadcast v10, $0x0;
	_ =	sdelay $0x2  }
0x214: {  	v9 =	vmul.f32 v11, v9  }
0x215: {  	s0 =	sadd.s32 $0x6, s13  }
0x216: {  	[tilespmem:s11+$0x0] =	vst v9;
	v9 =	vmov s0  }
0x217: {  	v10 =	vld.idx.msk [tilespmem:v10+s18+$0x0], $0xffff;
	v9 =	vshrl.u32 v9, $0x3  }
0x218: {  	v11 =	vld [tilespmem:s11+$0x10];
	v9 =	vshll.u32 v9, v0  }
0x219: {  	v9 =	vadd.s32 v9, v7  }
0x21a: {  	v9 =	vbroadcast v9, $0x0;
	_ =	sdelay $0x2  }
0x21b: {  	v10 =	vmul.f32 v11, v10  }
0x21c: {  	s0 =	sadd.s32 $0x7, s13;
	s13 =	smov.u32 s14  }
0x21d: {  	[tilespmem:s11+$0x10] =	vst v10;
	v10 =	vmov s0  }
0x21e: {  	v11 =	vld.idx.msk [tilespmem:v9+s18+$0x0], $0xffff;
	v9 =	vshrl.u32 v10, $0x3  }
0x21f: {  	v10 =	vld [tilespmem:s11+$0x20];
	v9 =	vshll.u32 v9, v0  }
0x220: {  	v9 =	vadd.s32 v9, v8  }
0x221: {  	v9 =	vbroadcast v9, $0x0  }
.Ltmp2:
0x222: {  	(pc) =	sbr.rel @p1 .LBB2_7-.Ltmp2, $3  }
0x223: {  	_ = 	snop  }
0x224: {  	v11 =	vmul.f32 v10, v11;
	_ =	sdelay $0x1  }
0x225: {  	s14 =	sadd.s32 $0x8, s14;
	v10 =	vmov s13;
	[tilespmem:s11+$0x20] =	vst v11  }
0x226: {  	_ =	sdelay $0x3  }
0x227: {  	v9 =	vld.idx.msk [tilespmem:v9+s18+$0x0], $0xffff  }
0x228: {  	v10 =	vshrl.u32 v10, $0x3;
	v11 =	vld [tilespmem:s11+$0x30]  }
0x229: {  	v10 =	vshll.u32 v10, v0  }
0x22a: {  	v1 =	vadd.s32 v1, v10  }
0x22b: {  	v1 =	vbroadcast v1, $0x0;
	_ =	sdelay $0x1  }
0x22c: {  	v9 =	vmul.f32 v11, v9  }
0x22d: {  	s0 =	sadd.s32 $0x1, s13  }
0x22e: {  	v10 =	vmov s0;
	[tilespmem:s11+$0x30] =	vst v9;
	s11 =	sadd.s32 $0x80, s11  }
0x22f: {  	v9 =	vshrl.u32 v10, $0x3;
	v10 =	vld [tilespmem:s11+$0xFFFFFFC0]  }
0x230: {  	v9 =	vshll.u32 v9, v0;
	v1 =	vld.idx.msk [tilespmem:v1+s18+$0x0], $0xffff  }
0x231: {  	v2 =	vadd.s32 v9, v2  }
0x232: {  	v2 =	vbroadcast v2, $0x0;
	_ =	sdelay $0x2  }
0x233: {  	v1 =	vmul.f32 v10, v1  }
0x234: {  	s14 =	sadd.s32 $0x2, s13  }
0x235: {  	v9 =	vld [tilespmem:s11+$0xFFFFFFD0];
	[tilespmem:s11+$0xFFFFFFC0] =	vst v1;
	v1 =	vmov s14  }
0x236: {  	v2 =	vld.idx.msk [tilespmem:v2+s18+$0x0], $0xffff;
	v1 =	vshrl.u32 v1, $0x3  }
0x237: {  	v1 =	vshll.u32 v1, v0  }
0x238: {  	v1 =	vadd.s32 v1, v3  }
0x239: {  	v1 =	vbroadcast v1, $0x0;
	_ =	sdelay $0x1  }
0x23a: {  	v2 =	vmul.f32 v9, v2  }
0x23b: {  	s15 =	sadd.s32 $0x3, s13  }
0x23c: {  	[tilespmem:s11+$0xFFFFFFD0] =	vst v2;
	v2 =	vmov s15  }
0x23d: {  	v3 =	vld [tilespmem:s11+$0xFFFFFFE0];
	v2 =	vshrl.u32 v2, $0x3  }
0x23e: {  	v1 =	vld.idx.msk [tilespmem:v1+s18+$0x0], $0xffff;
	v2 =	vshll.u32 v2, v0  }
0x23f: {  	v2 =	vadd.s32 v2, v4  }
0x240: {  	v2 =	vbroadcast v2, $0x0;
	_ =	sdelay $0x2  }
0x241: {  	v1 =	vmul.f32 v3, v1  }
0x242: {  	s14 =	sadd.s32 $0x4, s13  }
0x243: {  	v3 =	vld [tilespmem:s11+$0xFFFFFFF0];
	[tilespmem:s11+$0xFFFFFFE0] =	vst v1;
	v1 =	vmov s14  }
0x244: {  	v2 =	vld.idx.msk [tilespmem:v2+s18+$0x0], $0xffff;
	v1 =	vshrl.u32 v1, $0x3  }
0x245: {  	v1 =	vshll.u32 v1, v0  }
0x246: {  	v1 =	vadd.s32 v1, v5  }
0x247: {  	v1 =	vbroadcast v1, $0x0;
	_ =	sdelay $0x1  }
0x248: {  	v2 =	vmul.f32 v3, v2  }
0x249: {  	s15 =	sadd.s32 $0x5, s13  }
0x24a: {  	[tilespmem:s11+$0xFFFFFFF0] =	vst v2;
	v2 =	vmov s15  }
0x24b: {  	v3 =	vld [tilespmem:s11+$0x0];
	v2 =	vshrl.u32 v2, $0x3  }
0x24c: {  	v1 =	vld.idx.msk [tilespmem:v1+s18+$0x0], $0xffff;
	v2 =	vshll.u32 v2, v0  }
0x24d: {  	v2 =	vadd.s32 v2, v6  }
0x24e: {  	v2 =	vbroadcast v2, $0x0;
	_ =	sdelay $0x2  }
0x24f: {  	v1 =	vmul.f32 v3, v1  }
0x250: {  	s14 =	sadd.s32 $0x6, s13  }
0x251: {  	v3 =	vld [tilespmem:s11+$0x10];
	[tilespmem:s11+$0x0] =	vst v1;
	v1 =	vmov s14  }
0x252: {  	v2 =	vld.idx.msk [tilespmem:v2+s18+$0x0], $0xffff;
	v1 =	vshrl.u32 v1, $0x3  }
0x253: {  	v1 =	vshll.u32 v1, v0  }
0x254: {  	v1 =	vadd.s32 v1, v7  }
0x255: {  	v1 =	vbroadcast v1, $0x0;
	_ =	sdelay $0x1  }
0x256: {  	v2 =	vmul.f32 v3, v2  }
0x257: {  	s15 =	sadd.s32 $0x7, s13  }
0x258: {  	[tilespmem:s11+$0x10] =	vst v2;
	v2 =	vmov s15  }
0x259: {  	v3 =	vld [tilespmem:s11+$0x20];
	v2 =	vshrl.u32 v2, $0x3  }
0x25a: {  	v1 =	vld.idx.msk [tilespmem:v1+s18+$0x0], $0xffff;
	v2 =	vshll.u32 v2, v0  }
0x25b: {  	v2 =	vadd.s32 v2, v8  }
0x25c: {  	v2 =	vbroadcast v2, $0x0;
	_ =	sdelay $0x2  }
0x25d: {  	v1 =	vmul.f32 v3, v1;
	_ =	sdelay $0x1  }
0x25e: {  	[tilespmem:s11+$0x20] =	vst v1  }
0x25f: {  	v1 =	vld.idx.msk [tilespmem:v2+s18+$0x0], $0xffff  }
0x260: {  	v2 =	vld [tilespmem:s11+$0x30];
	_ =	sdelay $0x4  }
0x261: {  	v1 =	vmul.f32 v2, v1;
	_ =	sdelay $0x1  }
0x262: {  	p1 =	seq.s32 s9, $0x9;
	[tilespmem:s11+$0x30] =	vst v1;
	s11 =	sadd.s32 $0x2800, s3  }
0x263: {  	[spmem:s2] =	stream.indirect.scatter.add.f32 [tilespmem:s25], [sflag:$0x7], $0x10, s11, s19, $0xb8;
	[tilespmem:$0xDF10] =	vst v63  }
0x264: {  	s0 =	simm.s32 @!p1 $0x5;
	s13 =	sadd.s32 $0x2880, s3  }
0x265: {  	[spmem:s2] =	stream.indirect.scatter.add.f32 [tilespmem:s26], [sflag:$0x7], $0x10, s13, s19, $0xb8;
	[tilespmem:$0xDF10] =	vst v63  }
0x266: {  	_ =	swait.ge @!p1 [sflag:s0], $0x800  }
0x267: {  	[sflag:s0] =	ssyncset.done @!p1 $0x0  }
0x268: {  	[sflag:s0] =	ssyncadd.s32 @!p1 $0xFFFFF800  }
0x269: {  	s14 =	simm.s32 $0x0;
	s15 =	sshll.u32 s5, $0x8;
	_ =	swait.ge @!p1 [sflag:s0], $0x800  }
0x26a: {  	s3 =	sshrl.u32 @!p1 s10, $0x2;
	s10 =	simm.s32 @!p1 $0x80;
	[sflag:s0] =	ssyncset.done @!p1 $0x0  }
0x26b: {  	v1 =	vmov s14;
	s11 =	simm.s32 @!p1 $0x7800;
	[sflag:s0] =	ssyncadd.s32 @!p1 $0xFFFFF800;
	s0 =	sadd.s32 @!p1 $0x400, s3  }
0x26c: {  	v2 =	vshrl.u32 v1, $0x3;
	[tilespmem:s11], [sflag:$0x1] =	stream.indirect.gather @!p1 [hbm4b:s4+s10], $0x10, s0, s10, $0xb8;
	[tilespmem:$0xDF10] =	vst v63  }
0x26d: {  	s5 =	simm.s32 @!p1 $0x8000;
	v1 =	vmov s15;
	v2 =	vshll.u32 v2, v0;
	s3 =	sadd.s32 @!p1 $0x480, s3  }
0x26e: {  	v2 =	vadd.s32 v1, v2;
	[tilespmem:s5], [sflag:$0x1] =	stream.indirect.gather @!p1 [hbm4b:s4+s10], $0x10, s3, s10, $0xb8;
	[tilespmem:$0xDF10] =	vst v63  }
0x26f: {  	v2 =	vbroadcast v2, $0x0;
	_ =	swait.ge [sflag:s1], $0x800  }
0x270: {  	[sflag:s1] =	ssyncset.done $0x0  }
0x271: {  	[sflag:s1] =	ssyncadd.s32 $0xFFFFF800  }
0x272: {  	_ =	swait.ge [sflag:s1], $0x800  }
0x273: {  	[sflag:s1] =	ssyncset.done $0x0  }
0x274: {  	s3 =	simm.s32 $0x1;
	[sflag:s1] =	ssyncadd.s32 $0xFFFFF800  }
0x275: {  	v3 =	vmov s3;
	s3 =	simm.s32 $0xA840;
	v4 =	vld.idx.msk [tilespmem:v2+s18+$0x0], $0xffff  }
0x276: {  	v3 =	vshrl.u32 v3, $0x3;
	v5 =	vld [tilespmem:s3+$0xFFFFFFC0]  }
0x277: {  	v3 =	vshll.u32 v3, v0;
	v2 =	vor.u32 $0x1, v1  }
0x278: {  	v3 =	vadd.s32 v3, v2  }
0x279: {  	v3 =	vbroadcast v3, $0x0;
	_ =	sdelay $0x1  }
0x27a: {  	v4 =	vmul.f32 v5, v4  }
0x27b: {  	s5 =	simm.s32 $0x2  }
0x27c: {  	[tilespmem:s3+$0xFFFFFFC0] =	vst v4;
	v4 =	vmov s5  }
0x27d: {  	v6 =	vld [tilespmem:s3+$0xFFFFFFD0];
	v4 =	vshrl.u32 v4, $0x3  }
0x27e: {  	v5 =	vld.idx.msk [tilespmem:v3+s18+$0x0], $0xffff;
	v3 =	vor.u32 $0x2, v1;
	v4 =	vshll.u32 v4, v0  }
0x27f: {  	v4 =	vadd.s32 v4, v3  }
0x280: {  	v4 =	vbroadcast v4, $0x0;
	_ =	sdelay $0x2  }
0x281: {  	v5 =	vmul.f32 v6, v5  }
0x282: {  	s10 =	simm.s32 $0x3  }
0x283: {  	v7 =	vld [tilespmem:s3+$0xFFFFFFE0];
	[tilespmem:s3+$0xFFFFFFD0] =	vst v5;
	v5 =	vmov s10  }
0x284: {  	v5 =	vshrl.u32 v5, $0x3;
	v6 =	vld.idx.msk [tilespmem:v4+s18+$0x0], $0xffff  }
0x285: {  	v4 =	vor.u32 $0x3, v1;
	v5 =	vshll.u32 v5, v0  }
0x286: {  	v5 =	vadd.s32 v5, v4  }
0x287: {  	v5 =	vbroadcast v5, $0x0;
	_ =	sdelay $0x1  }
0x288: {  	v6 =	vmul.f32 v7, v6  }
0x289: {  	s11 =	simm.s32 $0x4  }
0x28a: {  	[tilespmem:s3+$0xFFFFFFE0] =	vst v6;
	v6 =	vmov s11  }
0x28b: {  	v8 =	vld [tilespmem:s3+$0xFFFFFFF0];
	v6 =	vshrl.u32 v6, $0x3  }
0x28c: {  	v7 =	vld.idx.msk [tilespmem:v5+s18+$0x0], $0xffff;
	v5 =	vor.u32 $0x4, v1;
	v6 =	vshll.u32 v6, v0  }
0x28d: {  	v6 =	vadd.s32 v6, v5  }
0x28e: {  	v6 =	vbroadcast v6, $0x0;
	_ =	sdelay $0x2  }
0x28f: {  	v7 =	vmul.f32 v8, v7  }
0x290: {  	s13 =	simm.s32 $0x5  }
0x291: {  	v9 =	vld [tilespmem:s3+$0x0];
	[tilespmem:s3+$0xFFFFFFF0] =	vst v7;
	v7 =	vmov s13  }
0x292: {  	v7 =	vshrl.u32 v7, $0x3;
	v8 =	vld.idx.msk [tilespmem:v6+s18+$0x0], $0xffff  }
0x293: {  	v6 =	vor.u32 $0x5, v1;
	v7 =	vshll.u32 v7, v0  }
0x294: {  	v7 =	vadd.s32 v7, v6  }
0x295: {  	v7 =	vbroadcast v7, $0x0;
	_ =	sdelay $0x1  }
0x296: {  	v8 =	vmul.f32 v9, v8  }
0x297: {  	s14 =	simm.s32 $0x6  }
0x298: {  	[tilespmem:s3+$0x0] =	vst v8;
	v8 =	vmov s14  }
0x299: {  	v10 =	vld [tilespmem:s3+$0x10];
	v8 =	vshrl.u32 v8, $0x3  }
0x29a: {  	v9 =	vld.idx.msk [tilespmem:v7+s18+$0x0], $0xffff;
	v7 =	vor.u32 $0x6, v1;
	v8 =	vshll.u32 v8, v0  }
0x29b: {  	v8 =	vadd.s32 v8, v7  }
0x29c: {  	v8 =	vbroadcast v8, $0x0;
	_ =	sdelay $0x2  }
0x29d: {  	v9 =	vmul.f32 v10, v9;
	_ =	sdelay $0x1  }
0x29e: {  	v10 =	vld [tilespmem:s3+$0x20];
	[tilespmem:s3+$0x10] =	vst v9  }
0x29f: {  	v9 =	vld.idx.msk [tilespmem:v8+s18+$0x0], $0xffff  }
0x2a0: {  	s15 =	simm.s32 $0x7  }
0x2a1: {  	v8 =	vmov s15  }
0x2a2: {  	v11 =	vshrl.u32 v8, $0x3  }
0x2a3: {  	v8 =	vor.u32 $0x7, v1;
	v11 =	vshll.u32 v11, v0  }
0x2a4: {  	v12 =	vmul.f32 v10, v9;
	v9 =	vadd.s32 v11, v8  }
0x2a5: {  	v9 =	vbroadcast v9, $0x0;
	_ =	sdelay $0x3  }
0x2a6: {  	s5 =	simm.s32 $0x8  }
0x2a7: {  	s10 =	simm.s32 $0x10;
	v10 =	vmov s5;
	[tilespmem:s3+$0x20] =	vst v12  }
.LBB2_9:
0x2a8: {  	p1 =	slt.u32 s10, $0xF8;
	v10 =	vshrl.u32 v10, $0x3;
	v9 =	vld.idx.msk [tilespmem:v9+s18+$0x0], $0xffff  }
0x2a9: {  	v10 =	vshll.u32 v10, v0;
	v11 =	vld [tilespmem:s3+$0x30]  }
0x2aa: {  	v10 =	vadd.s32 v1, v10  }
0x2ab: {  	v10 =	vbroadcast v10, $0x0;
	_ =	sdelay $0x2  }
0x2ac: {  	v9 =	vmul.f32 v11, v9  }
0x2ad: {  	s0 =	sadd.s32 $0x1, s5  }
0x2ae: {  	v11 =	vmov s0;
	[tilespmem:s3+$0x30] =	vst v9  }
0x2af: {  	s3 =	sadd.s32 $0x80, s3;
	v9 =	vld.idx.msk [tilespmem:v10+s18+$0x0], $0xffff;
	v10 =	vshrl.u32 v11, $0x3  }
0x2b0: {  	v11 =	vld [tilespmem:s3+$0xFFFFFFC0];
	v10 =	vshll.u32 v10, v0  }
0x2b1: {  	v10 =	vadd.s32 v10, v2  }
0x2b2: {  	v10 =	vbroadcast v10, $0x0;
	_ =	sdelay $0x2  }
0x2b3: {  	v9 =	vmul.f32 v11, v9  }
0x2b4: {  	s0 =	sadd.s32 $0x2, s5  }
0x2b5: {  	[tilespmem:s3+$0xFFFFFFC0] =	vst v9;
	v9 =	vmov s0  }
0x2b6: {  	v10 =	vld.idx.msk [tilespmem:v10+s18+$0x0], $0xffff;
	v9 =	vshrl.u32 v9, $0x3  }
0x2b7: {  	v11 =	vld [tilespmem:s3+$0xFFFFFFD0];
	v9 =	vshll.u32 v9, v0  }
0x2b8: {  	v9 =	vadd.s32 v9, v3  }
0x2b9: {  	v9 =	vbroadcast v9, $0x0;
	_ =	sdelay $0x2  }
0x2ba: {  	v10 =	vmul.f32 v11, v10  }
0x2bb: {  	s0 =	sadd.s32 $0x3, s5  }
0x2bc: {  	[tilespmem:s3+$0xFFFFFFD0] =	vst v10;
	v10 =	vmov s0  }
0x2bd: {  	v9 =	vld.idx.msk [tilespmem:v9+s18+$0x0], $0xffff;
	v10 =	vshrl.u32 v10, $0x3  }
0x2be: {  	v11 =	vld [tilespmem:s3+$0xFFFFFFE0];
	v10 =	vshll.u32 v10, v0  }
0x2bf: {  	v10 =	vadd.s32 v10, v4  }
0x2c0: {  	v10 =	vbroadcast v10, $0x0;
	_ =	sdelay $0x2  }
0x2c1: {  	v9 =	vmul.f32 v11, v9  }
0x2c2: {  	s0 =	sadd.s32 $0x4, s5  }
0x2c3: {  	[tilespmem:s3+$0xFFFFFFE0] =	vst v9;
	v9 =	vmov s0  }
0x2c4: {  	v10 =	vld.idx.msk [tilespmem:v10+s18+$0x0], $0xffff;
	v9 =	vshrl.u32 v9, $0x3  }
0x2c5: {  	v11 =	vld [tilespmem:s3+$0xFFFFFFF0];
	v9 =	vshll.u32 v9, v0  }
0x2c6: {  	v9 =	vadd.s32 v9, v5  }
0x2c7: {  	v9 =	vbroadcast v9, $0x0;
	_ =	sdelay $0x2  }
0x2c8: {  	v10 =	vmul.f32 v11, v10  }
0x2c9: {  	s0 =	sadd.s32 $0x5, s5  }
0x2ca: {  	[tilespmem:s3+$0xFFFFFFF0] =	vst v10;
	v10 =	vmov s0  }
0x2cb: {  	v9 =	vld.idx.msk [tilespmem:v9+s18+$0x0], $0xffff;
	v10 =	vshrl.u32 v10, $0x3  }
0x2cc: {  	v11 =	vld [tilespmem:s3+$0x0];
	v10 =	vshll.u32 v10, v0  }
0x2cd: {  	v10 =	vadd.s32 v10, v6  }
0x2ce: {  	v10 =	vbroadcast v10, $0x0;
	_ =	sdelay $0x2  }
0x2cf: {  	v9 =	vmul.f32 v11, v9  }
0x2d0: {  	s0 =	sadd.s32 $0x6, s5  }
0x2d1: {  	[tilespmem:s3+$0x0] =	vst v9;
	v9 =	vmov s0  }
0x2d2: {  	v10 =	vld.idx.msk [tilespmem:v10+s18+$0x0], $0xffff;
	v9 =	vshrl.u32 v9, $0x3  }
0x2d3: {  	v11 =	vld [tilespmem:s3+$0x10];
	v9 =	vshll.u32 v9, v0  }
0x2d4: {  	v9 =	vadd.s32 v9, v7  }
0x2d5: {  	v9 =	vbroadcast v9, $0x0;
	_ =	sdelay $0x2  }
0x2d6: {  	v10 =	vmul.f32 v11, v10  }
0x2d7: {  	s0 =	sadd.s32 $0x7, s5;
	s5 =	smov.u32 s10  }
0x2d8: {  	[tilespmem:s3+$0x10] =	vst v10;
	v10 =	vmov s0  }
0x2d9: {  	v11 =	vld.idx.msk [tilespmem:v9+s18+$0x0], $0xffff;
	v9 =	vshrl.u32 v10, $0x3  }
0x2da: {  	v10 =	vld [tilespmem:s3+$0x20];
	v9 =	vshll.u32 v9, v0  }
0x2db: {  	v9 =	vadd.s32 v9, v8  }
0x2dc: {  	v9 =	vbroadcast v9, $0x0  }
.Ltmp3:
0x2dd: {  	(pc) =	sbr.rel @p1 .LBB2_9-.Ltmp3, $3  }
0x2de: {  	_ = 	snop  }
0x2df: {  	v11 =	vmul.f32 v10, v11;
	_ =	sdelay $0x1  }
0x2e0: {  	s10 =	sadd.s32 $0x8, s10;
	v10 =	vmov s5;
	[tilespmem:s3+$0x20] =	vst v11  }
0x2e1: {  	_ =	sdelay $0x3  }
0x2e2: {  	v9 =	vld.idx.msk [tilespmem:v9+s18+$0x0], $0xffff  }
0x2e3: {  	v10 =	vshrl.u32 v10, $0x3;
	v11 =	vld [tilespmem:s3+$0x30]  }
0x2e4: {  	v10 =	vshll.u32 v10, v0  }
0x2e5: {  	v1 =	vadd.s32 v1, v10  }
0x2e6: {  	v1 =	vbroadcast v1, $0x0;
	_ =	sdelay $0x1  }
0x2e7: {  	v9 =	vmul.f32 v11, v9  }
0x2e8: {  	s0 =	sadd.s32 $0x1, s5  }
0x2e9: {  	v60 =	vmov s0;
	[tilespmem:s3+$0x30] =	vst v9;
	s3 =	sadd.s32 $0x80, s3  }
0x2ea: {  	v61 =	vshrl.u32 v60, $0x3;
	v62 =	vld [tilespmem:s3+$0xFFFFFFC0]  }
0x2eb: {  	v9 =	vshll.u32 v61, v0;
	v1 =	vld.idx.msk [tilespmem:v1+s18+$0x0], $0xffff  }
0x2ec: {  	v2 =	vadd.s32 v9, v2  }
0x2ed: {  	v2 =	vbroadcast v2, $0x0;
	_ =	sdelay $0x2  }
0x2ee: {  	v1 =	vmul.f32 v62, v1  }
0x2ef: {  	s13 =	sadd.s32 $0x2, s5  }
0x2f0: {  	v63 =	vld [tilespmem:s3+$0xFFFFFFD0];
	[tilespmem:s3+$0xFFFFFFC0] =	vst v1;
	v1 =	vmov s13  }
0x2f1: {  	v2 =	vld.idx.msk [tilespmem:v2+s18+$0x0], $0xffff;
	v1 =	vshrl.u32 v1, $0x3  }
0x2f2: {  	v1 =	vshll.u32 v1, v0  }
0x2f3: {  	v1 =	vadd.s32 v1, v3  }
0x2f4: {  	v1 =	vbroadcast v1, $0x0;
	_ =	sdelay $0x1  }
0x2f5: {  	v2 =	vmul.f32 v63, v2  }
0x2f6: {  	s14 =	sadd.s32 $0x3, s5  }
0x2f7: {  	[tilespmem:s3+$0xFFFFFFD0] =	vst v2;
	v2 =	vmov s14  }
0x2f8: {  	v3 =	vld [tilespmem:s3+$0xFFFFFFE0];
	v2 =	vshrl.u32 v2, $0x3  }
0x2f9: {  	v1 =	vld.idx.msk [tilespmem:v1+s18+$0x0], $0xffff;
	v2 =	vshll.u32 v2, v0  }
0x2fa: {  	v2 =	vadd.s32 v2, v4  }
0x2fb: {  	v2 =	vbroadcast v2, $0x0;
	_ =	sdelay $0x2  }
0x2fc: {  	v1 =	vmul.f32 v3, v1  }
0x2fd: {  	s15 =	sadd.s32 $0x4, s5  }
0x2fe: {  	v3 =	vld [tilespmem:s3+$0xFFFFFFF0];
	[tilespmem:s3+$0xFFFFFFE0] =	vst v1;
	v1 =	vmov s15  }
0x2ff: {  	v2 =	vld.idx.msk [tilespmem:v2+s18+$0x0], $0xffff;
	v1 =	vshrl.u32 v1, $0x3  }
0x300: {  	v1 =	vshll.u32 v1, v0  }
0x301: {  	v1 =	vadd.s32 v1, v5  }
0x302: {  	v1 =	vbroadcast v1, $0x0;
	_ =	sdelay $0x1  }
0x303: {  	v2 =	vmul.f32 v3, v2  }
0x304: {  	s10 =	sadd.s32 $0x5, s5  }
0x305: {  	[tilespmem:s3+$0xFFFFFFF0] =	vst v2;
	v2 =	vmov s10  }
0x306: {  	v3 =	vld [tilespmem:s3+$0x0];
	v2 =	vshrl.u32 v2, $0x3  }
0x307: {  	v1 =	vld.idx.msk [tilespmem:v1+s18+$0x0], $0xffff;
	v2 =	vshll.u32 v2, v0  }
0x308: {  	v2 =	vadd.s32 v2, v6  }
0x309: {  	v2 =	vbroadcast v2, $0x0;
	_ =	sdelay $0x2  }
0x30a: {  	v1 =	vmul.f32 v3, v1  }
0x30b: {  	s11 =	sadd.s32 $0x6, s5  }
0x30c: {  	v3 =	vld [tilespmem:s3+$0x10];
	[tilespmem:s3+$0x0] =	vst v1;
	v1 =	vmov s11  }
0x30d: {  	v2 =	vld.idx.msk [tilespmem:v2+s18+$0x0], $0xffff;
	v1 =	vshrl.u32 v1, $0x3  }
0x30e: {  	v1 =	vshll.u32 v1, v0  }
0x30f: {  	v1 =	vadd.s32 v1, v7  }
0x310: {  	v1 =	vbroadcast v1, $0x0;
	_ =	sdelay $0x1  }
0x311: {  	v2 =	vmul.f32 v3, v2  }
0x312: {  	s13 =	sadd.s32 $0x7, s5  }
0x313: {  	[tilespmem:s3+$0x10] =	vst v2;
	v2 =	vmov s13  }
0x314: {  	v3 =	vld [tilespmem:s3+$0x20];
	v2 =	vshrl.u32 v2, $0x3  }
0x315: {  	v1 =	vld.idx.msk [tilespmem:v1+s18+$0x0], $0xffff;
	v2 =	vshll.u32 v2, v0  }
0x316: {  	v2 =	vadd.s32 v2, v8  }
0x317: {  	v2 =	vbroadcast v2, $0x0;
	_ =	sdelay $0x2  }
0x318: {  	v1 =	vmul.f32 v3, v1;
	_ =	sdelay $0x1  }
0x319: {  	[tilespmem:s3+$0x20] =	vst v1  }
0x31a: {  	v1 =	vld.idx.msk [tilespmem:v2+s18+$0x0], $0xffff  }
0x31b: {  	v2 =	vld [tilespmem:s3+$0x30];
	_ =	sdelay $0x3  }
0x31c: {  	s9 =	sadd.s32 $0x1, s9  }
0x31d: {  	p1 =	sne.s32 s9, $0xA;
	v1 =	vmul.f32 v2, v1  }
.Ltmp4:
0x31e: {  	_ = 	snop;
	(pc) =	sbr.rel @p1 .LBB2_2-.Ltmp4, $4  }
0x31f: {  	s14 =	sadd.s32 $0x2800, s12;
	[tilespmem:s3+$0x30] =	vst v1  }
0x320: {  	[spmem:s2] =	stream.indirect.scatter.add.f32 [tilespmem:s29], [sflag:$0x8], $0x10, s14, s19, $0xb8;
	[tilespmem:$0xDF10] =	vst v63  }
0x321: {  	s15 =	sadd.s32 $0x2880, s12  }
0x322: {  	[spmem:s2] =	stream.indirect.scatter.add.f32 [tilespmem:s30], [sflag:$0x8], $0x10, s15, s19, $0xb8;
	[tilespmem:$0xDF10] =	vst v63  }
0x323: {  	s0 =	simm.s32 $0x8  }
0x324: {  	_ =	swait.ge [sflag:s0], $0x800  }
0x325: {  	[sflag:s0] =	ssyncset.done $0x0  }
0x326: {  	[sflag:s0] =	ssyncadd.s32 $0xFFFFF800  }
0x327: {  	_ =	swait.ge [sflag:s0], $0x800  }
0x328: {  	[sflag:s0] =	ssyncset.done $0x0  }
0x329: {  	[sflag:s0] =	ssyncadd.s32 $0xFFFFF800  }
0x32a: {  	_ =	swait.ge [sflag:s17], $0x800  }
0x32b: {  	[sflag:s17] =	ssyncset.done $0x0  }
0x32c: {  	[sflag:s17] =	ssyncadd.s32 $0xFFFFF800  }
0x32d: {  	_ =	swait.ge [sflag:s17], $0x800  }
0x32e: {  	[sflag:s17] =	ssyncset.done $0x0  }
0x32f: {  	[sflag:s17] =	ssyncadd.s32 $0xFFFFF800  }
0x330: {  	_ =	swait.ge [sflag:s6], $0x800  }
0x331: {  	[sflag:s6] =	ssyncset.done $0x0  }
0x332: {  	[sflag:s6] =	ssyncadd.s32 $0xFFFFF800  }
0x333: {  	_ =	swait.ge [sflag:s6], $0x800  }
0x334: {  	[sflag:s6] =	ssyncset.done $0x0  }
0x335: {  	[sflag:s6] =	ssyncadd.s32 $0xFFFFF800  }
0x336: {  	_ =	swait.ge [sflag:s7], $0x800  }
0x337: {  	[sflag:s7] =	ssyncset.done $0x0  }
0x338: {  	[sflag:s7] =	ssyncadd.s32 $0xFFFFF800  }
0x339: {  	_ =	swait.ge [sflag:s7], $0x800  }
0x33a: {  	[sflag:s7] =	ssyncset.done $0x0  }
0x33b: {  	[sflag:s7] =	ssyncadd.s32 $0xFFFFF800  }
0x33c: {  	[bflag:$0x0] =	sbarrier.arrive $0xFFFF  }
0x33d: {  	s5 =	rddreg [dreg:$0xa]  }
0x33e: {  	s3 =	simm.s32 @p0 $0x1FC9;
	s9 =	rddreg [dreg:$0xc];
	s0 =	sadd.s32 @p0 $0x4920, s5  }
0x33f: {  	[hbm:s0], [sflag:s3] =	dma.local @p0 [spmem:s9], $0x500  }
0x340: {  	s0 =	simm.s32 @p0 $0x9  }
0x341: {  	_ =	swait.ge @p0 [sflag:s0], $0x500  }
0x342: {  	[sflag:s0] =	ssyncset.done @p0 $0x0;
	s10 =	rddreg [dreg:$0xe]  }
0x343: {  	[sflag:s0] =	ssyncadd.s32 @p0 $0xFFFFFB00;
	s0 =	rddreg [dreg:$0x4]  }
0x344: {  	s0 =	sadd.s32 @!p0 s0, s5;
	s5 =	rddreg [dreg:$0xd]  }
0x345: {  	[hbm:s0], [sflag:s5] =	dma.local @!p0 [spmem:s10], $0x4E0  }
0x346: {  	s0 =	simm.s32 @!p0 $0x9  }
0x347: {  	_ =	swait.ge @!p0 [sflag:s0], $0x4E0  }
0x348: {  	s8 =	sadd.s32 $0x1, s8;
	s15 =	rddreg [dreg:$0xb]  }
0x349: {  	p1 =	sne.s32 s8, s15  }
.Ltmp5:
0x34a: {  	_ = 	snop;
	(pc) =	sbr.rel @p1 .LBB2_1-.Ltmp5, $3  }
0x34b: {  	_ =	sdelay $0x1  }
0x34c: {  	[sflag:s0] =	ssyncset.done @!p0 $0x0  }
0x34d: {  	[sflag:s0] =	ssyncadd.s32 @!p0 $0xFFFFFB20  }
0x34e: {  	_ =	sfence.sel $0x180000  }
0x34f: {  	[bflag:$0x0] =	sbarrier.arrive $0xFFFF  }
0x350: {  	_ =	strace $0x9000004A  }
0x351: {  	s0 =	stileid.u32;
	[bflag:$0x2] =	sbarrier.arrive $0xFFFF  }
0x352: {  	p0 =	sne.s32 s0, $0x0;
	s0 =	rddreg [dreg:$0x3]  }
0x353: {  	s0 =	sadd.s32 @!p0 $0x100000, s0  }
0x354: {  	[sflag:s0] =	ssyncadd.tile.s32 @!p0 $0x1;
	_ =	shalt  }
.Lfunc_end2:
_tile_overlayer_lowered:
.L_overlay_start_2:
0x355: {  	(tag) =	ssettag $0x2  }
0x356: {  	s0 =	rddreg [dreg:$0x0];
	s2 =	stileid.u32  }
0x357: {  	s1 =	rddreg [dreg:$0x1];
	p0 =	sne.s32 s2, $0x0  }
0x358: {  	s3 =	rddreg [dreg:$0x2];
	[bflag:$0x3] =	sbarrier.arrive $0xFFFF;
	s2 =	simm.s32 @!p0 $0x1C09  }
0x359: {  	[timem:s3], [sflag:s2] =	dma.local @!p0 [hbm:s0], s1  }
0x35a: {  	s0 =	simm.s32 @!p0 $0x9  }
0x35b: {  	_ =	swait.ge @!p0 [sflag:s0], s1  }
0x35c: {  	s1 =	ssub.s32 @!p0 $0x0, s1;
	[sflag:s0] =	ssyncset.done @!p0 $0x0  }
0x35d: {  	[sflag:s0] =	ssyncadd.s32 @!p0 s1  }
0x35e: {  	[bflag:$0x3] =	sbarrier.arrive $0xFFFF  }
0x35f: {  	_ =	shalt  }

// kernel: kernel.14.cloned.1.call-start
scs
__scs_entry_jumppad:
0x0: {  	(pc) =	sbr.rel $0x88, $3  }
0x1: {  	(tag) =	ssettag $0x0;
	lr =	simm.s32 $0x1  }
0x2: {  	[smem:$0x3F9A] =	sst lr;
	_ =	strace $0xD0000000  }
0x3: {  	_ = 	snop  }
0x4: {  	_ = 	snop  }
0x5: {  	_ = 	snop  }
0x6: {  	_ = 	snop  }
0x7: {  	_ = 	snop  }
__scs_overlays_trampoline_lowered:
0x8: {  	[smem:$0x3FA9] =	sst s0  }
0x9: {  	[smem:$0x3FAA] =	sst s1  }
0xa: {  	[smem:$0x3FAB] =	sst s2  }
0xb: {  	[smem:$0x3FAC] =	sst s3  }
0xc: {  	[smem:$0x3FAD] =	sst s4  }
0xd: {  	[smem:$0x3FAE] =	sst s5  }
0xe: {  	[smem:$0x3FAF] =	sst s6  }
0xf: {  	[smem:$0x3FB0] =	sst s7  }
0x10: {  	[smem:$0x3FB1] =	sst s8  }
0x11: {  	[smem:$0x3FB2] =	sst s9;
	s0 =	simm.s32 @!p0 $0x0  }
0x12: {  	s1 =	sld [smem:$0x3F98];
	s0 =	simm.s32 @p0 $0x1  }
0x13: {  	[smem:$0x3FB3] =	sst s0;
	s0 =	simm.s32 @!p1 $0x0  }
0x14: {  	s2 =	sld [smem:$0x3F97];
	s0 =	simm.s32 @p1 $0x1  }
0x15: {  	[smem:$0x3FB4] =	sst s0;
	s0 =	simm.s32 @!p2 $0x0  }
0x16: {  	s3 =	sld [smem:$0x3FDB];
	s0 =	simm.s32 @p2 $0x1  }
0x17: {  	s4 =	simm.s32 $0x1BF5;
	[smem:$0x3FB6] =	sst s0  }
0x18: {  	s0 =	sld [smem:$0x3F99];
	_ =	swait.ge [sflag:s4], $0x0  }
0x19: {  	s7 =	sld [smem:$0x3F9A]  }
0x1a: {  	s8 =	sadd.s32 $0xFFFFE003, lr  }
0x1b: {  	s9 =	sadd.s32 $0xFFFFFEF7, lr;
	s5 =	simm.s32 $0xFFFFFFFF;
	p2 =	slt.u32 s8, $0xFFFFF086  }
0x1c: {  	p1 =	slt.u32 s9, $0xF7A;
	s5 =	simm.s32 @!p2 $0x0  }
0x1d: {  	s5 =	simm.s32 @p1 $0x1;
	p0 =	seq.s32 s7, s2  }
0x1e: {  	s7 =	smul.u32 @!p0 $0xF7A, s2;
	p2 =	seq.s32 @!p0 s5, $0x0  }
0x1f: {  	s9 =	smul.u32 $0xF7A, s1;
	s8 =	simm.s32 @!p0 $0x1BF5;
	p2 =	por !p2, p0  }
0x20: {  	[sflag:s8] =	ssyncset.s32 @!p0 $0xFFFFF086;
	s6 =	sadd.s32 @!p0 s3, s7;
	s7 =	simm.s32 @!p0 $0x108  }
0x21: {  	s3 =	sadd.s32 s3, s9;
	s6 =	sadd.s32 @!p0 $0x88, s6;
	s7 =	simm.s32 @p2 $0x1082  }
0x22: {  	[simem:s7], [sflag:s8] =	dma.local @!p0 [hbm:s6], $0xF7A  }
0x23: {  	s9 =	sor.u32 $0xD0000000, s2;
	s6 =	simm.s32 $0x108;
	_ =	swait.ge @!p0 [sflag:s8], $0x0  }
0x24: {  	s3 =	sadd.s32 $0x88, s3;
	s6 =	simm.s32 @!p1 $0x1082;
	[sflag:s4] =	ssyncset.s32 $0xFFFFF086  }
0x25: {  	[simem:s6], [sflag:s4] =	dma.local [hbm:s3], $0xF7A  }
0x26: {  	[smem:$0x3F9A] =	sst s1;
	(tag) =	ssettag s2;
	_ =	strace s9  }
0x27: {  	s1 =	sld [smem:$0x3FAA]  }
0x28: {  	s2 =	sld [smem:$0x3FAB]  }
0x29: {  	s4 =	sld [smem:$0x3FAD]  }
0x2a: {  	p0 =	seq.s32 s5, $0x0;
	s5 =	sld [smem:$0x3FAE]  }
0x2b: {  	s6 =	sld [smem:$0x3FAF]  }
0x2c: {  	s7 =	sld [smem:$0x3FB0]  }
0x2d: {  	s3 =	simm.s32 $0x108;
	s8 =	sld [smem:$0x3FB1]  }
0x2e: {  	s3 =	simm.s32 @!p0 $0x1082;
	s9 =	sld [smem:$0x3FB2]  }
0x2f: {  	lr =	sadd.s32 s0, s3;
	s0 =	sld [smem:$0x3FA9]  }
0x30: {  	s3 =	sld [smem:$0x3FAC]  }
0x31: {  	[smem:$0x3FB5] =	sst s10  }
0x32: {  	s10 =	sld [smem:$0x3FB3];
	_ =	sdelay $0x3  }
0x33: {  	p0 =	seq.s32 s10, $0x1;
	s10 =	sld [smem:$0x3FB5];
	_ =	sdelay $0x3  }
0x34: {  	[smem:$0x3FB5] =	sst s10  }
0x35: {  	s10 =	sld [smem:$0x3FB4];
	_ =	sdelay $0x3  }
0x36: {  	p1 =	seq.s32 s10, $0x1;
	s10 =	sld [smem:$0x3FB5];
	_ =	sdelay $0x3  }
0x37: {  	[smem:$0x3FB5] =	sst s10  }
0x38: {  	s10 =	sld [smem:$0x3FB6]  }
0x39: {  	_ = 	snop;
	(pc) =	sbr.ind lr, $3  }
0x3a: {  	_ = 	snop  }
0x3b: {  	_ = 	snop  }
0x3c: {  	p2 =	seq.s32 s10, $0x1;
	s10 =	sld [smem:$0x3FB5]  }
0x3d: {  	_ =	shalt  }
0x3e: {  	_ =	shalt  }
0x3f: {  	_ =	shalt  }
0x40: {  	_ =	shalt  }
0x41: {  	_ =	shalt  }
0x42: {  	_ =	shalt  }
0x43: {  	_ =	shalt  }
0x44: {  	_ =	shalt  }
0x45: {  	_ =	shalt  }
0x46: {  	_ =	shalt  }
0x47: {  	_ =	shalt  }
0x48: {  	_ =	shalt  }
0x49: {  	_ =	shalt  }
0x4a: {  	_ =	shalt  }
0x4b: {  	_ =	shalt  }
0x4c: {  	_ =	shalt  }
0x4d: {  	_ =	shalt  }
0x4e: {  	_ =	shalt  }
0x4f: {  	_ =	shalt  }
0x50: {  	_ =	shalt  }
0x51: {  	_ =	shalt  }
0x52: {  	_ =	shalt  }
0x53: {  	_ =	shalt  }
0x54: {  	_ =	shalt  }
0x55: {  	_ =	shalt  }
0x56: {  	_ =	shalt  }
0x57: {  	_ =	shalt  }
0x58: {  	_ =	shalt  }
0x59: {  	_ =	shalt  }
0x5a: {  	_ =	shalt  }
0x5b: {  	_ =	shalt  }
0x5c: {  	_ =	shalt  }
0x5d: {  	_ =	shalt  }
0x5e: {  	_ =	shalt  }
0x5f: {  	_ =	shalt  }
0x60: {  	_ =	shalt  }
0x61: {  	_ =	shalt  }
0x62: {  	_ =	shalt  }
0x63: {  	_ =	shalt  }
0x64: {  	_ =	shalt  }
0x65: {  	_ =	shalt  }
0x66: {  	_ =	shalt  }
0x67: {  	_ =	shalt  }
0x68: {  	_ =	shalt  }
0x69: {  	_ =	shalt  }
0x6a: {  	_ =	shalt  }
0x6b: {  	_ =	shalt  }
0x6c: {  	_ =	shalt  }
0x6d: {  	_ =	shalt  }
0x6e: {  	_ =	shalt  }
0x6f: {  	_ =	shalt  }
0x70: {  	_ =	shalt  }
0x71: {  	_ =	shalt  }
0x72: {  	_ =	shalt  }
0x73: {  	_ =	shalt  }
0x74: {  	_ =	shalt  }
0x75: {  	_ =	shalt  }
0x76: {  	_ =	shalt  }
0x77: {  	_ =	shalt  }
0x78: {  	_ =	shalt  }
0x79: {  	_ =	shalt  }
0x7a: {  	_ =	shalt  }
0x7b: {  	_ =	shalt  }
0x7c: {  	_ =	shalt  }
0x7d: {  	_ =	shalt  }
0x7e: {  	_ =	shalt  }
0x7f: {  	_ =	shalt  }
0x80: {  	_ =	shalt  }
0x81: {  	_ =	shalt  }
0x82: {  	_ =	shalt  }
0x83: {  	_ =	shalt  }
0x84: {  	_ =	shalt  }
0x85: {  	_ =	shalt  }
0x86: {  	_ =	shalt  }
0x87: {  	_ =	shalt  }
.Lfunc_end0:
.L_simem_size_0:
called_computation.2_lowered:
.L_overlay_start_0:
0x88: {  	s2 =	sld [smem:$0x3FD9]  }
0x89: {  	s3 =	sld [smem:$0x3FFE];
	_ =	sdelay $0x1  }
0x8a: {  	s1 =	srdreg.scid  }
0x8b: {  	s0 =	sand.u32 $0x1, s1  }
0x8c: {  	s17 =	sshll.u32 s0, $0xA;
	s2 =	sadd.s32 s3, s2  }
0x8d: {  	s2 =	sadd.s32 s2, s17  }
0x8e: {  	[smem:$0x3FC1] =	sst s2  }
0x8f: {  	_ = 	snop  }
0x90: {  	s2 =	sld [smem:$0x3FD0];
	(tm) =	ssettm $0x1  }
0x91: {  	s18 =	sld [smem:$0x3FFB];
	_ =	sdelay $0x3  }
0x92: {  	_ =	strace s18  }
0x93: {  	s3 =	sld [smem:$0x3FFC];
	_ =	sdelay $0x3  }
0x94: {  	_ =	strace s3  }
0x95: {  	s3 =	sld [smem:$0x3FFD];
	_ =	sdelay $0x3  }
0x96: {  	_ =	strace s3  }
0x97: {  	_ =	strace $0x8FFFFFFF  }
0x98: {  	s19 =	sld [smem:$0x3FDB];
	_ =	sdelay $0x1  }
0x99: {  	s4 =	simm.s32 $_scs_section_size  }
0x9a: {  	s5 =	simm.s32 $_size__tile_overlayer_lowered;
	s6 =	simm.s32 $_tile_overlayer_lowered  }
0x9b: {  	s22 =	simm.s32 $0x1BFF;
	s21 =	sshll.u32 s6, $0x1;
	s3 =	sadd.s32 s4, s19  }
0x9c: {  	s7 =	simm.s32 $0x0;
	s20 =	sshll.u32 s5, $0x1;
	s5 =	sadd.s32 s21, s3  }
0x9d: {  	[timem:s7], [sflag:s22] =	dma.local [hbm:s5], s20  }
0x9e: {  	_ =	swait.ge [sflag:s22], s20  }
0x9f: {  	s4 =	ssub.s32 $0x0, s20;
	[sflag:s22] =	ssyncset.done $0x0  }
0xa0: {  	[sflag:s22] =	ssyncadd.s32 s4;
	_ =	sdelay $0x1  }
0xa1: {  	s23 =	simm.s32 $0x1B8B  }
0xa2: {  	_ =	swait.ge [sflag:s23], $0x1  }
0xa3: {  	[sflag:s23] =	ssyncset.done $0x0  }
0xa4: {  	s25 =	simm.s32 $0x1B8E;
	s24 =	sld [smem:$0x3FFE];
	[sflag:s23] =	ssyncadd.s32 $0xFFFFFFFF  }
0xa5: {  	s26 =	simm.s32 $execute0_lowered;
	[smem:$0x3FD2] =	sst s25  }
0xa6: {  	s5 =	sshll.u32 s26, $0x1;
	_ =	strace $0x8000004C;
	[dreg:$0x1] =	wrdreg $0xFFFFFFFF  }
0xa7: {  	s28 =	simm.s32 $_size_execute0_lowered;
	s3 =	sadd.s32 s3, s5;
	[dreg:$0x0] =	wrdreg $0x0  }
0xa8: {  	s5 =	sshll.u32 s28, $0x1;
	[dreg:$0x2] =	wrdreg s3  }
0xa9: {  	[dreg:$0x3] =	wrdreg s5  }
0xaa: {  	[dreg:$0x4] =	wrdreg $0xC0  }
0xab: {  	_ =	task [dreg:s7], $0x5FFFF  }
0xac: {  	[dreg:$0x1] =	wrdreg $0xFFFFFFFF  }
0xad: {  	[dreg:$0x0] =	wrdreg $0x60  }
0xae: {  	[dreg:$0x2] =	wrdreg s24  }
0xaf: {  	[dreg:$0x3] =	wrdreg s2  }
0xb0: {  	[dreg:$0x4] =	wrdreg $0x138000  }
0xb1: {  	[dreg:$0x5] =	wrdreg $0x9  }
0xb2: {  	_ =	task.clear_ibuf [dreg:s7], $0x6FFFF;
	_ =	strace $0x9000004C  }
0xb3: {  	s29 =	simm.s32 $0x9;
	_ =	strace $0x8000004E  }
0xb4: {  	_ =	swait.ge [sflag:s29], $0x1  }
0xb5: {  	[sflag:s29] =	ssyncadd.s32 $0xFFFFFFFF  }
0xb6: {  	_ =	strace $0x9000004E  }
0xb7: {  	_ =	sfence  }
0xb8: {  	s30 =	sld [smem:$0x0];
	_ =	sdelay $0x2  }
0xb9: {  	s31 =	sshll.u32 s1, $0xD;
	s1 =	sshrl.u32 s1, $0x2  }
0xba: {  	s3 =	sand.u32 $0x4000, s31;
	s1 =	sadd.s32 s1, s30  }
0xbb: {  	s0 =	sor.u32 s3, s0;
	s1 =	sshll.u32 s1, $0x11  }
0xbc: {  	s0 =	sor.u32 s1, s0  }
0xbd: {  	s0 =	sadd.s32 $0x8F2B, s0  }
0xbe: {  	[sflag:s0] =	ssyncadd.remote.s32 $0x1  }
0xbf: {  	_ =	sfence.sel $0xFFFF  }
0xc0: {  	[dreg:$0x0] =	wrdreg $0xFFFFFFFF;
	(pc) =	sbr.abs _section_cstart, $3  }
0xc1: {  	[dreg:$0x1] =	wrdreg $0xFFFFFFFF  }
0xc2: {  	_ =	task.clear_ibuf [dreg:s7], $0x2FFFF;
	_ =	strace $0x9FFFFFFF  }
0xc3: {  	(tm) =	ssettm $0x7FFFFFFF  }
tec
execute0_lowered:
.L_overlay_start_1:
0x0: {  	(tag) =	ssettag $0x1  }
0x1: {  	s1 =	rddreg [dreg:$0x0]  }
0x2: {  	s0 =	srdreg.scid;
	s3 =	rddreg [dreg:$0x1]  }
0x3: {  	s11 =	stileid.u32;
	s2 =	rddreg [dreg:$0x2]  }
0x4: {  	s6 =	simm.s32 $0x0;
	s16 =	simm.s32 $0x9;
	s18 =	simm.s32 $0x5000  }
0x5: {  	s19 =	simm.s32 $0x80;
	s20 =	simm.s32 $0x7800;
	s21 =	simm.s32 $0x9000  }
0x6: {  	s28 =	simm.s32 $0x2;
	s29 =	simm.s32 $0x10800;
	s30 =	simm.s32 $0x12000  }
0x7: {  	s31 =	simm.s32 $0x3;
	s0 =	sand.u32 $0x1, s0;
	[smem:$0x7FF] =	sst s6  }
0x8: {  	s22 =	smul.u32 $0x7500, s11;
	p0 =	seq.s32 s11, $0xF;
	s4 =	sshll.u32 s0, $0x4  }
0x9: {  	_ =	strace $0x8000004D;
	s7 =	smul.u32 $0xEA60, s0;
	s0 =	ssub.s32 $0x2, s0  }
0xa: {  	s4 =	sor.u32 s11, s4;
	s9 =	sshrl.u32 s22, $0x3;
	s10 =	sshrl.u32 s0, $0x1  }
0xb: {  	s6 =	sadd.s32 s22, s2;
	s22 =	simm.s32 $0xA800;
	s5 =	smul.u32 $0x500, s4  }
0xc: {  	s4 =	sadd.s32 $0x15A00, s1;
	[dreg:$0x4] =	wrdreg s9;
	s9 =	sadd.s32 s9, s1  }
0xd: {  	s7 =	sadd.s32 s7, s1;
	s0 =	ssub.s32 s0, s10;
	s10 =	sshrl.u32 @!p0 s6, $0x3  }
0xe: {  	s6 =	simm.s32 $0x6;
	s9 =	sadd.s32 $0x24600, s9;
	[dreg:$0xe] =	wrdreg s10  }
0xf: {  	s26 =	sadd.s32 $0x33200, s7;
	s0 =	smax.u32 s0, $0x1;
	[dreg:$0x5] =	wrdreg s9  }
0x10: {  	s7 =	simm.s32 $0x5;
	s8 =	sadd.s32 s5, s1;
	[dreg:$0xa] =	wrdreg s26  }
0x11: {  	s9 =	sadd.s32 $0x6DB00, s2;
	s1 =	sadd.s32 $0x32160, s1;
	[dreg:$0xb] =	wrdreg s0  }
0x12: {  	s23 =	sadd.s32 s3, s5;
	s0 =	sshll.u32 @!p0 s11, $0x6;
	[dreg:$0x6] =	wrdreg s1  }
0x13: {  	s26 =	simm.s32 $0xF000;
	[dreg:$0x7] =	wrdreg s23;
	s24 =	sadd.s32 $0xBA00, s8  }
0x14: {  	s25 =	sadd.s32 $0x1A00, s8;
	s9 =	sshrl.u32 @p0 s9, $0x3;
	[dreg:$0x8] =	wrdreg s24  }
0x15: {  	s5 =	sor.u32 @!p0 $0x1C09, s0;
	s23 =	simm.s32 $0xC000;
	[dreg:$0x9] =	wrdreg s25  }
0x16: {  	v0 =	vimm.s32 $0x0;
	vm0 =	vcmask $0x300;
	s1 =	simm.s32 $0x4;
	s8 =	simm.s32 $0x0;
	[dreg:$0xc] =	wrdreg s9  }
0x17: {  	v0 =	vsel vm0, $0x3, v0;
	s24 =	simm.s32 $0x1;
	s25 =	simm.s32 $0xD800;
	[dreg:$0xd] =	wrdreg s5  }
.LBB2_1:
0x18: {  	s0 =	simm.s32 @p0 $0x1FC9;
	s3 =	rddreg [dreg:$0x6]  }
0x19: {  	[spmem:s9], [sflag:s0] =	dma.local @p0 [hbm:s3], $0xF00  }
0x1a: {  	s0 =	simm.s32 @p0 $0x9  }
0x1b: {  	_ =	swait.ge @p0 [sflag:s0], $0xF00  }
0x1c: {  	[sflag:s0] =	ssyncset.done @p0 $0x0  }
0x1d: {  	[sflag:s0] =	ssyncadd.s32 @p0 $0xFFFFF100;
	s0 =	rddreg [dreg:$0x5]  }
0x1e: {  	[spmem:s10], [sflag:s5] =	dma.local @!p0 [hbm:s0], $0xEA0  }
0x1f: {  	s0 =	simm.s32 @!p0 $0x9  }
0x20: {  	_ =	swait.ge @!p0 [sflag:s0], $0xEA0  }
0x21: {  	[sflag:s0] =	ssyncset.done @!p0 $0x0  }
0x22: {  	s12 =	simm.s32 $0x0;
	s13 =	rddreg [dreg:$0x7];
	[sflag:s0] =	ssyncadd.s32 @!p0 $0xFFFFF160  }
0x23: {  	[tilespmem:s12], [sflag:$0x9] =	stream.linear.gather [hbm4b:s13+s12], $0x2800, $0x38;
	[tilespmem:$0x1AD30] =	vst v63  }
0x24: {  	_ =	swait.ge [sflag:s16], $0x2800  }
0x25: {  	[sflag:s16] =	ssyncset.done $0x0  }
0x26: {  	s15 =	simm.s32 $0x2800;
	s14 =	rddreg [dreg:$0x8];
	[sflag:s16] =	ssyncadd.s32 $0xFFFFD800  }
0x27: {  	[tilespmem:s15], [sflag:$0x9] =	stream.linear.gather [hbm4b:s14+s12], $0x2800, $0x38;
	[tilespmem:$0x1AD30] =	vst v63  }
0x28: {  	_ =	swait.ge [sflag:s16], $0x2800  }
0x29: {  	[sflag:s16] =	ssyncset.done $0x0  }
0x2a: {  	s17 =	rddreg [dreg:$0x9];
	[sflag:s16] =	ssyncadd.s32 $0xFFFFD800  }
0x2b: {  	[tilespmem:s18], [sflag:$0x9] =	stream.linear.gather [hbm4b:s17+s12], $0x2800, $0x38;
	[tilespmem:$0x1AD30] =	vst v63  }
0x2c: {  	_ =	swait.ge [sflag:s16], $0x2800  }
0x2d: {  	[sflag:s16] =	ssyncset.done $0x0  }
0x2e: {  	[sflag:s16] =	ssyncadd.s32 $0xFFFFD800  }
0x2f: {  	[bflag:$0x0] =	sbarrier.arrive $0xFFFF  }
0x30: {  	[tilespmem:s20], [sflag:$0x1] =	stream.indirect.gather [hbm4b:s4+s19], $0x30, s12, s19, $0xb8;
	[tilespmem:$0x1AD30] =	vst v63  }
0x31: {  	s9 =	simm.s32 $0x0  }
0x32: {  	[tilespmem:s21], [sflag:$0x1] =	stream.indirect.gather [hbm4b:s4+s19], $0x30, s19, s19, $0xb8;
	[tilespmem:$0x1AD30] =	vst v63  }
.LBB2_2:
0x33: {  	p1 =	seq.s32 s9, $0x0  }
0x34: {  	s0 =	simm.s32 @!p1 $0x6  }
0x35: {  	_ =	swait.ge @!p1 [sflag:s0], $0x1800  }
0x36: {  	[sflag:s0] =	ssyncset.done @!p1 $0x0  }
0x37: {  	s12 =	sshll.u32 s9, $0x2;
	[sflag:s0] =	ssyncadd.s32 @!p1 $0xFFFFE800  }
0x38: {  	s11 =	sor.u32 $0x1, s12;
	_ =	swait.ge @!p1 [sflag:s0], $0x1800  }
0x39: {  	s13 =	simm.s32 $0x0;
	s3 =	sshll.u32 s11, $0xA;
	[sflag:s0] =	ssyncset.done @!p1 $0x0  }
0x3a: {  	v1 =	vmov s13;
	s14 =	sshll.u32 s12, $0x8;
	s5 =	sshrl.u32 s3, $0x2;
	[sflag:s0] =	ssyncadd.s32 @!p1 $0xFFFFE800  }
0x3b: {  	v2 =	vshrl.u32 v1, $0x3;
	[tilespmem:s22], [sflag:$0x2] =	stream.indirect.gather [hbm4b:s4+s19], $0x30, s5, s19, $0xb8;
	[tilespmem:$0x1AD30] =	vst v63  }
0x3c: {  	v1 =	vmov s14;
	v2 =	vshll.u32 v2, v0;
	s3 =	sor.u32 $0x80, s5  }
0x3d: {  	v2 =	vadd.s32 v1, v2;
	[tilespmem:s23], [sflag:$0x2] =	stream.indirect.gather [hbm4b:s4+s19], $0x30, s3, s19, $0xb8;
	[tilespmem:$0x1AD30] =	vst v63  }
0x3e: {  	v2 =	vbroadcast v2, $0x0;
	_ =	swait.ge [sflag:s24], $0x1800  }
0x3f: {  	[sflag:s24] =	ssyncset.done $0x0  }
0x40: {  	[sflag:s24] =	ssyncadd.s32 $0xFFFFE800  }
0x41: {  	_ =	swait.ge [sflag:s24], $0x1800  }
0x42: {  	[sflag:s24] =	ssyncset.done $0x0  }
0x43: {  	[sflag:s24] =	ssyncadd.s32 $0xFFFFE800  }
0x44: {  	s15 =	simm.s32 $0x1;
	s3 =	simm.s32 $0x78C0;
	v3 =	vld.idx.msk [tilespmem:v2+s18+$0x0], $0xffff  }
0x45: {  	v4 =	vld [tilespmem:s3+$0xFFFFFF40];
	v2 =	vmov s15  }
0x46: {  	v5 =	vld [tilespmem:s3+$0xFFFFFF60];
	v6 =	vshrl.u32 v2, $0x3  }
0x47: {  	v7 =	vld [tilespmem:s3+$0xFFFFFF50];
	v2 =	vor.u32 $0x1, v1;
	v6 =	vshll.u32 v6, v0  }
0x48: {  	v6 =	vadd.s32 v6, v2  }
0x49: {  	v6 =	vbroadcast v6, $0x0  }
0x4a: {  	v4 =	vmul.f32 v4, v3  }
0x4b: {  	v5 =	vmul.f32 v5, v3  }
0x4c: {  	v3 =	vmul.f32 v7, v3;
	[tilespmem:s3+$0xFFFFFF40] =	vst v4  }
0x4d: {  	[tilespmem:s3+$0xFFFFFF60] =	vst v5  }
0x4e: {  	s17 =	simm.s32 $0x2;
	[tilespmem:s3+$0xFFFFFF50] =	vst v3;
	v5 =	vld [tilespmem:s3+$0xFFFFFF70]  }
0x4f: {  	v3 =	vmov s17;
	v4 =	vld.idx.msk [tilespmem:v6+s18+$0x0], $0xffff  }
0x50: {  	v7 =	vshrl.u32 v3, $0x3;
	v6 =	vld [tilespmem:s3+$0xFFFFFF80]  }
0x51: {  	v8 =	vld [tilespmem:s3+$0xFFFFFF90];
	v3 =	vor.u32 $0x2, v1;
	v7 =	vshll.u32 v7, v0  }
0x52: {  	v7 =	vadd.s32 v7, v3  }
0x53: {  	v7 =	vbroadcast v7, $0x0  }
0x54: {  	v5 =	vmul.f32 v5, v4  }
0x55: {  	v6 =	vmul.f32 v6, v4  }
0x56: {  	v4 =	vmul.f32 v8, v4;
	[tilespmem:s3+$0xFFFFFF70] =	vst v5  }
0x57: {  	[tilespmem:s3+$0xFFFFFF80] =	vst v6  }
0x58: {  	s10 =	simm.s32 $0x3;
	[tilespmem:s3+$0xFFFFFF90] =	vst v4;
	v6 =	vld [tilespmem:s3+$0xFFFFFFA0]  }
0x59: {  	v4 =	vmov s10;
	v5 =	vld.idx.msk [tilespmem:v7+s18+$0x0], $0xffff  }
0x5a: {  	v7 =	vld [tilespmem:s3+$0xFFFFFFB0];
	v8 =	vshrl.u32 v4, $0x3  }
0x5b: {  	v9 =	vld [tilespmem:s3+$0xFFFFFFC0];
	v4 =	vor.u32 $0x3, v1;
	v8 =	vshll.u32 v8, v0  }
0x5c: {  	v8 =	vadd.s32 v8, v4  }
0x5d: {  	v8 =	vbroadcast v8, $0x0  }
0x5e: {  	v6 =	vmul.f32 v6, v5  }
0x5f: {  	v7 =	vmul.f32 v7, v5  }
0x60: {  	v5 =	vmul.f32 v9, v5;
	[tilespmem:s3+$0xFFFFFFA0] =	vst v6  }
0x61: {  	[tilespmem:s3+$0xFFFFFFB0] =	vst v7  }
0x62: {  	s13 =	simm.s32 $0x4;
	[tilespmem:s3+$0xFFFFFFC0] =	vst v5;
	v7 =	vld [tilespmem:s3+$0xFFFFFFD0]  }
0x63: {  	v5 =	vmov s13;
	v6 =	vld.idx.msk [tilespmem:v8+s18+$0x0], $0xffff  }
0x64: {  	v9 =	vshrl.u32 v5, $0x3;
	v8 =	vld [tilespmem:s3+$0xFFFFFFE0]  }
0x65: {  	v10 =	vld [tilespmem:s3+$0xFFFFFFF0];
	v5 =	vor.u32 $0x4, v1;
	v9 =	vshll.u32 v9, v0  }
0x66: {  	v9 =	vadd.s32 v9, v5  }
0x67: {  	v9 =	vbroadcast v9, $0x0  }
0x68: {  	v7 =	vmul.f32 v7, v6  }
0x69: {  	v8 =	vmul.f32 v8, v6  }
0x6a: {  	v6 =	vmul.f32 v10, v6;
	[tilespmem:s3+$0xFFFFFFD0] =	vst v7  }
0x6b: {  	[tilespmem:s3+$0xFFFFFFE0] =	vst v8  }
0x6c: {  	s14 =	simm.s32 $0x5;
	[tilespmem:s3+$0xFFFFFFF0] =	vst v6;
	v8 =	vld [tilespmem:s3+$0x0]  }
0x6d: {  	v6 =	vmov s14;
	v7 =	vld.idx.msk [tilespmem:v9+s18+$0x0], $0xffff  }
0x6e: {  	v9 =	vld [tilespmem:s3+$0x20];
	v10 =	vshrl.u32 v6, $0x3  }
0x6f: {  	v11 =	vld [tilespmem:s3+$0x10];
	v6 =	vor.u32 $0x5, v1;
	v10 =	vshll.u32 v10, v0  }
0x70: {  	v10 =	vadd.s32 v10, v6  }
0x71: {  	v10 =	vbroadcast v10, $0x0  }
0x72: {  	v8 =	vmul.f32 v8, v7  }
0x73: {  	v9 =	vmul.f32 v9, v7  }
0x74: {  	v7 =	vmul.f32 v11, v7;
	[tilespmem:s3+$0x0] =	vst v8  }
0x75: {  	[tilespmem:s3+$0x20] =	vst v9  }
0x76: {  	s15 =	simm.s32 $0x6;
	[tilespmem:s3+$0x10] =	vst v7;
	v9 =	vld [tilespmem:s3+$0x30]  }
0x77: {  	v7 =	vmov s15;
	v8 =	vld.idx.msk [tilespmem:v10+s18+$0x0], $0xffff  }
0x78: {  	v12 =	vshrl.u32 v7, $0x3;
	v10 =	vld [tilespmem:s3+$0x50]  }
0x79: {  	v11 =	vld [tilespmem:s3+$0x40];
	v7 =	vor.u32 $0x6, v1;
	v12 =	vshll.u32 v12, v0  }
0x7a: {  	v12 =	vadd.s32 v12, v7  }
0x7b: {  	v12 =	vbroadcast v12, $0x0  }
0x7c: {  	v9 =	vmul.f32 v9, v8  }
0x7d: {  	v10 =	vmul.f32 v10, v8  }
0x7e: {  	v8 =	vmul.f32 v11, v8;
	[tilespmem:s3+$0x30] =	vst v9  }
0x7f: {  	s17 =	simm.s32 $0x7;
	v11 =	vld [tilespmem:s3+$0x70];
	[tilespmem:s3+$0x50] =	vst v10  }
0x80: {  	[tilespmem:s3+$0x40] =	vst v8;
	v10 =	vld [tilespmem:s3+$0x60];
	v8 =	vmov s17  }
0x81: {  	v9 =	vld.idx.msk [tilespmem:v12+s18+$0x0], $0xffff;
	v12 =	vshrl.u32 v8, $0x3  }
0x82: {  	v8 =	vor.u32 $0x7, v1;
	v13 =	vshll.u32 v12, v0;
	v12 =	vld [tilespmem:s3+$0x80]  }
0x83: {  	s10 =	simm.s32 $0x8;
	s13 =	simm.s32 $0x78C0;
	v13 =	vadd.s32 v13, v8  }
.LBB2_3:
0x84: {  	p2 =	slt.u32 s10, $0xF8  }
0x85: {  	v13 =	vbroadcast v13, $0x0;
	s3 =	sadd.s32 $0x180, s3;
	s14 =	smov.u32 s10;
	s10 =	sadd.s32 $0x8, s10  }
0x86: {  	v10 =	vmul.f32 v10, v9;
	v11 =	vmul.f32 v11, v9  }
0x87: {  	v9 =	vmul.f32 v12, v9  }
0x88: {  	[tilespmem:s13+$0x60] =	vst v10  }
0x89: {  	[tilespmem:s13+$0x80] =	vst v9  }
0x8a: {  	[tilespmem:s13+$0x70] =	vst v11;
	v9 =	vld [tilespmem:s13+$0x90]  }
0x8b: {  	v10 =	vld.idx.msk [tilespmem:v13+s18+$0x0], $0xffff  }
0x8c: {  	v11 =	vmov s14;
	v12 =	vld [tilespmem:s13+$0xA0]  }
0x8d: {  	v11 =	vshrl.u32 v11, $0x3;
	v13 =	vld [tilespmem:s13+$0xB0]  }
0x8e: {  	v11 =	vshll.u32 v11, v0  }
0x8f: {  	v11 =	vadd.s32 v1, v11  }
0x90: {  	v11 =	vbroadcast v11, $0x0  }
0x91: {  	v9 =	vmul.f32 v9, v10;
	v12 =	vmul.f32 v12, v10  }
0x92: {  	v10 =	vmul.f32 v13, v10  }
0x93: {  	[tilespmem:s13+$0x90] =	vst v9  }
0x94: {  	[tilespmem:s13+$0xA0] =	vst v12  }
0x95: {  	v9 =	vld [tilespmem:s3+$0xFFFFFF50];
	[tilespmem:s13+$0xB0] =	vst v10;
	s13 =	smov.u32 s3  }
0x96: {  	s0 =	sadd.s32 $0x1, s14;
	v10 =	vld.idx.msk [tilespmem:v11+s18+$0x0], $0xffff  }
0x97: {  	v12 =	vmov s0;
	v11 =	vld [tilespmem:s3+$0xFFFFFF40]  }
0x98: {  	v12 =	vshrl.u32 v12, $0x3;
	v13 =	vld [tilespmem:s3+$0xFFFFFF60]  }
0x99: {  	v12 =	vshll.u32 v12, v0  }
0x9a: {  	v12 =	vadd.s32 v12, v2  }
0x9b: {  	v12 =	vbroadcast v12, $0x0  }
0x9c: {  	v9 =	vmul.f32 v9, v10;
	v11 =	vmul.f32 v11, v10  }
0x9d: {  	v10 =	vmul.f32 v13, v10  }
0x9e: {  	[tilespmem:s3+$0xFFFFFF40] =	vst v11  }
0x9f: {  	[tilespmem:s3+$0xFFFFFF60] =	vst v10  }
0xa0: {  	[tilespmem:s3+$0xFFFFFF50] =	vst v9;
	v9 =	vld [tilespmem:s3+$0xFFFFFF80]  }
0xa1: {  	s0 =	sadd.s32 $0x2, s14;
	v10 =	vld.idx.msk [tilespmem:v12+s18+$0x0], $0xffff  }
0xa2: {  	v12 =	vmov s0;
	v11 =	vld [tilespmem:s3+$0xFFFFFF70]  }
0xa3: {  	v12 =	vshrl.u32 v12, $0x3;
	v13 =	vld [tilespmem:s3+$0xFFFFFF90]  }
0xa4: {  	v12 =	vshll.u32 v12, v0  }
0xa5: {  	v12 =	vadd.s32 v12, v3  }
0xa6: {  	v12 =	vbroadcast v12, $0x0  }
0xa7: {  	v9 =	vmul.f32 v9, v10;
	v11 =	vmul.f32 v11, v10  }
0xa8: {  	v10 =	vmul.f32 v13, v10  }
0xa9: {  	[tilespmem:s3+$0xFFFFFF70] =	vst v11  }
0xaa: {  	[tilespmem:s3+$0xFFFFFF80] =	vst v9  }
0xab: {  	[tilespmem:s3+$0xFFFFFF90] =	vst v10;
	v9 =	vld [tilespmem:s3+$0xFFFFFFB0]  }
0xac: {  	s0 =	sadd.s32 $0x3, s14;
	v10 =	vld.idx.msk [tilespmem:v12+s18+$0x0], $0xffff  }
0xad: {  	v12 =	vmov s0;
	v11 =	vld [tilespmem:s3+$0xFFFFFFA0]  }
0xae: {  	v12 =	vshrl.u32 v12, $0x3;
	v13 =	vld [tilespmem:s3+$0xFFFFFFC0]  }
0xaf: {  	v12 =	vshll.u32 v12, v0  }
0xb0: {  	v12 =	vadd.s32 v12, v4  }
0xb1: {  	v12 =	vbroadcast v12, $0x0  }
0xb2: {  	v9 =	vmul.f32 v9, v10;
	v11 =	vmul.f32 v11, v10  }
0xb3: {  	v10 =	vmul.f32 v13, v10  }
0xb4: {  	[tilespmem:s3+$0xFFFFFFA0] =	vst v11  }
0xb5: {  	[tilespmem:s3+$0xFFFFFFB0] =	vst v9  }
0xb6: {  	[tilespmem:s3+$0xFFFFFFC0] =	vst v10;
	v9 =	vld [tilespmem:s3+$0xFFFFFFE0]  }
0xb7: {  	s0 =	sadd.s32 $0x4, s14;
	v10 =	vld.idx.msk [tilespmem:v12+s18+$0x0], $0xffff  }
0xb8: {  	v12 =	vmov s0;
	v11 =	vld [tilespmem:s3+$0xFFFFFFD0]  }
0xb9: {  	v12 =	vshrl.u32 v12, $0x3;
	v13 =	vld [tilespmem:s3+$0xFFFFFFF0]  }
0xba: {  	v12 =	vshll.u32 v12, v0  }
0xbb: {  	v12 =	vadd.s32 v12, v5  }
0xbc: {  	v12 =	vbroadcast v12, $0x0  }
0xbd: {  	v9 =	vmul.f32 v9, v10;
	v11 =	vmul.f32 v11, v10  }
0xbe: {  	v10 =	vmul.f32 v13, v10  }
0xbf: {  	[tilespmem:s3+$0xFFFFFFD0] =	vst v11  }
0xc0: {  	[tilespmem:s3+$0xFFFFFFE0] =	vst v9  }
0xc1: {  	[tilespmem:s3+$0xFFFFFFF0] =	vst v10;
	v9 =	vld [tilespmem:s3+$0x10]  }
0xc2: {  	s0 =	sadd.s32 $0x5, s14;
	v10 =	vld.idx.msk [tilespmem:v12+s18+$0x0], $0xffff  }
0xc3: {  	v12 =	vmov s0;
	v11 =	vld [tilespmem:s3+$0x0]  }
0xc4: {  	v12 =	vshrl.u32 v12, $0x3;
	v13 =	vld [tilespmem:s3+$0x20]  }
0xc5: {  	v12 =	vshll.u32 v12, v0  }
0xc6: {  	v12 =	vadd.s32 v12, v6  }
0xc7: {  	v12 =	vbroadcast v12, $0x0  }
0xc8: {  	v9 =	vmul.f32 v9, v10;
	v11 =	vmul.f32 v11, v10  }
0xc9: {  	v10 =	vmul.f32 v13, v10  }
0xca: {  	[tilespmem:s3+$0x0] =	vst v11  }
0xcb: {  	[tilespmem:s3+$0x20] =	vst v10  }
0xcc: {  	[tilespmem:s3+$0x10] =	vst v9;
	v9 =	vld [tilespmem:s3+$0x40]  }
0xcd: {  	s0 =	sadd.s32 $0x6, s14;
	v10 =	vld.idx.msk [tilespmem:v12+s18+$0x0], $0xffff  }
0xce: {  	v12 =	vmov s0;
	v11 =	vld [tilespmem:s3+$0x30]  }
0xcf: {  	v12 =	vshrl.u32 v12, $0x3;
	v13 =	vld [tilespmem:s3+$0x50]  }
0xd0: {  	v12 =	vshll.u32 v12, v0  }
0xd1: {  	v12 =	vadd.s32 v12, v7  }
0xd2: {  	v12 =	vbroadcast v12, $0x0  }
0xd3: {  	v9 =	vmul.f32 v9, v10;
	v11 =	vmul.f32 v11, v10  }
0xd4: {  	v10 =	vmul.f32 v13, v10  }
0xd5: {  	[tilespmem:s3+$0x30] =	vst v11  }
0xd6: {  	[tilespmem:s3+$0x50] =	vst v10  }
0xd7: {  	[tilespmem:s3+$0x40] =	vst v9;
	v10 =	vld [tilespmem:s3+$0x60]  }
.Ltmp0:
0xd8: {  	s0 =	sadd.s32 $0x7, s14;
	v9 =	vld.idx.msk [tilespmem:v12+s18+$0x0], $0xffff;
	(pc) =	sbr.rel @p2 .LBB2_3-.Ltmp0, $4  }
0xd9: {  	v13 =	vmov s0;
	v11 =	vld [tilespmem:s3+$0x70]  }
0xda: {  	v13 =	vshrl.u32 v13, $0x3;
	v12 =	vld [tilespmem:s3+$0x80]  }
0xdb: {  	v13 =	vshll.u32 v13, v0  }
0xdc: {  	v13 =	vadd.s32 v13, v8  }
0xdd: {  	v1 =	vbroadcast v13, $0x0  }
0xde: {  	v2 =	vmul.f32 v10, v9  }
0xdf: {  	v4 =	vmul.f32 v11, v9  }
0xe0: {  	v3 =	vmul.f32 v12, v9;
	[tilespmem:s13+$0x60] =	vst v2  }
0xe1: {  	[tilespmem:s13+$0x70] =	vst v4  }
0xe2: {  	v2 =	vld [tilespmem:s13+$0x90];
	[tilespmem:s13+$0x80] =	vst v3  }
0xe3: {  	v1 =	vld.idx.msk [tilespmem:v1+s18+$0x0], $0xffff  }
0xe4: {  	v3 =	vld [tilespmem:s13+$0xA0]  }
0xe5: {  	v4 =	vld [tilespmem:s13+$0xB0];
	_ =	sdelay $0x2  }
0xe6: {  	v2 =	vmul.f32 v2, v1  }
0xe7: {  	v3 =	vmul.f32 v3, v1  }
0xe8: {  	s10 =	sshll.u32 s9, $0xC;
	v1 =	vmul.f32 v4, v1;
	[tilespmem:s13+$0x90] =	vst v2  }
0xe9: {  	s0 =	sshrl.u32 s10, $0x2;
	[tilespmem:s13+$0xA0] =	vst v3  }
0xea: {  	s3 =	sadd.s32 $0x2800, s0;
	[tilespmem:s13+$0xB0] =	vst v1  }
0xeb: {  	[spmem:s2] =	stream.indirect.scatter.add.f32 [tilespmem:s20], [sflag:$0x5], $0x30, s3, s19, $0xb8;
	[tilespmem:$0x1AD30] =	vst v63  }
0xec: {  	s0 =	sadd.s32 $0x2880, s0  }
0xed: {  	[spmem:s2] =	stream.indirect.scatter.add.f32 [tilespmem:s21], [sflag:$0x5], $0x30, s0, s19, $0xb8;
	[tilespmem:$0x1AD30] =	vst v63  }
0xee: {  	s0 =	simm.s32 @!p1 $0x7  }
0xef: {  	_ =	swait.ge @!p1 [sflag:s0], $0x1800  }
0xf0: {  	[sflag:s0] =	ssyncset.done @!p1 $0x0  }
0xf1: {  	[sflag:s0] =	ssyncadd.s32 @!p1 $0xFFFFE800  }
0xf2: {  	s13 =	sor.u32 $0x2, s12;
	_ =	swait.ge @!p1 [sflag:s0], $0x1800  }
0xf3: {  	s17 =	simm.s32 $0x0;
	s15 =	sshll.u32 s13, $0xA;
	[sflag:s0] =	ssyncset.done @!p1 $0x0  }
0xf4: {  	s14 =	sshll.u32 s11, $0x8;
	v1 =	vmov s17;
	s3 =	sshrl.u32 s15, $0x2;
	[sflag:s0] =	ssyncadd.s32 @!p1 $0xFFFFE800  }
0xf5: {  	v2 =	vshrl.u32 v1, $0x3;
	[tilespmem:s25], [sflag:$0x3] =	stream.indirect.gather [hbm4b:s4+s19], $0x30, s3, s19, $0xb8;
	[tilespmem:$0x1AD30] =	vst v63  }
0xf6: {  	v1 =	vmov s14;
	v2 =	vshll.u32 v2, v0;
	s15 =	sor.u32 $0x80, s3  }
0xf7: {  	v2 =	vadd.s32 v1, v2;
	[tilespmem:s26], [sflag:$0x3] =	stream.indirect.gather [hbm4b:s4+s19], $0x30, s15, s19, $0xb8;
	[tilespmem:$0x1AD30] =	vst v63  }
0xf8: {  	v2 =	vbroadcast v2, $0x0;
	_ =	swait.ge [sflag:s28], $0x1800  }
0xf9: {  	[sflag:s28] =	ssyncset.done $0x0  }
0xfa: {  	[sflag:s28] =	ssyncadd.s32 $0xFFFFE800  }
0xfb: {  	_ =	swait.ge [sflag:s28], $0x1800  }
0xfc: {  	[sflag:s28] =	ssyncset.done $0x0  }
0xfd: {  	[sflag:s28] =	ssyncadd.s32 $0xFFFFE800  }
0xfe: {  	s11 =	simm.s32 $0xA8C0;
	s17 =	simm.s32 $0x1;
	v3 =	vld.idx.msk [tilespmem:v2+s18+$0x0], $0xffff  }
0xff: {  	v4 =	vld [tilespmem:s11+$0xFFFFFF40];
	v2 =	vmov s17  }
0x100: {  	v5 =	vld [tilespmem:s11+$0xFFFFFF60];
	v6 =	vshrl.u32 v2, $0x3  }
0x101: {  	v7 =	vld [tilespmem:s11+$0xFFFFFF50];
	v2 =	vor.u32 $0x1, v1;
	v6 =	vshll.u32 v6, v0  }
0x102: {  	v6 =	vadd.s32 v6, v2  }
0x103: {  	v6 =	vbroadcast v6, $0x0  }
0x104: {  	v4 =	vmul.f32 v4, v3  }
0x105: {  	v5 =	vmul.f32 v5, v3  }
0x106: {  	v3 =	vmul.f32 v7, v3;
	[tilespmem:s11+$0xFFFFFF40] =	vst v4  }
0x107: {  	[tilespmem:s11+$0xFFFFFF60] =	vst v5  }
0x108: {  	s14 =	simm.s32 $0x2;
	[tilespmem:s11+$0xFFFFFF50] =	vst v3;
	v5 =	vld [tilespmem:s11+$0xFFFFFF70]  }
0x109: {  	v3 =	vmov s14;
	v4 =	vld.idx.msk [tilespmem:v6+s18+$0x0], $0xffff  }
0x10a: {  	v7 =	vshrl.u32 v3, $0x3;
	v6 =	vld [tilespmem:s11+$0xFFFFFF80]  }
0x10b: {  	v8 =	vld [tilespmem:s11+$0xFFFFFF90];
	v3 =	vor.u32 $0x2, v1;
	v7 =	vshll.u32 v7, v0  }
0x10c: {  	v7 =	vadd.s32 v7, v3  }
0x10d: {  	v7 =	vbroadcast v7, $0x0  }
0x10e: {  	v5 =	vmul.f32 v5, v4  }
0x10f: {  	v6 =	vmul.f32 v6, v4  }
0x110: {  	v4 =	vmul.f32 v8, v4;
	[tilespmem:s11+$0xFFFFFF70] =	vst v5  }
0x111: {  	[tilespmem:s11+$0xFFFFFF80] =	vst v6  }
0x112: {  	s15 =	simm.s32 $0x3;
	[tilespmem:s11+$0xFFFFFF90] =	vst v4;
	v6 =	vld [tilespmem:s11+$0xFFFFFFA0]  }
0x113: {  	v4 =	vmov s15;
	v5 =	vld.idx.msk [tilespmem:v7+s18+$0x0], $0xffff  }
0x114: {  	v7 =	vld [tilespmem:s11+$0xFFFFFFB0];
	v8 =	vshrl.u32 v4, $0x3  }
0x115: {  	v9 =	vld [tilespmem:s11+$0xFFFFFFC0];
	v4 =	vor.u32 $0x3, v1;
	v8 =	vshll.u32 v8, v0  }
0x116: {  	v8 =	vadd.s32 v8, v4  }
0x117: {  	v8 =	vbroadcast v8, $0x0  }
0x118: {  	v6 =	vmul.f32 v6, v5  }
0x119: {  	v7 =	vmul.f32 v7, v5  }
0x11a: {  	v5 =	vmul.f32 v9, v5;
	[tilespmem:s11+$0xFFFFFFA0] =	vst v6  }
0x11b: {  	[tilespmem:s11+$0xFFFFFFB0] =	vst v7  }
0x11c: {  	s17 =	simm.s32 $0x4;
	[tilespmem:s11+$0xFFFFFFC0] =	vst v5;
	v7 =	vld [tilespmem:s11+$0xFFFFFFD0]  }
0x11d: {  	v5 =	vmov s17;
	v6 =	vld.idx.msk [tilespmem:v8+s18+$0x0], $0xffff  }
0x11e: {  	v9 =	vshrl.u32 v5, $0x3;
	v8 =	vld [tilespmem:s11+$0xFFFFFFE0]  }
0x11f: {  	v10 =	vld [tilespmem:s11+$0xFFFFFFF0];
	v5 =	vor.u32 $0x4, v1;
	v9 =	vshll.u32 v9, v0  }
0x120: {  	v9 =	vadd.s32 v9, v5  }
0x121: {  	v9 =	vbroadcast v9, $0x0  }
0x122: {  	v7 =	vmul.f32 v7, v6  }
0x123: {  	v8 =	vmul.f32 v8, v6  }
0x124: {  	v6 =	vmul.f32 v10, v6;
	[tilespmem:s11+$0xFFFFFFD0] =	vst v7  }
0x125: {  	[tilespmem:s11+$0xFFFFFFE0] =	vst v8  }
0x126: {  	s14 =	simm.s32 $0x5;
	[tilespmem:s11+$0xFFFFFFF0] =	vst v6;
	v8 =	vld [tilespmem:s11+$0x0]  }
0x127: {  	v6 =	vmov s14;
	v7 =	vld.idx.msk [tilespmem:v9+s18+$0x0], $0xffff  }
0x128: {  	v9 =	vld [tilespmem:s11+$0x20];
	v10 =	vshrl.u32 v6, $0x3  }
0x129: {  	v11 =	vld [tilespmem:s11+$0x10];
	v6 =	vor.u32 $0x5, v1;
	v10 =	vshll.u32 v10, v0  }
0x12a: {  	v10 =	vadd.s32 v10, v6  }
0x12b: {  	v10 =	vbroadcast v10, $0x0  }
0x12c: {  	v8 =	vmul.f32 v8, v7  }
0x12d: {  	v9 =	vmul.f32 v9, v7  }
0x12e: {  	v7 =	vmul.f32 v11, v7;
	[tilespmem:s11+$0x0] =	vst v8  }
0x12f: {  	[tilespmem:s11+$0x20] =	vst v9  }
0x130: {  	s15 =	simm.s32 $0x6;
	[tilespmem:s11+$0x10] =	vst v7;
	v9 =	vld [tilespmem:s11+$0x30]  }
0x131: {  	v7 =	vmov s15;
	v8 =	vld.idx.msk [tilespmem:v10+s18+$0x0], $0xffff  }
0x132: {  	v12 =	vshrl.u32 v7, $0x3;
	v10 =	vld [tilespmem:s11+$0x50]  }
0x133: {  	v11 =	vld [tilespmem:s11+$0x40];
	v7 =	vor.u32 $0x6, v1;
	v12 =	vshll.u32 v12, v0  }
0x134: {  	v12 =	vadd.s32 v12, v7  }
0x135: {  	v12 =	vbroadcast v12, $0x0  }
0x136: {  	v9 =	vmul.f32 v9, v8  }
0x137: {  	v10 =	vmul.f32 v10, v8  }
0x138: {  	v8 =	vmul.f32 v11, v8;
	[tilespmem:s11+$0x30] =	vst v9  }
0x139: {  	s17 =	simm.s32 $0x7;
	v11 =	vld [tilespmem:s11+$0x70];
	[tilespmem:s11+$0x50] =	vst v10  }
0x13a: {  	[tilespmem:s11+$0x40] =	vst v8;
	v10 =	vld [tilespmem:s11+$0x60];
	v8 =	vmov s17  }
0x13b: {  	v9 =	vld.idx.msk [tilespmem:v12+s18+$0x0], $0xffff;
	v12 =	vshrl.u32 v8, $0x3  }
0x13c: {  	v8 =	vor.u32 $0x7, v1;
	v13 =	vshll.u32 v12, v0;
	v12 =	vld [tilespmem:s11+$0x80]  }
0x13d: {  	s14 =	simm.s32 $0xA8C0;
	s15 =	simm.s32 $0x8;
	v13 =	vadd.s32 v13, v8  }
.LBB2_5:
0x13e: {  	p2 =	slt.u32 s15, $0xF8  }
0x13f: {  	v13 =	vbroadcast v13, $0x0;
	s11 =	sadd.s32 $0x180, s11;
	s0 =	smov.u32 s15;
	s15 =	sadd.s32 $0x8, s15  }
0x140: {  	v10 =	vmul.f32 v10, v9;
	v11 =	vmul.f32 v11, v9  }
0x141: {  	v9 =	vmul.f32 v12, v9  }
0x142: {  	[tilespmem:s14+$0x60] =	vst v10  }
0x143: {  	[tilespmem:s14+$0x80] =	vst v9  }
0x144: {  	[tilespmem:s14+$0x70] =	vst v11;
	v9 =	vld [tilespmem:s14+$0x90]  }
0x145: {  	v10 =	vld.idx.msk [tilespmem:v13+s18+$0x0], $0xffff  }
0x146: {  	v11 =	vmov s0;
	v12 =	vld [tilespmem:s14+$0xA0]  }
0x147: {  	v11 =	vshrl.u32 v11, $0x3;
	v13 =	vld [tilespmem:s14+$0xB0]  }
0x148: {  	v11 =	vshll.u32 v11, v0  }
0x149: {  	v11 =	vadd.s32 v1, v11  }
0x14a: {  	v11 =	vbroadcast v11, $0x0  }
0x14b: {  	v9 =	vmul.f32 v9, v10;
	v12 =	vmul.f32 v12, v10  }
0x14c: {  	v10 =	vmul.f32 v13, v10  }
0x14d: {  	[tilespmem:s14+$0x90] =	vst v9  }
0x14e: {  	[tilespmem:s14+$0xA0] =	vst v12  }
0x14f: {  	v9 =	vld [tilespmem:s11+$0xFFFFFF50];
	[tilespmem:s14+$0xB0] =	vst v10;
	s14 =	smov.u32 s11  }
0x150: {  	s17 =	sadd.s32 $0x1, s0;
	v10 =	vld.idx.msk [tilespmem:v11+s18+$0x0], $0xffff  }
0x151: {  	v12 =	vmov s17;
	v11 =	vld [tilespmem:s11+$0xFFFFFF40]  }
0x152: {  	v12 =	vshrl.u32 v12, $0x3;
	v13 =	vld [tilespmem:s11+$0xFFFFFF60]  }
0x153: {  	v12 =	vshll.u32 v12, v0  }
0x154: {  	v12 =	vadd.s32 v12, v2  }
0x155: {  	v12 =	vbroadcast v12, $0x0  }
0x156: {  	v9 =	vmul.f32 v9, v10;
	v11 =	vmul.f32 v11, v10  }
0x157: {  	v10 =	vmul.f32 v13, v10  }
0x158: {  	[tilespmem:s11+$0xFFFFFF40] =	vst v11  }
0x159: {  	[tilespmem:s11+$0xFFFFFF60] =	vst v10  }
0x15a: {  	[tilespmem:s11+$0xFFFFFF50] =	vst v9;
	v9 =	vld [tilespmem:s11+$0xFFFFFF80]  }
0x15b: {  	s17 =	sadd.s32 $0x2, s0;
	v10 =	vld.idx.msk [tilespmem:v12+s18+$0x0], $0xffff  }
0x15c: {  	v12 =	vmov s17;
	v11 =	vld [tilespmem:s11+$0xFFFFFF70]  }
0x15d: {  	v12 =	vshrl.u32 v12, $0x3;
	v13 =	vld [tilespmem:s11+$0xFFFFFF90]  }
0x15e: {  	v12 =	vshll.u32 v12, v0  }
0x15f: {  	v12 =	vadd.s32 v12, v3  }
0x160: {  	v12 =	vbroadcast v12, $0x0  }
0x161: {  	v9 =	vmul.f32 v9, v10;
	v11 =	vmul.f32 v11, v10  }
0x162: {  	v10 =	vmul.f32 v13, v10  }
0x163: {  	[tilespmem:s11+$0xFFFFFF70] =	vst v11  }
0x164: {  	[tilespmem:s11+$0xFFFFFF80] =	vst v9  }
0x165: {  	[tilespmem:s11+$0xFFFFFF90] =	vst v10;
	v9 =	vld [tilespmem:s11+$0xFFFFFFB0]  }
0x166: {  	s17 =	sadd.s32 $0x3, s0;
	v10 =	vld.idx.msk [tilespmem:v12+s18+$0x0], $0xffff  }
0x167: {  	v12 =	vmov s17;
	v11 =	vld [tilespmem:s11+$0xFFFFFFA0]  }
0x168: {  	v12 =	vshrl.u32 v12, $0x3;
	v13 =	vld [tilespmem:s11+$0xFFFFFFC0]  }
0x169: {  	v12 =	vshll.u32 v12, v0  }
0x16a: {  	v12 =	vadd.s32 v12, v4  }
0x16b: {  	v12 =	vbroadcast v12, $0x0  }
0x16c: {  	v9 =	vmul.f32 v9, v10;
	v11 =	vmul.f32 v11, v10  }
0x16d: {  	v10 =	vmul.f32 v13, v10  }
0x16e: {  	[tilespmem:s11+$0xFFFFFFA0] =	vst v11  }
0x16f: {  	[tilespmem:s11+$0xFFFFFFB0] =	vst v9  }
0x170: {  	[tilespmem:s11+$0xFFFFFFC0] =	vst v10;
	v9 =	vld [tilespmem:s11+$0xFFFFFFE0]  }
0x171: {  	s17 =	sadd.s32 $0x4, s0;
	v10 =	vld.idx.msk [tilespmem:v12+s18+$0x0], $0xffff  }
0x172: {  	v12 =	vmov s17;
	v11 =	vld [tilespmem:s11+$0xFFFFFFD0]  }
0x173: {  	v12 =	vshrl.u32 v12, $0x3;
	v13 =	vld [tilespmem:s11+$0xFFFFFFF0]  }
0x174: {  	v12 =	vshll.u32 v12, v0  }
0x175: {  	v12 =	vadd.s32 v12, v5  }
0x176: {  	v12 =	vbroadcast v12, $0x0  }
0x177: {  	v9 =	vmul.f32 v9, v10;
	v11 =	vmul.f32 v11, v10  }
0x178: {  	v10 =	vmul.f32 v13, v10  }
0x179: {  	[tilespmem:s11+$0xFFFFFFD0] =	vst v11  }
0x17a: {  	[tilespmem:s11+$0xFFFFFFE0] =	vst v9  }
0x17b: {  	[tilespmem:s11+$0xFFFFFFF0] =	vst v10;
	v9 =	vld [tilespmem:s11+$0x10]  }
0x17c: {  	s17 =	sadd.s32 $0x5, s0;
	v10 =	vld.idx.msk [tilespmem:v12+s18+$0x0], $0xffff  }
0x17d: {  	v12 =	vmov s17;
	v11 =	vld [tilespmem:s11+$0x0]  }
0x17e: {  	v12 =	vshrl.u32 v12, $0x3;
	v13 =	vld [tilespmem:s11+$0x20]  }
0x17f: {  	v12 =	vshll.u32 v12, v0  }
0x180: {  	v12 =	vadd.s32 v12, v6  }
0x181: {  	v12 =	vbroadcast v12, $0x0  }
0x182: {  	v9 =	vmul.f32 v9, v10;
	v11 =	vmul.f32 v11, v10  }
0x183: {  	v10 =	vmul.f32 v13, v10  }
0x184: {  	[tilespmem:s11+$0x0] =	vst v11  }
0x185: {  	[tilespmem:s11+$0x20] =	vst v10  }
0x186: {  	[tilespmem:s11+$0x10] =	vst v9;
	v9 =	vld [tilespmem:s11+$0x40]  }
0x187: {  	s17 =	sadd.s32 $0x6, s0;
	v10 =	vld.idx.msk [tilespmem:v12+s18+$0x0], $0xffff  }
0x188: {  	v12 =	vmov s17;
	v11 =	vld [tilespmem:s11+$0x30]  }
0x189: {  	v12 =	vshrl.u32 v12, $0x3;
	v13 =	vld [tilespmem:s11+$0x50]  }
0x18a: {  	v12 =	vshll.u32 v12, v0  }
0x18b: {  	v12 =	vadd.s32 v12, v7  }
0x18c: {  	v12 =	vbroadcast v12, $0x0  }
0x18d: {  	v9 =	vmul.f32 v9, v10;
	v11 =	vmul.f32 v11, v10  }
0x18e: {  	v10 =	vmul.f32 v13, v10  }
0x18f: {  	[tilespmem:s11+$0x30] =	vst v11  }
0x190: {  	[tilespmem:s11+$0x50] =	vst v10  }
0x191: {  	[tilespmem:s11+$0x40] =	vst v9;
	v10 =	vld [tilespmem:s11+$0x60]  }
.Ltmp1:
0x192: {  	s0 =	sadd.s32 $0x7, s0;
	v9 =	vld.idx.msk [tilespmem:v12+s18+$0x0], $0xffff;
	(pc) =	sbr.rel @p2 .LBB2_5-.Ltmp1, $4  }
0x193: {  	v13 =	vmov s0;
	v11 =	vld [tilespmem:s11+$0x70]  }
0x194: {  	v13 =	vshrl.u32 v13, $0x3;
	v12 =	vld [tilespmem:s11+$0x80]  }
0x195: {  	v13 =	vshll.u32 v13, v0  }
0x196: {  	v13 =	vadd.s32 v13, v8  }
0x197: {  	v1 =	vbroadcast v13, $0x0  }
0x198: {  	v2 =	vmul.f32 v10, v9  }
0x199: {  	v4 =	vmul.f32 v11, v9  }
0x19a: {  	v3 =	vmul.f32 v12, v9;
	[tilespmem:s14+$0x60] =	vst v2  }
0x19b: {  	[tilespmem:s14+$0x70] =	vst v4  }
0x19c: {  	v2 =	vld [tilespmem:s14+$0x90];
	[tilespmem:s14+$0x80] =	vst v3  }
0x19d: {  	v1 =	vld.idx.msk [tilespmem:v1+s18+$0x0], $0xffff  }
0x19e: {  	v3 =	vld [tilespmem:s14+$0xA0]  }
0x19f: {  	v4 =	vld [tilespmem:s14+$0xB0];
	_ =	sdelay $0x2  }
0x1a0: {  	v2 =	vmul.f32 v2, v1  }
0x1a1: {  	v3 =	vmul.f32 v3, v1  }
0x1a2: {  	v1 =	vmul.f32 v4, v1;
	[tilespmem:s14+$0x90] =	vst v2  }
0x1a3: {  	[tilespmem:s14+$0xA0] =	vst v3  }
0x1a4: {  	s0 =	sadd.s32 $0x2800, s5;
	[tilespmem:s14+$0xB0] =	vst v1  }
0x1a5: {  	[spmem:s2] =	stream.indirect.scatter.add.f32 [tilespmem:s22], [sflag:$0x6], $0x30, s0, s19, $0xb8;
	[tilespmem:$0x1AD30] =	vst v63  }
0x1a6: {  	s5 =	sadd.s32 $0x2880, s5;
	s0 =	simm.s32 @!p1 $0x8  }
0x1a7: {  	[spmem:s2] =	stream.indirect.scatter.add.f32 [tilespmem:s23], [sflag:$0x6], $0x30, s5, s19, $0xb8;
	[tilespmem:$0x1AD30] =	vst v63  }
0x1a8: {  	_ =	swait.ge @!p1 [sflag:s0], $0x1800  }
0x1a9: {  	[sflag:s0] =	ssyncset.done @!p1 $0x0  }
0x1aa: {  	s5 =	sor.u32 $0x3, s12;
	[sflag:s0] =	ssyncadd.s32 @!p1 $0xFFFFE800  }
0x1ab: {  	s11 =	sshll.u32 s5, $0xA;
	_ =	swait.ge @!p1 [sflag:s0], $0x1800  }
0x1ac: {  	s12 =	sshrl.u32 s11, $0x2;
	s11 =	simm.s32 $0x0;
	[sflag:s0] =	ssyncset.done @!p1 $0x0  }
0x1ad: {  	s13 =	sshll.u32 s13, $0x8;
	v1 =	vmov s11;
	[sflag:s0] =	ssyncadd.s32 @!p1 $0xFFFFE800  }
0x1ae: {  	v2 =	vshrl.u32 v1, $0x3;
	[tilespmem:s29], [sflag:$0x4] =	stream.indirect.gather [hbm4b:s4+s19], $0x30, s12, s19, $0xb8;
	[tilespmem:$0x1AD30] =	vst v63  }
0x1af: {  	s11 =	sor.u32 $0x80, s12;
	v1 =	vmov s13;
	v2 =	vshll.u32 v2, v0  }
0x1b0: {  	v2 =	vadd.s32 v1, v2;
	[tilespmem:s30], [sflag:$0x4] =	stream.indirect.gather [hbm4b:s4+s19], $0x30, s11, s19, $0xb8;
	[tilespmem:$0x1AD30] =	vst v63  }
0x1b1: {  	v2 =	vbroadcast v2, $0x0;
	_ =	swait.ge [sflag:s31], $0x1800  }
0x1b2: {  	[sflag:s31] =	ssyncset.done $0x0  }
0x1b3: {  	[sflag:s31] =	ssyncadd.s32 $0xFFFFE800  }
0x1b4: {  	_ =	swait.ge [sflag:s31], $0x1800  }
0x1b5: {  	[sflag:s31] =	ssyncset.done $0x0  }
0x1b6: {  	[sflag:s31] =	ssyncadd.s32 $0xFFFFE800  }
0x1b7: {  	s14 =	simm.s32 $0x1;
	s11 =	simm.s32 $0xD8C0;
	v3 =	vld.idx.msk [tilespmem:v2+s18+$0x0], $0xffff  }
0x1b8: {  	v4 =	vld [tilespmem:s11+$0xFFFFFF40];
	v2 =	vmov s14  }
0x1b9: {  	v5 =	vld [tilespmem:s11+$0xFFFFFF60];
	v6 =	vshrl.u32 v2, $0x3  }
0x1ba: {  	v7 =	vld [tilespmem:s11+$0xFFFFFF50];
	v2 =	vor.u32 $0x1, v1;
	v6 =	vshll.u32 v6, v0  }
0x1bb: {  	v6 =	vadd.s32 v6, v2  }
0x1bc: {  	v6 =	vbroadcast v6, $0x0  }
0x1bd: {  	v4 =	vmul.f32 v4, v3  }
0x1be: {  	v5 =	vmul.f32 v5, v3  }
0x1bf: {  	v3 =	vmul.f32 v7, v3;
	[tilespmem:s11+$0xFFFFFF40] =	vst v4  }
0x1c0: {  	[tilespmem:s11+$0xFFFFFF60] =	vst v5  }
0x1c1: {  	s15 =	simm.s32 $0x2;
	[tilespmem:s11+$0xFFFFFF50] =	vst v3;
	v5 =	vld [tilespmem:s11+$0xFFFFFF70]  }
0x1c2: {  	v3 =	vmov s15;
	v4 =	vld.idx.msk [tilespmem:v6+s18+$0x0], $0xffff  }
0x1c3: {  	v7 =	vshrl.u32 v3, $0x3;
	v6 =	vld [tilespmem:s11+$0xFFFFFF80]  }
0x1c4: {  	v8 =	vld [tilespmem:s11+$0xFFFFFF90];
	v3 =	vor.u32 $0x2, v1;
	v7 =	vshll.u32 v7, v0  }
0x1c5: {  	v7 =	vadd.s32 v7, v3  }
0x1c6: {  	v7 =	vbroadcast v7, $0x0  }
0x1c7: {  	v5 =	vmul.f32 v5, v4  }
0x1c8: {  	v6 =	vmul.f32 v6, v4  }
0x1c9: {  	v4 =	vmul.f32 v8, v4;
	[tilespmem:s11+$0xFFFFFF70] =	vst v5  }
0x1ca: {  	[tilespmem:s11+$0xFFFFFF80] =	vst v6  }
0x1cb: {  	s17 =	simm.s32 $0x3;
	[tilespmem:s11+$0xFFFFFF90] =	vst v4;
	v6 =	vld [tilespmem:s11+$0xFFFFFFA0]  }
0x1cc: {  	v4 =	vmov s17;
	v5 =	vld.idx.msk [tilespmem:v7+s18+$0x0], $0xffff  }
0x1cd: {  	v7 =	vld [tilespmem:s11+$0xFFFFFFB0];
	v8 =	vshrl.u32 v4, $0x3  }
0x1ce: {  	v9 =	vld [tilespmem:s11+$0xFFFFFFC0];
	v4 =	vor.u32 $0x3, v1;
	v8 =	vshll.u32 v8, v0  }
0x1cf: {  	v8 =	vadd.s32 v8, v4  }
0x1d0: {  	v8 =	vbroadcast v8, $0x0  }
0x1d1: {  	v6 =	vmul.f32 v6, v5  }
0x1d2: {  	v7 =	vmul.f32 v7, v5  }
0x1d3: {  	v5 =	vmul.f32 v9, v5;
	[tilespmem:s11+$0xFFFFFFA0] =	vst v6  }
0x1d4: {  	[tilespmem:s11+$0xFFFFFFB0] =	vst v7  }
0x1d5: {  	s13 =	simm.s32 $0x4;
	[tilespmem:s11+$0xFFFFFFC0] =	vst v5;
	v7 =	vld [tilespmem:s11+$0xFFFFFFD0]  }
0x1d6: {  	v5 =	vmov s13;
	v6 =	vld.idx.msk [tilespmem:v8+s18+$0x0], $0xffff  }
0x1d7: {  	v9 =	vshrl.u32 v5, $0x3;
	v8 =	vld [tilespmem:s11+$0xFFFFFFE0]  }
0x1d8: {  	v10 =	vld [tilespmem:s11+$0xFFFFFFF0];
	v5 =	vor.u32 $0x4, v1;
	v9 =	vshll.u32 v9, v0  }
0x1d9: {  	v9 =	vadd.s32 v9, v5  }
0x1da: {  	v9 =	vbroadcast v9, $0x0  }
0x1db: {  	v7 =	vmul.f32 v7, v6  }
0x1dc: {  	v8 =	vmul.f32 v8, v6  }
0x1dd: {  	v6 =	vmul.f32 v10, v6;
	[tilespmem:s11+$0xFFFFFFD0] =	vst v7  }
0x1de: {  	[tilespmem:s11+$0xFFFFFFE0] =	vst v8  }
0x1df: {  	s14 =	simm.s32 $0x5;
	[tilespmem:s11+$0xFFFFFFF0] =	vst v6;
	v8 =	vld [tilespmem:s11+$0x0]  }
0x1e0: {  	v6 =	vmov s14;
	v7 =	vld.idx.msk [tilespmem:v9+s18+$0x0], $0xffff  }
0x1e1: {  	v9 =	vld [tilespmem:s11+$0x20];
	v10 =	vshrl.u32 v6, $0x3  }
0x1e2: {  	v11 =	vld [tilespmem:s11+$0x10];
	v6 =	vor.u32 $0x5, v1;
	v10 =	vshll.u32 v10, v0  }
0x1e3: {  	v10 =	vadd.s32 v10, v6  }
0x1e4: {  	v10 =	vbroadcast v10, $0x0  }
0x1e5: {  	v8 =	vmul.f32 v8, v7  }
0x1e6: {  	v9 =	vmul.f32 v9, v7  }
0x1e7: {  	v7 =	vmul.f32 v11, v7;
	[tilespmem:s11+$0x0] =	vst v8  }
0x1e8: {  	[tilespmem:s11+$0x20] =	vst v9  }
0x1e9: {  	s15 =	simm.s32 $0x6;
	[tilespmem:s11+$0x10] =	vst v7;
	v9 =	vld [tilespmem:s11+$0x30]  }
0x1ea: {  	v7 =	vmov s15;
	v8 =	vld.idx.msk [tilespmem:v10+s18+$0x0], $0xffff  }
0x1eb: {  	v12 =	vshrl.u32 v7, $0x3;
	v10 =	vld [tilespmem:s11+$0x50]  }
0x1ec: {  	v11 =	vld [tilespmem:s11+$0x40];
	v7 =	vor.u32 $0x6, v1;
	v12 =	vshll.u32 v12, v0  }
0x1ed: {  	v12 =	vadd.s32 v12, v7  }
0x1ee: {  	v12 =	vbroadcast v12, $0x0  }
0x1ef: {  	v9 =	vmul.f32 v9, v8  }
0x1f0: {  	v10 =	vmul.f32 v10, v8  }
0x1f1: {  	v8 =	vmul.f32 v11, v8;
	[tilespmem:s11+$0x30] =	vst v9  }
0x1f2: {  	s17 =	simm.s32 $0x7;
	v11 =	vld [tilespmem:s11+$0x70];
	[tilespmem:s11+$0x50] =	vst v10  }
0x1f3: {  	[tilespmem:s11+$0x40] =	vst v8;
	v10 =	vld [tilespmem:s11+$0x60];
	v8 =	vmov s17  }
0x1f4: {  	v9 =	vld.idx.msk [tilespmem:v12+s18+$0x0], $0xffff;
	v12 =	vshrl.u32 v8, $0x3  }
0x1f5: {  	v8 =	vor.u32 $0x7, v1;
	v13 =	vshll.u32 v12, v0;
	v12 =	vld [tilespmem:s11+$0x80]  }
0x1f6: {  	s13 =	simm.s32 $0xD8C0;
	s14 =	simm.s32 $0x8;
	v13 =	vadd.s32 v13, v8  }
.LBB2_7:
0x1f7: {  	p1 =	slt.u32 s14, $0xF8  }
0x1f8: {  	v13 =	vbroadcast v13, $0x0;
	s11 =	sadd.s32 $0x180, s11;
	s0 =	smov.u32 s14;
	s14 =	sadd.s32 $0x8, s14  }
0x1f9: {  	v10 =	vmul.f32 v10, v9;
	v11 =	vmul.f32 v11, v9  }
0x1fa: {  	v9 =	vmul.f32 v12, v9  }
0x1fb: {  	[tilespmem:s13+$0x60] =	vst v10  }
0x1fc: {  	[tilespmem:s13+$0x80] =	vst v9  }
0x1fd: {  	[tilespmem:s13+$0x70] =	vst v11;
	v9 =	vld [tilespmem:s13+$0x90]  }
0x1fe: {  	v10 =	vld.idx.msk [tilespmem:v13+s18+$0x0], $0xffff  }
0x1ff: {  	v11 =	vmov s0;
	v12 =	vld [tilespmem:s13+$0xA0]  }
0x200: {  	v11 =	vshrl.u32 v11, $0x3;
	v13 =	vld [tilespmem:s13+$0xB0]  }
0x201: {  	v11 =	vshll.u32 v11, v0  }
0x202: {  	v11 =	vadd.s32 v1, v11  }
0x203: {  	v11 =	vbroadcast v11, $0x0  }
0x204: {  	v9 =	vmul.f32 v9, v10;
	v12 =	vmul.f32 v12, v10  }
0x205: {  	v10 =	vmul.f32 v13, v10  }
0x206: {  	[tilespmem:s13+$0x90] =	vst v9  }
0x207: {  	[tilespmem:s13+$0xA0] =	vst v12  }
0x208: {  	v9 =	vld [tilespmem:s11+$0xFFFFFF50];
	[tilespmem:s13+$0xB0] =	vst v10;
	s13 =	smov.u32 s11  }
0x209: {  	s15 =	sadd.s32 $0x1, s0;
	v10 =	vld.idx.msk [tilespmem:v11+s18+$0x0], $0xffff  }
0x20a: {  	v12 =	vmov s15;
	v11 =	vld [tilespmem:s11+$0xFFFFFF40]  }
0x20b: {  	v12 =	vshrl.u32 v12, $0x3;
	v13 =	vld [tilespmem:s11+$0xFFFFFF60]  }
0x20c: {  	v12 =	vshll.u32 v12, v0  }
0x20d: {  	v12 =	vadd.s32 v12, v2  }
0x20e: {  	v12 =	vbroadcast v12, $0x0  }
0x20f: {  	v9 =	vmul.f32 v9, v10;
	v11 =	vmul.f32 v11, v10  }
0x210: {  	v10 =	vmul.f32 v13, v10  }
0x211: {  	[tilespmem:s11+$0xFFFFFF40] =	vst v11  }
0x212: {  	[tilespmem:s11+$0xFFFFFF60] =	vst v10  }
0x213: {  	[tilespmem:s11+$0xFFFFFF50] =	vst v9;
	v9 =	vld [tilespmem:s11+$0xFFFFFF80]  }
0x214: {  	s15 =	sadd.s32 $0x2, s0;
	v10 =	vld.idx.msk [tilespmem:v12+s18+$0x0], $0xffff  }
0x215: {  	v12 =	vmov s15;
	v11 =	vld [tilespmem:s11+$0xFFFFFF70]  }
0x216: {  	v12 =	vshrl.u32 v12, $0x3;
	v13 =	vld [tilespmem:s11+$0xFFFFFF90]  }
0x217: {  	v12 =	vshll.u32 v12, v0  }
0x218: {  	v12 =	vadd.s32 v12, v3  }
0x219: {  	v12 =	vbroadcast v12, $0x0  }
0x21a: {  	v9 =	vmul.f32 v9, v10;
	v11 =	vmul.f32 v11, v10  }
0x21b: {  	v10 =	vmul.f32 v13, v10  }
0x21c: {  	[tilespmem:s11+$0xFFFFFF70] =	vst v11  }
0x21d: {  	[tilespmem:s11+$0xFFFFFF80] =	vst v9  }
0x21e: {  	[tilespmem:s11+$0xFFFFFF90] =	vst v10;
	v9 =	vld [tilespmem:s11+$0xFFFFFFB0]  }
0x21f: {  	s15 =	sadd.s32 $0x3, s0;
	v10 =	vld.idx.msk [tilespmem:v12+s18+$0x0], $0xffff  }
0x220: {  	v12 =	vmov s15;
	v11 =	vld [tilespmem:s11+$0xFFFFFFA0]  }
0x221: {  	v12 =	vshrl.u32 v12, $0x3;
	v13 =	vld [tilespmem:s11+$0xFFFFFFC0]  }
0x222: {  	v12 =	vshll.u32 v12, v0  }
0x223: {  	v12 =	vadd.s32 v12, v4  }
0x224: {  	v12 =	vbroadcast v12, $0x0  }
0x225: {  	v9 =	vmul.f32 v9, v10;
	v11 =	vmul.f32 v11, v10  }
0x226: {  	v10 =	vmul.f32 v13, v10  }
0x227: {  	[tilespmem:s11+$0xFFFFFFA0] =	vst v11  }
0x228: {  	[tilespmem:s11+$0xFFFFFFB0] =	vst v9  }
0x229: {  	[tilespmem:s11+$0xFFFFFFC0] =	vst v10;
	v9 =	vld [tilespmem:s11+$0xFFFFFFE0]  }
0x22a: {  	s15 =	sadd.s32 $0x4, s0;
	v10 =	vld.idx.msk [tilespmem:v12+s18+$0x0], $0xffff  }
0x22b: {  	v12 =	vmov s15;
	v11 =	vld [tilespmem:s11+$0xFFFFFFD0]  }
0x22c: {  	v12 =	vshrl.u32 v12, $0x3;
	v13 =	vld [tilespmem:s11+$0xFFFFFFF0]  }
0x22d: {  	v12 =	vshll.u32 v12, v0  }
0x22e: {  	v12 =	vadd.s32 v12, v5  }
0x22f: {  	v12 =	vbroadcast v12, $0x0  }
0x230: {  	v9 =	vmul.f32 v9, v10;
	v11 =	vmul.f32 v11, v10  }
0x231: {  	v10 =	vmul.f32 v13, v10  }
0x232: {  	[tilespmem:s11+$0xFFFFFFD0] =	vst v11  }
0x233: {  	[tilespmem:s11+$0xFFFFFFE0] =	vst v9  }
0x234: {  	[tilespmem:s11+$0xFFFFFFF0] =	vst v10;
	v9 =	vld [tilespmem:s11+$0x10]  }
0x235: {  	s15 =	sadd.s32 $0x5, s0;
	v10 =	vld.idx.msk [tilespmem:v12+s18+$0x0], $0xffff  }
0x236: {  	v12 =	vmov s15;
	v11 =	vld [tilespmem:s11+$0x0]  }
0x237: {  	v12 =	vshrl.u32 v12, $0x3;
	v13 =	vld [tilespmem:s11+$0x20]  }
0x238: {  	v12 =	vshll.u32 v12, v0  }
0x239: {  	v12 =	vadd.s32 v12, v6  }
0x23a: {  	v12 =	vbroadcast v12, $0x0  }
0x23b: {  	v9 =	vmul.f32 v9, v10;
	v11 =	vmul.f32 v11, v10  }
0x23c: {  	v10 =	vmul.f32 v13, v10  }
0x23d: {  	[tilespmem:s11+$0x0] =	vst v11  }
0x23e: {  	[tilespmem:s11+$0x20] =	vst v10  }
0x23f: {  	[tilespmem:s11+$0x10] =	vst v9;
	v9 =	vld [tilespmem:s11+$0x40]  }
0x240: {  	s15 =	sadd.s32 $0x6, s0;
	v10 =	vld.idx.msk [tilespmem:v12+s18+$0x0], $0xffff  }
0x241: {  	v12 =	vmov s15;
	v11 =	vld [tilespmem:s11+$0x30]  }
0x242: {  	v12 =	vshrl.u32 v12, $0x3;
	v13 =	vld [tilespmem:s11+$0x50]  }
0x243: {  	v12 =	vshll.u32 v12, v0  }
0x244: {  	v12 =	vadd.s32 v12, v7  }
0x245: {  	v12 =	vbroadcast v12, $0x0  }
0x246: {  	v9 =	vmul.f32 v9, v10;
	v11 =	vmul.f32 v11, v10  }
0x247: {  	v10 =	vmul.f32 v13, v10  }
0x248: {  	[tilespmem:s11+$0x30] =	vst v11  }
0x249: {  	[tilespmem:s11+$0x50] =	vst v10  }
0x24a: {  	[tilespmem:s11+$0x40] =	vst v9;
	v10 =	vld [tilespmem:s11+$0x60]  }
.Ltmp2:
0x24b: {  	s0 =	sadd.s32 $0x7, s0;
	v9 =	vld.idx.msk [tilespmem:v12+s18+$0x0], $0xffff;
	(pc) =	sbr.rel @p1 .LBB2_7-.Ltmp2, $4  }
0x24c: {  	v13 =	vmov s0;
	v11 =	vld [tilespmem:s11+$0x70]  }
0x24d: {  	v13 =	vshrl.u32 v13, $0x3;
	v12 =	vld [tilespmem:s11+$0x80]  }
0x24e: {  	v13 =	vshll.u32 v13, v0  }
0x24f: {  	v13 =	vadd.s32 v13, v8  }
0x250: {  	v1 =	vbroadcast v13, $0x0  }
0x251: {  	v2 =	vmul.f32 v10, v9  }
0x252: {  	v4 =	vmul.f32 v11, v9  }
0x253: {  	v3 =	vmul.f32 v12, v9;
	[tilespmem:s13+$0x60] =	vst v2  }
0x254: {  	[tilespmem:s13+$0x70] =	vst v4  }
0x255: {  	v2 =	vld [tilespmem:s13+$0x90];
	[tilespmem:s13+$0x80] =	vst v3  }
0x256: {  	v1 =	vld.idx.msk [tilespmem:v1+s18+$0x0], $0xffff  }
0x257: {  	v3 =	vld [tilespmem:s13+$0xA0]  }
0x258: {  	v4 =	vld [tilespmem:s13+$0xB0];
	_ =	sdelay $0x2  }
0x259: {  	v2 =	vmul.f32 v2, v1  }
0x25a: {  	v3 =	vmul.f32 v3, v1  }
0x25b: {  	v1 =	vmul.f32 v4, v1;
	[tilespmem:s13+$0x90] =	vst v2  }
0x25c: {  	[tilespmem:s13+$0xA0] =	vst v3  }
0x25d: {  	s0 =	sadd.s32 $0x2800, s3;
	p1 =	seq.s32 s9, $0x9;
	[tilespmem:s13+$0xB0] =	vst v1  }
0x25e: {  	[spmem:s2] =	stream.indirect.scatter.add.f32 [tilespmem:s25], [sflag:$0x7], $0x30, s0, s19, $0xb8;
	[tilespmem:$0x1AD30] =	vst v63  }
0x25f: {  	s14 =	sadd.s32 $0x2880, s3;
	s0 =	simm.s32 @!p1 $0x5  }
0x260: {  	[spmem:s2] =	stream.indirect.scatter.add.f32 [tilespmem:s26], [sflag:$0x7], $0x30, s14, s19, $0xb8;
	[tilespmem:$0x1AD30] =	vst v63  }
0x261: {  	_ =	swait.ge @!p1 [sflag:s0], $0x1800  }
0x262: {  	[sflag:s0] =	ssyncset.done @!p1 $0x0  }
0x263: {  	[sflag:s0] =	ssyncadd.s32 @!p1 $0xFFFFE800  }
0x264: {  	s15 =	simm.s32 $0x0;
	s17 =	sshll.u32 s5, $0x8;
	_ =	swait.ge @!p1 [sflag:s0], $0x1800  }
0x265: {  	s3 =	sshrl.u32 @!p1 s10, $0x2;
	s10 =	simm.s32 @!p1 $0x80;
	[sflag:s0] =	ssyncset.done @!p1 $0x0  }
0x266: {  	s11 =	simm.s32 @!p1 $0x7800;
	v1 =	vmov s15;
	[sflag:s0] =	ssyncadd.s32 @!p1 $0xFFFFE800;
	s0 =	sadd.s32 @!p1 $0x400, s3  }
0x267: {  	v2 =	vshrl.u32 v1, $0x3;
	[tilespmem:s11], [sflag:$0x1] =	stream.indirect.gather @!p1 [hbm4b:s4+s10], $0x30, s0, s10, $0xb8;
	[tilespmem:$0x1AD30] =	vst v63  }
0x268: {  	s5 =	simm.s32 @!p1 $0x9000;
	v1 =	vmov s17;
	v2 =	vshll.u32 v2, v0;
	s3 =	sadd.s32 @!p1 $0x480, s3  }
0x269: {  	v2 =	vadd.s32 v1, v2;
	[tilespmem:s5], [sflag:$0x1] =	stream.indirect.gather @!p1 [hbm4b:s4+s10], $0x30, s3, s10, $0xb8;
	[tilespmem:$0x1AD30] =	vst v63  }
0x26a: {  	v2 =	vbroadcast v2, $0x0;
	_ =	swait.ge [sflag:s1], $0x1800  }
0x26b: {  	[sflag:s1] =	ssyncset.done $0x0  }
0x26c: {  	[sflag:s1] =	ssyncadd.s32 $0xFFFFE800  }
0x26d: {  	_ =	swait.ge [sflag:s1], $0x1800  }
0x26e: {  	[sflag:s1] =	ssyncset.done $0x0  }
0x26f: {  	[sflag:s1] =	ssyncadd.s32 $0xFFFFE800  }
0x270: {  	s3 =	simm.s32 $0x108C0;
	s5 =	simm.s32 $0x1;
	v3 =	vld.idx.msk [tilespmem:v2+s18+$0x0], $0xffff  }
0x271: {  	v4 =	vld [tilespmem:s3+$0xFFFFFF40];
	v2 =	vmov s5  }
0x272: {  	v5 =	vld [tilespmem:s3+$0xFFFFFF60];
	v6 =	vshrl.u32 v2, $0x3  }
0x273: {  	v7 =	vld [tilespmem:s3+$0xFFFFFF50];
	v2 =	vor.u32 $0x1, v1;
	v6 =	vshll.u32 v6, v0  }
0x274: {  	v6 =	vadd.s32 v6, v2  }
0x275: {  	v6 =	vbroadcast v6, $0x0  }
0x276: {  	v4 =	vmul.f32 v4, v3  }
0x277: {  	v5 =	vmul.f32 v5, v3  }
0x278: {  	v3 =	vmul.f32 v7, v3;
	[tilespmem:s3+$0xFFFFFF40] =	vst v4  }
0x279: {  	[tilespmem:s3+$0xFFFFFF60] =	vst v5  }
0x27a: {  	s10 =	simm.s32 $0x2;
	[tilespmem:s3+$0xFFFFFF50] =	vst v3;
	v5 =	vld [tilespmem:s3+$0xFFFFFF70]  }
0x27b: {  	v3 =	vmov s10;
	v4 =	vld.idx.msk [tilespmem:v6+s18+$0x0], $0xffff  }
0x27c: {  	v7 =	vshrl.u32 v3, $0x3;
	v6 =	vld [tilespmem:s3+$0xFFFFFF80]  }
0x27d: {  	v8 =	vld [tilespmem:s3+$0xFFFFFF90];
	v3 =	vor.u32 $0x2, v1;
	v7 =	vshll.u32 v7, v0  }
0x27e: {  	v7 =	vadd.s32 v7, v3  }
0x27f: {  	v7 =	vbroadcast v7, $0x0  }
0x280: {  	v5 =	vmul.f32 v5, v4  }
0x281: {  	v6 =	vmul.f32 v6, v4  }
0x282: {  	v4 =	vmul.f32 v8, v4;
	[tilespmem:s3+$0xFFFFFF70] =	vst v5  }
0x283: {  	[tilespmem:s3+$0xFFFFFF80] =	vst v6  }
0x284: {  	s11 =	simm.s32 $0x3;
	[tilespmem:s3+$0xFFFFFF90] =	vst v4;
	v6 =	vld [tilespmem:s3+$0xFFFFFFA0]  }
0x285: {  	v4 =	vmov s11;
	v5 =	vld.idx.msk [tilespmem:v7+s18+$0x0], $0xffff  }
0x286: {  	v7 =	vld [tilespmem:s3+$0xFFFFFFB0];
	v8 =	vshrl.u32 v4, $0x3  }
0x287: {  	v9 =	vld [tilespmem:s3+$0xFFFFFFC0];
	v4 =	vor.u32 $0x3, v1;
	v8 =	vshll.u32 v8, v0  }
0x288: {  	v8 =	vadd.s32 v8, v4  }
0x289: {  	v8 =	vbroadcast v8, $0x0  }
0x28a: {  	v6 =	vmul.f32 v6, v5  }
0x28b: {  	v7 =	vmul.f32 v7, v5  }
0x28c: {  	v5 =	vmul.f32 v9, v5;
	[tilespmem:s3+$0xFFFFFFA0] =	vst v6  }
0x28d: {  	[tilespmem:s3+$0xFFFFFFB0] =	vst v7  }
0x28e: {  	s13 =	simm.s32 $0x4;
	[tilespmem:s3+$0xFFFFFFC0] =	vst v5;
	v7 =	vld [tilespmem:s3+$0xFFFFFFD0]  }
0x28f: {  	v5 =	vmov s13;
	v6 =	vld.idx.msk [tilespmem:v8+s18+$0x0], $0xffff  }
0x290: {  	v9 =	vshrl.u32 v5, $0x3;
	v8 =	vld [tilespmem:s3+$0xFFFFFFE0]  }
0x291: {  	v10 =	vld [tilespmem:s3+$0xFFFFFFF0];
	v5 =	vor.u32 $0x4, v1;
	v9 =	vshll.u32 v9, v0  }
0x292: {  	v9 =	vadd.s32 v9, v5  }
0x293: {  	v9 =	vbroadcast v9, $0x0  }
0x294: {  	v7 =	vmul.f32 v7, v6  }
0x295: {  	v8 =	vmul.f32 v8, v6  }
0x296: {  	v6 =	vmul.f32 v10, v6;
	[tilespmem:s3+$0xFFFFFFD0] =	vst v7  }
0x297: {  	[tilespmem:s3+$0xFFFFFFE0] =	vst v8  }
0x298: {  	s14 =	simm.s32 $0x5;
	[tilespmem:s3+$0xFFFFFFF0] =	vst v6;
	v8 =	vld [tilespmem:s3+$0x0]  }
0x299: {  	v6 =	vmov s14;
	v7 =	vld.idx.msk [tilespmem:v9+s18+$0x0], $0xffff  }
0x29a: {  	v9 =	vld [tilespmem:s3+$0x20];
	v10 =	vshrl.u32 v6, $0x3  }
0x29b: {  	v11 =	vld [tilespmem:s3+$0x10];
	v6 =	vor.u32 $0x5, v1;
	v10 =	vshll.u32 v10, v0  }
0x29c: {  	v10 =	vadd.s32 v10, v6  }
0x29d: {  	v10 =	vbroadcast v10, $0x0  }
0x29e: {  	v8 =	vmul.f32 v8, v7  }
0x29f: {  	v9 =	vmul.f32 v9, v7  }
0x2a0: {  	v7 =	vmul.f32 v11, v7;
	[tilespmem:s3+$0x0] =	vst v8  }
0x2a1: {  	[tilespmem:s3+$0x20] =	vst v9  }
0x2a2: {  	s15 =	simm.s32 $0x6;
	[tilespmem:s3+$0x10] =	vst v7;
	v9 =	vld [tilespmem:s3+$0x30]  }
0x2a3: {  	v7 =	vmov s15;
	v8 =	vld.idx.msk [tilespmem:v10+s18+$0x0], $0xffff  }
0x2a4: {  	v12 =	vshrl.u32 v7, $0x3;
	v10 =	vld [tilespmem:s3+$0x50]  }
0x2a5: {  	v11 =	vld [tilespmem:s3+$0x40];
	v7 =	vor.u32 $0x6, v1;
	v12 =	vshll.u32 v12, v0  }
0x2a6: {  	v12 =	vadd.s32 v12, v7  }
0x2a7: {  	v12 =	vbroadcast v12, $0x0  }
0x2a8: {  	v9 =	vmul.f32 v9, v8  }
0x2a9: {  	v10 =	vmul.f32 v10, v8  }
0x2aa: {  	v8 =	vmul.f32 v11, v8;
	[tilespmem:s3+$0x30] =	vst v9  }
0x2ab: {  	s17 =	simm.s32 $0x7;
	v11 =	vld [tilespmem:s3+$0x70];
	[tilespmem:s3+$0x50] =	vst v10  }
0x2ac: {  	[tilespmem:s3+$0x40] =	vst v8;
	v10 =	vld [tilespmem:s3+$0x60];
	v8 =	vmov s17  }
0x2ad: {  	v9 =	vld.idx.msk [tilespmem:v12+s18+$0x0], $0xffff;
	v12 =	vshrl.u32 v8, $0x3  }
0x2ae: {  	v8 =	vor.u32 $0x7, v1;
	v13 =	vshll.u32 v12, v0;
	v12 =	vld [tilespmem:s3+$0x80]  }
0x2af: {  	s5 =	simm.s32 $0x108C0;
	s10 =	simm.s32 $0x8;
	v13 =	vadd.s32 v13, v8  }
.LBB2_9:
0x2b0: {  	p1 =	slt.u32 s10, $0xF8  }
0x2b1: {  	v13 =	vbroadcast v13, $0x0;
	s3 =	sadd.s32 $0x180, s3;
	s0 =	smov.u32 s10;
	s10 =	sadd.s32 $0x8, s10  }
0x2b2: {  	v10 =	vmul.f32 v10, v9;
	v11 =	vmul.f32 v11, v9  }
0x2b3: {  	v9 =	vmul.f32 v12, v9  }
0x2b4: {  	[tilespmem:s5+$0x60] =	vst v10  }
0x2b5: {  	[tilespmem:s5+$0x80] =	vst v9  }
0x2b6: {  	[tilespmem:s5+$0x70] =	vst v11;
	v9 =	vld [tilespmem:s5+$0x90]  }
0x2b7: {  	v10 =	vld.idx.msk [tilespmem:v13+s18+$0x0], $0xffff  }
0x2b8: {  	v11 =	vmov s0;
	v12 =	vld [tilespmem:s5+$0xA0]  }
0x2b9: {  	v11 =	vshrl.u32 v11, $0x3;
	v13 =	vld [tilespmem:s5+$0xB0]  }
0x2ba: {  	v11 =	vshll.u32 v11, v0  }
0x2bb: {  	v11 =	vadd.s32 v1, v11  }
0x2bc: {  	v11 =	vbroadcast v11, $0x0  }
0x2bd: {  	v9 =	vmul.f32 v9, v10;
	v12 =	vmul.f32 v12, v10  }
0x2be: {  	v10 =	vmul.f32 v13, v10  }
0x2bf: {  	[tilespmem:s5+$0x90] =	vst v9  }
0x2c0: {  	[tilespmem:s5+$0xA0] =	vst v12  }
0x2c1: {  	v9 =	vld [tilespmem:s3+$0xFFFFFF50];
	[tilespmem:s5+$0xB0] =	vst v10;
	s5 =	smov.u32 s3  }
0x2c2: {  	s11 =	sadd.s32 $0x1, s0;
	v10 =	vld.idx.msk [tilespmem:v11+s18+$0x0], $0xffff  }
0x2c3: {  	v12 =	vmov s11;
	v11 =	vld [tilespmem:s3+$0xFFFFFF40]  }
0x2c4: {  	v12 =	vshrl.u32 v12, $0x3;
	v13 =	vld [tilespmem:s3+$0xFFFFFF60]  }
0x2c5: {  	v12 =	vshll.u32 v12, v0  }
0x2c6: {  	v12 =	vadd.s32 v12, v2  }
0x2c7: {  	v12 =	vbroadcast v12, $0x0  }
0x2c8: {  	v9 =	vmul.f32 v9, v10;
	v11 =	vmul.f32 v11, v10  }
0x2c9: {  	v10 =	vmul.f32 v13, v10  }
0x2ca: {  	[tilespmem:s3+$0xFFFFFF40] =	vst v11  }
0x2cb: {  	[tilespmem:s3+$0xFFFFFF60] =	vst v10  }
0x2cc: {  	[tilespmem:s3+$0xFFFFFF50] =	vst v9;
	v9 =	vld [tilespmem:s3+$0xFFFFFF80]  }
0x2cd: {  	s11 =	sadd.s32 $0x2, s0;
	v10 =	vld.idx.msk [tilespmem:v12+s18+$0x0], $0xffff  }
0x2ce: {  	v12 =	vmov s11;
	v11 =	vld [tilespmem:s3+$0xFFFFFF70]  }
0x2cf: {  	v12 =	vshrl.u32 v12, $0x3;
	v13 =	vld [tilespmem:s3+$0xFFFFFF90]  }
0x2d0: {  	v12 =	vshll.u32 v12, v0  }
0x2d1: {  	v12 =	vadd.s32 v12, v3  }
0x2d2: {  	v12 =	vbroadcast v12, $0x0  }
0x2d3: {  	v9 =	vmul.f32 v9, v10;
	v11 =	vmul.f32 v11, v10  }
0x2d4: {  	v10 =	vmul.f32 v13, v10  }
0x2d5: {  	[tilespmem:s3+$0xFFFFFF70] =	vst v11  }
0x2d6: {  	[tilespmem:s3+$0xFFFFFF80] =	vst v9  }
0x2d7: {  	[tilespmem:s3+$0xFFFFFF90] =	vst v10;
	v9 =	vld [tilespmem:s3+$0xFFFFFFB0]  }
0x2d8: {  	s11 =	sadd.s32 $0x3, s0;
	v10 =	vld.idx.msk [tilespmem:v12+s18+$0x0], $0xffff  }
0x2d9: {  	v12 =	vmov s11;
	v11 =	vld [tilespmem:s3+$0xFFFFFFA0]  }
0x2da: {  	v12 =	vshrl.u32 v12, $0x3;
	v13 =	vld [tilespmem:s3+$0xFFFFFFC0]  }
0x2db: {  	v12 =	vshll.u32 v12, v0  }
0x2dc: {  	v12 =	vadd.s32 v12, v4  }
0x2dd: {  	v12 =	vbroadcast v12, $0x0  }
0x2de: {  	v9 =	vmul.f32 v9, v10;
	v11 =	vmul.f32 v11, v10  }
0x2df: {  	v10 =	vmul.f32 v13, v10  }
0x2e0: {  	[tilespmem:s3+$0xFFFFFFA0] =	vst v11  }
0x2e1: {  	[tilespmem:s3+$0xFFFFFFB0] =	vst v9  }
0x2e2: {  	[tilespmem:s3+$0xFFFFFFC0] =	vst v10;
	v9 =	vld [tilespmem:s3+$0xFFFFFFE0]  }
0x2e3: {  	s11 =	sadd.s32 $0x4, s0;
	v10 =	vld.idx.msk [tilespmem:v12+s18+$0x0], $0xffff  }
0x2e4: {  	v12 =	vmov s11;
	v11 =	vld [tilespmem:s3+$0xFFFFFFD0]  }
0x2e5: {  	v12 =	vshrl.u32 v12, $0x3;
	v13 =	vld [tilespmem:s3+$0xFFFFFFF0]  }
0x2e6: {  	v12 =	vshll.u32 v12, v0  }
0x2e7: {  	v12 =	vadd.s32 v12, v5  }
0x2e8: {  	v12 =	vbroadcast v12, $0x0  }
0x2e9: {  	v9 =	vmul.f32 v9, v10;
	v11 =	vmul.f32 v11, v10  }
0x2ea: {  	v10 =	vmul.f32 v13, v10  }
0x2eb: {  	[tilespmem:s3+$0xFFFFFFD0] =	vst v11  }
0x2ec: {  	[tilespmem:s3+$0xFFFFFFE0] =	vst v9  }
0x2ed: {  	[tilespmem:s3+$0xFFFFFFF0] =	vst v10;
	v9 =	vld [tilespmem:s3+$0x10]  }
0x2ee: {  	s11 =	sadd.s32 $0x5, s0;
	v10 =	vld.idx.msk [tilespmem:v12+s18+$0x0], $0xffff  }
0x2ef: {  	v12 =	vmov s11;
	v11 =	vld [tilespmem:s3+$0x0]  }
0x2f0: {  	v12 =	vshrl.u32 v12, $0x3;
	v13 =	vld [tilespmem:s3+$0x20]  }
0x2f1: {  	v12 =	vshll.u32 v12, v0  }
0x2f2: {  	v12 =	vadd.s32 v12, v6  }
0x2f3: {  	v12 =	vbroadcast v12, $0x0  }
0x2f4: {  	v9 =	vmul.f32 v9, v10;
	v11 =	vmul.f32 v11, v10  }
0x2f5: {  	v10 =	vmul.f32 v13, v10  }
0x2f6: {  	[tilespmem:s3+$0x0] =	vst v11  }
0x2f7: {  	[tilespmem:s3+$0x20] =	vst v10  }
0x2f8: {  	[tilespmem:s3+$0x10] =	vst v9;
	v9 =	vld [tilespmem:s3+$0x40]  }
0x2f9: {  	s11 =	sadd.s32 $0x6, s0;
	v10 =	vld.idx.msk [tilespmem:v12+s18+$0x0], $0xffff  }
0x2fa: {  	v12 =	vmov s11;
	v11 =	vld [tilespmem:s3+$0x30]  }
0x2fb: {  	v12 =	vshrl.u32 v12, $0x3;
	v13 =	vld [tilespmem:s3+$0x50]  }
0x2fc: {  	v12 =	vshll.u32 v12, v0  }
0x2fd: {  	v12 =	vadd.s32 v12, v7  }
0x2fe: {  	v12 =	vbroadcast v12, $0x0  }
0x2ff: {  	v9 =	vmul.f32 v9, v10;
	v11 =	vmul.f32 v11, v10  }
0x300: {  	v10 =	vmul.f32 v13, v10  }
0x301: {  	[tilespmem:s3+$0x30] =	vst v11  }
0x302: {  	[tilespmem:s3+$0x50] =	vst v10  }
0x303: {  	[tilespmem:s3+$0x40] =	vst v9;
	v10 =	vld [tilespmem:s3+$0x60]  }
.Ltmp3:
0x304: {  	s0 =	sadd.s32 $0x7, s0;
	v9 =	vld.idx.msk [tilespmem:v12+s18+$0x0], $0xffff;
	(pc) =	sbr.rel @p1 .LBB2_9-.Ltmp3, $4  }
0x305: {  	v13 =	vmov s0;
	v11 =	vld [tilespmem:s3+$0x70]  }
0x306: {  	v13 =	vshrl.u32 v13, $0x3;
	v12 =	vld [tilespmem:s3+$0x80]  }
0x307: {  	v13 =	vshll.u32 v13, v0  }
0x308: {  	v13 =	vadd.s32 v13, v8  }
0x309: {  	v1 =	vbroadcast v13, $0x0  }
0x30a: {  	v2 =	vmul.f32 v10, v9  }
0x30b: {  	v4 =	vmul.f32 v11, v9  }
0x30c: {  	v3 =	vmul.f32 v12, v9;
	[tilespmem:s5+$0x60] =	vst v2  }
0x30d: {  	[tilespmem:s5+$0x70] =	vst v4  }
0x30e: {  	v2 =	vld [tilespmem:s5+$0x90];
	[tilespmem:s5+$0x80] =	vst v3  }
0x30f: {  	v1 =	vld.idx.msk [tilespmem:v1+s18+$0x0], $0xffff  }
0x310: {  	v3 =	vld [tilespmem:s5+$0xA0]  }
0x311: {  	v63 =	vld [tilespmem:s5+$0xB0];
	_ =	sdelay $0x2  }
0x312: {  	v2 =	vmul.f32 v2, v1  }
0x313: {  	s9 =	sadd.s32 $0x1, s9;
	v3 =	vmul.f32 v3, v1  }
0x314: {  	p1 =	sne.s32 s9, $0xA;
	v1 =	vmul.f32 v63, v1;
	[tilespmem:s5+$0x90] =	vst v2  }
.Ltmp4:
0x315: {  	[tilespmem:s5+$0xA0] =	vst v3;
	(pc) =	sbr.rel @p1 .LBB2_2-.Ltmp4, $4  }
0x316: {  	s0 =	sadd.s32 $0x2800, s12;
	[tilespmem:s5+$0xB0] =	vst v1  }
0x317: {  	[spmem:s2] =	stream.indirect.scatter.add.f32 [tilespmem:s29], [sflag:$0x8], $0x30, s0, s19, $0xb8;
	[tilespmem:$0x1AD30] =	vst v63  }
0x318: {  	s17 =	sadd.s32 $0x2880, s12  }
0x319: {  	[spmem:s2] =	stream.indirect.scatter.add.f32 [tilespmem:s30], [sflag:$0x8], $0x30, s17, s19, $0xb8;
	[tilespmem:$0x1AD30] =	vst v63  }
0x31a: {  	s0 =	simm.s32 $0x8  }
0x31b: {  	_ =	swait.ge [sflag:s0], $0x1800  }
0x31c: {  	[sflag:s0] =	ssyncset.done $0x0  }
0x31d: {  	[sflag:s0] =	ssyncadd.s32 $0xFFFFE800  }
0x31e: {  	_ =	swait.ge [sflag:s0], $0x1800  }
0x31f: {  	[sflag:s0] =	ssyncset.done $0x0  }
0x320: {  	s15 =	simm.s32 $0x7;
	[sflag:s0] =	ssyncadd.s32 $0xFFFFE800  }
0x321: {  	_ =	swait.ge [sflag:s15], $0x1800  }
0x322: {  	[sflag:s15] =	ssyncset.done $0x0  }
0x323: {  	[sflag:s15] =	ssyncadd.s32 $0xFFFFE800  }
0x324: {  	_ =	swait.ge [sflag:s15], $0x1800  }
0x325: {  	[sflag:s15] =	ssyncset.done $0x0  }
0x326: {  	[sflag:s15] =	ssyncadd.s32 $0xFFFFE800  }
0x327: {  	_ =	swait.ge [sflag:s6], $0x1800  }
0x328: {  	[sflag:s6] =	ssyncset.done $0x0  }
0x329: {  	[sflag:s6] =	ssyncadd.s32 $0xFFFFE800  }
0x32a: {  	_ =	swait.ge [sflag:s6], $0x1800  }
0x32b: {  	[sflag:s6] =	ssyncset.done $0x0  }
0x32c: {  	[sflag:s6] =	ssyncadd.s32 $0xFFFFE800  }
0x32d: {  	_ =	swait.ge [sflag:s7], $0x1800  }
0x32e: {  	[sflag:s7] =	ssyncset.done $0x0  }
0x32f: {  	[sflag:s7] =	ssyncadd.s32 $0xFFFFE800  }
0x330: {  	_ =	swait.ge [sflag:s7], $0x1800  }
0x331: {  	[sflag:s7] =	ssyncset.done $0x0  }
0x332: {  	[sflag:s7] =	ssyncadd.s32 $0xFFFFE800  }
0x333: {  	[bflag:$0x0] =	sbarrier.arrive $0xFFFF  }
0x334: {  	s5 =	rddreg [dreg:$0xa]  }
0x335: {  	s3 =	simm.s32 @p0 $0x1FC9;
	s9 =	rddreg [dreg:$0xc];
	s0 =	sadd.s32 @p0 $0xDB60, s5  }
0x336: {  	[hbm:s0], [sflag:s3] =	dma.local @p0 [spmem:s9], $0xF00  }
0x337: {  	s0 =	simm.s32 @p0 $0x9  }
0x338: {  	_ =	swait.ge @p0 [sflag:s0], $0xF00  }
0x339: {  	[sflag:s0] =	ssyncset.done @p0 $0x0;
	s10 =	rddreg [dreg:$0xe]  }
0x33a: {  	[sflag:s0] =	ssyncadd.s32 @p0 $0xFFFFF100;
	s0 =	rddreg [dreg:$0x4]  }
0x33b: {  	s0 =	sadd.s32 @!p0 s0, s5;
	s5 =	rddreg [dreg:$0xd]  }
0x33c: {  	[hbm:s0], [sflag:s5] =	dma.local @!p0 [spmem:s10], $0xEA0  }
0x33d: {  	s0 =	simm.s32 @!p0 $0x9  }
0x33e: {  	_ =	swait.ge @!p0 [sflag:s0], $0xEA0  }
0x33f: {  	s8 =	sadd.s32 $0x1, s8;
	s17 =	rddreg [dreg:$0xb]  }
0x340: {  	p1 =	sne.s32 s8, s17  }
.Ltmp5:
0x341: {  	_ = 	snop;
	(pc) =	sbr.rel @p1 .LBB2_1-.Ltmp5, $3  }
0x342: {  	_ =	sdelay $0x1  }
0x343: {  	[sflag:s0] =	ssyncset.done @!p0 $0x0  }
0x344: {  	[sflag:s0] =	ssyncadd.s32 @!p0 $0xFFFFF160  }
0x345: {  	_ =	sfence.sel $0x180000  }
0x346: {  	[bflag:$0x0] =	sbarrier.arrive $0xFFFF  }
0x347: {  	_ =	strace $0x9000004D  }
0x348: {  	s0 =	stileid.u32;
	[bflag:$0x2] =	sbarrier.arrive $0xFFFF  }
0x349: {  	p0 =	sne.s32 s0, $0x0;
	s0 =	rddreg [dreg:$0x3]  }
0x34a: {  	s0 =	sadd.s32 @!p0 $0x100000, s0  }
0x34b: {  	[sflag:s0] =	ssyncadd.tile.s32 @!p0 $0x1;
	_ =	shalt  }
.Lfunc_end2:
_tile_overlayer_lowered:
.L_overlay_start_2:
0x34c: {  	(tag) =	ssettag $0x2  }
0x34d: {  	s0 =	rddreg [dreg:$0x0];
	s2 =	stileid.u32  }
0x34e: {  	s1 =	rddreg [dreg:$0x1];
	p0 =	sne.s32 s2, $0x0  }
0x34f: {  	s3 =	rddreg [dreg:$0x2];
	[bflag:$0x3] =	sbarrier.arrive $0xFFFF;
	s2 =	simm.s32 @!p0 $0x1C09  }
0x350: {  	[timem:s3], [sflag:s2] =	dma.local @!p0 [hbm:s0], s1  }
0x351: {  	s0 =	simm.s32 @!p0 $0x9  }
0x352: {  	_ =	swait.ge @!p0 [sflag:s0], s1  }
0x353: {  	s1 =	ssub.s32 @!p0 $0x0, s1;
	[sflag:s0] =	ssyncset.done @!p0 $0x0  }
0x354: {  	[sflag:s0] =	ssyncadd.s32 @!p0 s1  }
0x355: {  	[bflag:$0x3] =	sbarrier.arrive $0xFFFF  }
0x356: {  	_ =	shalt  }

// kernel: kernel.8.cloned.1.call-start
scs
__scs_entry_jumppad:
0x0: {  	(pc) =	sbr.rel $0x88, $3  }
0x1: {  	(tag) =	ssettag $0x0;
	lr =	simm.s32 $0x1  }
0x2: {  	[smem:$0x3F9A] =	sst lr;
	_ =	strace $0xD0000000  }
0x3: {  	_ = 	snop  }
0x4: {  	_ = 	snop  }
0x5: {  	_ = 	snop  }
0x6: {  	_ = 	snop  }
0x7: {  	_ = 	snop  }
__scs_overlays_trampoline_lowered:
0x8: {  	[smem:$0x3FA9] =	sst s0  }
0x9: {  	[smem:$0x3FAA] =	sst s1  }
0xa: {  	[smem:$0x3FAB] =	sst s2  }
0xb: {  	[smem:$0x3FAC] =	sst s3  }
0xc: {  	[smem:$0x3FAD] =	sst s4  }
0xd: {  	[smem:$0x3FAE] =	sst s5  }
0xe: {  	[smem:$0x3FAF] =	sst s6  }
0xf: {  	[smem:$0x3FB0] =	sst s7  }
0x10: {  	[smem:$0x3FB1] =	sst s8  }
0x11: {  	[smem:$0x3FB2] =	sst s9;
	s0 =	simm.s32 @!p0 $0x0  }
0x12: {  	s1 =	sld [smem:$0x3F98];
	s0 =	simm.s32 @p0 $0x1  }
0x13: {  	[smem:$0x3FB3] =	sst s0;
	s0 =	simm.s32 @!p1 $0x0  }
0x14: {  	s2 =	sld [smem:$0x3F97];
	s0 =	simm.s32 @p1 $0x1  }
0x15: {  	[smem:$0x3FB4] =	sst s0;
	s0 =	simm.s32 @!p2 $0x0  }
0x16: {  	s3 =	sld [smem:$0x3FDB];
	s0 =	simm.s32 @p2 $0x1  }
0x17: {  	s4 =	simm.s32 $0x1BF5;
	[smem:$0x3FB6] =	sst s0  }
0x18: {  	s0 =	sld [smem:$0x3F99];
	_ =	swait.ge [sflag:s4], $0x0  }
0x19: {  	s7 =	sld [smem:$0x3F9A]  }
0x1a: {  	s8 =	sadd.s32 $0xFFFFE003, lr  }
0x1b: {  	s9 =	sadd.s32 $0xFFFFFEF7, lr;
	s5 =	simm.s32 $0xFFFFFFFF;
	p2 =	slt.u32 s8, $0xFFFFF086  }
0x1c: {  	p1 =	slt.u32 s9, $0xF7A;
	s5 =	simm.s32 @!p2 $0x0  }
0x1d: {  	s5 =	simm.s32 @p1 $0x1;
	p0 =	seq.s32 s7, s2  }
0x1e: {  	s7 =	smul.u32 @!p0 $0xF7A, s2;
	p2 =	seq.s32 @!p0 s5, $0x0  }
0x1f: {  	s9 =	smul.u32 $0xF7A, s1;
	s8 =	simm.s32 @!p0 $0x1BF5;
	p2 =	por !p2, p0  }
0x20: {  	[sflag:s8] =	ssyncset.s32 @!p0 $0xFFFFF086;
	s6 =	sadd.s32 @!p0 s3, s7;
	s7 =	simm.s32 @!p0 $0x108  }
0x21: {  	s3 =	sadd.s32 s3, s9;
	s6 =	sadd.s32 @!p0 $0x88, s6;
	s7 =	simm.s32 @p2 $0x1082  }
0x22: {  	[simem:s7], [sflag:s8] =	dma.local @!p0 [hbm:s6], $0xF7A  }
0x23: {  	s9 =	sor.u32 $0xD0000000, s2;
	s6 =	simm.s32 $0x108;
	_ =	swait.ge @!p0 [sflag:s8], $0x0  }
0x24: {  	s3 =	sadd.s32 $0x88, s3;
	s6 =	simm.s32 @!p1 $0x1082;
	[sflag:s4] =	ssyncset.s32 $0xFFFFF086  }
0x25: {  	[simem:s6], [sflag:s4] =	dma.local [hbm:s3], $0xF7A  }
0x26: {  	[smem:$0x3F9A] =	sst s1;
	(tag) =	ssettag s2;
	_ =	strace s9  }
0x27: {  	s1 =	sld [smem:$0x3FAA]  }
0x28: {  	s2 =	sld [smem:$0x3FAB]  }
0x29: {  	s4 =	sld [smem:$0x3FAD]  }
0x2a: {  	p0 =	seq.s32 s5, $0x0;
	s5 =	sld [smem:$0x3FAE]  }
0x2b: {  	s6 =	sld [smem:$0x3FAF]  }
0x2c: {  	s7 =	sld [smem:$0x3FB0]  }
0x2d: {  	s3 =	simm.s32 $0x108;
	s8 =	sld [smem:$0x3FB1]  }
0x2e: {  	s3 =	simm.s32 @!p0 $0x1082;
	s9 =	sld [smem:$0x3FB2]  }
0x2f: {  	lr =	sadd.s32 s0, s3;
	s0 =	sld [smem:$0x3FA9]  }
0x30: {  	s3 =	sld [smem:$0x3FAC]  }
0x31: {  	[smem:$0x3FB5] =	sst s10  }
0x32: {  	s10 =	sld [smem:$0x3FB3];
	_ =	sdelay $0x3  }
0x33: {  	p0 =	seq.s32 s10, $0x1;
	s10 =	sld [smem:$0x3FB5];
	_ =	sdelay $0x3  }
0x34: {  	[smem:$0x3FB5] =	sst s10  }
0x35: {  	s10 =	sld [smem:$0x3FB4];
	_ =	sdelay $0x3  }
0x36: {  	p1 =	seq.s32 s10, $0x1;
	s10 =	sld [smem:$0x3FB5];
	_ =	sdelay $0x3  }
0x37: {  	[smem:$0x3FB5] =	sst s10  }
0x38: {  	s10 =	sld [smem:$0x3FB6]  }
0x39: {  	_ = 	snop;
	(pc) =	sbr.ind lr, $3  }
0x3a: {  	_ = 	snop  }
0x3b: {  	_ = 	snop  }
0x3c: {  	p2 =	seq.s32 s10, $0x1;
	s10 =	sld [smem:$0x3FB5]  }
0x3d: {  	_ =	shalt  }
0x3e: {  	_ =	shalt  }
0x3f: {  	_ =	shalt  }
0x40: {  	_ =	shalt  }
0x41: {  	_ =	shalt  }
0x42: {  	_ =	shalt  }
0x43: {  	_ =	shalt  }
0x44: {  	_ =	shalt  }
0x45: {  	_ =	shalt  }
0x46: {  	_ =	shalt  }
0x47: {  	_ =	shalt  }
0x48: {  	_ =	shalt  }
0x49: {  	_ =	shalt  }
0x4a: {  	_ =	shalt  }
0x4b: {  	_ =	shalt  }
0x4c: {  	_ =	shalt  }
0x4d: {  	_ =	shalt  }
0x4e: {  	_ =	shalt  }
0x4f: {  	_ =	shalt  }
0x50: {  	_ =	shalt  }
0x51: {  	_ =	shalt  }
0x52: {  	_ =	shalt  }
0x53: {  	_ =	shalt  }
0x54: {  	_ =	shalt  }
0x55: {  	_ =	shalt  }
0x56: {  	_ =	shalt  }
0x57: {  	_ =	shalt  }
0x58: {  	_ =	shalt  }
0x59: {  	_ =	shalt  }
0x5a: {  	_ =	shalt  }
0x5b: {  	_ =	shalt  }
0x5c: {  	_ =	shalt  }
0x5d: {  	_ =	shalt  }
0x5e: {  	_ =	shalt  }
0x5f: {  	_ =	shalt  }
0x60: {  	_ =	shalt  }
0x61: {  	_ =	shalt  }
0x62: {  	_ =	shalt  }
0x63: {  	_ =	shalt  }
0x64: {  	_ =	shalt  }
0x65: {  	_ =	shalt  }
0x66: {  	_ =	shalt  }
0x67: {  	_ =	shalt  }
0x68: {  	_ =	shalt  }
0x69: {  	_ =	shalt  }
0x6a: {  	_ =	shalt  }
0x6b: {  	_ =	shalt  }
0x6c: {  	_ =	shalt  }
0x6d: {  	_ =	shalt  }
0x6e: {  	_ =	shalt  }
0x6f: {  	_ =	shalt  }
0x70: {  	_ =	shalt  }
0x71: {  	_ =	shalt  }
0x72: {  	_ =	shalt  }
0x73: {  	_ =	shalt  }
0x74: {  	_ =	shalt  }
0x75: {  	_ =	shalt  }
0x76: {  	_ =	shalt  }
0x77: {  	_ =	shalt  }
0x78: {  	_ =	shalt  }
0x79: {  	_ =	shalt  }
0x7a: {  	_ =	shalt  }
0x7b: {  	_ =	shalt  }
0x7c: {  	_ =	shalt  }
0x7d: {  	_ =	shalt  }
0x7e: {  	_ =	shalt  }
0x7f: {  	_ =	shalt  }
0x80: {  	_ =	shalt  }
0x81: {  	_ =	shalt  }
0x82: {  	_ =	shalt  }
0x83: {  	_ =	shalt  }
0x84: {  	_ =	shalt  }
0x85: {  	_ =	shalt  }
0x86: {  	_ =	shalt  }
0x87: {  	_ =	shalt  }
.Lfunc_end0:
.L_simem_size_0:
called_computation_lowered:
.L_overlay_start_0:
0x88: {  	s2 =	sld [smem:$0x3FD9]  }
0x89: {  	s3 =	sld [smem:$0x3FFE];
	_ =	sdelay $0x1  }
0x8a: {  	s1 =	srdreg.scid  }
0x8b: {  	s0 =	sand.u32 $0x1, s1  }
0x8c: {  	s16 =	sshll.u32 s0, $0xA;
	s2 =	sadd.s32 s3, s2  }
0x8d: {  	s2 =	sadd.s32 s2, s16  }
0x8e: {  	[smem:$0x3FC1] =	sst s2  }
0x8f: {  	_ = 	snop  }
0x90: {  	(tm) =	ssettm $0x1  }
0x91: {  	s17 =	sld [smem:$0x3FFB];
	_ =	sdelay $0x3  }
0x92: {  	_ =	strace s17  }
0x93: {  	s2 =	sld [smem:$0x3FFC];
	_ =	sdelay $0x3  }
0x94: {  	_ =	strace s2  }
0x95: {  	s2 =	sld [smem:$0x3FFD];
	_ =	sdelay $0x3  }
0x96: {  	_ =	strace s2  }
0x97: {  	_ =	strace $0x8FFFFFFF  }
0x98: {  	s18 =	sld [smem:$0x3FDB];
	_ =	sdelay $0x1  }
0x99: {  	s19 =	simm.s32 $_scs_section_size  }
0x9a: {  	s4 =	simm.s32 $_size__tile_overlayer_lowered;
	s5 =	simm.s32 $_tile_overlayer_lowered  }
0x9b: {  	s22 =	simm.s32 $0x1BFF;
	s21 =	sshll.u32 s5, $0x1;
	s2 =	sadd.s32 s19, s18  }
0x9c: {  	s6 =	simm.s32 $0x0;
	s20 =	sshll.u32 s4, $0x1;
	s4 =	sadd.s32 s21, s2  }
0x9d: {  	[timem:s6], [sflag:s22] =	dma.local [hbm:s4], s20  }
0x9e: {  	_ =	swait.ge [sflag:s22], s20  }
0x9f: {  	s3 =	ssub.s32 $0x0, s20;
	[sflag:s22] =	ssyncset.done $0x0  }
0xa0: {  	[sflag:s22] =	ssyncadd.s32 s3;
	_ =	sdelay $0x1  }
0xa1: {  	s23 =	simm.s32 $0x1B8B  }
0xa2: {  	_ =	swait.ge [sflag:s23], $0x1  }
0xa3: {  	[sflag:s23] =	ssyncset.done $0x0  }
0xa4: {  	s25 =	simm.s32 $0x1B8E;
	s24 =	sld [smem:$0x3FFE];
	[sflag:s23] =	ssyncadd.s32 $0xFFFFFFFF  }
0xa5: {  	s26 =	simm.s32 $execute0_lowered;
	[smem:$0x3FD2] =	sst s25  }
0xa6: {  	s4 =	sshll.u32 s26, $0x1;
	_ =	strace $0x80000046;
	[dreg:$0x1] =	wrdreg $0xFFFFFFFF  }
0xa7: {  	s28 =	simm.s32 $_size_execute0_lowered;
	s2 =	sadd.s32 s2, s4;
	[dreg:$0x0] =	wrdreg $0x0  }
0xa8: {  	s4 =	sshll.u32 s28, $0x1;
	[dreg:$0x2] =	wrdreg s2  }
0xa9: {  	[dreg:$0x3] =	wrdreg s4  }
0xaa: {  	[dreg:$0x4] =	wrdreg $0xC0  }
0xab: {  	_ =	task [dreg:s6], $0x5FFFF  }
0xac: {  	[dreg:$0x1] =	wrdreg $0xFFFFFFFF  }
0xad: {  	[dreg:$0x0] =	wrdreg $0x60  }
0xae: {  	[dreg:$0x2] =	wrdreg s24  }
0xaf: {  	[dreg:$0x3] =	wrdreg $0x50000  }
0xb0: {  	[dreg:$0x4] =	wrdreg $0x9  }
0xb1: {  	_ =	task.clear_ibuf [dreg:s6], $0x5FFFF;
	_ =	strace $0x90000046  }
0xb2: {  	s29 =	simm.s32 $0x9;
	_ =	strace $0x80000048  }
0xb3: {  	_ =	swait.ge [sflag:s29], $0x1  }
0xb4: {  	[sflag:s29] =	ssyncadd.s32 $0xFFFFFFFF  }
0xb5: {  	_ =	strace $0x90000048  }
0xb6: {  	_ =	sfence  }
0xb7: {  	s30 =	sld [smem:$0x0];
	_ =	sdelay $0x2  }
0xb8: {  	s31 =	sshll.u32 s1, $0xD;
	s1 =	sshrl.u32 s1, $0x2  }
0xb9: {  	s3 =	sand.u32 $0x4000, s31;
	s1 =	sadd.s32 s1, s30  }
0xba: {  	s0 =	sor.u32 s3, s0;
	s1 =	sshll.u32 s1, $0x11  }
0xbb: {  	s0 =	sor.u32 s1, s0  }
0xbc: {  	s0 =	sadd.s32 $0x8F2B, s0  }
0xbd: {  	[sflag:s0] =	ssyncadd.remote.s32 $0x1  }
0xbe: {  	_ =	sfence.sel $0xFFFF  }
0xbf: {  	[dreg:$0x0] =	wrdreg $0xFFFFFFFF;
	(pc) =	sbr.abs _section_cstart, $3  }
0xc0: {  	[dreg:$0x1] =	wrdreg $0xFFFFFFFF  }
0xc1: {  	_ =	task.clear_ibuf [dreg:s6], $0x2FFFF;
	_ =	strace $0x9FFFFFFF  }
0xc2: {  	(tm) =	ssettm $0x7FFFFFFF  }
0xc3: {  	_ =	shalt  }
tec
execute0_lowered:
.L_overlay_start_1:
0x0: {  	(tag) =	ssettag $0x1  }
0x1: {  	s0 =	srdreg.scid  }
0x2: {  	s4 =	rddreg [dreg:$0x0];
	s8 =	stileid.u32  }
0x3: {  	s1 =	rddreg [dreg:$0x1];
	s2 =	simm.s32 $0x0;
	s9 =	simm.s32 $0x2  }
0x4: {  	s10 =	simm.s32 $0x2800;
	s11 =	simm.s32 $0x80;
	s12 =	simm.s32 $0x1  }
0x5: {  	s13 =	simm.s32 $0x0;
	s3 =	sand.u32 $0x1, s0;
	[smem:$0x7FF] =	sst s2  }
0x6: {  	p0 =	sne.s32 s8, $0x0;
	s0 =	sshll.u32 s3, $0x4;
	s6 =	smul.u32 $0x4E2, s3  }
0x7: {  	s7 =	ssub.s32 $0x2, s3;
	s3 =	sadd.s32 $0x15A00, s4;
	s5 =	sor.u32 s8, s0  }
0x8: {  	s0 =	rddreg [dreg:$0x2];
	_ =	strace $0x80000047;
	s5 =	smul.u32 $0x500, s5  }
0x9: {  	s31 =	sshrl.u32 s7, $0x1;
	s8 =	sshrl.u32 @!p0 s1, $0x3;
	s6 =	sadd.s32 s6, s4  }
0xa: {  	s7 =	ssub.s32 s7, s31;
	s6 =	sadd.s32 $0x16000, s6;
	s5 =	sadd.s32 s5, s4  }
0xb: {  	s7 =	smax.u32 s7, $0x1;
	s4 =	sadd.s32 $0xBA00, s5;
	s5 =	sadd.s32 $0x1A00, s5  }
.LBB2_1:
0xc: {  	s14 =	simm.s32 @!p0 $0x1C02  }
0xd: {  	[spmem:s8], [sflag:s14] =	dma.local @!p0 [hbm:s3], $0x4E2  }
0xe: {  	s14 =	simm.s32 @!p0 $0x2  }
0xf: {  	_ =	swait.ge @!p0 [sflag:s14], $0x4E2  }
0x10: {  	[sflag:s14] =	ssyncset.done @!p0 $0x0  }
0x11: {  	[sflag:s14] =	ssyncadd.s32 @!p0 $0xFFFFFB1E  }
0x12: {  	[tilespmem:s2], [sflag:$0x2] =	stream.linear.gather [hbm4b:s4+s2], $0x2800, $0x38;
	[tilespmem:$0x5278] =	vst v63  }
0x13: {  	_ =	swait.ge [sflag:s9], $0x2800  }
0x14: {  	[sflag:s9] =	ssyncset.done $0x0  }
0x15: {  	[sflag:s9] =	ssyncadd.s32 $0xFFFFD800  }
0x16: {  	[tilespmem:s10], [sflag:$0x2] =	stream.linear.gather [hbm4b:s5+s2], $0x2800, $0x38;
	[tilespmem:$0x5278] =	vst v63  }
0x17: {  	_ =	swait.ge [sflag:s9], $0x2800  }
0x18: {  	[sflag:s9] =	ssyncset.done $0x0  }
0x19: {  	[sflag:s9] =	ssyncadd.s32 $0xFFFFD800  }
0x1a: {  	s14 =	simm.s32 $0x0;
	[bflag:$0x0] =	sbarrier.arrive $0xFFFF  }
.LBB2_2:
0x1b: {  	p1 =	sne.s32 s14, $0x9E00  }
.Ltmp0:
0x1c: {  	_ = 	snop;
	(pc) =	sbr.rel @p1 .LBB2_2-.Ltmp0, $4  }
0x1d: {  	_ = 	snop  }
0x1e: {  	s15 =	sshra.s32 s14, $0x2  }
0x1f: {  	s14 =	sadd.s32 $0x200, s14;
	s16 =	sadd.s32 $0x2800, s15  }
0x20: {  	[spmem:s1] =	stream.indirect.scatter.add.f32 [tilespmem:s16], [sflag:$0x1], $0x1, s15, s11, $0xb8;
	[tilespmem:$0x5278] =	vst v63  }
0x21: {  	_ =	swait.ge [sflag:s12], $0x80  }
0x22: {  	s14 =	simm.s32 $0x4F;
	[sflag:s12] =	ssyncset.done $0x0  }
.LBB2_4:
0x23: {  	p1 =	sne.s32 s14, $0x1;
	s14 =	sadd.s32 $0xFFFFFFFF, s14;
	[sflag:s12] =	ssyncadd.s32 $0xFFFFFF80  }
.Ltmp1:
0x24: {  	(pc) =	sbr.rel @p1 .LBB2_4-.Ltmp1, $3  }
0x25: {  	_ =	sdelay $0x1  }
0x26: {  	_ =	swait.ge [sflag:s12], $0x80  }
0x27: {  	[sflag:s12] =	ssyncset.done $0x0  }
0x28: {  	[sflag:s12] =	ssyncadd.s32 $0xFFFFFF80;
	s13 =	sadd.s32 $0x1, s13  }
0x29: {  	s14 =	simm.s32 @!p0 $0x1C02;
	[bflag:$0x0] =	sbarrier.arrive $0xFFFF;
	p1 =	sne.s32 s13, s7  }
0x2a: {  	[hbm:s6], [sflag:s14] =	dma.local @!p0 [spmem:s8], $0x4E2  }
.Ltmp2:
0x2b: {  	_ = 	snop;
	(pc) =	sbr.rel @p1 .LBB2_1-.Ltmp2, $4  }
0x2c: {  	s14 =	simm.s32 @!p0 $0x2  }
0x2d: {  	_ =	swait.ge @!p0 [sflag:s14], $0x4E2  }
0x2e: {  	[sflag:s14] =	ssyncset.done @!p0 $0x0  }
0x2f: {  	[sflag:s14] =	ssyncadd.s32 @!p0 $0xFFFFFB1E  }
0x30: {  	_ =	sfence.sel $0x180000  }
0x31: {  	[bflag:$0x0] =	sbarrier.arrive $0xFFFF  }
0x32: {  	_ =	strace $0x90000047  }
0x33: {  	s0 =	sadd.s32 @!p0 $0x100000, s0;
	[bflag:$0x2] =	sbarrier.arrive $0xFFFF  }
0x34: {  	[sflag:s0] =	ssyncadd.tile.s32 @!p0 $0x1;
	_ =	shalt  }
.Lfunc_end2:
_tile_overlayer_lowered:
.L_overlay_start_2:
0x35: {  	(tag) =	ssettag $0x2  }
0x36: {  	s0 =	rddreg [dreg:$0x0];
	s2 =	stileid.u32  }
0x37: {  	s1 =	rddreg [dreg:$0x1];
	p0 =	sne.s32 s2, $0x0  }
0x38: {  	s3 =	rddreg [dreg:$0x2];
	[bflag:$0x3] =	sbarrier.arrive $0xFFFF;
	s2 =	simm.s32 @!p0 $0x1C02  }
0x39: {  	[timem:s3], [sflag:s2] =	dma.local @!p0 [hbm:s0], s1  }
0x3a: {  	s0 =	simm.s32 @!p0 $0x2  }
0x3b: {  	_ =	swait.ge @!p0 [sflag:s0], s1  }
0x3c: {  	s1 =	ssub.s32 @!p0 $0x0, s1;
	[sflag:s0] =	ssyncset.done @!p0 $0x0  }
0x3d: {  	[sflag:s0] =	ssyncadd.s32 @!p0 s1  }
0x3e: {  	[bflag:$0x3] =	sbarrier.arrive $0xFFFF  }
0x3f: {  	_ =	shalt  }

</sc_bundles>
